<compile_context>
chip_gen: v7x
topology: tpu7x:2x2x1
jax: 0.10.2.dev20260603
libtpu: 0.0.44.dev20260713+nightly
codegen_flags: <defaults>
</compile_context>

<pallas_src>
import functools

import jax
import jax.numpy as jnp
from jax import lax
from jax.experimental import pallas as pl
from jax.experimental.pallas import tpu as pltpu
from jax.experimental.pallas import tpu_sc as plsc

N = 10000
FEAT = 128
OUTD = 64
NC, NS = 2, 16
NW = NC * NS
CHUNK = 128
SB = 8
ACC_ROWS = 10112
ZROWS = ACC_ROWS // NS
DEGW = 16

_MESH = dict(core_axis_name="c", subcore_axis_name="s",
             num_cores=NC, num_subcores=NS)


def _deg_body(dst_hbm, ones_hbm, zeros_hbm, out_hbm, dst_v, ones_v, acc):
    cid = lax.axis_index("c")
    sid = lax.axis_index("s")
    w = cid * NS + sid
    nchunks = dst_hbm.shape[1]
    pltpu.sync_copy(dst_hbm.at[w], dst_v)
    pltpu.sync_copy(ones_hbm, ones_v)
    pltpu.sync_copy(zeros_hbm, acc.at[pl.ds(sid * ZROWS, ZROWS)])
    plsc.subcore_barrier()

    def step(j, carry):
        pltpu.sync_copy(ones_v, acc.at[dst_v.at[j]], add=True)
        return carry

    lax.fori_loop(0, nchunks, step, 0)
    plsc.subcore_barrier()
    pltpu.sync_copy(acc.at[pl.ds(sid * ZROWS, ZROWS)],
                    out_hbm.at[cid, pl.ds(sid * ZROWS, ZROWS)])


def _sc_degree(dst3, ones, zeros):
    kern = functools.partial(
        pl.kernel,
        out_type=jax.ShapeDtypeStruct((NC, ACC_ROWS, FEAT), jnp.float32),
        mesh=plsc.VectorSubcoreMesh(**_MESH),
        scratch_types=[
            pltpu.VMEM(dst3.shape[1:], jnp.int32),
            pltpu.VMEM((CHUNK, FEAT), jnp.float32),
            pltpu.VMEM_SHARED((ACC_ROWS, FEAT), jnp.float32),
        ],
    )(_deg_body)
    return kern(dst3, ones, zeros)


def _agg_body(g_hbm, srcA_hbm, dstA_hbm, srcB_hbm, dstB_hbm, zeros_hbm,
              out_hbm, sidx_v, didx_v, rows_a, rows_b, acc, sem_a, sem_b):
    cid = lax.axis_index("c")
    sid = lax.axis_index("s")
    pltpu.sync_copy(zeros_hbm, acc.at[pl.ds(sid * ZROWS, ZROWS)])
    plsc.subcore_barrier()

    bufs = (rows_a, rows_b)
    sems = (sem_a, sem_b)

    def run_pipelined(src_hbm, dst_hbm):
        nsb = src_hbm.shape[1] // SB

        def sblock(s, carry):
            base = pl.multiple_of(s * SB, SB)
            pltpu.sync_copy(src_hbm.at[sid, pl.ds(base, SB)], sidx_v)
            pltpu.sync_copy(dst_hbm.at[sid, pl.ds(base, SB)], didx_v)
            pltpu.async_copy(g_hbm.at[sidx_v.at[0]], rows_a, sem_a)
            for k in range(SB):
                if k + 1 < SB:
                    pltpu.async_copy(g_hbm.at[sidx_v.at[k + 1]],
                                     bufs[(k + 1) % 2], sems[(k + 1) % 2])
                pltpu.make_async_copy(g_hbm.at[sidx_v.at[k]], bufs[k % 2],
                                      sems[k % 2]).wait()
                pltpu.sync_copy(bufs[k % 2], acc.at[didx_v.at[k]], add=True)
            return carry

        lax.fori_loop(0, nsb, sblock, 0)

    @pl.when(cid == 0)
    def _():
        run_pipelined(srcA_hbm, dstA_hbm)

    @pl.when(cid == 1)
    def _():
        run_pipelined(srcB_hbm, dstB_hbm)

    plsc.subcore_barrier()
    pltpu.sync_copy(acc.at[pl.ds(sid * ZROWS, ZROWS)],
                    out_hbm.at[cid, pl.ds(sid * ZROWS, ZROWS)])


def _sc_aggregate(g, srcA, dstA, srcB, dstB, zeros):
    assert srcA.shape[1] % SB == 0 and srcB.shape[1] % SB == 0
    kern = functools.partial(
        pl.kernel,
        out_type=jax.ShapeDtypeStruct((NC, ACC_ROWS, FEAT), jnp.float32),
        mesh=plsc.VectorSubcoreMesh(**_MESH),
        scratch_types=[
            pltpu.VMEM((SB, CHUNK), jnp.int32),
            pltpu.VMEM((SB, CHUNK), jnp.int32),
            pltpu.VMEM((CHUNK, FEAT), jnp.float32),
            pltpu.VMEM((CHUNK, FEAT), jnp.float32),
            pltpu.VMEM_SHARED((ACC_ROWS, FEAT), jnp.float32),
            pltpu.SemaphoreType.DMA,
            pltpu.SemaphoreType.DMA,
        ],
    )(_agg_body)
    return kern(g, srcA, dstA, srcB, dstB, zeros)


ROWB = 2000


def _dinv_from(dp_ref):
    deg = dp_ref[0, :, 0:1] + dp_ref[1, :, 0:1] + 1.0
    return lax.rsqrt(deg)


def _t1_body(x_ref, we_ref, be_ref, w1_ref, dp_ref, h0_ref, g1_ref):
    h0 = jnp.maximum(
        jnp.dot(x_ref[...], we_ref[...], preferred_element_type=jnp.float32)
        + be_ref[...], 0.0)
    h0_ref[...] = h0
    g1_ref[...] = (_dinv_from(dp_ref) *
                   jnp.dot(h0, w1_ref[...], preferred_element_type=jnp.float32))


def _tc_embed(x, embed_W, embed_b, conv_W1, dp):
    grid = (N // ROWB,)
    return pl.pallas_call(
        _t1_body,
        grid=grid,
        in_specs=[
            pl.BlockSpec((ROWB, FEAT), lambda i: (i, 0)),
            pl.BlockSpec((FEAT, FEAT), lambda i: (0, 0)),
            pl.BlockSpec((1, FEAT), lambda i: (0, 0)),
            pl.BlockSpec((FEAT, FEAT), lambda i: (0, 0)),
            pl.BlockSpec((NC, ROWB, FEAT), lambda i: (0, i, 0)),
        ],
        out_specs=[
            pl.BlockSpec((ROWB, FEAT), lambda i: (i, 0)),
            pl.BlockSpec((ROWB, FEAT), lambda i: (i, 0)),
        ],
        out_shape=[
            jax.ShapeDtypeStruct((N, FEAT), jnp.float32),
            jax.ShapeDtypeStruct((N, FEAT), jnp.float32),
        ],
    )(x, embed_W, embed_b.reshape(1, FEAT), conv_W1, dp)


def _t2_body(p_ref, g_ref, dp_ref, b_ref, w_ref, h_ref, gn_ref):
    dinv = _dinv_from(dp_ref)
    agg = p_ref[0] + p_ref[1] + g_ref[...]
    h = jnp.maximum(dinv * agg + b_ref[...], 0.0)
    h_ref[...] = h
    gn_ref[...] = dinv * jnp.dot(h, w_ref[...],
                                 preferred_element_type=jnp.float32)


def _tc_mid(p, g, dp, b, W_next):
    grid = (N // ROWB,)
    return pl.pallas_call(
        _t2_body,
        grid=grid,
        in_specs=[
            pl.BlockSpec((NC, ROWB, FEAT), lambda i: (0, i, 0)),
            pl.BlockSpec((ROWB, FEAT), lambda i: (i, 0)),
            pl.BlockSpec((NC, ROWB, FEAT), lambda i: (0, i, 0)),
            pl.BlockSpec((1, FEAT), lambda i: (0, 0)),
            pl.BlockSpec((FEAT, FEAT), lambda i: (0, 0)),
        ],
        out_specs=[
            pl.BlockSpec((ROWB, FEAT), lambda i: (i, 0)),
            pl.BlockSpec((ROWB, FEAT), lambda i: (i, 0)),
        ],
        out_shape=[
            jax.ShapeDtypeStruct((N, FEAT), jnp.float32),
            jax.ShapeDtypeStruct((N, FEAT), jnp.float32),
        ],
    )(p, g, dp, b.reshape(1, FEAT), W_next)


def _t3_body(p_ref, g_ref, dp_ref, b_ref, h0_ref, h1_ref, cw_ref, cb_ref,
             out_ref):
    dinv = _dinv_from(dp_ref)
    h2 = jnp.maximum(dinv * (p_ref[0] + p_ref[1] + g_ref[...]) + b_ref[...],
                     0.0)
    cw = cw_ref[...]
    out = jnp.dot(h0_ref[...], cw[0:FEAT], preferred_element_type=jnp.float32)
    out += jnp.dot(h1_ref[...], cw[FEAT:2 * FEAT],
                   preferred_element_type=jnp.float32)
    out += jnp.dot(h2, cw[2 * FEAT:3 * FEAT],
                   preferred_element_type=jnp.float32)
    out_ref[...] = out + cb_ref[...]


def _tc_final(p, g, dp, b, h0, h1, cls_W, cls_b):
    grid = (N // ROWB,)
    return pl.pallas_call(
        _t3_body,
        grid=grid,
        in_specs=[
            pl.BlockSpec((NC, ROWB, FEAT), lambda i: (0, i, 0)),
            pl.BlockSpec((ROWB, FEAT), lambda i: (i, 0)),
            pl.BlockSpec((NC, ROWB, FEAT), lambda i: (0, i, 0)),
            pl.BlockSpec((1, FEAT), lambda i: (0, 0)),
            pl.BlockSpec((ROWB, FEAT), lambda i: (i, 0)),
            pl.BlockSpec((ROWB, FEAT), lambda i: (i, 0)),
            pl.BlockSpec((3 * FEAT, OUTD), lambda i: (0, 0)),
            pl.BlockSpec((1, OUTD), lambda i: (0, 0)),
        ],
        out_specs=pl.BlockSpec((ROWB, OUTD), lambda i: (i, 0)),
        out_shape=jax.ShapeDtypeStruct((N, OUTD), jnp.float32),
    )(p, g, dp, b.reshape(1, FEAT), h0, h1, cls_W, cls_b.reshape(1, OUTD))


def kernel(x, edge_index, embed_W, embed_b, conv_W1, conv_b1,
           conv_W2, conv_b2, cls_W, cls_b):
    src = edge_index[0].astype(jnp.int32)
    dst = edge_index[1].astype(jnp.int32)
    e = src.shape[0]
    ept = -(-e // (NW * CHUNK * SB)) * CHUNK * SB
    pad = NW * ept - e
    pad_src = jnp.arange(pad, dtype=jnp.int32) % N
    src_p = jnp.concatenate([src, pad_src])
    dump = N + (jnp.arange(pad, dtype=jnp.int32) % (ACC_ROWS - N))
    dst_p = jnp.concatenate([dst, dump])
    src3 = src_p.reshape(NW, ept // CHUNK, CHUNK)
    dst3 = dst_p.reshape(NW, ept // CHUNK, CHUNK)

    e_pad = NW * ept
    ea = e_pad // 2
    srcA = src_p[:ea].reshape(NS, -1, CHUNK)
    dstA = dst_p[:ea].reshape(NS, -1, CHUNK)
    srcB = src_p[ea:].reshape(NS, -1, CHUNK)
    dstB = dst_p[ea:].reshape(NS, -1, CHUNK)

    ones128 = jnp.ones((CHUNK, FEAT), jnp.float32)
    zeros128 = jnp.zeros((ZROWS, FEAT), jnp.float32)

    dp = _sc_degree(dst3, ones128, zeros128)
    h0, g1 = _tc_embed(x, embed_W, embed_b, conv_W1, dp)
    p1 = _sc_aggregate(g1, srcA, dstA, srcB, dstB, zeros128)
    h1, g2 = _tc_mid(p1, g1, dp, conv_b1, conv_W2)
    p2 = _sc_aggregate(g2, srcA, dstA, srcB, dstB, zeros128)
    out = _tc_final(p2, g2, dp, conv_b2, h0, h1, cls_W, cls_b)
    return out

# --- scband reference (transcript-rebuilt; emitter-appended) ---
"""Pipeline reference for scband-h2-gcn-68143951118647 (READ-ONLY COPY).

The authoritative reference and input builder live on the scoring server;
editing this copy changes nothing except your own understanding.
"""

import jax, jax.numpy as jnp
import numpy as np

N_NODES = 10000
N_EDGES = 320000
IN_DIM = 128
HIDDEN = 128
OUT_DIM = 64


def setup_inputs(seed: int = 0) -> dict:
    key = jax.random.key(seed)
    ks = jax.random.split(key, 12)
    x = jax.random.normal(ks[0], (N_NODES, IN_DIM), dtype=jnp.float32)
    edge_index = jax.random.randint(ks[1], (2, N_EDGES), 0, N_NODES, dtype=jnp.int64 if jax.config.jax_enable_x64 else jnp.int32)
    embed_W = jax.random.normal(ks[2], (IN_DIM, HIDDEN), dtype=jnp.float32) * 0.05
    embed_b = jnp.zeros((HIDDEN,), dtype=jnp.float32)
    conv_W1 = jax.random.normal(ks[3], (HIDDEN, HIDDEN), dtype=jnp.float32) * 0.05
    conv_b1 = jnp.zeros((HIDDEN,), dtype=jnp.float32)
    conv_W2 = jax.random.normal(ks[4], (HIDDEN, HIDDEN), dtype=jnp.float32) * 0.05
    conv_b2 = jnp.zeros((HIDDEN,), dtype=jnp.float32)
    cls_W = jax.random.normal(ks[5], (HIDDEN * 3, OUT_DIM), dtype=jnp.float32) * 0.05
    cls_b = jnp.zeros((OUT_DIM,), dtype=jnp.float32)
    return {
        'x': x, 'edge_index': edge_index,
        'embed_W': embed_W, 'embed_b': embed_b,
        'conv_W1': conv_W1, 'conv_b1': conv_b1,
        'conv_W2': conv_W2, 'conv_b2': conv_b2,
        'cls_W': cls_W, 'cls_b': cls_b,
    }


def _gcn_conv(h, src, dst, W, b, n_nodes):
    # PyG-style GCNConv: linear transform, add self-loops, symmetric normalization,
    # scatter-add aggregation over destination nodes.
    h = h @ W
    loop = jnp.arange(n_nodes, dtype=src.dtype)
    src_sl = jnp.concatenate([src, loop])
    dst_sl = jnp.concatenate([dst, loop])
    deg = jnp.zeros((n_nodes,), dtype=h.dtype).at[dst_sl].add(1.0)
    dinv = jax.lax.rsqrt(jnp.maximum(deg, 1.0))
    norm = dinv[src_sl] * dinv[dst_sl]
    msgs = h[src_sl] * norm[:, None]
    out = jnp.zeros((n_nodes, h.shape[1]), dtype=h.dtype).at[dst_sl].add(msgs)
    return out + b


def reference(x, edge_index, embed_W, embed_b, conv_W1, conv_b1, conv_W2, conv_b2, cls_W, cls_b):
    # eval mode: dropout is identity
    n = x.shape[0]
    src = edge_index[0]
    dst = edge_index[1]
    h = jax.nn.relu(x @ embed_W + embed_b)
    reps = [h]
    h = jax.nn.relu(_gcn_conv(h, src, dst, conv_W1, conv_b1, n))
    reps.append(h)
    h = jax.nn.relu(_gcn_conv(h, src, dst, conv_W2, conv_b2, n))
    reps.append(h)
    out = jnp.concatenate(reps, axis=-1) @ cls_W + cls_b
    return out

if __name__ == "__main__":
    import jax
    _d = setup_inputs()
    print(jax.jit(kernel)(*tuple(_d.values())))

</pallas_src>

<mosaic_0001>
#map = affine_map<(d0, d1) -> (0, 0, 0)>
#map1 = affine_map<(d0, d1) -> (0, 0)>
module attributes {stable_mosaic.version = 14 : i64} {
  func.func @_deg_body(%arg0: i32, %arg1: i32, %arg2: memref<32x80x128xi32, #tpu.memory_space<hbm>>, %arg3: memref<128x128xf32, #tpu.memory_space<hbm>>, %arg4: memref<632x128xf32, #tpu.memory_space<hbm>>, %arg5: memref<2x10112x128xf32, #tpu.memory_space<hbm>>, %arg6: memref<80x128xi32, #tpu.memory_space<vmem>>, %arg7: memref<128x128xf32, #tpu.memory_space<vmem>>, %arg8: memref<10112x128xf32, #tpu.memory_space<vmem_shared>>) attributes {dimension_semantics = [#tpu.dimension_semantics<core_parallel>, #tpu.dimension_semantics<subcore_parallel>], iteration_bounds = array<i64: 2, 16>, scalar_prefetch = 0 : i64, scratch_operands = 3 : i64, tpu.core_type = #tpu.core_type<sc_vector_subcore>, window_params = [{transform_indices = #map}, {transform_indices = #map1}, {transform_indices = #map1}, {transform_indices = #map}]} {
    %mul3A = arith.constant 16 : i32
    %mul3A_0 = arith.muli %arg0, %mul3A : i32
    %add3A = arith.addi %mul3A_0, %arg1 : i32
    "tpu.region"() ({
      %run_scoped3A = tpu.sem_alloc : memref<!tpu.dma_semaphore, #tpu.memory_space<semaphore_mem>>
      %dma_start3A = arith.constant 0 : i32
      %dma_start3A_13 = arith.constant 0 : i32
      %dma_start3A_14 = tpu.memref_slice %arg2[%add3A, %dma_start3A, %dma_start3A_13] : memref<32x80x128xi32, #tpu.memory_space<hbm>> -> memref<1x80x128xi32, #tpu.memory_space<hbm>>
      %dma_start3A_15 = tpu.memref_squeeze %dma_start3A_14 : memref<1x80x128xi32, #tpu.memory_space<hbm>> -> memref<80x128xi32, #tpu.memory_space<hbm>>
      %dma_start3A_16 = arith.constant 0 : i32
      %dma_start3A_17 = arith.constant 0 : i32
      %dma_start3A_18 = tpu.memref_slice %arg2[%add3A, %dma_start3A_16, %dma_start3A_17] : memref<32x80x128xi32, #tpu.memory_space<hbm>> -> memref<1x80x128xi32, #tpu.memory_space<hbm>>
      %dma_start3A_19 = tpu.memref_squeeze %dma_start3A_18 : memref<1x80x128xi32, #tpu.memory_space<hbm>> -> memref<80x128xi32, #tpu.memory_space<hbm>>
      tpu.enqueue_dma source(%dma_start3A_19 : memref<80x128xi32, #tpu.memory_space<hbm>>) target(%arg6 : memref<80x128xi32, #tpu.memory_space<vmem>>) target_semaphore(%run_scoped3A : memref<!tpu.dma_semaphore, #tpu.memory_space<semaphore_mem>>)
      %dma_wait3A = arith.constant 0 : i32
      %dma_wait3A_20 = arith.constant 0 : i32
      %dma_wait3A_21 = tpu.memref_slice %arg2[%add3A, %dma_wait3A, %dma_wait3A_20] : memref<32x80x128xi32, #tpu.memory_space<hbm>> -> memref<1x80x128xi32, #tpu.memory_space<hbm>>
      %dma_wait3A_22 = tpu.memref_squeeze %dma_wait3A_21 : memref<1x80x128xi32, #tpu.memory_space<hbm>> -> memref<80x128xi32, #tpu.memory_space<hbm>>
      %dma_wait3A_23 = arith.constant 0 : i32
      %dma_wait3A_24 = arith.constant 0 : i32
      %dma_wait3A_25 = tpu.memref_slice %arg2[%add3A, %dma_wait3A_23, %dma_wait3A_24] : memref<32x80x128xi32, #tpu.memory_space<hbm>> -> memref<1x80x128xi32, #tpu.memory_space<hbm>>
      %dma_wait3A_26 = tpu.memref_squeeze %dma_wait3A_25 : memref<1x80x128xi32, #tpu.memory_space<hbm>> -> memref<80x128xi32, #tpu.memory_space<hbm>>
      tpu.wait_dma2 semaphore(%run_scoped3A : memref<!tpu.dma_semaphore, #tpu.memory_space<semaphore_mem>>) src(%dma_wait3A_26 : memref<80x128xi32, #tpu.memory_space<hbm>>) dst(%arg6 : memref<80x128xi32, #tpu.memory_space<vmem>>)
      tpu.yield
    }) : () -> ()
    "tpu.region"() ({
      %run_scoped3A = tpu.sem_alloc : memref<!tpu.dma_semaphore, #tpu.memory_space<semaphore_mem>>
      tpu.enqueue_dma source(%arg3 : memref<128x128xf32, #tpu.memory_space<hbm>>) target(%arg7 : memref<128x128xf32, #tpu.memory_space<vmem>>) target_semaphore(%run_scoped3A : memref<!tpu.dma_semaphore, #tpu.memory_space<semaphore_mem>>)
      tpu.wait_dma2 semaphore(%run_scoped3A : memref<!tpu.dma_semaphore, #tpu.memory_space<semaphore_mem>>) src(%arg3 : memref<128x128xf32, #tpu.memory_space<hbm>>) dst(%arg7 : memref<128x128xf32, #tpu.memory_space<vmem>>)
      tpu.yield
    }) : () -> ()
    %mul3A_1 = arith.constant 632 : i32
    %mul3A_2 = arith.muli %arg1, %mul3A_1 : i32
    "tpu.region"() ({
      %run_scoped3A = tpu.sem_alloc : memref<!tpu.dma_semaphore, #tpu.memory_space<semaphore_mem>>
      %dma_start3A = arith.constant 0 : i32
      %dma_start3A_13 = tpu.memref_slice %arg8[%mul3A_2, %dma_start3A] : memref<10112x128xf32, #tpu.memory_space<vmem_shared>> -> memref<632x128xf32, #tpu.memory_space<vmem_shared>>
      tpu.enqueue_dma source(%arg4 : memref<632x128xf32, #tpu.memory_space<hbm>>) target(%dma_start3A_13 : memref<632x128xf32, #tpu.memory_space<vmem_shared>>) target_semaphore(%run_scoped3A : memref<!tpu.dma_semaphore, #tpu.memory_space<semaphore_mem>>)
      %dma_wait3A = arith.constant 0 : i32
      %dma_wait3A_14 = tpu.memref_slice %arg8[%mul3A_2, %dma_wait3A] : memref<10112x128xf32, #tpu.memory_space<vmem_shared>> -> memref<632x128xf32, #tpu.memory_space<vmem_shared>>
      tpu.wait_dma2 semaphore(%run_scoped3A : memref<!tpu.dma_semaphore, #tpu.memory_space<semaphore_mem>>) src(%arg4 : memref<632x128xf32, #tpu.memory_space<hbm>>) dst(%dma_wait3A_14 : memref<632x128xf32, #tpu.memory_space<vmem_shared>>)
      tpu.yield
    }) : () -> ()
    %barrier3A = arith.constant 0 : index
    tpu.barrier barrier_id(%barrier3A)
    %scan3A = arith.constant 0 : i32
    %scan3A_3 = arith.constant 0 : i32
    %scan3A_4 = arith.constant 80 : i32
    %scan3A_5 = arith.addi %scan3A_3, %scan3A_4 : i32
    %scan3A_6 = arith.constant 1 : i32
    scf.for %scan3A_13 = %scan3A_3 to %scan3A_5 step %scan3A_6  : i32 {
      "tpu.region"() ({
        %run_scoped3A = tpu.sem_alloc : memref<!tpu.dma_semaphore, #tpu.memory_space<semaphore_mem>>
        %dma_start3A = arith.constant 0 : i32
        %dma_start3A_14 = tpu.memref_slice %arg6[%scan3A_13, %dma_start3A] : memref<80x128xi32, #tpu.memory_space<vmem>> -> memref<1x128xi32, #tpu.memory_space<vmem>>
        %dma_start3A_15 = tpu.memref_squeeze %dma_start3A_14 : memref<1x128xi32, #tpu.memory_space<vmem>> -> memref<128xi32, #tpu.memory_space<vmem>>
        %dma_start3A_16 = arith.constant 0 : i32
        %dma_start3A_17 = arith.constant 0 : i32
        %dma_start3A_18 = tpu.memref_slice %arg8[%dma_start3A_16, %dma_start3A_17] : memref<10112x128xf32, #tpu.memory_space<vmem_shared>> -> memref<10112x128xf32, #tpu.memory_space<vmem_shared>>
        tpu.enqueue_indirect_dma source(%arg7 : memref<128x128xf32, #tpu.memory_space<vmem>>) target(%dma_start3A_18 : memref<10112x128xf32, #tpu.memory_space<vmem_shared>>) offsets(%dma_start3A_15 : memref<128xi32, #tpu.memory_space<vmem>>) semaphore(%run_scoped3A : memref<!tpu.dma_semaphore, #tpu.memory_space<semaphore_mem>>) {add = true}
        %dma_wait3A = arith.constant 0 : i32
        %dma_wait3A_19 = tpu.memref_slice %arg6[%scan3A_13, %dma_wait3A] : memref<80x128xi32, #tpu.memory_space<vmem>> -> memref<1x128xi32, #tpu.memory_space<vmem>>
        %dma_wait3A_20 = tpu.memref_squeeze %dma_wait3A_19 : memref<1x128xi32, #tpu.memory_space<vmem>> -> memref<128xi32, #tpu.memory_space<vmem>>
        %dma_wait3A_21 = arith.constant 0 : i32
        %dma_wait3A_22 = arith.constant 0 : i32
        %dma_wait3A_23 = tpu.memref_slice %arg8[%dma_wait3A_21, %dma_wait3A_22] : memref<10112x128xf32, #tpu.memory_space<vmem_shared>> -> memref<10112x128xf32, #tpu.memory_space<vmem_shared>>
        tpu.wait_indirect_dma semaphore(%run_scoped3A : memref<!tpu.dma_semaphore, #tpu.memory_space<semaphore_mem>>) src(%arg7 : memref<128x128xf32, #tpu.memory_space<vmem>>) dst(%dma_wait3A_23 : memref<10112x128xf32, #tpu.memory_space<vmem_shared>>)
        tpu.yield
      }) : () -> ()
    }
    %scan3A_7 = arith.constant 80 : i32
    %barrier3A_8 = arith.constant 0 : index
    tpu.barrier barrier_id(%barrier3A_8)
    %mul3A_9 = arith.constant 632 : i32
    %mul3A_10 = arith.muli %arg1, %mul3A_9 : i32
    %mul3A_11 = arith.constant 632 : i32
    %mul3A_12 = arith.muli %arg1, %mul3A_11 : i32
    "tpu.region"() ({
      %run_scoped3A = tpu.sem_alloc : memref<!tpu.dma_semaphore, #tpu.memory_space<semaphore_mem>>
      %dma_start3A = arith.constant 0 : i32
      %dma_start3A_13 = tpu.memref_slice %arg5[%arg0, %mul3A_12, %dma_start3A] : memref<2x10112x128xf32, #tpu.memory_space<hbm>> -> memref<1x632x128xf32, #tpu.memory_space<hbm>>
      %dma_start3A_14 = tpu.memref_squeeze %dma_start3A_13 : memref<1x632x128xf32, #tpu.memory_space<hbm>> -> memref<632x128xf32, #tpu.memory_space<hbm>>
      %dma_start3A_15 = arith.constant 0 : i32
      %dma_start3A_16 = tpu.memref_slice %arg8[%mul3A_10, %dma_start3A_15] : memref<10112x128xf32, #tpu.memory_space<vmem_shared>> -> memref<632x128xf32, #tpu.memory_space<vmem_shared>>
      tpu.enqueue_dma source(%dma_start3A_16 : memref<632x128xf32, #tpu.memory_space<vmem_shared>>) target(%dma_start3A_14 : memref<632x128xf32, #tpu.memory_space<hbm>>) target_semaphore(%run_scoped3A : memref<!tpu.dma_semaphore, #tpu.memory_space<semaphore_mem>>)
      %dma_wait3A = arith.constant 0 : i32
      %dma_wait3A_17 = tpu.memref_slice %arg5[%arg0, %mul3A_12, %dma_wait3A] : memref<2x10112x128xf32, #tpu.memory_space<hbm>> -> memref<1x632x128xf32, #tpu.memory_space<hbm>>
      %dma_wait3A_18 = tpu.memref_squeeze %dma_wait3A_17 : memref<1x632x128xf32, #tpu.memory_space<hbm>> -> memref<632x128xf32, #tpu.memory_space<hbm>>
      %dma_wait3A_19 = arith.constant 0 : i32
      %dma_wait3A_20 = tpu.memref_slice %arg8[%mul3A_10, %dma_wait3A_19] : memref<10112x128xf32, #tpu.memory_space<vmem_shared>> -> memref<632x128xf32, #tpu.memory_space<vmem_shared>>
      tpu.wait_dma2 semaphore(%run_scoped3A : memref<!tpu.dma_semaphore, #tpu.memory_space<semaphore_mem>>) src(%dma_wait3A_20 : memref<632x128xf32, #tpu.memory_space<vmem_shared>>) dst(%dma_wait3A_18 : memref<632x128xf32, #tpu.memory_space<hbm>>)
      tpu.yield
    }) : () -> ()
    return
  }
}

#map = affine_map<(d0, d1) -> (0, 0)>
#map1 = affine_map<(d0, d1) -> (0, 0, 0)>
module attributes {stable_mosaic.version = 14 : i64} {
  func.func @_agg_body(%arg0: i32, %arg1: i32, %arg2: memref<10000x128xf32, #tpu.memory_space<hbm>>, %arg3: memref<16x80x128xi32, #tpu.memory_space<hbm>>, %arg4: memref<16x80x128xi32, #tpu.memory_space<hbm>>, %arg5: memref<16x80x128xi32, #tpu.memory_space<hbm>>, %arg6: memref<16x80x128xi32, #tpu.memory_space<hbm>>, %arg7: memref<632x128xf32, #tpu.memory_space<hbm>>, %arg8: memref<2x10112x128xf32, #tpu.memory_space<hbm>>, %arg9: memref<8x128xi32, #tpu.memory_space<vmem>>, %arg10: memref<8x128xi32, #tpu.memory_space<vmem>>, %arg11: memref<128x128xf32, #tpu.memory_space<vmem>>, %arg12: memref<128x128xf32, #tpu.memory_space<vmem>>, %arg13: memref<10112x128xf32, #tpu.memory_space<vmem_shared>>, %arg14: memref<!tpu.dma_semaphore, #tpu.memory_space<semaphore_mem>>, %arg15: memref<!tpu.dma_semaphore, #tpu.memory_space<semaphore_mem>>) attributes {dimension_semantics = [#tpu.dimension_semantics<core_parallel>, #tpu.dimension_semantics<subcore_parallel>], iteration_bounds = array<i64: 2, 16>, scalar_prefetch = 0 : i64, scratch_operands = 7 : i64, tpu.core_type = #tpu.core_type<sc_vector_subcore>, window_params = [{transform_indices = #map}, {transform_indices = #map1}, {transform_indices = #map1}, {transform_indices = #map1}, {transform_indices = #map1}, {transform_indices = #map}, {transform_indices = #map1}]} {
    %mul3A = arith.constant 632 : i32
    %mul3A_0 = arith.muli %arg1, %mul3A : i32
    "tpu.region"() ({
      %run_scoped3A = tpu.sem_alloc : memref<!tpu.dma_semaphore, #tpu.memory_space<semaphore_mem>>
      %dma_start3A = arith.constant 0 : i32
      %dma_start3A_13 = tpu.memref_slice %arg13[%mul3A_0, %dma_start3A] : memref<10112x128xf32, #tpu.memory_space<vmem_shared>> -> memref<632x128xf32, #tpu.memory_space<vmem_shared>>
      tpu.enqueue_dma source(%arg7 : memref<632x128xf32, #tpu.memory_space<hbm>>) target(%dma_start3A_13 : memref<632x128xf32, #tpu.memory_space<vmem_shared>>) target_semaphore(%run_scoped3A : memref<!tpu.dma_semaphore, #tpu.memory_space<semaphore_mem>>)
      %dma_wait3A = arith.constant 0 : i32
      %dma_wait3A_14 = tpu.memref_slice %arg13[%mul3A_0, %dma_wait3A] : memref<10112x128xf32, #tpu.memory_space<vmem_shared>> -> memref<632x128xf32, #tpu.memory_space<vmem_shared>>
      tpu.wait_dma2 semaphore(%run_scoped3A : memref<!tpu.dma_semaphore, #tpu.memory_space<semaphore_mem>>) src(%arg7 : memref<632x128xf32, #tpu.memory_space<hbm>>) dst(%dma_wait3A_14 : memref<632x128xf32, #tpu.memory_space<vmem_shared>>)
      tpu.yield
    }) : () -> ()
    %barrier3A = arith.constant 0 : index
    tpu.barrier barrier_id(%barrier3A)
    %eq3A = arith.constant 0 : i32
    %eq3A_1 = arith.cmpi eq, %arg0, %eq3A : i32
    %convert_element_type3A = arith.extui %eq3A_1 : i1 to i32
    %cond3A = arith.constant 0 : i32
    %cond3A_2 = arith.cmpi ne, %convert_element_type3A, %cond3A : i32
    scf.if %cond3A_2 {
      %scan3A = arith.constant 0 : i32
      %scan3A_13 = arith.constant 0 : i32
      %scan3A_14 = arith.constant 10 : i32
      %scan3A_15 = arith.addi %scan3A_13, %scan3A_14 : i32
      %scan3A_16 = arith.constant 1 : i32
      scf.for %scan3A_18 = %scan3A_13 to %scan3A_15 step %scan3A_16  : i32 {
        %mul3A_19 = arith.constant 8 : i32
        %mul3A_20 = arith.muli %scan3A_18, %mul3A_19 : i32
        %multiple_of3A = tpu.assume_multiple %mul3A_20, 8 : i32
        "tpu.region"() ({
          %run_scoped3A_138 = tpu.sem_alloc : memref<!tpu.dma_semaphore, #tpu.memory_space<semaphore_mem>>
          %dma_start3A_139 = arith.constant 0 : i32
          %dma_start3A_140 = tpu.memref_slice %arg3[%arg1, %multiple_of3A, %dma_start3A_139] : memref<16x80x128xi32, #tpu.memory_space<hbm>> -> memref<1x8x128xi32, #tpu.memory_space<hbm>>
          %dma_start3A_141 = tpu.memref_squeeze %dma_start3A_140 : memref<1x8x128xi32, #tpu.memory_space<hbm>> -> memref<8x128xi32, #tpu.memory_space<hbm>>
          %dma_start3A_142 = arith.constant 0 : i32
          %dma_start3A_143 = tpu.memref_slice %arg3[%arg1, %multiple_of3A, %dma_start3A_142] : memref<16x80x128xi32, #tpu.memory_space<hbm>> -> memref<1x8x128xi32, #tpu.memory_space<hbm>>
          %dma_start3A_144 = tpu.memref_squeeze %dma_start3A_143 : memref<1x8x128xi32, #tpu.memory_space<hbm>> -> memref<8x128xi32, #tpu.memory_space<hbm>>
          tpu.enqueue_dma source(%dma_start3A_144 : memref<8x128xi32, #tpu.memory_space<hbm>>) target(%arg9 : memref<8x128xi32, #tpu.memory_space<vmem>>) target_semaphore(%run_scoped3A_138 : memref<!tpu.dma_semaphore, #tpu.memory_space<semaphore_mem>>)
          %dma_wait3A_145 = arith.constant 0 : i32
          %dma_wait3A_146 = tpu.memref_slice %arg3[%arg1, %multiple_of3A, %dma_wait3A_145] : memref<16x80x128xi32, #tpu.memory_space<hbm>> -> memref<1x8x128xi32, #tpu.memory_space<hbm>>
          %dma_wait3A_147 = tpu.memref_squeeze %dma_wait3A_146 : memref<1x8x128xi32, #tpu.memory_space<hbm>> -> memref<8x128xi32, #tpu.memory_space<hbm>>
          %dma_wait3A_148 = arith.constant 0 : i32
          %dma_wait3A_149 = tpu.memref_slice %arg3[%arg1, %multiple_of3A, %dma_wait3A_148] : memref<16x80x128xi32, #tpu.memory_space<hbm>> -> memref<1x8x128xi32, #tpu.memory_space<hbm>>
          %dma_wait3A_150 = tpu.memref_squeeze %dma_wait3A_149 : memref<1x8x128xi32, #tpu.memory_space<hbm>> -> memref<8x128xi32, #tpu.memory_space<hbm>>
          tpu.wait_dma2 semaphore(%run_scoped3A_138 : memref<!tpu.dma_semaphore, #tpu.memory_space<semaphore_mem>>) src(%dma_wait3A_150 : memref<8x128xi32, #tpu.memory_space<hbm>>) dst(%arg9 : memref<8x128xi32, #tpu.memory_space<vmem>>)
          tpu.yield
        }) : () -> ()
        "tpu.region"() ({
          %run_scoped3A_138 = tpu.sem_alloc : memref<!tpu.dma_semaphore, #tpu.memory_space<semaphore_mem>>
          %dma_start3A_139 = arith.constant 0 : i32
          %dma_start3A_140 = tpu.memref_slice %arg4[%arg1, %multiple_of3A, %dma_start3A_139] : memref<16x80x128xi32, #tpu.memory_space<hbm>> -> memref<1x8x128xi32, #tpu.memory_space<hbm>>
          %dma_start3A_141 = tpu.memref_squeeze %dma_start3A_140 : memref<1x8x128xi32, #tpu.memory_space<hbm>> -> memref<8x128xi32, #tpu.memory_space<hbm>>
          %dma_start3A_142 = arith.constant 0 : i32
          %dma_start3A_143 = tpu.memref_slice %arg4[%arg1, %multiple_of3A, %dma_start3A_142] : memref<16x80x128xi32, #tpu.memory_space<hbm>> -> memref<1x8x128xi32, #tpu.memory_space<hbm>>
          %dma_start3A_144 = tpu.memref_squeeze %dma_start3A_143 : memref<1x8x128xi32, #tpu.memory_space<hbm>> -> memref<8x128xi32, #tpu.memory_space<hbm>>
          tpu.enqueue_dma source(%dma_start3A_144 : memref<8x128xi32, #tpu.memory_space<hbm>>) target(%arg10 : memref<8x128xi32, #tpu.memory_space<vmem>>) target_semaphore(%run_scoped3A_138 : memref<!tpu.dma_semaphore, #tpu.memory_space<semaphore_mem>>)
          %dma_wait3A_145 = arith.constant 0 : i32
          %dma_wait3A_146 = tpu.memref_slice %arg4[%arg1, %multiple_of3A, %dma_wait3A_145] : memref<16x80x128xi32, #tpu.memory_space<hbm>> -> memref<1x8x128xi32, #tpu.memory_space<hbm>>
          %dma_wait3A_147 = tpu.memref_squeeze %dma_wait3A_146 : memref<1x8x128xi32, #tpu.memory_space<hbm>> -> memref<8x128xi32, #tpu.memory_space<hbm>>
          %dma_wait3A_148 = arith.constant 0 : i32
          %dma_wait3A_149 = tpu.memref_slice %arg4[%arg1, %multiple_of3A, %dma_wait3A_148] : memref<16x80x128xi32, #tpu.memory_space<hbm>> -> memref<1x8x128xi32, #tpu.memory_space<hbm>>
          %dma_wait3A_150 = tpu.memref_squeeze %dma_wait3A_149 : memref<1x8x128xi32, #tpu.memory_space<hbm>> -> memref<8x128xi32, #tpu.memory_space<hbm>>
          tpu.wait_dma2 semaphore(%run_scoped3A_138 : memref<!tpu.dma_semaphore, #tpu.memory_space<semaphore_mem>>) src(%dma_wait3A_150 : memref<8x128xi32, #tpu.memory_space<hbm>>) dst(%arg10 : memref<8x128xi32, #tpu.memory_space<vmem>>)
          tpu.yield
        }) : () -> ()
        %dma_start3A = arith.constant 0 : i32
        %dma_start3A_21 = arith.constant 0 : i32
        %dma_start3A_22 = tpu.memref_slice %arg9[%dma_start3A, %dma_start3A_21] : memref<8x128xi32, #tpu.memory_space<vmem>> -> memref<1x128xi32, #tpu.memory_space<vmem>>
        %dma_start3A_23 = tpu.memref_squeeze %dma_start3A_22 : memref<1x128xi32, #tpu.memory_space<vmem>> -> memref<128xi32, #tpu.memory_space<vmem>>
        %dma_start3A_24 = arith.constant 0 : i32
        %dma_start3A_25 = arith.constant 0 : i32
        %dma_start3A_26 = tpu.memref_slice %arg2[%dma_start3A_24, %dma_start3A_25] : memref<10000x128xf32, #tpu.memory_space<hbm>> -> memref<10000x128xf32, #tpu.memory_space<hbm>>
        tpu.enqueue_indirect_dma source(%dma_start3A_26 : memref<10000x128xf32, #tpu.memory_space<hbm>>) target(%arg11 : memref<128x128xf32, #tpu.memory_space<vmem>>) offsets(%dma_start3A_23 : memref<128xi32, #tpu.memory_space<vmem>>) semaphore(%arg14 : memref<!tpu.dma_semaphore, #tpu.memory_space<semaphore_mem>>)
        %dma_start3A_27 = arith.constant 1 : i32
        %dma_start3A_28 = arith.constant 0 : i32
        %dma_start3A_29 = tpu.memref_slice %arg9[%dma_start3A_27, %dma_start3A_28] : memref<8x128xi32, #tpu.memory_space<vmem>> -> memref<1x128xi32, #tpu.memory_space<vmem>>
        %dma_start3A_30 = tpu.memref_squeeze %dma_start3A_29 : memref<1x128xi32, #tpu.memory_space<vmem>> -> memref<128xi32, #tpu.memory_space<vmem>>
        %dma_start3A_31 = arith.constant 0 : i32
        %dma_start3A_32 = arith.constant 0 : i32
        %dma_start3A_33 = tpu.memref_slice %arg2[%dma_start3A_31, %dma_start3A_32] : memref<10000x128xf32, #tpu.memory_space<hbm>> -> memref<10000x128xf32, #tpu.memory_space<hbm>>
        tpu.enqueue_indirect_dma source(%dma_start3A_33 : memref<10000x128xf32, #tpu.memory_space<hbm>>) target(%arg12 : memref<128x128xf32, #tpu.memory_space<vmem>>) offsets(%dma_start3A_30 : memref<128xi32, #tpu.memory_space<vmem>>) semaphore(%arg15 : memref<!tpu.dma_semaphore, #tpu.memory_space<semaphore_mem>>)
        %dma_wait3A = arith.constant 0 : i32
        %dma_wait3A_34 = arith.constant 0 : i32
        %dma_wait3A_35 = tpu.memref_slice %arg9[%dma_wait3A, %dma_wait3A_34] : memref<8x128xi32, #tpu.memory_space<vmem>> -> memref<1x128xi32, #tpu.memory_space<vmem>>
        %dma_wait3A_36 = tpu.memref_squeeze %dma_wait3A_35 : memref<1x128xi32, #tpu.memory_space<vmem>> -> memref<128xi32, #tpu.memory_space<vmem>>
        %dma_wait3A_37 = arith.constant 0 : i32
        %dma_wait3A_38 = arith.constant 0 : i32
        %dma_wait3A_39 = tpu.memref_slice %arg2[%dma_wait3A_37, %dma_wait3A_38] : memref<10000x128xf32, #tpu.memory_space<hbm>> -> memref<10000x128xf32, #tpu.memory_space<hbm>>
        tpu.wait_indirect_dma semaphore(%arg14 : memref<!tpu.dma_semaphore, #tpu.memory_space<semaphore_mem>>) src(%dma_wait3A_39 : memref<10000x128xf32, #tpu.memory_space<hbm>>) dst(%arg11 : memref<128x128xf32, #tpu.memory_space<vmem>>)
        %run_scoped3A = arith.constant 0 : i32
        "tpu.region"() ({
          %run_scoped3A_138 = tpu.sem_alloc : memref<!tpu.dma_semaphore, #tpu.memory_space<semaphore_mem>>
          %dma_start3A_139 = arith.constant 0 : i32
          %dma_start3A_140 = tpu.memref_slice %arg10[%run_scoped3A, %dma_start3A_139] : memref<8x128xi32, #tpu.memory_space<vmem>> -> memref<1x128xi32, #tpu.memory_space<vmem>>
          %dma_start3A_141 = tpu.memref_squeeze %dma_start3A_140 : memref<1x128xi32, #tpu.memory_space<vmem>> -> memref<128xi32, #tpu.memory_space<vmem>>
          %dma_start3A_142 = arith.constant 0 : i32
          %dma_start3A_143 = arith.constant 0 : i32
          %dma_start3A_144 = tpu.memref_slice %arg13[%dma_start3A_142, %dma_start3A_143] : memref<10112x128xf32, #tpu.memory_space<vmem_shared>> -> memref<10112x128xf32, #tpu.memory_space<vmem_shared>>
          tpu.enqueue_indirect_dma source(%arg11 : memref<128x128xf32, #tpu.memory_space<vmem>>) target(%dma_start3A_144 : memref<10112x128xf32, #tpu.memory_space<vmem_shared>>) offsets(%dma_start3A_141 : memref<128xi32, #tpu.memory_space<vmem>>) semaphore(%run_scoped3A_138 : memref<!tpu.dma_semaphore, #tpu.memory_space<semaphore_mem>>) {add = true}
          %dma_wait3A_145 = arith.constant 0 : i32
          %dma_wait3A_146 = tpu.memref_slice %arg10[%run_scoped3A, %dma_wait3A_145] : memref<8x128xi32, #tpu.memory_space<vmem>> -> memref<1x128xi32, #tpu.memory_space<vmem>>
          %dma_wait3A_147 = tpu.memref_squeeze %dma_wait3A_146 : memref<1x128xi32, #tpu.memory_space<vmem>> -> memref<128xi32, #tpu.memory_space<vmem>>
          %dma_wait3A_148 = arith.constant 0 : i32
          %dma_wait3A_149 = arith.constant 0 : i32
          %dma_wait3A_150 = tpu.memref_slice %arg13[%dma_wait3A_148, %dma_wait3A_149] : memref<10112x128xf32, #tpu.memory_space<vmem_shared>> -> memref<10112x128xf32, #tpu.memory_space<vmem_shared>>
          tpu.wait_indirect_dma semaphore(%run_scoped3A_138 : memref<!tpu.dma_semaphore, #tpu.memory_space<semaphore_mem>>) src(%arg11 : memref<128x128xf32, #tpu.memory_space<vmem>>) dst(%dma_wait3A_150 : memref<10112x128xf32, #tpu.memory_space<vmem_shared>>)
          tpu.yield
        }) : () -> ()
        %dma_start3A_40 = arith.constant 2 : i32
        %dma_start3A_41 = arith.constant 0 : i32
        %dma_start3A_42 = tpu.memref_slice %arg9[%dma_start3A_40, %dma_start3A_41] : memref<8x128xi32, #tpu.memory_space<vmem>> -> memref<1x128xi32, #tpu.memory_space<vmem>>
        %dma_start3A_43 = tpu.memref_squeeze %dma_start3A_42 : memref<1x128xi32, #tpu.memory_space<vmem>> -> memref<128xi32, #tpu.memory_space<vmem>>
        %dma_start3A_44 = arith.constant 0 : i32
        %dma_start3A_45 = arith.constant 0 : i32
        %dma_start3A_46 = tpu.memref_slice %arg2[%dma_start3A_44, %dma_start3A_45] : memref<10000x128xf32, #tpu.memory_space<hbm>> -> memref<10000x128xf32, #tpu.memory_space<hbm>>
        tpu.enqueue_indirect_dma source(%dma_start3A_46 : memref<10000x128xf32, #tpu.memory_space<hbm>>) target(%arg11 : memref<128x128xf32, #tpu.memory_space<vmem>>) offsets(%dma_start3A_43 : memref<128xi32, #tpu.memory_space<vmem>>) semaphore(%arg14 : memref<!tpu.dma_semaphore, #tpu.memory_space<semaphore_mem>>)
        %dma_wait3A_47 = arith.constant 1 : i32
        %dma_wait3A_48 = arith.constant 0 : i32
        %dma_wait3A_49 = tpu.memref_slice %arg9[%dma_wait3A_47, %dma_wait3A_48] : memref<8x128xi32, #tpu.memory_space<vmem>> -> memref<1x128xi32, #tpu.memory_space<vmem>>
        %dma_wait3A_50 = tpu.memref_squeeze %dma_wait3A_49 : memref<1x128xi32, #tpu.memory_space<vmem>> -> memref<128xi32, #tpu.memory_space<vmem>>
        %dma_wait3A_51 = arith.constant 0 : i32
        %dma_wait3A_52 = arith.constant 0 : i32
        %dma_wait3A_53 = tpu.memref_slice %arg2[%dma_wait3A_51, %dma_wait3A_52] : memref<10000x128xf32, #tpu.memory_space<hbm>> -> memref<10000x128xf32, #tpu.memory_space<hbm>>
        tpu.wait_indirect_dma semaphore(%arg15 : memref<!tpu.dma_semaphore, #tpu.memory_space<semaphore_mem>>) src(%dma_wait3A_53 : memref<10000x128xf32, #tpu.memory_space<hbm>>) dst(%arg12 : memref<128x128xf32, #tpu.memory_space<vmem>>)
        %run_scoped3A_54 = arith.constant 1 : i32
        "tpu.region"() ({
          %run_scoped3A_138 = tpu.sem_alloc : memref<!tpu.dma_semaphore, #tpu.memory_space<semaphore_mem>>
          %dma_start3A_139 = arith.constant 0 : i32
          %dma_start3A_140 = tpu.memref_slice %arg10[%run_scoped3A_54, %dma_start3A_139] : memref<8x128xi32, #tpu.memory_space<vmem>> -> memref<1x128xi32, #tpu.memory_space<vmem>>
          %dma_start3A_141 = tpu.memref_squeeze %dma_start3A_140 : memref<1x128xi32, #tpu.memory_space<vmem>> -> memref<128xi32, #tpu.memory_space<vmem>>
          %dma_start3A_142 = arith.constant 0 : i32
          %dma_start3A_143 = arith.constant 0 : i32
          %dma_start3A_144 = tpu.memref_slice %arg13[%dma_start3A_142, %dma_start3A_143] : memref<10112x128xf32, #tpu.memory_space<vmem_shared>> -> memref<10112x128xf32, #tpu.memory_space<vmem_shared>>
          tpu.enqueue_indirect_dma source(%arg12 : memref<128x128xf32, #tpu.memory_space<vmem>>) target(%dma_start3A_144 : memref<10112x128xf32, #tpu.memory_space<vmem_shared>>) offsets(%dma_start3A_141 : memref<128xi32, #tpu.memory_space<vmem>>) semaphore(%run_scoped3A_138 : memref<!tpu.dma_semaphore, #tpu.memory_space<semaphore_mem>>) {add = true}
          %dma_wait3A_145 = arith.constant 0 : i32
          %dma_wait3A_146 = tpu.memref_slice %arg10[%run_scoped3A_54, %dma_wait3A_145] : memref<8x128xi32, #tpu.memory_space<vmem>> -> memref<1x128xi32, #tpu.memory_space<vmem>>
          %dma_wait3A_147 = tpu.memref_squeeze %dma_wait3A_146 : memref<1x128xi32, #tpu.memory_space<vmem>> -> memref<128xi32, #tpu.memory_space<vmem>>
          %dma_wait3A_148 = arith.constant 0 : i32
          %dma_wait3A_149 = arith.constant 0 : i32
          %dma_wait3A_150 = tpu.memref_slice %arg13[%dma_wait3A_148, %dma_wait3A_149] : memref<10112x128xf32, #tpu.memory_space<vmem_shared>> -> memref<10112x128xf32, #tpu.memory_space<vmem_shared>>
          tpu.wait_indirect_dma semaphore(%run_scoped3A_138 : memref<!tpu.dma_semaphore, #tpu.memory_space<semaphore_mem>>) src(%arg12 : memref<128x128xf32, #tpu.memory_space<vmem>>) dst(%dma_wait3A_150 : memref<10112x128xf32, #tpu.memory_space<vmem_shared>>)
          tpu.yield
        }) : () -> ()
        %dma_start3A_55 = arith.constant 3 : i32
        %dma_start3A_56 = arith.constant 0 : i32
        %dma_start3A_57 = tpu.memref_slice %arg9[%dma_start3A_55, %dma_start3A_56] : memref<8x128xi32, #tpu.memory_space<vmem>> -> memref<1x128xi32, #tpu.memory_space<vmem>>
        %dma_start3A_58 = tpu.memref_squeeze %dma_start3A_57 : memref<1x128xi32, #tpu.memory_space<vmem>> -> memref<128xi32, #tpu.memory_space<vmem>>
        %dma_start3A_59 = arith.constant 0 : i32
        %dma_start3A_60 = arith.constant 0 : i32
        %dma_start3A_61 = tpu.memref_slice %arg2[%dma_start3A_59, %dma_start3A_60] : memref<10000x128xf32, #tpu.memory_space<hbm>> -> memref<10000x128xf32, #tpu.memory_space<hbm>>
        tpu.enqueue_indirect_dma source(%dma_start3A_61 : memref<10000x128xf32, #tpu.memory_space<hbm>>) target(%arg12 : memref<128x128xf32, #tpu.memory_space<vmem>>) offsets(%dma_start3A_58 : memref<128xi32, #tpu.memory_space<vmem>>) semaphore(%arg15 : memref<!tpu.dma_semaphore, #tpu.memory_space<semaphore_mem>>)
        %dma_wait3A_62 = arith.constant 2 : i32
        %dma_wait3A_63 = arith.constant 0 : i32
        %dma_wait3A_64 = tpu.memref_slice %arg9[%dma_wait3A_62, %dma_wait3A_63] : memref<8x128xi32, #tpu.memory_space<vmem>> -> memref<1x128xi32, #tpu.memory_space<vmem>>
        %dma_wait3A_65 = tpu.memref_squeeze %dma_wait3A_64 : memref<1x128xi32, #tpu.memory_space<vmem>> -> memref<128xi32, #tpu.memory_space<vmem>>
        %dma_wait3A_66 = arith.constant 0 : i32
        %dma_wait3A_67 = arith.constant 0 : i32
        %dma_wait3A_68 = tpu.memref_slice %arg2[%dma_wait3A_66, %dma_wait3A_67] : memref<10000x128xf32, #tpu.memory_space<hbm>> -> memref<10000x128xf32, #tpu.memory_space<hbm>>
        tpu.wait_indirect_dma semaphore(%arg14 : memref<!tpu.dma_semaphore, #tpu.memory_space<semaphore_mem>>) src(%dma_wait3A_68 : memref<10000x128xf32, #tpu.memory_space<hbm>>) dst(%arg11 : memref<128x128xf32, #tpu.memory_space<vmem>>)
        %run_scoped3A_69 = arith.constant 2 : i32
        "tpu.region"() ({
          %run_scoped3A_138 = tpu.sem_alloc : memref<!tpu.dma_semaphore, #tpu.memory_space<semaphore_mem>>
          %dma_start3A_139 = arith.constant 0 : i32
          %dma_start3A_140 = tpu.memref_slice %arg10[%run_scoped3A_69, %dma_start3A_139] : memref<8x128xi32, #tpu.memory_space<vmem>> -> memref<1x128xi32, #tpu.memory_space<vmem>>
          %dma_start3A_141 = tpu.memref_squeeze %dma_start3A_140 : memref<1x128xi32, #tpu.memory_space<vmem>> -> memref<128xi32, #tpu.memory_space<vmem>>
          %dma_start3A_142 = arith.constant 0 : i32
          %dma_start3A_143 = arith.constant 0 : i32
          %dma_start3A_144 = tpu.memref_slice %arg13[%dma_start3A_142, %dma_start3A_143] : memref<10112x128xf32, #tpu.memory_space<vmem_shared>> -> memref<10112x128xf32, #tpu.memory_space<vmem_shared>>
          tpu.enqueue_indirect_dma source(%arg11 : memref<128x128xf32, #tpu.memory_space<vmem>>) target(%dma_start3A_144 : memref<10112x128xf32, #tpu.memory_space<vmem_shared>>) offsets(%dma_start3A_141 : memref<128xi32, #tpu.memory_space<vmem>>) semaphore(%run_scoped3A_138 : memref<!tpu.dma_semaphore, #tpu.memory_space<semaphore_mem>>) {add = true}
          %dma_wait3A_145 = arith.constant 0 : i32
          %dma_wait3A_146 = tpu.memref_slice %arg10[%run_scoped3A_69, %dma_wait3A_145] : memref<8x128xi32, #tpu.memory_space<vmem>> -> memref<1x128xi32, #tpu.memory_space<vmem>>
          %dma_wait3A_147 = tpu.memref_squeeze %dma_wait3A_146 : memref<1x128xi32, #tpu.memory_space<vmem>> -> memref<128xi32, #tpu.memory_space<vmem>>
          %dma_wait3A_148 = arith.constant 0 : i32
          %dma_wait3A_149 = arith.constant 0 : i32
          %dma_wait3A_150 = tpu.memref_slice %arg13[%dma_wait3A_148, %dma_wait3A_149] : memref<10112x128xf32, #tpu.memory_space<vmem_shared>> -> memref<10112x128xf32, #tpu.memory_space<vmem_shared>>
          tpu.wait_indirect_dma semaphore(%run_scoped3A_138 : memref<!tpu.dma_semaphore, #tpu.memory_space<semaphore_mem>>) src(%arg11 : memref<128x128xf32, #tpu.memory_space<vmem>>) dst(%dma_wait3A_150 : memref<10112x128xf32, #tpu.memory_space<vmem_shared>>)
          tpu.yield
        }) : () -> ()
        %dma_start3A_70 = arith.constant 4 : i32
        %dma_start3A_71 = arith.constant 0 : i32
        %dma_start3A_72 = tpu.memref_slice %arg9[%dma_start3A_70, %dma_start3A_71] : memref<8x128xi32, #tpu.memory_space<vmem>> -> memref<1x128xi32, #tpu.memory_space<vmem>>
        %dma_start3A_73 = tpu.memref_squeeze %dma_start3A_72 : memref<1x128xi32, #tpu.memory_space<vmem>> -> memref<128xi32, #tpu.memory_space<vmem>>
        %dma_start3A_74 = arith.constant 0 : i32
        %dma_start3A_75 = arith.constant 0 : i32
        %dma_start3A_76 = tpu.memref_slice %arg2[%dma_start3A_74, %dma_start3A_75] : memref<10000x128xf32, #tpu.memory_space<hbm>> -> memref<10000x128xf32, #tpu.memory_space<hbm>>
        tpu.enqueue_indirect_dma source(%dma_start3A_76 : memref<10000x128xf32, #tpu.memory_space<hbm>>) target(%arg11 : memref<128x128xf32, #tpu.memory_space<vmem>>) offsets(%dma_start3A_73 : memref<128xi32, #tpu.memory_space<vmem>>) semaphore(%arg14 : memref<!tpu.dma_semaphore, #tpu.memory_space<semaphore_mem>>)
        %dma_wait3A_77 = arith.constant 3 : i32
        %dma_wait3A_78 = arith.constant 0 : i32
        %dma_wait3A_79 = tpu.memref_slice %arg9[%dma_wait3A_77, %dma_wait3A_78] : memref<8x128xi32, #tpu.memory_space<vmem>> -> memref<1x128xi32, #tpu.memory_space<vmem>>
        %dma_wait3A_80 = tpu.memref_squeeze %dma_wait3A_79 : memref<1x128xi32, #tpu.memory_space<vmem>> -> memref<128xi32, #tpu.memory_space<vmem>>
        %dma_wait3A_81 = arith.constant 0 : i32
        %dma_wait3A_82 = arith.constant 0 : i32
        %dma_wait3A_83 = tpu.memref_slice %arg2[%dma_wait3A_81, %dma_wait3A_82] : memref<10000x128xf32, #tpu.memory_space<hbm>> -> memref<10000x128xf32, #tpu.memory_space<hbm>>
        tpu.wait_indirect_dma semaphore(%arg15 : memref<!tpu.dma_semaphore, #tpu.memory_space<semaphore_mem>>) src(%dma_wait3A_83 : memref<10000x128xf32, #tpu.memory_space<hbm>>) dst(%arg12 : memref<128x128xf32, #tpu.memory_space<vmem>>)
        %run_scoped3A_84 = arith.constant 3 : i32
        "tpu.region"() ({
          %run_scoped3A_138 = tpu.sem_alloc : memref<!tpu.dma_semaphore, #tpu.memory_space<semaphore_mem>>
          %dma_start3A_139 = arith.constant 0 : i32
          %dma_start3A_140 = tpu.memref_slice %arg10[%run_scoped3A_84, %dma_start3A_139] : memref<8x128xi32, #tpu.memory_space<vmem>> -> memref<1x128xi32, #tpu.memory_space<vmem>>
          %dma_start3A_141 = tpu.memref_squeeze %dma_start3A_140 : memref<1x128xi32, #tpu.memory_space<vmem>> -> memref<128xi32, #tpu.memory_space<vmem>>
          %dma_start3A_142 = arith.constant 0 : i32
          %dma_start3A_143 = arith.constant 0 : i32
          %dma_start3A_144 = tpu.memref_slice %arg13[%dma_start3A_142, %dma_start3A_143] : memref<10112x128xf32, #tpu.memory_space<vmem_shared>> -> memref<10112x128xf32, #tpu.memory_space<vmem_shared>>
          tpu.enqueue_indirect_dma source(%arg12 : memref<128x128xf32, #tpu.memory_space<vmem>>) target(%dma_start3A_144 : memref<10112x128xf32, #tpu.memory_space<vmem_shared>>) offsets(%dma_start3A_141 : memref<128xi32, #tpu.memory_space<vmem>>) semaphore(%run_scoped3A_138 : memref<!tpu.dma_semaphore, #tpu.memory_space<semaphore_mem>>) {add = true}
          %dma_wait3A_145 = arith.constant 0 : i32
          %dma_wait3A_146 = tpu.memref_slice %arg10[%run_scoped3A_84, %dma_wait3A_145] : memref<8x128xi32, #tpu.memory_space<vmem>> -> memref<1x128xi32, #tpu.memory_space<vmem>>
          %dma_wait3A_147 = tpu.memref_squeeze %dma_wait3A_146 : memref<1x128xi32, #tpu.memory_space<vmem>> -> memref<128xi32, #tpu.memory_space<vmem>>
          %dma_wait3A_148 = arith.constant 0 : i32
          %dma_wait3A_149 = arith.constant 0 : i32
          %dma_wait3A_150 = tpu.memref_slice %arg13[%dma_wait3A_148, %dma_wait3A_149] : memref<10112x128xf32, #tpu.memory_space<vmem_shared>> -> memref<10112x128xf32, #tpu.memory_space<vmem_shared>>
          tpu.wait_indirect_dma semaphore(%run_scoped3A_138 : memref<!tpu.dma_semaphore, #tpu.memory_space<semaphore_mem>>) src(%arg12 : memref<128x128xf32, #tpu.memory_space<vmem>>) dst(%dma_wait3A_150 : memref<10112x128xf32, #tpu.memory_space<vmem_shared>>)
          tpu.yield
        }) : () -> ()
        %dma_start3A_85 = arith.constant 5 : i32
        %dma_start3A_86 = arith.constant 0 : i32
        %dma_start3A_87 = tpu.memref_slice %arg9[%dma_start3A_85, %dma_start3A_86] : memref<8x128xi32, #tpu.memory_space<vmem>> -> memref<1x128xi32, #tpu.memory_space<vmem>>
        %dma_start3A_88 = tpu.memref_squeeze %dma_start3A_87 : memref<1x128xi32, #tpu.memory_space<vmem>> -> memref<128xi32, #tpu.memory_space<vmem>>
        %dma_start3A_89 = arith.constant 0 : i32
        %dma_start3A_90 = arith.constant 0 : i32
        %dma_start3A_91 = tpu.memref_slice %arg2[%dma_start3A_89, %dma_start3A_90] : memref<10000x128xf32, #tpu.memory_space<hbm>> -> memref<10000x128xf32, #tpu.memory_space<hbm>>
        tpu.enqueue_indirect_dma source(%dma_start3A_91 : memref<10000x128xf32, #tpu.memory_space<hbm>>) target(%arg12 : memref<128x128xf32, #tpu.memory_space<vmem>>) offsets(%dma_start3A_88 : memref<128xi32, #tpu.memory_space<vmem>>) semaphore(%arg15 : memref<!tpu.dma_semaphore, #tpu.memory_space<semaphore_mem>>)
        %dma_wait3A_92 = arith.constant 4 : i32
        %dma_wait3A_93 = arith.constant 0 : i32
        %dma_wait3A_94 = tpu.memref_slice %arg9[%dma_wait3A_92, %dma_wait3A_93] : memref<8x128xi32, #tpu.memory_space<vmem>> -> memref<1x128xi32, #tpu.memory_space<vmem>>
        %dma_wait3A_95 = tpu.memref_squeeze %dma_wait3A_94 : memref<1x128xi32, #tpu.memory_space<vmem>> -> memref<128xi32, #tpu.memory_space<vmem>>
        %dma_wait3A_96 = arith.constant 0 : i32
        %dma_wait3A_97 = arith.constant 0 : i32
        %dma_wait3A_98 = tpu.memref_slice %arg2[%dma_wait3A_96, %dma_wait3A_97] : memref<10000x128xf32, #tpu.memory_space<hbm>> -> memref<10000x128xf32, #tpu.memory_space<hbm>>
        tpu.wait_indirect_dma semaphore(%arg14 : memref<!tpu.dma_semaphore, #tpu.memory_space<semaphore_mem>>) src(%dma_wait3A_98 : memref<10000x128xf32, #tpu.memory_space<hbm>>) dst(%arg11 : memref<128x128xf32, #tpu.memory_space<vmem>>)
        %run_scoped3A_99 = arith.constant 4 : i32
        "tpu.region"() ({
          %run_scoped3A_138 = tpu.sem_alloc : memref<!tpu.dma_semaphore, #tpu.memory_space<semaphore_mem>>
          %dma_start3A_139 = arith.constant 0 : i32
          %dma_start3A_140 = tpu.memref_slice %arg10[%run_scoped3A_99, %dma_start3A_139] : memref<8x128xi32, #tpu.memory_space<vmem>> -> memref<1x128xi32, #tpu.memory_space<vmem>>
          %dma_start3A_141 = tpu.memref_squeeze %dma_start3A_140 : memref<1x128xi32, #tpu.memory_space<vmem>> -> memref<128xi32, #tpu.memory_space<vmem>>
          %dma_start3A_142 = arith.constant 0 : i32
          %dma_start3A_143 = arith.constant 0 : i32
          %dma_start3A_144 = tpu.memref_slice %arg13[%dma_start3A_142, %dma_start3A_143] : memref<10112x128xf32, #tpu.memory_space<vmem_shared>> -> memref<10112x128xf32, #tpu.memory_space<vmem_shared>>
          tpu.enqueue_indirect_dma source(%arg11 : memref<128x128xf32, #tpu.memory_space<vmem>>) target(%dma_start3A_144 : memref<10112x128xf32, #tpu.memory_space<vmem_shared>>) offsets(%dma_start3A_141 : memref<128xi32, #tpu.memory_space<vmem>>) semaphore(%run_scoped3A_138 : memref<!tpu.dma_semaphore, #tpu.memory_space<semaphore_mem>>) {add = true}
          %dma_wait3A_145 = arith.constant 0 : i32
          %dma_wait3A_146 = tpu.memref_slice %arg10[%run_scoped3A_99, %dma_wait3A_145] : memref<8x128xi32, #tpu.memory_space<vmem>> -> memref<1x128xi32, #tpu.memory_space<vmem>>
          %dma_wait3A_147 = tpu.memref_squeeze %dma_wait3A_146 : memref<1x128xi32, #tpu.memory_space<vmem>> -> memref<128xi32, #tpu.memory_space<vmem>>
          %dma_wait3A_148 = arith.constant 0 : i32
          %dma_wait3A_149 = arith.constant 0 : i32
          %dma_wait3A_150 = tpu.memref_slice %arg13[%dma_wait3A_148, %dma_wait3A_149] : memref<10112x128xf32, #tpu.memory_space<vmem_shared>> -> memref<10112x128xf32, #tpu.memory_space<vmem_shared>>
          tpu.wait_indirect_dma semaphore(%run_scoped3A_138 : memref<!tpu.dma_semaphore, #tpu.memory_space<semaphore_mem>>) src(%arg11 : memref<128x128xf32, #tpu.memory_space<vmem>>) dst(%dma_wait3A_150 : memref<10112x128xf32, #tpu.memory_space<vmem_shared>>)
          tpu.yield
        }) : () -> ()
        %dma_start3A_100 = arith.constant 6 : i32
        %dma_start3A_101 = arith.constant 0 : i32
        %dma_start3A_102 = tpu.memref_slice %arg9[%dma_start3A_100, %dma_start3A_101] : memref<8x128xi32, #tpu.memory_space<vmem>> -> memref<1x128xi32, #tpu.memory_space<vmem>>
        %dma_start3A_103 = tpu.memref_squeeze %dma_start3A_102 : memref<1x128xi32, #tpu.memory_space<vmem>> -> memref<128xi32, #tpu.memory_space<vmem>>
        %dma_start3A_104 = arith.constant 0 : i32
        %dma_start3A_105 = arith.constant 0 : i32
        %dma_start3A_106 = tpu.memref_slice %arg2[%dma_start3A_104, %dma_start3A_105] : memref<10000x128xf32, #tpu.memory_space<hbm>> -> memref<10000x128xf32, #tpu.memory_space<hbm>>
        tpu.enqueue_indirect_dma source(%dma_start3A_106 : memref<10000x128xf32, #tpu.memory_space<hbm>>) target(%arg11 : memref<128x128xf32, #tpu.memory_space<vmem>>) offsets(%dma_start3A_103 : memref<128xi32, #tpu.memory_space<vmem>>) semaphore(%arg14 : memref<!tpu.dma_semaphore, #tpu.memory_space<semaphore_mem>>)
        %dma_wait3A_107 = arith.constant 5 : i32
        %dma_wait3A_108 = arith.constant 0 : i32
        %dma_wait3A_109 = tpu.memref_slice %arg9[%dma_wait3A_107, %dma_wait3A_108] : memref<8x128xi32, #tpu.memory_space<vmem>> -> memref<1x128xi32, #tpu.memory_space<vmem>>
        %dma_wait3A_110 = tpu.memref_squeeze %dma_wait3A_109 : memref<1x128xi32, #tpu.memory_space<vmem>> -> memref<128xi32, #tpu.memory_space<vmem>>
        %dma_wait3A_111 = arith.constant 0 : i32
        %dma_wait3A_112 = arith.constant 0 : i32
        %dma_wait3A_113 = tpu.memref_slice %arg2[%dma_wait3A_111, %dma_wait3A_112] : memref<10000x128xf32, #tpu.memory_space<hbm>> -> memref<10000x128xf32, #tpu.memory_space<hbm>>
        tpu.wait_indirect_dma semaphore(%arg15 : memref<!tpu.dma_semaphore, #tpu.memory_space<semaphore_mem>>) src(%dma_wait3A_113 : memref<10000x128xf32, #tpu.memory_space<hbm>>) dst(%arg12 : memref<128x128xf32, #tpu.memory_space<vmem>>)
        %run_scoped3A_114 = arith.constant 5 : i32
        "tpu.region"() ({
          %run_scoped3A_138 = tpu.sem_alloc : memref<!tpu.dma_semaphore, #tpu.memory_space<semaphore_mem>>
          %dma_start3A_139 = arith.constant 0 : i32
          %dma_start3A_140 = tpu.memref_slice %arg10[%run_scoped3A_114, %dma_start3A_139] : memref<8x128xi32, #tpu.memory_space<vmem>> -> memref<1x128xi32, #tpu.memory_space<vmem>>
          %dma_start3A_141 = tpu.memref_squeeze %dma_start3A_140 : memref<1x128xi32, #tpu.memory_space<vmem>> -> memref<128xi32, #tpu.memory_space<vmem>>
          %dma_start3A_142 = arith.constant 0 : i32
          %dma_start3A_143 = arith.constant 0 : i32
          %dma_start3A_144 = tpu.memref_slice %arg13[%dma_start3A_142, %dma_start3A_143] : memref<10112x128xf32, #tpu.memory_space<vmem_shared>> -> memref<10112x128xf32, #tpu.memory_space<vmem_shared>>
          tpu.enqueue_indirect_dma source(%arg12 : memref<128x128xf32, #tpu.memory_space<vmem>>) target(%dma_start3A_144 : memref<10112x128xf32, #tpu.memory_space<vmem_shared>>) offsets(%dma_start3A_141 : memref<128xi32, #tpu.memory_space<vmem>>) semaphore(%run_scoped3A_138 : memref<!tpu.dma_semaphore, #tpu.memory_space<semaphore_mem>>) {add = true}
          %dma_wait3A_145 = arith.constant 0 : i32
          %dma_wait3A_146 = tpu.memref_slice %arg10[%run_scoped3A_114, %dma_wait3A_145] : memref<8x128xi32, #tpu.memory_space<vmem>> -> memref<1x128xi32, #tpu.memory_space<vmem>>
          %dma_wait3A_147 = tpu.memref_squeeze %dma_wait3A_146 : memref<1x128xi32, #tpu.memory_space<vmem>> -> memref<128xi32, #tpu.memory_space<vmem>>
          %dma_wait3A_148 = arith.constant 0 : i32
          %dma_wait3A_149 = arith.constant 0 : i32
          %dma_wait3A_150 = tpu.memref_slice %arg13[%dma_wait3A_148, %dma_wait3A_149] : memref<10112x128xf32, #tpu.memory_space<vmem_shared>> -> memref<10112x128xf32, #tpu.memory_space<vmem_shared>>
          tpu.wait_indirect_dma semaphore(%run_scoped3A_138 : memref<!tpu.dma_semaphore, #tpu.memory_space<semaphore_mem>>) src(%arg12 : memref<128x128xf32, #tpu.memory_space<vmem>>) dst(%dma_wait3A_150 : memref<10112x128xf32, #tpu.memory_space<vmem_shared>>)
          tpu.yield
        }) : () -> ()
        %dma_start3A_115 = arith.constant 7 : i32
        %dma_start3A_116 = arith.constant 0 : i32
        %dma_start3A_117 = tpu.memref_slice %arg9[%dma_start3A_115, %dma_start3A_116] : memref<8x128xi32, #tpu.memory_space<vmem>> -> memref<1x128xi32, #tpu.memory_space<vmem>>
        %dma_start3A_118 = tpu.memref_squeeze %dma_start3A_117 : memref<1x128xi32, #tpu.memory_space<vmem>> -> memref<128xi32, #tpu.memory_space<vmem>>
        %dma_start3A_119 = arith.constant 0 : i32
        %dma_start3A_120 = arith.constant 0 : i32
        %dma_start3A_121 = tpu.memref_slice %arg2[%dma_start3A_119, %dma_start3A_120] : memref<10000x128xf32, #tpu.memory_space<hbm>> -> memref<10000x128xf32, #tpu.memory_space<hbm>>
        tpu.enqueue_indirect_dma source(%dma_start3A_121 : memref<10000x128xf32, #tpu.memory_space<hbm>>) target(%arg12 : memref<128x128xf32, #tpu.memory_space<vmem>>) offsets(%dma_start3A_118 : memref<128xi32, #tpu.memory_space<vmem>>) semaphore(%arg15 : memref<!tpu.dma_semaphore, #tpu.memory_space<semaphore_mem>>)
        %dma_wait3A_122 = arith.constant 6 : i32
        %dma_wait3A_123 = arith.constant 0 : i32
        %dma_wait3A_124 = tpu.memref_slice %arg9[%dma_wait3A_122, %dma_wait3A_123] : memref<8x128xi32, #tpu.memory_space<vmem>> -> memref<1x128xi32, #tpu.memory_space<vmem>>
        %dma_wait3A_125 = tpu.memref_squeeze %dma_wait3A_124 : memref<1x128xi32, #tpu.memory_space<vmem>> -> memref<128xi32, #tpu.memory_space<vmem>>
        %dma_wait3A_126 = arith.constant 0 : i32
        %dma_wait3A_127 = arith.constant 0 : i32
        %dma_wait3A_128 = tpu.memref_slice %arg2[%dma_wait3A_126, %dma_wait3A_127] : memref<10000x128xf32, #tpu.memory_space<hbm>> -> memref<10000x128xf32, #tpu.memory_space<hbm>>
        tpu.wait_indirect_dma semaphore(%arg14 : memref<!tpu.dma_semaphore, #tpu.memory_space<semaphore_mem>>) src(%dma_wait3A_128 : memref<10000x128xf32, #tpu.memory_space<hbm>>) dst(%arg11 : memref<128x128xf32, #tpu.memory_space<vmem>>)
        %run_scoped3A_129 = arith.constant 6 : i32
        "tpu.region"() ({
          %run_scoped3A_138 = tpu.sem_alloc : memref<!tpu.dma_semaphore, #tpu.memory_space<semaphore_mem>>
          %dma_start3A_139 = arith.constant 0 : i32
          %dma_start3A_140 = tpu.memref_slice %arg10[%run_scoped3A_129, %dma_start3A_139] : memref<8x128xi32, #tpu.memory_space<vmem>> -> memref<1x128xi32, #tpu.memory_space<vmem>>
          %dma_start3A_141 = tpu.memref_squeeze %dma_start3A_140 : memref<1x128xi32, #tpu.memory_space<vmem>> -> memref<128xi32, #tpu.memory_space<vmem>>
          %dma_start3A_142 = arith.constant 0 : i32
          %dma_start3A_143 = arith.constant 0 : i32
          %dma_start3A_144 = tpu.memref_slice %arg13[%dma_start3A_142, %dma_start3A_143] : memref<10112x128xf32, #tpu.memory_space<vmem_shared>> -> memref<10112x128xf32, #tpu.memory_space<vmem_shared>>
          tpu.enqueue_indirect_dma source(%arg11 : memref<128x128xf32, #tpu.memory_space<vmem>>) target(%dma_start3A_144 : memref<10112x128xf32, #tpu.memory_space<vmem_shared>>) offsets(%dma_start3A_141 : memref<128xi32, #tpu.memory_space<vmem>>) semaphore(%run_scoped3A_138 : memref<!tpu.dma_semaphore, #tpu.memory_space<semaphore_mem>>) {add = true}
          %dma_wait3A_145 = arith.constant 0 : i32
          %dma_wait3A_146 = tpu.memref_slice %arg10[%run_scoped3A_129, %dma_wait3A_145] : memref<8x128xi32, #tpu.memory_space<vmem>> -> memref<1x128xi32, #tpu.memory_space<vmem>>
          %dma_wait3A_147 = tpu.memref_squeeze %dma_wait3A_146 : memref<1x128xi32, #tpu.memory_space<vmem>> -> memref<128xi32, #tpu.memory_space<vmem>>
          %dma_wait3A_148 = arith.constant 0 : i32
          %dma_wait3A_149 = arith.constant 0 : i32
          %dma_wait3A_150 = tpu.memref_slice %arg13[%dma_wait3A_148, %dma_wait3A_149] : memref<10112x128xf32, #tpu.memory_space<vmem_shared>> -> memref<10112x128xf32, #tpu.memory_space<vmem_shared>>
          tpu.wait_indirect_dma semaphore(%run_scoped3A_138 : memref<!tpu.dma_semaphore, #tpu.memory_space<semaphore_mem>>) src(%arg11 : memref<128x128xf32, #tpu.memory_space<vmem>>) dst(%dma_wait3A_150 : memref<10112x128xf32, #tpu.memory_space<vmem_shared>>)
          tpu.yield
        }) : () -> ()
        %dma_wait3A_130 = arith.constant 7 : i32
        %dma_wait3A_131 = arith.constant 0 : i32
        %dma_wait3A_132 = tpu.memref_slice %arg9[%dma_wait3A_130, %dma_wait3A_131] : memref<8x128xi32, #tpu.memory_space<vmem>> -> memref<1x128xi32, #tpu.memory_space<vmem>>
        %dma_wait3A_133 = tpu.memref_squeeze %dma_wait3A_132 : memref<1x128xi32, #tpu.memory_space<vmem>> -> memref<128xi32, #tpu.memory_space<vmem>>
        %dma_wait3A_134 = arith.constant 0 : i32
        %dma_wait3A_135 = arith.constant 0 : i32
        %dma_wait3A_136 = tpu.memref_slice %arg2[%dma_wait3A_134, %dma_wait3A_135] : memref<10000x128xf32, #tpu.memory_space<hbm>> -> memref<10000x128xf32, #tpu.memory_space<hbm>>
        tpu.wait_indirect_dma semaphore(%arg15 : memref<!tpu.dma_semaphore, #tpu.memory_space<semaphore_mem>>) src(%dma_wait3A_136 : memref<10000x128xf32, #tpu.memory_space<hbm>>) dst(%arg12 : memref<128x128xf32, #tpu.memory_space<vmem>>)
        %run_scoped3A_137 = arith.constant 7 : i32
        "tpu.region"() ({
          %run_scoped3A_138 = tpu.sem_alloc : memref<!tpu.dma_semaphore, #tpu.memory_space<semaphore_mem>>
          %dma_start3A_139 = arith.constant 0 : i32
          %dma_start3A_140 = tpu.memref_slice %arg10[%run_scoped3A_137, %dma_start3A_139] : memref<8x128xi32, #tpu.memory_space<vmem>> -> memref<1x128xi32, #tpu.memory_space<vmem>>
          %dma_start3A_141 = tpu.memref_squeeze %dma_start3A_140 : memref<1x128xi32, #tpu.memory_space<vmem>> -> memref<128xi32, #tpu.memory_space<vmem>>
          %dma_start3A_142 = arith.constant 0 : i32
          %dma_start3A_143 = arith.constant 0 : i32
          %dma_start3A_144 = tpu.memref_slice %arg13[%dma_start3A_142, %dma_start3A_143] : memref<10112x128xf32, #tpu.memory_space<vmem_shared>> -> memref<10112x128xf32, #tpu.memory_space<vmem_shared>>
          tpu.enqueue_indirect_dma source(%arg12 : memref<128x128xf32, #tpu.memory_space<vmem>>) target(%dma_start3A_144 : memref<10112x128xf32, #tpu.memory_space<vmem_shared>>) offsets(%dma_start3A_141 : memref<128xi32, #tpu.memory_space<vmem>>) semaphore(%run_scoped3A_138 : memref<!tpu.dma_semaphore, #tpu.memory_space<semaphore_mem>>) {add = true}
          %dma_wait3A_145 = arith.constant 0 : i32
          %dma_wait3A_146 = tpu.memref_slice %arg10[%run_scoped3A_137, %dma_wait3A_145] : memref<8x128xi32, #tpu.memory_space<vmem>> -> memref<1x128xi32, #tpu.memory_space<vmem>>
          %dma_wait3A_147 = tpu.memref_squeeze %dma_wait3A_146 : memref<1x128xi32, #tpu.memory_space<vmem>> -> memref<128xi32, #tpu.memory_space<vmem>>
          %dma_wait3A_148 = arith.constant 0 : i32
          %dma_wait3A_149 = arith.constant 0 : i32
          %dma_wait3A_150 = tpu.memref_slice %arg13[%dma_wait3A_148, %dma_wait3A_149] : memref<10112x128xf32, #tpu.memory_space<vmem_shared>> -> memref<10112x128xf32, #tpu.memory_space<vmem_shared>>
          tpu.wait_indirect_dma semaphore(%run_scoped3A_138 : memref<!tpu.dma_semaphore, #tpu.memory_space<semaphore_mem>>) src(%arg12 : memref<128x128xf32, #tpu.memory_space<vmem>>) dst(%dma_wait3A_150 : memref<10112x128xf32, #tpu.memory_space<vmem_shared>>)
          tpu.yield
        }) : () -> ()
      }
      %scan3A_17 = arith.constant 10 : i32
    } else {
    }
    %eq3A_3 = arith.constant 1 : i32
    %eq3A_4 = arith.cmpi eq, %arg0, %eq3A_3 : i32
    %convert_element_type3A_5 = arith.extui %eq3A_4 : i1 to i32
    %cond3A_6 = arith.constant 0 : i32
    %cond3A_7 = arith.cmpi ne, %convert_element_type3A_5, %cond3A_6 : i32
    scf.if %cond3A_7 {
      %scan3A = arith.constant 0 : i32
      %scan3A_13 = arith.constant 0 : i32
      %scan3A_14 = arith.constant 10 : i32
      %scan3A_15 = arith.addi %scan3A_13, %scan3A_14 : i32
      %scan3A_16 = arith.constant 1 : i32
      scf.for %scan3A_18 = %scan3A_13 to %scan3A_15 step %scan3A_16  : i32 {
        %mul3A_19 = arith.constant 8 : i32
        %mul3A_20 = arith.muli %scan3A_18, %mul3A_19 : i32
        %multiple_of3A = tpu.assume_multiple %mul3A_20, 8 : i32
        "tpu.region"() ({
          %run_scoped3A_138 = tpu.sem_alloc : memref<!tpu.dma_semaphore, #tpu.memory_space<semaphore_mem>>
          %dma_start3A_139 = arith.constant 0 : i32
          %dma_start3A_140 = tpu.memref_slice %arg5[%arg1, %multiple_of3A, %dma_start3A_139] : memref<16x80x128xi32, #tpu.memory_space<hbm>> -> memref<1x8x128xi32, #tpu.memory_space<hbm>>
          %dma_start3A_141 = tpu.memref_squeeze %dma_start3A_140 : memref<1x8x128xi32, #tpu.memory_space<hbm>> -> memref<8x128xi32, #tpu.memory_space<hbm>>
          %dma_start3A_142 = arith.constant 0 : i32
          %dma_start3A_143 = tpu.memref_slice %arg5[%arg1, %multiple_of3A, %dma_start3A_142] : memref<16x80x128xi32, #tpu.memory_space<hbm>> -> memref<1x8x128xi32, #tpu.memory_space<hbm>>
          %dma_start3A_144 = tpu.memref_squeeze %dma_start3A_143 : memref<1x8x128xi32, #tpu.memory_space<hbm>> -> memref<8x128xi32, #tpu.memory_space<hbm>>
          tpu.enqueue_dma source(%dma_start3A_144 : memref<8x128xi32, #tpu.memory_space<hbm>>) target(%arg9 : memref<8x128xi32, #tpu.memory_space<vmem>>) target_semaphore(%run_scoped3A_138 : memref<!tpu.dma_semaphore, #tpu.memory_space<semaphore_mem>>)
          %dma_wait3A_145 = arith.constant 0 : i32
          %dma_wait3A_146 = tpu.memref_slice %arg5[%arg1, %multiple_of3A, %dma_wait3A_145] : memref<16x80x128xi32, #tpu.memory_space<hbm>> -> memref<1x8x128xi32, #tpu.memory_space<hbm>>
          %dma_wait3A_147 = tpu.memref_squeeze %dma_wait3A_146 : memref<1x8x128xi32, #tpu.memory_space<hbm>> -> memref<8x128xi32, #tpu.memory_space<hbm>>
          %dma_wait3A_148 = arith.constant 0 : i32
          %dma_wait3A_149 = tpu.memref_slice %arg5[%arg1, %multiple_of3A, %dma_wait3A_148] : memref<16x80x128xi32, #tpu.memory_space<hbm>> -> memref<1x8x128xi32, #tpu.memory_space<hbm>>
          %dma_wait3A_150 = tpu.memref_squeeze %dma_wait3A_149 : memref<1x8x128xi32, #tpu.memory_space<hbm>> -> memref<8x128xi32, #tpu.memory_space<hbm>>
          tpu.wait_dma2 semaphore(%run_scoped3A_138 : memref<!tpu.dma_semaphore, #tpu.memory_space<semaphore_mem>>) src(%dma_wait3A_150 : memref<8x128xi32, #tpu.memory_space<hbm>>) dst(%arg9 : memref<8x128xi32, #tpu.memory_space<vmem>>)
          tpu.yield
        }) : () -> ()
        "tpu.region"() ({
          %run_scoped3A_138 = tpu.sem_alloc : memref<!tpu.dma_semaphore, #tpu.memory_space<semaphore_mem>>
          %dma_start3A_139 = arith.constant 0 : i32
          %dma_start3A_140 = tpu.memref_slice %arg6[%arg1, %multiple_of3A, %dma_start3A_139] : memref<16x80x128xi32, #tpu.memory_space<hbm>> -> memref<1x8x128xi32, #tpu.memory_space<hbm>>
          %dma_start3A_141 = tpu.memref_squeeze %dma_start3A_140 : memref<1x8x128xi32, #tpu.memory_space<hbm>> -> memref<8x128xi32, #tpu.memory_space<hbm>>
          %dma_start3A_142 = arith.constant 0 : i32
          %dma_start3A_143 = tpu.memref_slice %arg6[%arg1, %multiple_of3A, %dma_start3A_142] : memref<16x80x128xi32, #tpu.memory_space<hbm>> -> memref<1x8x128xi32, #tpu.memory_space<hbm>>
          %dma_start3A_144 = tpu.memref_squeeze %dma_start3A_143 : memref<1x8x128xi32, #tpu.memory_space<hbm>> -> memref<8x128xi32, #tpu.memory_space<hbm>>
          tpu.enqueue_dma source(%dma_start3A_144 : memref<8x128xi32, #tpu.memory_space<hbm>>) target(%arg10 : memref<8x128xi32, #tpu.memory_space<vmem>>) target_semaphore(%run_scoped3A_138 : memref<!tpu.dma_semaphore, #tpu.memory_space<semaphore_mem>>)
          %dma_wait3A_145 = arith.constant 0 : i32
          %dma_wait3A_146 = tpu.memref_slice %arg6[%arg1, %multiple_of3A, %dma_wait3A_145] : memref<16x80x128xi32, #tpu.memory_space<hbm>> -> memref<1x8x128xi32, #tpu.memory_space<hbm>>
          %dma_wait3A_147 = tpu.memref_squeeze %dma_wait3A_146 : memref<1x8x128xi32, #tpu.memory_space<hbm>> -> memref<8x128xi32, #tpu.memory_space<hbm>>
          %dma_wait3A_148 = arith.constant 0 : i32
          %dma_wait3A_149 = tpu.memref_slice %arg6[%arg1, %multiple_of3A, %dma_wait3A_148] : memref<16x80x128xi32, #tpu.memory_space<hbm>> -> memref<1x8x128xi32, #tpu.memory_space<hbm>>
          %dma_wait3A_150 = tpu.memref_squeeze %dma_wait3A_149 : memref<1x8x128xi32, #tpu.memory_space<hbm>> -> memref<8x128xi32, #tpu.memory_space<hbm>>
          tpu.wait_dma2 semaphore(%run_scoped3A_138 : memref<!tpu.dma_semaphore, #tpu.memory_space<semaphore_mem>>) src(%dma_wait3A_150 : memref<8x128xi32, #tpu.memory_space<hbm>>) dst(%arg10 : memref<8x128xi32, #tpu.memory_space<vmem>>)
          tpu.yield
        }) : () -> ()
        %dma_start3A = arith.constant 0 : i32
        %dma_start3A_21 = arith.constant 0 : i32
        %dma_start3A_22 = tpu.memref_slice %arg9[%dma_start3A, %dma_start3A_21] : memref<8x128xi32, #tpu.memory_space<vmem>> -> memref<1x128xi32, #tpu.memory_space<vmem>>
        %dma_start3A_23 = tpu.memref_squeeze %dma_start3A_22 : memref<1x128xi32, #tpu.memory_space<vmem>> -> memref<128xi32, #tpu.memory_space<vmem>>
        %dma_start3A_24 = arith.constant 0 : i32
        %dma_start3A_25 = arith.constant 0 : i32
        %dma_start3A_26 = tpu.memref_slice %arg2[%dma_start3A_24, %dma_start3A_25] : memref<10000x128xf32, #tpu.memory_space<hbm>> -> memref<10000x128xf32, #tpu.memory_space<hbm>>
        tpu.enqueue_indirect_dma source(%dma_start3A_26 : memref<10000x128xf32, #tpu.memory_space<hbm>>) target(%arg11 : memref<128x128xf32, #tpu.memory_space<vmem>>) offsets(%dma_start3A_23 : memref<128xi32, #tpu.memory_space<vmem>>) semaphore(%arg14 : memref<!tpu.dma_semaphore, #tpu.memory_space<semaphore_mem>>)
        %dma_start3A_27 = arith.constant 1 : i32
        %dma_start3A_28 = arith.constant 0 : i32
        %dma_start3A_29 = tpu.memref_slice %arg9[%dma_start3A_27, %dma_start3A_28] : memref<8x128xi32, #tpu.memory_space<vmem>> -> memref<1x128xi32, #tpu.memory_space<vmem>>
        %dma_start3A_30 = tpu.memref_squeeze %dma_start3A_29 : memref<1x128xi32, #tpu.memory_space<vmem>> -> memref<128xi32, #tpu.memory_space<vmem>>
        %dma_start3A_31 = arith.constant 0 : i32
        %dma_start3A_32 = arith.constant 0 : i32
        %dma_start3A_33 = tpu.memref_slice %arg2[%dma_start3A_31, %dma_start3A_32] : memref<10000x128xf32, #tpu.memory_space<hbm>> -> memref<10000x128xf32, #tpu.memory_space<hbm>>
        tpu.enqueue_indirect_dma source(%dma_start3A_33 : memref<10000x128xf32, #tpu.memory_space<hbm>>) target(%arg12 : memref<128x128xf32, #tpu.memory_space<vmem>>) offsets(%dma_start3A_30 : memref<128xi32, #tpu.memory_space<vmem>>) semaphore(%arg15 : memref<!tpu.dma_semaphore, #tpu.memory_space<semaphore_mem>>)
        %dma_wait3A = arith.constant 0 : i32
        %dma_wait3A_34 = arith.constant 0 : i32
        %dma_wait3A_35 = tpu.memref_slice %arg9[%dma_wait3A, %dma_wait3A_34] : memref<8x128xi32, #tpu.memory_space<vmem>> -> memref<1x128xi32, #tpu.memory_space<vmem>>
        %dma_wait3A_36 = tpu.memref_squeeze %dma_wait3A_35 : memref<1x128xi32, #tpu.memory_space<vmem>> -> memref<128xi32, #tpu.memory_space<vmem>>
        %dma_wait3A_37 = arith.constant 0 : i32
        %dma_wait3A_38 = arith.constant 0 : i32
        %dma_wait3A_39 = tpu.memref_slice %arg2[%dma_wait3A_37, %dma_wait3A_38] : memref<10000x128xf32, #tpu.memory_space<hbm>> -> memref<10000x128xf32, #tpu.memory_space<hbm>>
        tpu.wait_indirect_dma semaphore(%arg14 : memref<!tpu.dma_semaphore, #tpu.memory_space<semaphore_mem>>) src(%dma_wait3A_39 : memref<10000x128xf32, #tpu.memory_space<hbm>>) dst(%arg11 : memref<128x128xf32, #tpu.memory_space<vmem>>)
        %run_scoped3A = arith.constant 0 : i32
        "tpu.region"() ({
          %run_scoped3A_138 = tpu.sem_alloc : memref<!tpu.dma_semaphore, #tpu.memory_space<semaphore_mem>>
          %dma_start3A_139 = arith.constant 0 : i32
          %dma_start3A_140 = tpu.memref_slice %arg10[%run_scoped3A, %dma_start3A_139] : memref<8x128xi32, #tpu.memory_space<vmem>> -> memref<1x128xi32, #tpu.memory_space<vmem>>
          %dma_start3A_141 = tpu.memref_squeeze %dma_start3A_140 : memref<1x128xi32, #tpu.memory_space<vmem>> -> memref<128xi32, #tpu.memory_space<vmem>>
          %dma_start3A_142 = arith.constant 0 : i32
          %dma_start3A_143 = arith.constant 0 : i32
          %dma_start3A_144 = tpu.memref_slice %arg13[%dma_start3A_142, %dma_start3A_143] : memref<10112x128xf32, #tpu.memory_space<vmem_shared>> -> memref<10112x128xf32, #tpu.memory_space<vmem_shared>>
          tpu.enqueue_indirect_dma source(%arg11 : memref<128x128xf32, #tpu.memory_space<vmem>>) target(%dma_start3A_144 : memref<10112x128xf32, #tpu.memory_space<vmem_shared>>) offsets(%dma_start3A_141 : memref<128xi32, #tpu.memory_space<vmem>>) semaphore(%run_scoped3A_138 : memref<!tpu.dma_semaphore, #tpu.memory_space<semaphore_mem>>) {add = true}
          %dma_wait3A_145 = arith.constant 0 : i32
          %dma_wait3A_146 = tpu.memref_slice %arg10[%run_scoped3A, %dma_wait3A_145] : memref<8x128xi32, #tpu.memory_space<vmem>> -> memref<1x128xi32, #tpu.memory_space<vmem>>
          %dma_wait3A_147 = tpu.memref_squeeze %dma_wait3A_146 : memref<1x128xi32, #tpu.memory_space<vmem>> -> memref<128xi32, #tpu.memory_space<vmem>>
          %dma_wait3A_148 = arith.constant 0 : i32
          %dma_wait3A_149 = arith.constant 0 : i32
          %dma_wait3A_150 = tpu.memref_slice %arg13[%dma_wait3A_148, %dma_wait3A_149] : memref<10112x128xf32, #tpu.memory_space<vmem_shared>> -> memref<10112x128xf32, #tpu.memory_space<vmem_shared>>
          tpu.wait_indirect_dma semaphore(%run_scoped3A_138 : memref<!tpu.dma_semaphore, #tpu.memory_space<semaphore_mem>>) src(%arg11 : memref<128x128xf32, #tpu.memory_space<vmem>>) dst(%dma_wait3A_150 : memref<10112x128xf32, #tpu.memory_space<vmem_shared>>)
          tpu.yield
        }) : () -> ()
        %dma_start3A_40 = arith.constant 2 : i32
        %dma_start3A_41 = arith.constant 0 : i32
        %dma_start3A_42 = tpu.memref_slice %arg9[%dma_start3A_40, %dma_start3A_41] : memref<8x128xi32, #tpu.memory_space<vmem>> -> memref<1x128xi32, #tpu.memory_space<vmem>>
        %dma_start3A_43 = tpu.memref_squeeze %dma_start3A_42 : memref<1x128xi32, #tpu.memory_space<vmem>> -> memref<128xi32, #tpu.memory_space<vmem>>
        %dma_start3A_44 = arith.constant 0 : i32
        %dma_start3A_45 = arith.constant 0 : i32
        %dma_start3A_46 = tpu.memref_slice %arg2[%dma_start3A_44, %dma_start3A_45] : memref<10000x128xf32, #tpu.memory_space<hbm>> -> memref<10000x128xf32, #tpu.memory_space<hbm>>
        tpu.enqueue_indirect_dma source(%dma_start3A_46 : memref<10000x128xf32, #tpu.memory_space<hbm>>) target(%arg11 : memref<128x128xf32, #tpu.memory_space<vmem>>) offsets(%dma_start3A_43 : memref<128xi32, #tpu.memory_space<vmem>>) semaphore(%arg14 : memref<!tpu.dma_semaphore, #tpu.memory_space<semaphore_mem>>)
        %dma_wait3A_47 = arith.constant 1 : i32
        %dma_wait3A_48 = arith.constant 0 : i32
        %dma_wait3A_49 = tpu.memref_slice %arg9[%dma_wait3A_47, %dma_wait3A_48] : memref<8x128xi32, #tpu.memory_space<vmem>> -> memref<1x128xi32, #tpu.memory_space<vmem>>
        %dma_wait3A_50 = tpu.memref_squeeze %dma_wait3A_49 : memref<1x128xi32, #tpu.memory_space<vmem>> -> memref<128xi32, #tpu.memory_space<vmem>>
        %dma_wait3A_51 = arith.constant 0 : i32
        %dma_wait3A_52 = arith.constant 0 : i32
        %dma_wait3A_53 = tpu.memref_slice %arg2[%dma_wait3A_51, %dma_wait3A_52] : memref<10000x128xf32, #tpu.memory_space<hbm>> -> memref<10000x128xf32, #tpu.memory_space<hbm>>
        tpu.wait_indirect_dma semaphore(%arg15 : memref<!tpu.dma_semaphore, #tpu.memory_space<semaphore_mem>>) src(%dma_wait3A_53 : memref<10000x128xf32, #tpu.memory_space<hbm>>) dst(%arg12 : memref<128x128xf32, #tpu.memory_space<vmem>>)
        %run_scoped3A_54 = arith.constant 1 : i32
        "tpu.region"() ({
          %run_scoped3A_138 = tpu.sem_alloc : memref<!tpu.dma_semaphore, #tpu.memory_space<semaphore_mem>>
          %dma_start3A_139 = arith.constant 0 : i32
          %dma_start3A_140 = tpu.memref_slice %arg10[%run_scoped3A_54, %dma_start3A_139] : memref<8x128xi32, #tpu.memory_space<vmem>> -> memref<1x128xi32, #tpu.memory_space<vmem>>
          %dma_start3A_141 = tpu.memref_squeeze %dma_start3A_140 : memref<1x128xi32, #tpu.memory_space<vmem>> -> memref<128xi32, #tpu.memory_space<vmem>>
          %dma_start3A_142 = arith.constant 0 : i32
          %dma_start3A_143 = arith.constant 0 : i32
          %dma_start3A_144 = tpu.memref_slice %arg13[%dma_start3A_142, %dma_start3A_143] : memref<10112x128xf32, #tpu.memory_space<vmem_shared>> -> memref<10112x128xf32, #tpu.memory_space<vmem_shared>>
          tpu.enqueue_indirect_dma source(%arg12 : memref<128x128xf32, #tpu.memory_space<vmem>>) target(%dma_start3A_144 : memref<10112x128xf32, #tpu.memory_space<vmem_shared>>) offsets(%dma_start3A_141 : memref<128xi32, #tpu.memory_space<vmem>>) semaphore(%run_scoped3A_138 : memref<!tpu.dma_semaphore, #tpu.memory_space<semaphore_mem>>) {add = true}
          %dma_wait3A_145 = arith.constant 0 : i32
          %dma_wait3A_146 = tpu.memref_slice %arg10[%run_scoped3A_54, %dma_wait3A_145] : memref<8x128xi32, #tpu.memory_space<vmem>> -> memref<1x128xi32, #tpu.memory_space<vmem>>
          %dma_wait3A_147 = tpu.memref_squeeze %dma_wait3A_146 : memref<1x128xi32, #tpu.memory_space<vmem>> -> memref<128xi32, #tpu.memory_space<vmem>>
          %dma_wait3A_148 = arith.constant 0 : i32
          %dma_wait3A_149 = arith.constant 0 : i32
          %dma_wait3A_150 = tpu.memref_slice %arg13[%dma_wait3A_148, %dma_wait3A_149] : memref<10112x128xf32, #tpu.memory_space<vmem_shared>> -> memref<10112x128xf32, #tpu.memory_space<vmem_shared>>
          tpu.wait_indirect_dma semaphore(%run_scoped3A_138 : memref<!tpu.dma_semaphore, #tpu.memory_space<semaphore_mem>>) src(%arg12 : memref<128x128xf32, #tpu.memory_space<vmem>>) dst(%dma_wait3A_150 : memref<10112x128xf32, #tpu.memory_space<vmem_shared>>)
          tpu.yield
        }) : () -> ()
        %dma_start3A_55 = arith.constant 3 : i32
        %dma_start3A_56 = arith.constant 0 : i32
        %dma_start3A_57 = tpu.memref_slice %arg9[%dma_start3A_55, %dma_start3A_56] : memref<8x128xi32, #tpu.memory_space<vmem>> -> memref<1x128xi32, #tpu.memory_space<vmem>>
        %dma_start3A_58 = tpu.memref_squeeze %dma_start3A_57 : memref<1x128xi32, #tpu.memory_space<vmem>> -> memref<128xi32, #tpu.memory_space<vmem>>
        %dma_start3A_59 = arith.constant 0 : i32
        %dma_start3A_60 = arith.constant 0 : i32
        %dma_start3A_61 = tpu.memref_slice %arg2[%dma_start3A_59, %dma_start3A_60] : memref<10000x128xf32, #tpu.memory_space<hbm>> -> memref<10000x128xf32, #tpu.memory_space<hbm>>
        tpu.enqueue_indirect_dma source(%dma_start3A_61 : memref<10000x128xf32, #tpu.memory_space<hbm>>) target(%arg12 : memref<128x128xf32, #tpu.memory_space<vmem>>) offsets(%dma_start3A_58 : memref<128xi32, #tpu.memory_space<vmem>>) semaphore(%arg15 : memref<!tpu.dma_semaphore, #tpu.memory_space<semaphore_mem>>)
        %dma_wait3A_62 = arith.constant 2 : i32
        %dma_wait3A_63 = arith.constant 0 : i32
        %dma_wait3A_64 = tpu.memref_slice %arg9[%dma_wait3A_62, %dma_wait3A_63] : memref<8x128xi32, #tpu.memory_space<vmem>> -> memref<1x128xi32, #tpu.memory_space<vmem>>
        %dma_wait3A_65 = tpu.memref_squeeze %dma_wait3A_64 : memref<1x128xi32, #tpu.memory_space<vmem>> -> memref<128xi32, #tpu.memory_space<vmem>>
        %dma_wait3A_66 = arith.constant 0 : i32
        %dma_wait3A_67 = arith.constant 0 : i32
        %dma_wait3A_68 = tpu.memref_slice %arg2[%dma_wait3A_66, %dma_wait3A_67] : memref<10000x128xf32, #tpu.memory_space<hbm>> -> memref<10000x128xf32, #tpu.memory_space<hbm>>
        tpu.wait_indirect_dma semaphore(%arg14 : memref<!tpu.dma_semaphore, #tpu.memory_space<semaphore_mem>>) src(%dma_wait3A_68 : memref<10000x128xf32, #tpu.memory_space<hbm>>) dst(%arg11 : memref<128x128xf32, #tpu.memory_space<vmem>>)
        %run_scoped3A_69 = arith.constant 2 : i32
        "tpu.region"() ({
          %run_scoped3A_138 = tpu.sem_alloc : memref<!tpu.dma_semaphore, #tpu.memory_space<semaphore_mem>>
          %dma_start3A_139 = arith.constant 0 : i32
          %dma_start3A_140 = tpu.memref_slice %arg10[%run_scoped3A_69, %dma_start3A_139] : memref<8x128xi32, #tpu.memory_space<vmem>> -> memref<1x128xi32, #tpu.memory_space<vmem>>
          %dma_start3A_141 = tpu.memref_squeeze %dma_start3A_140 : memref<1x128xi32, #tpu.memory_space<vmem>> -> memref<128xi32, #tpu.memory_space<vmem>>
          %dma_start3A_142 = arith.constant 0 : i32
          %dma_start3A_143 = arith.constant 0 : i32
          %dma_start3A_144 = tpu.memref_slice %arg13[%dma_start3A_142, %dma_start3A_143] : memref<10112x128xf32, #tpu.memory_space<vmem_shared>> -> memref<10112x128xf32, #tpu.memory_space<vmem_shared>>
          tpu.enqueue_indirect_dma source(%arg11 : memref<128x128xf32, #tpu.memory_space<vmem>>) target(%dma_start3A_144 : memref<10112x128xf32, #tpu.memory_space<vmem_shared>>) offsets(%dma_start3A_141 : memref<128xi32, #tpu.memory_space<vmem>>) semaphore(%run_scoped3A_138 : memref<!tpu.dma_semaphore, #tpu.memory_space<semaphore_mem>>) {add = true}
          %dma_wait3A_145 = arith.constant 0 : i32
          %dma_wait3A_146 = tpu.memref_slice %arg10[%run_scoped3A_69, %dma_wait3A_145] : memref<8x128xi32, #tpu.memory_space<vmem>> -> memref<1x128xi32, #tpu.memory_space<vmem>>
          %dma_wait3A_147 = tpu.memref_squeeze %dma_wait3A_146 : memref<1x128xi32, #tpu.memory_space<vmem>> -> memref<128xi32, #tpu.memory_space<vmem>>
          %dma_wait3A_148 = arith.constant 0 : i32
          %dma_wait3A_149 = arith.constant 0 : i32
          %dma_wait3A_150 = tpu.memref_slice %arg13[%dma_wait3A_148, %dma_wait3A_149] : memref<10112x128xf32, #tpu.memory_space<vmem_shared>> -> memref<10112x128xf32, #tpu.memory_space<vmem_shared>>
          tpu.wait_indirect_dma semaphore(%run_scoped3A_138 : memref<!tpu.dma_semaphore, #tpu.memory_space<semaphore_mem>>) src(%arg11 : memref<128x128xf32, #tpu.memory_space<vmem>>) dst(%dma_wait3A_150 : memref<10112x128xf32, #tpu.memory_space<vmem_shared>>)
          tpu.yield
        }) : () -> ()
        %dma_start3A_70 = arith.constant 4 : i32
        %dma_start3A_71 = arith.constant 0 : i32
        %dma_start3A_72 = tpu.memref_slice %arg9[%dma_start3A_70, %dma_start3A_71] : memref<8x128xi32, #tpu.memory_space<vmem>> -> memref<1x128xi32, #tpu.memory_space<vmem>>
        %dma_start3A_73 = tpu.memref_squeeze %dma_start3A_72 : memref<1x128xi32, #tpu.memory_space<vmem>> -> memref<128xi32, #tpu.memory_space<vmem>>
        %dma_start3A_74 = arith.constant 0 : i32
        %dma_start3A_75 = arith.constant 0 : i32
        %dma_start3A_76 = tpu.memref_slice %arg2[%dma_start3A_74, %dma_start3A_75] : memref<10000x128xf32, #tpu.memory_space<hbm>> -> memref<10000x128xf32, #tpu.memory_space<hbm>>
        tpu.enqueue_indirect_dma source(%dma_start3A_76 : memref<10000x128xf32, #tpu.memory_space<hbm>>) target(%arg11 : memref<128x128xf32, #tpu.memory_space<vmem>>) offsets(%dma_start3A_73 : memref<128xi32, #tpu.memory_space<vmem>>) semaphore(%arg14 : memref<!tpu.dma_semaphore, #tpu.memory_space<semaphore_mem>>)
        %dma_wait3A_77 = arith.constant 3 : i32
        %dma_wait3A_78 = arith.constant 0 : i32
        %dma_wait3A_79 = tpu.memref_slice %arg9[%dma_wait3A_77, %dma_wait3A_78] : memref<8x128xi32, #tpu.memory_space<vmem>> -> memref<1x128xi32, #tpu.memory_space<vmem>>
        %dma_wait3A_80 = tpu.memref_squeeze %dma_wait3A_79 : memref<1x128xi32, #tpu.memory_space<vmem>> -> memref<128xi32, #tpu.memory_space<vmem>>
        %dma_wait3A_81 = arith.constant 0 : i32
        %dma_wait3A_82 = arith.constant 0 : i32
        %dma_wait3A_83 = tpu.memref_slice %arg2[%dma_wait3A_81, %dma_wait3A_82] : memref<10000x128xf32, #tpu.memory_space<hbm>> -> memref<10000x128xf32, #tpu.memory_space<hbm>>
        tpu.wait_indirect_dma semaphore(%arg15 : memref<!tpu.dma_semaphore, #tpu.memory_space<semaphore_mem>>) src(%dma_wait3A_83 : memref<10000x128xf32, #tpu.memory_space<hbm>>) dst(%arg12 : memref<128x128xf32, #tpu.memory_space<vmem>>)
        %run_scoped3A_84 = arith.constant 3 : i32
        "tpu.region"() ({
          %run_scoped3A_138 = tpu.sem_alloc : memref<!tpu.dma_semaphore, #tpu.memory_space<semaphore_mem>>
          %dma_start3A_139 = arith.constant 0 : i32
          %dma_start3A_140 = tpu.memref_slice %arg10[%run_scoped3A_84, %dma_start3A_139] : memref<8x128xi32, #tpu.memory_space<vmem>> -> memref<1x128xi32, #tpu.memory_space<vmem>>
          %dma_start3A_141 = tpu.memref_squeeze %dma_start3A_140 : memref<1x128xi32, #tpu.memory_space<vmem>> -> memref<128xi32, #tpu.memory_space<vmem>>
          %dma_start3A_142 = arith.constant 0 : i32
          %dma_start3A_143 = arith.constant 0 : i32
          %dma_start3A_144 = tpu.memref_slice %arg13[%dma_start3A_142, %dma_start3A_143] : memref<10112x128xf32, #tpu.memory_space<vmem_shared>> -> memref<10112x128xf32, #tpu.memory_space<vmem_shared>>
          tpu.enqueue_indirect_dma source(%arg12 : memref<128x128xf32, #tpu.memory_space<vmem>>) target(%dma_start3A_144 : memref<10112x128xf32, #tpu.memory_space<vmem_shared>>) offsets(%dma_start3A_141 : memref<128xi32, #tpu.memory_space<vmem>>) semaphore(%run_scoped3A_138 : memref<!tpu.dma_semaphore, #tpu.memory_space<semaphore_mem>>) {add = true}
          %dma_wait3A_145 = arith.constant 0 : i32
          %dma_wait3A_146 = tpu.memref_slice %arg10[%run_scoped3A_84, %dma_wait3A_145] : memref<8x128xi32, #tpu.memory_space<vmem>> -> memref<1x128xi32, #tpu.memory_space<vmem>>
          %dma_wait3A_147 = tpu.memref_squeeze %dma_wait3A_146 : memref<1x128xi32, #tpu.memory_space<vmem>> -> memref<128xi32, #tpu.memory_space<vmem>>
          %dma_wait3A_148 = arith.constant 0 : i32
          %dma_wait3A_149 = arith.constant 0 : i32
          %dma_wait3A_150 = tpu.memref_slice %arg13[%dma_wait3A_148, %dma_wait3A_149] : memref<10112x128xf32, #tpu.memory_space<vmem_shared>> -> memref<10112x128xf32, #tpu.memory_space<vmem_shared>>
          tpu.wait_indirect_dma semaphore(%run_scoped3A_138 : memref<!tpu.dma_semaphore, #tpu.memory_space<semaphore_mem>>) src(%arg12 : memref<128x128xf32, #tpu.memory_space<vmem>>) dst(%dma_wait3A_150 : memref<10112x128xf32, #tpu.memory_space<vmem_shared>>)
          tpu.yield
        }) : () -> ()
        %dma_start3A_85 = arith.constant 5 : i32
        %dma_start3A_86 = arith.constant 0 : i32
        %dma_start3A_87 = tpu.memref_slice %arg9[%dma_start3A_85, %dma_start3A_86] : memref<8x128xi32, #tpu.memory_space<vmem>> -> memref<1x128xi32, #tpu.memory_space<vmem>>
        %dma_start3A_88 = tpu.memref_squeeze %dma_start3A_87 : memref<1x128xi32, #tpu.memory_space<vmem>> -> memref<128xi32, #tpu.memory_space<vmem>>
        %dma_start3A_89 = arith.constant 0 : i32
        %dma_start3A_90 = arith.constant 0 : i32
        %dma_start3A_91 = tpu.memref_slice %arg2[%dma_start3A_89, %dma_start3A_90] : memref<10000x128xf32, #tpu.memory_space<hbm>> -> memref<10000x128xf32, #tpu.memory_space<hbm>>
        tpu.enqueue_indirect_dma source(%dma_start3A_91 : memref<10000x128xf32, #tpu.memory_space<hbm>>) target(%arg12 : memref<128x128xf32, #tpu.memory_space<vmem>>) offsets(%dma_start3A_88 : memref<128xi32, #tpu.memory_space<vmem>>) semaphore(%arg15 : memref<!tpu.dma_semaphore, #tpu.memory_space<semaphore_mem>>)
        %dma_wait3A_92 = arith.constant 4 : i32
        %dma_wait3A_93 = arith.constant 0 : i32
        %dma_wait3A_94 = tpu.memref_slice %arg9[%dma_wait3A_92, %dma_wait3A_93] : memref<8x128xi32, #tpu.memory_space<vmem>> -> memref<1x128xi32, #tpu.memory_space<vmem>>
        %dma_wait3A_95 = tpu.memref_squeeze %dma_wait3A_94 : memref<1x128xi32, #tpu.memory_space<vmem>> -> memref<128xi32, #tpu.memory_space<vmem>>
        %dma_wait3A_96 = arith.constant 0 : i32
        %dma_wait3A_97 = arith.constant 0 : i32
        %dma_wait3A_98 = tpu.memref_slice %arg2[%dma_wait3A_96, %dma_wait3A_97] : memref<10000x128xf32, #tpu.memory_space<hbm>> -> memref<10000x128xf32, #tpu.memory_space<hbm>>
        tpu.wait_indirect_dma semaphore(%arg14 : memref<!tpu.dma_semaphore, #tpu.memory_space<semaphore_mem>>) src(%dma_wait3A_98 : memref<10000x128xf32, #tpu.memory_space<hbm>>) dst(%arg11 : memref<128x128xf32, #tpu.memory_space<vmem>>)
        %run_scoped3A_99 = arith.constant 4 : i32
        "tpu.region"() ({
          %run_scoped3A_138 = tpu.sem_alloc : memref<!tpu.dma_semaphore, #tpu.memory_space<semaphore_mem>>
          %dma_start3A_139 = arith.constant 0 : i32
          %dma_start3A_140 = tpu.memref_slice %arg10[%run_scoped3A_99, %dma_start3A_139] : memref<8x128xi32, #tpu.memory_space<vmem>> -> memref<1x128xi32, #tpu.memory_space<vmem>>
          %dma_start3A_141 = tpu.memref_squeeze %dma_start3A_140 : memref<1x128xi32, #tpu.memory_space<vmem>> -> memref<128xi32, #tpu.memory_space<vmem>>
          %dma_start3A_142 = arith.constant 0 : i32
          %dma_start3A_143 = arith.constant 0 : i32
          %dma_start3A_144 = tpu.memref_slice %arg13[%dma_start3A_142, %dma_start3A_143] : memref<10112x128xf32, #tpu.memory_space<vmem_shared>> -> memref<10112x128xf32, #tpu.memory_space<vmem_shared>>
          tpu.enqueue_indirect_dma source(%arg11 : memref<128x128xf32, #tpu.memory_space<vmem>>) target(%dma_start3A_144 : memref<10112x128xf32, #tpu.memory_space<vmem_shared>>) offsets(%dma_start3A_141 : memref<128xi32, #tpu.memory_space<vmem>>) semaphore(%run_scoped3A_138 : memref<!tpu.dma_semaphore, #tpu.memory_space<semaphore_mem>>) {add = true}
          %dma_wait3A_145 = arith.constant 0 : i32
          %dma_wait3A_146 = tpu.memref_slice %arg10[%run_scoped3A_99, %dma_wait3A_145] : memref<8x128xi32, #tpu.memory_space<vmem>> -> memref<1x128xi32, #tpu.memory_space<vmem>>
          %dma_wait3A_147 = tpu.memref_squeeze %dma_wait3A_146 : memref<1x128xi32, #tpu.memory_space<vmem>> -> memref<128xi32, #tpu.memory_space<vmem>>
          %dma_wait3A_148 = arith.constant 0 : i32
          %dma_wait3A_149 = arith.constant 0 : i32
          %dma_wait3A_150 = tpu.memref_slice %arg13[%dma_wait3A_148, %dma_wait3A_149] : memref<10112x128xf32, #tpu.memory_space<vmem_shared>> -> memref<10112x128xf32, #tpu.memory_space<vmem_shared>>
          tpu.wait_indirect_dma semaphore(%run_scoped3A_138 : memref<!tpu.dma_semaphore, #tpu.memory_space<semaphore_mem>>) src(%arg11 : memref<128x128xf32, #tpu.memory_space<vmem>>) dst(%dma_wait3A_150 : memref<10112x128xf32, #tpu.memory_space<vmem_shared>>)
          tpu.yield
        }) : () -> ()
        %dma_start3A_100 = arith.constant 6 : i32
        %dma_start3A_101 = arith.constant 0 : i32
        %dma_start3A_102 = tpu.memref_slice %arg9[%dma_start3A_100, %dma_start3A_101] : memref<8x128xi32, #tpu.memory_space<vmem>> -> memref<1x128xi32, #tpu.memory_space<vmem>>
        %dma_start3A_103 = tpu.memref_squeeze %dma_start3A_102 : memref<1x128xi32, #tpu.memory_space<vmem>> -> memref<128xi32, #tpu.memory_space<vmem>>
        %dma_start3A_104 = arith.constant 0 : i32
        %dma_start3A_105 = arith.constant 0 : i32
        %dma_start3A_106 = tpu.memref_slice %arg2[%dma_start3A_104, %dma_start3A_105] : memref<10000x128xf32, #tpu.memory_space<hbm>> -> memref<10000x128xf32, #tpu.memory_space<hbm>>
        tpu.enqueue_indirect_dma source(%dma_start3A_106 : memref<10000x128xf32, #tpu.memory_space<hbm>>) target(%arg11 : memref<128x128xf32, #tpu.memory_space<vmem>>) offsets(%dma_start3A_103 : memref<128xi32, #tpu.memory_space<vmem>>) semaphore(%arg14 : memref<!tpu.dma_semaphore, #tpu.memory_space<semaphore_mem>>)
        %dma_wait3A_107 = arith.constant 5 : i32
        %dma_wait3A_108 = arith.constant 0 : i32
        %dma_wait3A_109 = tpu.memref_slice %arg9[%dma_wait3A_107, %dma_wait3A_108] : memref<8x128xi32, #tpu.memory_space<vmem>> -> memref<1x128xi32, #tpu.memory_space<vmem>>
        %dma_wait3A_110 = tpu.memref_squeeze %dma_wait3A_109 : memref<1x128xi32, #tpu.memory_space<vmem>> -> memref<128xi32, #tpu.memory_space<vmem>>
        %dma_wait3A_111 = arith.constant 0 : i32
        %dma_wait3A_112 = arith.constant 0 : i32
        %dma_wait3A_113 = tpu.memref_slice %arg2[%dma_wait3A_111, %dma_wait3A_112] : memref<10000x128xf32, #tpu.memory_space<hbm>> -> memref<10000x128xf32, #tpu.memory_space<hbm>>
        tpu.wait_indirect_dma semaphore(%arg15 : memref<!tpu.dma_semaphore, #tpu.memory_space<semaphore_mem>>) src(%dma_wait3A_113 : memref<10000x128xf32, #tpu.memory_space<hbm>>) dst(%arg12 : memref<128x128xf32, #tpu.memory_space<vmem>>)
        %run_scoped3A_114 = arith.constant 5 : i32
        "tpu.region"() ({
          %run_scoped3A_138 = tpu.sem_alloc : memref<!tpu.dma_semaphore, #tpu.memory_space<semaphore_mem>>
          %dma_start3A_139 = arith.constant 0 : i32
          %dma_start3A_140 = tpu.memref_slice %arg10[%run_scoped3A_114, %dma_start3A_139] : memref<8x128xi32, #tpu.memory_space<vmem>> -> memref<1x128xi32, #tpu.memory_space<vmem>>
          %dma_start3A_141 = tpu.memref_squeeze %dma_start3A_140 : memref<1x128xi32, #tpu.memory_space<vmem>> -> memref<128xi32, #tpu.memory_space<vmem>>
          %dma_start3A_142 = arith.constant 0 : i32
          %dma_start3A_143 = arith.constant 0 : i32
          %dma_start3A_144 = tpu.memref_slice %arg13[%dma_start3A_142, %dma_start3A_143] : memref<10112x128xf32, #tpu.memory_space<vmem_shared>> -> memref<10112x128xf32, #tpu.memory_space<vmem_shared>>
          tpu.enqueue_indirect_dma source(%arg12 : memref<128x128xf32, #tpu.memory_space<vmem>>) target(%dma_start3A_144 : memref<10112x128xf32, #tpu.memory_space<vmem_shared>>) offsets(%dma_start3A_141 : memref<128xi32, #tpu.memory_space<vmem>>) semaphore(%run_scoped3A_138 : memref<!tpu.dma_semaphore, #tpu.memory_space<semaphore_mem>>) {add = true}
          %dma_wait3A_145 = arith.constant 0 : i32
          %dma_wait3A_146 = tpu.memref_slice %arg10[%run_scoped3A_114, %dma_wait3A_145] : memref<8x128xi32, #tpu.memory_space<vmem>> -> memref<1x128xi32, #tpu.memory_space<vmem>>
          %dma_wait3A_147 = tpu.memref_squeeze %dma_wait3A_146 : memref<1x128xi32, #tpu.memory_space<vmem>> -> memref<128xi32, #tpu.memory_space<vmem>>
          %dma_wait3A_148 = arith.constant 0 : i32
          %dma_wait3A_149 = arith.constant 0 : i32
          %dma_wait3A_150 = tpu.memref_slice %arg13[%dma_wait3A_148, %dma_wait3A_149] : memref<10112x128xf32, #tpu.memory_space<vmem_shared>> -> memref<10112x128xf32, #tpu.memory_space<vmem_shared>>
          tpu.wait_indirect_dma semaphore(%run_scoped3A_138 : memref<!tpu.dma_semaphore, #tpu.memory_space<semaphore_mem>>) src(%arg12 : memref<128x128xf32, #tpu.memory_space<vmem>>) dst(%dma_wait3A_150 : memref<10112x128xf32, #tpu.memory_space<vmem_shared>>)
          tpu.yield
        }) : () -> ()
        %dma_start3A_115 = arith.constant 7 : i32
        %dma_start3A_116 = arith.constant 0 : i32
        %dma_start3A_117 = tpu.memref_slice %arg9[%dma_start3A_115, %dma_start3A_116] : memref<8x128xi32, #tpu.memory_space<vmem>> -> memref<1x128xi32, #tpu.memory_space<vmem>>
        %dma_start3A_118 = tpu.memref_squeeze %dma_start3A_117 : memref<1x128xi32, #tpu.memory_space<vmem>> -> memref<128xi32, #tpu.memory_space<vmem>>
        %dma_start3A_119 = arith.constant 0 : i32
        %dma_start3A_120 = arith.constant 0 : i32
        %dma_start3A_121 = tpu.memref_slice %arg2[%dma_start3A_119, %dma_start3A_120] : memref<10000x128xf32, #tpu.memory_space<hbm>> -> memref<10000x128xf32, #tpu.memory_space<hbm>>
        tpu.enqueue_indirect_dma source(%dma_start3A_121 : memref<10000x128xf32, #tpu.memory_space<hbm>>) target(%arg12 : memref<128x128xf32, #tpu.memory_space<vmem>>) offsets(%dma_start3A_118 : memref<128xi32, #tpu.memory_space<vmem>>) semaphore(%arg15 : memref<!tpu.dma_semaphore, #tpu.memory_space<semaphore_mem>>)
        %dma_wait3A_122 = arith.constant 6 : i32
        %dma_wait3A_123 = arith.constant 0 : i32
        %dma_wait3A_124 = tpu.memref_slice %arg9[%dma_wait3A_122, %dma_wait3A_123] : memref<8x128xi32, #tpu.memory_space<vmem>> -> memref<1x128xi32, #tpu.memory_space<vmem>>
        %dma_wait3A_125 = tpu.memref_squeeze %dma_wait3A_124 : memref<1x128xi32, #tpu.memory_space<vmem>> -> memref<128xi32, #tpu.memory_space<vmem>>
        %dma_wait3A_126 = arith.constant 0 : i32
        %dma_wait3A_127 = arith.constant 0 : i32
        %dma_wait3A_128 = tpu.memref_slice %arg2[%dma_wait3A_126, %dma_wait3A_127] : memref<10000x128xf32, #tpu.memory_space<hbm>> -> memref<10000x128xf32, #tpu.memory_space<hbm>>
        tpu.wait_indirect_dma semaphore(%arg14 : memref<!tpu.dma_semaphore, #tpu.memory_space<semaphore_mem>>) src(%dma_wait3A_128 : memref<10000x128xf32, #tpu.memory_space<hbm>>) dst(%arg11 : memref<128x128xf32, #tpu.memory_space<vmem>>)
        %run_scoped3A_129 = arith.constant 6 : i32
        "tpu.region"() ({
          %run_scoped3A_138 = tpu.sem_alloc : memref<!tpu.dma_semaphore, #tpu.memory_space<semaphore_mem>>
          %dma_start3A_139 = arith.constant 0 : i32
          %dma_start3A_140 = tpu.memref_slice %arg10[%run_scoped3A_129, %dma_start3A_139] : memref<8x128xi32, #tpu.memory_space<vmem>> -> memref<1x128xi32, #tpu.memory_space<vmem>>
          %dma_start3A_141 = tpu.memref_squeeze %dma_start3A_140 : memref<1x128xi32, #tpu.memory_space<vmem>> -> memref<128xi32, #tpu.memory_space<vmem>>
          %dma_start3A_142 = arith.constant 0 : i32
          %dma_start3A_143 = arith.constant 0 : i32
          %dma_start3A_144 = tpu.memref_slice %arg13[%dma_start3A_142, %dma_start3A_143] : memref<10112x128xf32, #tpu.memory_space<vmem_shared>> -> memref<10112x128xf32, #tpu.memory_space<vmem_shared>>
          tpu.enqueue_indirect_dma source(%arg11 : memref<128x128xf32, #tpu.memory_space<vmem>>) target(%dma_start3A_144 : memref<10112x128xf32, #tpu.memory_space<vmem_shared>>) offsets(%dma_start3A_141 : memref<128xi32, #tpu.memory_space<vmem>>) semaphore(%run_scoped3A_138 : memref<!tpu.dma_semaphore, #tpu.memory_space<semaphore_mem>>) {add = true}
          %dma_wait3A_145 = arith.constant 0 : i32
          %dma_wait3A_146 = tpu.memref_slice %arg10[%run_scoped3A_129, %dma_wait3A_145] : memref<8x128xi32, #tpu.memory_space<vmem>> -> memref<1x128xi32, #tpu.memory_space<vmem>>
          %dma_wait3A_147 = tpu.memref_squeeze %dma_wait3A_146 : memref<1x128xi32, #tpu.memory_space<vmem>> -> memref<128xi32, #tpu.memory_space<vmem>>
          %dma_wait3A_148 = arith.constant 0 : i32
          %dma_wait3A_149 = arith.constant 0 : i32
          %dma_wait3A_150 = tpu.memref_slice %arg13[%dma_wait3A_148, %dma_wait3A_149] : memref<10112x128xf32, #tpu.memory_space<vmem_shared>> -> memref<10112x128xf32, #tpu.memory_space<vmem_shared>>
          tpu.wait_indirect_dma semaphore(%run_scoped3A_138 : memref<!tpu.dma_semaphore, #tpu.memory_space<semaphore_mem>>) src(%arg11 : memref<128x128xf32, #tpu.memory_space<vmem>>) dst(%dma_wait3A_150 : memref<10112x128xf32, #tpu.memory_space<vmem_shared>>)
          tpu.yield
        }) : () -> ()
        %dma_wait3A_130 = arith.constant 7 : i32
        %dma_wait3A_131 = arith.constant 0 : i32
        %dma_wait3A_132 = tpu.memref_slice %arg9[%dma_wait3A_130, %dma_wait3A_131] : memref<8x128xi32, #tpu.memory_space<vmem>> -> memref<1x128xi32, #tpu.memory_space<vmem>>
        %dma_wait3A_133 = tpu.memref_squeeze %dma_wait3A_132 : memref<1x128xi32, #tpu.memory_space<vmem>> -> memref<128xi32, #tpu.memory_space<vmem>>
        %dma_wait3A_134 = arith.constant 0 : i32
        %dma_wait3A_135 = arith.constant 0 : i32
        %dma_wait3A_136 = tpu.memref_slice %arg2[%dma_wait3A_134, %dma_wait3A_135] : memref<10000x128xf32, #tpu.memory_space<hbm>> -> memref<10000x128xf32, #tpu.memory_space<hbm>>
        tpu.wait_indirect_dma semaphore(%arg15 : memref<!tpu.dma_semaphore, #tpu.memory_space<semaphore_mem>>) src(%dma_wait3A_136 : memref<10000x128xf32, #tpu.memory_space<hbm>>) dst(%arg12 : memref<128x128xf32, #tpu.memory_space<vmem>>)
        %run_scoped3A_137 = arith.constant 7 : i32
        "tpu.region"() ({
          %run_scoped3A_138 = tpu.sem_alloc : memref<!tpu.dma_semaphore, #tpu.memory_space<semaphore_mem>>
          %dma_start3A_139 = arith.constant 0 : i32
          %dma_start3A_140 = tpu.memref_slice %arg10[%run_scoped3A_137, %dma_start3A_139] : memref<8x128xi32, #tpu.memory_space<vmem>> -> memref<1x128xi32, #tpu.memory_space<vmem>>
          %dma_start3A_141 = tpu.memref_squeeze %dma_start3A_140 : memref<1x128xi32, #tpu.memory_space<vmem>> -> memref<128xi32, #tpu.memory_space<vmem>>
          %dma_start3A_142 = arith.constant 0 : i32
          %dma_start3A_143 = arith.constant 0 : i32
          %dma_start3A_144 = tpu.memref_slice %arg13[%dma_start3A_142, %dma_start3A_143] : memref<10112x128xf32, #tpu.memory_space<vmem_shared>> -> memref<10112x128xf32, #tpu.memory_space<vmem_shared>>
          tpu.enqueue_indirect_dma source(%arg12 : memref<128x128xf32, #tpu.memory_space<vmem>>) target(%dma_start3A_144 : memref<10112x128xf32, #tpu.memory_space<vmem_shared>>) offsets(%dma_start3A_141 : memref<128xi32, #tpu.memory_space<vmem>>) semaphore(%run_scoped3A_138 : memref<!tpu.dma_semaphore, #tpu.memory_space<semaphore_mem>>) {add = true}
          %dma_wait3A_145 = arith.constant 0 : i32
          %dma_wait3A_146 = tpu.memref_slice %arg10[%run_scoped3A_137, %dma_wait3A_145] : memref<8x128xi32, #tpu.memory_space<vmem>> -> memref<1x128xi32, #tpu.memory_space<vmem>>
          %dma_wait3A_147 = tpu.memref_squeeze %dma_wait3A_146 : memref<1x128xi32, #tpu.memory_space<vmem>> -> memref<128xi32, #tpu.memory_space<vmem>>
          %dma_wait3A_148 = arith.constant 0 : i32
          %dma_wait3A_149 = arith.constant 0 : i32
          %dma_wait3A_150 = tpu.memref_slice %arg13[%dma_wait3A_148, %dma_wait3A_149] : memref<10112x128xf32, #tpu.memory_space<vmem_shared>> -> memref<10112x128xf32, #tpu.memory_space<vmem_shared>>
          tpu.wait_indirect_dma semaphore(%run_scoped3A_138 : memref<!tpu.dma_semaphore, #tpu.memory_space<semaphore_mem>>) src(%arg12 : memref<128x128xf32, #tpu.memory_space<vmem>>) dst(%dma_wait3A_150 : memref<10112x128xf32, #tpu.memory_space<vmem_shared>>)
          tpu.yield
        }) : () -> ()
      }
      %scan3A_17 = arith.constant 10 : i32
    } else {
    }
    %barrier3A_8 = arith.constant 0 : index
    tpu.barrier barrier_id(%barrier3A_8)
    %mul3A_9 = arith.constant 632 : i32
    %mul3A_10 = arith.muli %arg1, %mul3A_9 : i32
    %mul3A_11 = arith.constant 632 : i32
    %mul3A_12 = arith.muli %arg1, %mul3A_11 : i32
    "tpu.region"() ({
      %run_scoped3A = tpu.sem_alloc : memref<!tpu.dma_semaphore, #tpu.memory_space<semaphore_mem>>
      %dma_start3A = arith.constant 0 : i32
      %dma_start3A_13 = tpu.memref_slice %arg8[%arg0, %mul3A_12, %dma_start3A] : memref<2x10112x128xf32, #tpu.memory_space<hbm>> -> memref<1x632x128xf32, #tpu.memory_space<hbm>>
      %dma_start3A_14 = tpu.memref_squeeze %dma_start3A_13 : memref<1x632x128xf32, #tpu.memory_space<hbm>> -> memref<632x128xf32, #tpu.memory_space<hbm>>
      %dma_start3A_15 = arith.constant 0 : i32
      %dma_start3A_16 = tpu.memref_slice %arg13[%mul3A_10, %dma_start3A_15] : memref<10112x128xf32, #tpu.memory_space<vmem_shared>> -> memref<632x128xf32, #tpu.memory_space<vmem_shared>>
      tpu.enqueue_dma source(%dma_start3A_16 : memref<632x128xf32, #tpu.memory_space<vmem_shared>>) target(%dma_start3A_14 : memref<632x128xf32, #tpu.memory_space<hbm>>) target_semaphore(%run_scoped3A : memref<!tpu.dma_semaphore, #tpu.memory_space<semaphore_mem>>)
      %dma_wait3A = arith.constant 0 : i32
      %dma_wait3A_17 = tpu.memref_slice %arg8[%arg0, %mul3A_12, %dma_wait3A] : memref<2x10112x128xf32, #tpu.memory_space<hbm>> -> memref<1x632x128xf32, #tpu.memory_space<hbm>>
      %dma_wait3A_18 = tpu.memref_squeeze %dma_wait3A_17 : memref<1x632x128xf32, #tpu.memory_space<hbm>> -> memref<632x128xf32, #tpu.memory_space<hbm>>
      %dma_wait3A_19 = arith.constant 0 : i32
      %dma_wait3A_20 = tpu.memref_slice %arg13[%mul3A_10, %dma_wait3A_19] : memref<10112x128xf32, #tpu.memory_space<vmem_shared>> -> memref<632x128xf32, #tpu.memory_space<vmem_shared>>
      tpu.wait_dma2 semaphore(%run_scoped3A : memref<!tpu.dma_semaphore, #tpu.memory_space<semaphore_mem>>) src(%dma_wait3A_20 : memref<632x128xf32, #tpu.memory_space<vmem_shared>>) dst(%dma_wait3A_18 : memref<632x128xf32, #tpu.memory_space<hbm>>)
      tpu.yield
    }) : () -> ()
    return
  }
}

#map = affine_map<(d0, d1) -> (0, 0)>
#map1 = affine_map<(d0, d1) -> (0, 0, 0)>
module attributes {stable_mosaic.version = 14 : i64} {
  func.func @_agg_body(%arg0: i32, %arg1: i32, %arg2: memref<10000x128xf32, #tpu.memory_space<hbm>>, %arg3: memref<16x80x128xi32, #tpu.memory_space<hbm>>, %arg4: memref<16x80x128xi32, #tpu.memory_space<hbm>>, %arg5: memref<16x80x128xi32, #tpu.memory_space<hbm>>, %arg6: memref<16x80x128xi32, #tpu.memory_space<hbm>>, %arg7: memref<632x128xf32, #tpu.memory_space<hbm>>, %arg8: memref<2x10112x128xf32, #tpu.memory_space<hbm>>, %arg9: memref<8x128xi32, #tpu.memory_space<vmem>>, %arg10: memref<8x128xi32, #tpu.memory_space<vmem>>, %arg11: memref<128x128xf32, #tpu.memory_space<vmem>>, %arg12: memref<128x128xf32, #tpu.memory_space<vmem>>, %arg13: memref<10112x128xf32, #tpu.memory_space<vmem_shared>>, %arg14: memref<!tpu.dma_semaphore, #tpu.memory_space<semaphore_mem>>, %arg15: memref<!tpu.dma_semaphore, #tpu.memory_space<semaphore_mem>>) attributes {dimension_semantics = [#tpu.dimension_semantics<core_parallel>, #tpu.dimension_semantics<subcore_parallel>], iteration_bounds = array<i64: 2, 16>, scalar_prefetch = 0 : i64, scratch_operands = 7 : i64, tpu.core_type = #tpu.core_type<sc_vector_subcore>, window_params = [{transform_indices = #map}, {transform_indices = #map1}, {transform_indices = #map1}, {transform_indices = #map1}, {transform_indices = #map1}, {transform_indices = #map}, {transform_indices = #map1}]} {
    %mul3A = arith.constant 632 : i32
    %mul3A_0 = arith.muli %arg1, %mul3A : i32
    "tpu.region"() ({
      %run_scoped3A = tpu.sem_alloc : memref<!tpu.dma_semaphore, #tpu.memory_space<semaphore_mem>>
      %dma_start3A = arith.constant 0 : i32
      %dma_start3A_13 = tpu.memref_slice %arg13[%mul3A_0, %dma_start3A] : memref<10112x128xf32, #tpu.memory_space<vmem_shared>> -> memref<632x128xf32, #tpu.memory_space<vmem_shared>>
      tpu.enqueue_dma source(%arg7 : memref<632x128xf32, #tpu.memory_space<hbm>>) target(%dma_start3A_13 : memref<632x128xf32, #tpu.memory_space<vmem_shared>>) target_semaphore(%run_scoped3A : memref<!tpu.dma_semaphore, #tpu.memory_space<semaphore_mem>>)
      %dma_wait3A = arith.constant 0 : i32
      %dma_wait3A_14 = tpu.memref_slice %arg13[%mul3A_0, %dma_wait3A] : memref<10112x128xf32, #tpu.memory_space<vmem_shared>> -> memref<632x128xf32, #tpu.memory_space<vmem_shared>>
      tpu.wait_dma2 semaphore(%run_scoped3A : memref<!tpu.dma_semaphore, #tpu.memory_space<semaphore_mem>>) src(%arg7 : memref<632x128xf32, #tpu.memory_space<hbm>>) dst(%dma_wait3A_14 : memref<632x128xf32, #tpu.memory_space<vmem_shared>>)
      tpu.yield
    }) : () -> ()
    %barrier3A = arith.constant 0 : index
    tpu.barrier barrier_id(%barrier3A)
    %eq3A = arith.constant 0 : i32
    %eq3A_1 = arith.cmpi eq, %arg0, %eq3A : i32
    %convert_element_type3A = arith.extui %eq3A_1 : i1 to i32
    %cond3A = arith.constant 0 : i32
    %cond3A_2 = arith.cmpi ne, %convert_element_type3A, %cond3A : i32
    scf.if %cond3A_2 {
      %scan3A = arith.constant 0 : i32
      %scan3A_13 = arith.constant 0 : i32
      %scan3A_14 = arith.constant 10 : i32
      %scan3A_15 = arith.addi %scan3A_13, %scan3A_14 : i32
      %scan3A_16 = arith.constant 1 : i32
      scf.for %scan3A_18 = %scan3A_13 to %scan3A_15 step %scan3A_16  : i32 {
        %mul3A_19 = arith.constant 8 : i32
        %mul3A_20 = arith.muli %scan3A_18, %mul3A_19 : i32
        %multiple_of3A = tpu.assume_multiple %mul3A_20, 8 : i32
        "tpu.region"() ({
          %run_scoped3A_138 = tpu.sem_alloc : memref<!tpu.dma_semaphore, #tpu.memory_space<semaphore_mem>>
          %dma_start3A_139 = arith.constant 0 : i32
          %dma_start3A_140 = tpu.memref_slice %arg3[%arg1, %multiple_of3A, %dma_start3A_139] : memref<16x80x128xi32, #tpu.memory_space<hbm>> -> memref<1x8x128xi32, #tpu.memory_space<hbm>>
          %dma_start3A_141 = tpu.memref_squeeze %dma_start3A_140 : memref<1x8x128xi32, #tpu.memory_space<hbm>> -> memref<8x128xi32, #tpu.memory_space<hbm>>
          %dma_start3A_142 = arith.constant 0 : i32
          %dma_start3A_143 = tpu.memref_slice %arg3[%arg1, %multiple_of3A, %dma_start3A_142] : memref<16x80x128xi32, #tpu.memory_space<hbm>> -> memref<1x8x128xi32, #tpu.memory_space<hbm>>
          %dma_start3A_144 = tpu.memref_squeeze %dma_start3A_143 : memref<1x8x128xi32, #tpu.memory_space<hbm>> -> memref<8x128xi32, #tpu.memory_space<hbm>>
          tpu.enqueue_dma source(%dma_start3A_144 : memref<8x128xi32, #tpu.memory_space<hbm>>) target(%arg9 : memref<8x128xi32, #tpu.memory_space<vmem>>) target_semaphore(%run_scoped3A_138 : memref<!tpu.dma_semaphore, #tpu.memory_space<semaphore_mem>>)
          %dma_wait3A_145 = arith.constant 0 : i32
          %dma_wait3A_146 = tpu.memref_slice %arg3[%arg1, %multiple_of3A, %dma_wait3A_145] : memref<16x80x128xi32, #tpu.memory_space<hbm>> -> memref<1x8x128xi32, #tpu.memory_space<hbm>>
          %dma_wait3A_147 = tpu.memref_squeeze %dma_wait3A_146 : memref<1x8x128xi32, #tpu.memory_space<hbm>> -> memref<8x128xi32, #tpu.memory_space<hbm>>
          %dma_wait3A_148 = arith.constant 0 : i32
          %dma_wait3A_149 = tpu.memref_slice %arg3[%arg1, %multiple_of3A, %dma_wait3A_148] : memref<16x80x128xi32, #tpu.memory_space<hbm>> -> memref<1x8x128xi32, #tpu.memory_space<hbm>>
          %dma_wait3A_150 = tpu.memref_squeeze %dma_wait3A_149 : memref<1x8x128xi32, #tpu.memory_space<hbm>> -> memref<8x128xi32, #tpu.memory_space<hbm>>
          tpu.wait_dma2 semaphore(%run_scoped3A_138 : memref<!tpu.dma_semaphore, #tpu.memory_space<semaphore_mem>>) src(%dma_wait3A_150 : memref<8x128xi32, #tpu.memory_space<hbm>>) dst(%arg9 : memref<8x128xi32, #tpu.memory_space<vmem>>)
          tpu.yield
        }) : () -> ()
        "tpu.region"() ({
          %run_scoped3A_138 = tpu.sem_alloc : memref<!tpu.dma_semaphore, #tpu.memory_space<semaphore_mem>>
          %dma_start3A_139 = arith.constant 0 : i32
          %dma_start3A_140 = tpu.memref_slice %arg4[%arg1, %multiple_of3A, %dma_start3A_139] : memref<16x80x128xi32, #tpu.memory_space<hbm>> -> memref<1x8x128xi32, #tpu.memory_space<hbm>>
          %dma_start3A_141 = tpu.memref_squeeze %dma_start3A_140 : memref<1x8x128xi32, #tpu.memory_space<hbm>> -> memref<8x128xi32, #tpu.memory_space<hbm>>
          %dma_start3A_142 = arith.constant 0 : i32
          %dma_start3A_143 = tpu.memref_slice %arg4[%arg1, %multiple_of3A, %dma_start3A_142] : memref<16x80x128xi32, #tpu.memory_space<hbm>> -> memref<1x8x128xi32, #tpu.memory_space<hbm>>
          %dma_start3A_144 = tpu.memref_squeeze %dma_start3A_143 : memref<1x8x128xi32, #tpu.memory_space<hbm>> -> memref<8x128xi32, #tpu.memory_space<hbm>>
          tpu.enqueue_dma source(%dma_start3A_144 : memref<8x128xi32, #tpu.memory_space<hbm>>) target(%arg10 : memref<8x128xi32, #tpu.memory_space<vmem>>) target_semaphore(%run_scoped3A_138 : memref<!tpu.dma_semaphore, #tpu.memory_space<semaphore_mem>>)
          %dma_wait3A_145 = arith.constant 0 : i32
          %dma_wait3A_146 = tpu.memref_slice %arg4[%arg1, %multiple_of3A, %dma_wait3A_145] : memref<16x80x128xi32, #tpu.memory_space<hbm>> -> memref<1x8x128xi32, #tpu.memory_space<hbm>>
          %dma_wait3A_147 = tpu.memref_squeeze %dma_wait3A_146 : memref<1x8x128xi32, #tpu.memory_space<hbm>> -> memref<8x128xi32, #tpu.memory_space<hbm>>
          %dma_wait3A_148 = arith.constant 0 : i32
          %dma_wait3A_149 = tpu.memref_slice %arg4[%arg1, %multiple_of3A, %dma_wait3A_148] : memref<16x80x128xi32, #tpu.memory_space<hbm>> -> memref<1x8x128xi32, #tpu.memory_space<hbm>>
          %dma_wait3A_150 = tpu.memref_squeeze %dma_wait3A_149 : memref<1x8x128xi32, #tpu.memory_space<hbm>> -> memref<8x128xi32, #tpu.memory_space<hbm>>
          tpu.wait_dma2 semaphore(%run_scoped3A_138 : memref<!tpu.dma_semaphore, #tpu.memory_space<semaphore_mem>>) src(%dma_wait3A_150 : memref<8x128xi32, #tpu.memory_space<hbm>>) dst(%arg10 : memref<8x128xi32, #tpu.memory_space<vmem>>)
          tpu.yield
        }) : () -> ()
        %dma_start3A = arith.constant 0 : i32
        %dma_start3A_21 = arith.constant 0 : i32
        %dma_start3A_22 = tpu.memref_slice %arg9[%dma_start3A, %dma_start3A_21] : memref<8x128xi32, #tpu.memory_space<vmem>> -> memref<1x128xi32, #tpu.memory_space<vmem>>
        %dma_start3A_23 = tpu.memref_squeeze %dma_start3A_22 : memref<1x128xi32, #tpu.memory_space<vmem>> -> memref<128xi32, #tpu.memory_space<vmem>>
        %dma_start3A_24 = arith.constant 0 : i32
        %dma_start3A_25 = arith.constant 0 : i32
        %dma_start3A_26 = tpu.memref_slice %arg2[%dma_start3A_24, %dma_start3A_25] : memref<10000x128xf32, #tpu.memory_space<hbm>> -> memref<10000x128xf32, #tpu.memory_space<hbm>>
        tpu.enqueue_indirect_dma source(%dma_start3A_26 : memref<10000x128xf32, #tpu.memory_space<hbm>>) target(%arg11 : memref<128x128xf32, #tpu.memory_space<vmem>>) offsets(%dma_start3A_23 : memref<128xi32, #tpu.memory_space<vmem>>) semaphore(%arg14 : memref<!tpu.dma_semaphore, #tpu.memory_space<semaphore_mem>>)
        %dma_start3A_27 = arith.constant 1 : i32
        %dma_start3A_28 = arith.constant 0 : i32
        %dma_start3A_29 = tpu.memref_slice %arg9[%dma_start3A_27, %dma_start3A_28] : memref<8x128xi32, #tpu.memory_space<vmem>> -> memref<1x128xi32, #tpu.memory_space<vmem>>
        %dma_start3A_30 = tpu.memref_squeeze %dma_start3A_29 : memref<1x128xi32, #tpu.memory_space<vmem>> -> memref<128xi32, #tpu.memory_space<vmem>>
        %dma_start3A_31 = arith.constant 0 : i32
        %dma_start3A_32 = arith.constant 0 : i32
        %dma_start3A_33 = tpu.memref_slice %arg2[%dma_start3A_31, %dma_start3A_32] : memref<10000x128xf32, #tpu.memory_space<hbm>> -> memref<10000x128xf32, #tpu.memory_space<hbm>>
        tpu.enqueue_indirect_dma source(%dma_start3A_33 : memref<10000x128xf32, #tpu.memory_space<hbm>>) target(%arg12 : memref<128x128xf32, #tpu.memory_space<vmem>>) offsets(%dma_start3A_30 : memref<128xi32, #tpu.memory_space<vmem>>) semaphore(%arg15 : memref<!tpu.dma_semaphore, #tpu.memory_space<semaphore_mem>>)
        %dma_wait3A = arith.constant 0 : i32
        %dma_wait3A_34 = arith.constant 0 : i32
        %dma_wait3A_35 = tpu.memref_slice %arg9[%dma_wait3A, %dma_wait3A_34] : memref<8x128xi32, #tpu.memory_space<vmem>> -> memref<1x128xi32, #tpu.memory_space<vmem>>
        %dma_wait3A_36 = tpu.memref_squeeze %dma_wait3A_35 : memref<1x128xi32, #tpu.memory_space<vmem>> -> memref<128xi32, #tpu.memory_space<vmem>>
        %dma_wait3A_37 = arith.constant 0 : i32
        %dma_wait3A_38 = arith.constant 0 : i32
        %dma_wait3A_39 = tpu.memref_slice %arg2[%dma_wait3A_37, %dma_wait3A_38] : memref<10000x128xf32, #tpu.memory_space<hbm>> -> memref<10000x128xf32, #tpu.memory_space<hbm>>
        tpu.wait_indirect_dma semaphore(%arg14 : memref<!tpu.dma_semaphore, #tpu.memory_space<semaphore_mem>>) src(%dma_wait3A_39 : memref<10000x128xf32, #tpu.memory_space<hbm>>) dst(%arg11 : memref<128x128xf32, #tpu.memory_space<vmem>>)
        %run_scoped3A = arith.constant 0 : i32
        "tpu.region"() ({
          %run_scoped3A_138 = tpu.sem_alloc : memref<!tpu.dma_semaphore, #tpu.memory_space<semaphore_mem>>
          %dma_start3A_139 = arith.constant 0 : i32
          %dma_start3A_140 = tpu.memref_slice %arg10[%run_scoped3A, %dma_start3A_139] : memref<8x128xi32, #tpu.memory_space<vmem>> -> memref<1x128xi32, #tpu.memory_space<vmem>>
          %dma_start3A_141 = tpu.memref_squeeze %dma_start3A_140 : memref<1x128xi32, #tpu.memory_space<vmem>> -> memref<128xi32, #tpu.memory_space<vmem>>
          %dma_start3A_142 = arith.constant 0 : i32
          %dma_start3A_143 = arith.constant 0 : i32
          %dma_start3A_144 = tpu.memref_slice %arg13[%dma_start3A_142, %dma_start3A_143] : memref<10112x128xf32, #tpu.memory_space<vmem_shared>> -> memref<10112x128xf32, #tpu.memory_space<vmem_shared>>
          tpu.enqueue_indirect_dma source(%arg11 : memref<128x128xf32, #tpu.memory_space<vmem>>) target(%dma_start3A_144 : memref<10112x128xf32, #tpu.memory_space<vmem_shared>>) offsets(%dma_start3A_141 : memref<128xi32, #tpu.memory_space<vmem>>) semaphore(%run_scoped3A_138 : memref<!tpu.dma_semaphore, #tpu.memory_space<semaphore_mem>>) {add = true}
          %dma_wait3A_145 = arith.constant 0 : i32
          %dma_wait3A_146 = tpu.memref_slice %arg10[%run_scoped3A, %dma_wait3A_145] : memref<8x128xi32, #tpu.memory_space<vmem>> -> memref<1x128xi32, #tpu.memory_space<vmem>>
          %dma_wait3A_147 = tpu.memref_squeeze %dma_wait3A_146 : memref<1x128xi32, #tpu.memory_space<vmem>> -> memref<128xi32, #tpu.memory_space<vmem>>
          %dma_wait3A_148 = arith.constant 0 : i32
          %dma_wait3A_149 = arith.constant 0 : i32
          %dma_wait3A_150 = tpu.memref_slice %arg13[%dma_wait3A_148, %dma_wait3A_149] : memref<10112x128xf32, #tpu.memory_space<vmem_shared>> -> memref<10112x128xf32, #tpu.memory_space<vmem_shared>>
          tpu.wait_indirect_dma semaphore(%run_scoped3A_138 : memref<!tpu.dma_semaphore, #tpu.memory_space<semaphore_mem>>) src(%arg11 : memref<128x128xf32, #tpu.memory_space<vmem>>) dst(%dma_wait3A_150 : memref<10112x128xf32, #tpu.memory_space<vmem_shared>>)
          tpu.yield
        }) : () -> ()
        %dma_start3A_40 = arith.constant 2 : i32
        %dma_start3A_41 = arith.constant 0 : i32
        %dma_start3A_42 = tpu.memref_slice %arg9[%dma_start3A_40, %dma_start3A_41] : memref<8x128xi32, #tpu.memory_space<vmem>> -> memref<1x128xi32, #tpu.memory_space<vmem>>
        %dma_start3A_43 = tpu.memref_squeeze %dma_start3A_42 : memref<1x128xi32, #tpu.memory_space<vmem>> -> memref<128xi32, #tpu.memory_space<vmem>>
        %dma_start3A_44 = arith.constant 0 : i32
        %dma_start3A_45 = arith.constant 0 : i32
        %dma_start3A_46 = tpu.memref_slice %arg2[%dma_start3A_44, %dma_start3A_45] : memref<10000x128xf32, #tpu.memory_space<hbm>> -> memref<10000x128xf32, #tpu.memory_space<hbm>>
        tpu.enqueue_indirect_dma source(%dma_start3A_46 : memref<10000x128xf32, #tpu.memory_space<hbm>>) target(%arg11 : memref<128x128xf32, #tpu.memory_space<vmem>>) offsets(%dma_start3A_43 : memref<128xi32, #tpu.memory_space<vmem>>) semaphore(%arg14 : memref<!tpu.dma_semaphore, #tpu.memory_space<semaphore_mem>>)
        %dma_wait3A_47 = arith.constant 1 : i32
        %dma_wait3A_48 = arith.constant 0 : i32
        %dma_wait3A_49 = tpu.memref_slice %arg9[%dma_wait3A_47, %dma_wait3A_48] : memref<8x128xi32, #tpu.memory_space<vmem>> -> memref<1x128xi32, #tpu.memory_space<vmem>>
        %dma_wait3A_50 = tpu.memref_squeeze %dma_wait3A_49 : memref<1x128xi32, #tpu.memory_space<vmem>> -> memref<128xi32, #tpu.memory_space<vmem>>
        %dma_wait3A_51 = arith.constant 0 : i32
        %dma_wait3A_52 = arith.constant 0 : i32
        %dma_wait3A_53 = tpu.memref_slice %arg2[%dma_wait3A_51, %dma_wait3A_52] : memref<10000x128xf32, #tpu.memory_space<hbm>> -> memref<10000x128xf32, #tpu.memory_space<hbm>>
        tpu.wait_indirect_dma semaphore(%arg15 : memref<!tpu.dma_semaphore, #tpu.memory_space<semaphore_mem>>) src(%dma_wait3A_53 : memref<10000x128xf32, #tpu.memory_space<hbm>>) dst(%arg12 : memref<128x128xf32, #tpu.memory_space<vmem>>)
        %run_scoped3A_54 = arith.constant 1 : i32
        "tpu.region"() ({
          %run_scoped3A_138 = tpu.sem_alloc : memref<!tpu.dma_semaphore, #tpu.memory_space<semaphore_mem>>
          %dma_start3A_139 = arith.constant 0 : i32
          %dma_start3A_140 = tpu.memref_slice %arg10[%run_scoped3A_54, %dma_start3A_139] : memref<8x128xi32, #tpu.memory_space<vmem>> -> memref<1x128xi32, #tpu.memory_space<vmem>>
          %dma_start3A_141 = tpu.memref_squeeze %dma_start3A_140 : memref<1x128xi32, #tpu.memory_space<vmem>> -> memref<128xi32, #tpu.memory_space<vmem>>
          %dma_start3A_142 = arith.constant 0 : i32
          %dma_start3A_143 = arith.constant 0 : i32
          %dma_start3A_144 = tpu.memref_slice %arg13[%dma_start3A_142, %dma_start3A_143] : memref<10112x128xf32, #tpu.memory_space<vmem_shared>> -> memref<10112x128xf32, #tpu.memory_space<vmem_shared>>
          tpu.enqueue_indirect_dma source(%arg12 : memref<128x128xf32, #tpu.memory_space<vmem>>) target(%dma_start3A_144 : memref<10112x128xf32, #tpu.memory_space<vmem_shared>>) offsets(%dma_start3A_141 : memref<128xi32, #tpu.memory_space<vmem>>) semaphore(%run_scoped3A_138 : memref<!tpu.dma_semaphore, #tpu.memory_space<semaphore_mem>>) {add = true}
          %dma_wait3A_145 = arith.constant 0 : i32
          %dma_wait3A_146 = tpu.memref_slice %arg10[%run_scoped3A_54, %dma_wait3A_145] : memref<8x128xi32, #tpu.memory_space<vmem>> -> memref<1x128xi32, #tpu.memory_space<vmem>>
          %dma_wait3A_147 = tpu.memref_squeeze %dma_wait3A_146 : memref<1x128xi32, #tpu.memory_space<vmem>> -> memref<128xi32, #tpu.memory_space<vmem>>
          %dma_wait3A_148 = arith.constant 0 : i32
          %dma_wait3A_149 = arith.constant 0 : i32
          %dma_wait3A_150 = tpu.memref_slice %arg13[%dma_wait3A_148, %dma_wait3A_149] : memref<10112x128xf32, #tpu.memory_space<vmem_shared>> -> memref<10112x128xf32, #tpu.memory_space<vmem_shared>>
          tpu.wait_indirect_dma semaphore(%run_scoped3A_138 : memref<!tpu.dma_semaphore, #tpu.memory_space<semaphore_mem>>) src(%arg12 : memref<128x128xf32, #tpu.memory_space<vmem>>) dst(%dma_wait3A_150 : memref<10112x128xf32, #tpu.memory_space<vmem_shared>>)
          tpu.yield
        }) : () -> ()
        %dma_start3A_55 = arith.constant 3 : i32
        %dma_start3A_56 = arith.constant 0 : i32
        %dma_start3A_57 = tpu.memref_slice %arg9[%dma_start3A_55, %dma_start3A_56] : memref<8x128xi32, #tpu.memory_space<vmem>> -> memref<1x128xi32, #tpu.memory_space<vmem>>
        %dma_start3A_58 = tpu.memref_squeeze %dma_start3A_57 : memref<1x128xi32, #tpu.memory_space<vmem>> -> memref<128xi32, #tpu.memory_space<vmem>>
        %dma_start3A_59 = arith.constant 0 : i32
        %dma_start3A_60 = arith.constant 0 : i32
        %dma_start3A_61 = tpu.memref_slice %arg2[%dma_start3A_59, %dma_start3A_60] : memref<10000x128xf32, #tpu.memory_space<hbm>> -> memref<10000x128xf32, #tpu.memory_space<hbm>>
        tpu.enqueue_indirect_dma source(%dma_start3A_61 : memref<10000x128xf32, #tpu.memory_space<hbm>>) target(%arg12 : memref<128x128xf32, #tpu.memory_space<vmem>>) offsets(%dma_start3A_58 : memref<128xi32, #tpu.memory_space<vmem>>) semaphore(%arg15 : memref<!tpu.dma_semaphore, #tpu.memory_space<semaphore_mem>>)
        %dma_wait3A_62 = arith.constant 2 : i32
        %dma_wait3A_63 = arith.constant 0 : i32
        %dma_wait3A_64 = tpu.memref_slice %arg9[%dma_wait3A_62, %dma_wait3A_63] : memref<8x128xi32, #tpu.memory_space<vmem>> -> memref<1x128xi32, #tpu.memory_space<vmem>>
        %dma_wait3A_65 = tpu.memref_squeeze %dma_wait3A_64 : memref<1x128xi32, #tpu.memory_space<vmem>> -> memref<128xi32, #tpu.memory_space<vmem>>
        %dma_wait3A_66 = arith.constant 0 : i32
        %dma_wait3A_67 = arith.constant 0 : i32
        %dma_wait3A_68 = tpu.memref_slice %arg2[%dma_wait3A_66, %dma_wait3A_67] : memref<10000x128xf32, #tpu.memory_space<hbm>> -> memref<10000x128xf32, #tpu.memory_space<hbm>>
        tpu.wait_indirect_dma semaphore(%arg14 : memref<!tpu.dma_semaphore, #tpu.memory_space<semaphore_mem>>) src(%dma_wait3A_68 : memref<10000x128xf32, #tpu.memory_space<hbm>>) dst(%arg11 : memref<128x128xf32, #tpu.memory_space<vmem>>)
        %run_scoped3A_69 = arith.constant 2 : i32
        "tpu.region"() ({
          %run_scoped3A_138 = tpu.sem_alloc : memref<!tpu.dma_semaphore, #tpu.memory_space<semaphore_mem>>
          %dma_start3A_139 = arith.constant 0 : i32
          %dma_start3A_140 = tpu.memref_slice %arg10[%run_scoped3A_69, %dma_start3A_139] : memref<8x128xi32, #tpu.memory_space<vmem>> -> memref<1x128xi32, #tpu.memory_space<vmem>>
          %dma_start3A_141 = tpu.memref_squeeze %dma_start3A_140 : memref<1x128xi32, #tpu.memory_space<vmem>> -> memref<128xi32, #tpu.memory_space<vmem>>
          %dma_start3A_142 = arith.constant 0 : i32
          %dma_start3A_143 = arith.constant 0 : i32
          %dma_start3A_144 = tpu.memref_slice %arg13[%dma_start3A_142, %dma_start3A_143] : memref<10112x128xf32, #tpu.memory_space<vmem_shared>> -> memref<10112x128xf32, #tpu.memory_space<vmem_shared>>
          tpu.enqueue_indirect_dma source(%arg11 : memref<128x128xf32, #tpu.memory_space<vmem>>) target(%dma_start3A_144 : memref<10112x128xf32, #tpu.memory_space<vmem_shared>>) offsets(%dma_start3A_141 : memref<128xi32, #tpu.memory_space<vmem>>) semaphore(%run_scoped3A_138 : memref<!tpu.dma_semaphore, #tpu.memory_space<semaphore_mem>>) {add = true}
          %dma_wait3A_145 = arith.constant 0 : i32
          %dma_wait3A_146 = tpu.memref_slice %arg10[%run_scoped3A_69, %dma_wait3A_145] : memref<8x128xi32, #tpu.memory_space<vmem>> -> memref<1x128xi32, #tpu.memory_space<vmem>>
          %dma_wait3A_147 = tpu.memref_squeeze %dma_wait3A_146 : memref<1x128xi32, #tpu.memory_space<vmem>> -> memref<128xi32, #tpu.memory_space<vmem>>
          %dma_wait3A_148 = arith.constant 0 : i32
          %dma_wait3A_149 = arith.constant 0 : i32
          %dma_wait3A_150 = tpu.memref_slice %arg13[%dma_wait3A_148, %dma_wait3A_149] : memref<10112x128xf32, #tpu.memory_space<vmem_shared>> -> memref<10112x128xf32, #tpu.memory_space<vmem_shared>>
          tpu.wait_indirect_dma semaphore(%run_scoped3A_138 : memref<!tpu.dma_semaphore, #tpu.memory_space<semaphore_mem>>) src(%arg11 : memref<128x128xf32, #tpu.memory_space<vmem>>) dst(%dma_wait3A_150 : memref<10112x128xf32, #tpu.memory_space<vmem_shared>>)
          tpu.yield
        }) : () -> ()
        %dma_start3A_70 = arith.constant 4 : i32
        %dma_start3A_71 = arith.constant 0 : i32
        %dma_start3A_72 = tpu.memref_slice %arg9[%dma_start3A_70, %dma_start3A_71] : memref<8x128xi32, #tpu.memory_space<vmem>> -> memref<1x128xi32, #tpu.memory_space<vmem>>
        %dma_start3A_73 = tpu.memref_squeeze %dma_start3A_72 : memref<1x128xi32, #tpu.memory_space<vmem>> -> memref<128xi32, #tpu.memory_space<vmem>>
        %dma_start3A_74 = arith.constant 0 : i32
        %dma_start3A_75 = arith.constant 0 : i32
        %dma_start3A_76 = tpu.memref_slice %arg2[%dma_start3A_74, %dma_start3A_75] : memref<10000x128xf32, #tpu.memory_space<hbm>> -> memref<10000x128xf32, #tpu.memory_space<hbm>>
        tpu.enqueue_indirect_dma source(%dma_start3A_76 : memref<10000x128xf32, #tpu.memory_space<hbm>>) target(%arg11 : memref<128x128xf32, #tpu.memory_space<vmem>>) offsets(%dma_start3A_73 : memref<128xi32, #tpu.memory_space<vmem>>) semaphore(%arg14 : memref<!tpu.dma_semaphore, #tpu.memory_space<semaphore_mem>>)
        %dma_wait3A_77 = arith.constant 3 : i32
        %dma_wait3A_78 = arith.constant 0 : i32
        %dma_wait3A_79 = tpu.memref_slice %arg9[%dma_wait3A_77, %dma_wait3A_78] : memref<8x128xi32, #tpu.memory_space<vmem>> -> memref<1x128xi32, #tpu.memory_space<vmem>>
        %dma_wait3A_80 = tpu.memref_squeeze %dma_wait3A_79 : memref<1x128xi32, #tpu.memory_space<vmem>> -> memref<128xi32, #tpu.memory_space<vmem>>
        %dma_wait3A_81 = arith.constant 0 : i32
        %dma_wait3A_82 = arith.constant 0 : i32
        %dma_wait3A_83 = tpu.memref_slice %arg2[%dma_wait3A_81, %dma_wait3A_82] : memref<10000x128xf32, #tpu.memory_space<hbm>> -> memref<10000x128xf32, #tpu.memory_space<hbm>>
        tpu.wait_indirect_dma semaphore(%arg15 : memref<!tpu.dma_semaphore, #tpu.memory_space<semaphore_mem>>) src(%dma_wait3A_83 : memref<10000x128xf32, #tpu.memory_space<hbm>>) dst(%arg12 : memref<128x128xf32, #tpu.memory_space<vmem>>)
        %run_scoped3A_84 = arith.constant 3 : i32
        "tpu.region"() ({
          %run_scoped3A_138 = tpu.sem_alloc : memref<!tpu.dma_semaphore, #tpu.memory_space<semaphore_mem>>
          %dma_start3A_139 = arith.constant 0 : i32
          %dma_start3A_140 = tpu.memref_slice %arg10[%run_scoped3A_84, %dma_start3A_139] : memref<8x128xi32, #tpu.memory_space<vmem>> -> memref<1x128xi32, #tpu.memory_space<vmem>>
          %dma_start3A_141 = tpu.memref_squeeze %dma_start3A_140 : memref<1x128xi32, #tpu.memory_space<vmem>> -> memref<128xi32, #tpu.memory_space<vmem>>
          %dma_start3A_142 = arith.constant 0 : i32
          %dma_start3A_143 = arith.constant 0 : i32
          %dma_start3A_144 = tpu.memref_slice %arg13[%dma_start3A_142, %dma_start3A_143] : memref<10112x128xf32, #tpu.memory_space<vmem_shared>> -> memref<10112x128xf32, #tpu.memory_space<vmem_shared>>
          tpu.enqueue_indirect_dma source(%arg12 : memref<128x128xf32, #tpu.memory_space<vmem>>) target(%dma_start3A_144 : memref<10112x128xf32, #tpu.memory_space<vmem_shared>>) offsets(%dma_start3A_141 : memref<128xi32, #tpu.memory_space<vmem>>) semaphore(%run_scoped3A_138 : memref<!tpu.dma_semaphore, #tpu.memory_space<semaphore_mem>>) {add = true}
          %dma_wait3A_145 = arith.constant 0 : i32
          %dma_wait3A_146 = tpu.memref_slice %arg10[%run_scoped3A_84, %dma_wait3A_145] : memref<8x128xi32, #tpu.memory_space<vmem>> -> memref<1x128xi32, #tpu.memory_space<vmem>>
          %dma_wait3A_147 = tpu.memref_squeeze %dma_wait3A_146 : memref<1x128xi32, #tpu.memory_space<vmem>> -> memref<128xi32, #tpu.memory_space<vmem>>
          %dma_wait3A_148 = arith.constant 0 : i32
          %dma_wait3A_149 = arith.constant 0 : i32
          %dma_wait3A_150 = tpu.memref_slice %arg13[%dma_wait3A_148, %dma_wait3A_149] : memref<10112x128xf32, #tpu.memory_space<vmem_shared>> -> memref<10112x128xf32, #tpu.memory_space<vmem_shared>>
          tpu.wait_indirect_dma semaphore(%run_scoped3A_138 : memref<!tpu.dma_semaphore, #tpu.memory_space<semaphore_mem>>) src(%arg12 : memref<128x128xf32, #tpu.memory_space<vmem>>) dst(%dma_wait3A_150 : memref<10112x128xf32, #tpu.memory_space<vmem_shared>>)
          tpu.yield
        }) : () -> ()
        %dma_start3A_85 = arith.constant 5 : i32
        %dma_start3A_86 = arith.constant 0 : i32
        %dma_start3A_87 = tpu.memref_slice %arg9[%dma_start3A_85, %dma_start3A_86] : memref<8x128xi32, #tpu.memory_space<vmem>> -> memref<1x128xi32, #tpu.memory_space<vmem>>
        %dma_start3A_88 = tpu.memref_squeeze %dma_start3A_87 : memref<1x128xi32, #tpu.memory_space<vmem>> -> memref<128xi32, #tpu.memory_space<vmem>>
        %dma_start3A_89 = arith.constant 0 : i32
        %dma_start3A_90 = arith.constant 0 : i32
        %dma_start3A_91 = tpu.memref_slice %arg2[%dma_start3A_89, %dma_start3A_90] : memref<10000x128xf32, #tpu.memory_space<hbm>> -> memref<10000x128xf32, #tpu.memory_space<hbm>>
        tpu.enqueue_indirect_dma source(%dma_start3A_91 : memref<10000x128xf32, #tpu.memory_space<hbm>>) target(%arg12 : memref<128x128xf32, #tpu.memory_space<vmem>>) offsets(%dma_start3A_88 : memref<128xi32, #tpu.memory_space<vmem>>) semaphore(%arg15 : memref<!tpu.dma_semaphore, #tpu.memory_space<semaphore_mem>>)
        %dma_wait3A_92 = arith.constant 4 : i32
        %dma_wait3A_93 = arith.constant 0 : i32
        %dma_wait3A_94 = tpu.memref_slice %arg9[%dma_wait3A_92, %dma_wait3A_93] : memref<8x128xi32, #tpu.memory_space<vmem>> -> memref<1x128xi32, #tpu.memory_space<vmem>>
        %dma_wait3A_95 = tpu.memref_squeeze %dma_wait3A_94 : memref<1x128xi32, #tpu.memory_space<vmem>> -> memref<128xi32, #tpu.memory_space<vmem>>
        %dma_wait3A_96 = arith.constant 0 : i32
        %dma_wait3A_97 = arith.constant 0 : i32
        %dma_wait3A_98 = tpu.memref_slice %arg2[%dma_wait3A_96, %dma_wait3A_97] : memref<10000x128xf32, #tpu.memory_space<hbm>> -> memref<10000x128xf32, #tpu.memory_space<hbm>>
        tpu.wait_indirect_dma semaphore(%arg14 : memref<!tpu.dma_semaphore, #tpu.memory_space<semaphore_mem>>) src(%dma_wait3A_98 : memref<10000x128xf32, #tpu.memory_space<hbm>>) dst(%arg11 : memref<128x128xf32, #tpu.memory_space<vmem>>)
        %run_scoped3A_99 = arith.constant 4 : i32
        "tpu.region"() ({
          %run_scoped3A_138 = tpu.sem_alloc : memref<!tpu.dma_semaphore, #tpu.memory_space<semaphore_mem>>
          %dma_start3A_139 = arith.constant 0 : i32
          %dma_start3A_140 = tpu.memref_slice %arg10[%run_scoped3A_99, %dma_start3A_139] : memref<8x128xi32, #tpu.memory_space<vmem>> -> memref<1x128xi32, #tpu.memory_space<vmem>>
          %dma_start3A_141 = tpu.memref_squeeze %dma_start3A_140 : memref<1x128xi32, #tpu.memory_space<vmem>> -> memref<128xi32, #tpu.memory_space<vmem>>
          %dma_start3A_142 = arith.constant 0 : i32
          %dma_start3A_143 = arith.constant 0 : i32
          %dma_start3A_144 = tpu.memref_slice %arg13[%dma_start3A_142, %dma_start3A_143] : memref<10112x128xf32, #tpu.memory_space<vmem_shared>> -> memref<10112x128xf32, #tpu.memory_space<vmem_shared>>
          tpu.enqueue_indirect_dma source(%arg11 : memref<128x128xf32, #tpu.memory_space<vmem>>) target(%dma_start3A_144 : memref<10112x128xf32, #tpu.memory_space<vmem_shared>>) offsets(%dma_start3A_141 : memref<128xi32, #tpu.memory_space<vmem>>) semaphore(%run_scoped3A_138 : memref<!tpu.dma_semaphore, #tpu.memory_space<semaphore_mem>>) {add = true}
          %dma_wait3A_145 = arith.constant 0 : i32
          %dma_wait3A_146 = tpu.memref_slice %arg10[%run_scoped3A_99, %dma_wait3A_145] : memref<8x128xi32, #tpu.memory_space<vmem>> -> memref<1x128xi32, #tpu.memory_space<vmem>>
          %dma_wait3A_147 = tpu.memref_squeeze %dma_wait3A_146 : memref<1x128xi32, #tpu.memory_space<vmem>> -> memref<128xi32, #tpu.memory_space<vmem>>
          %dma_wait3A_148 = arith.constant 0 : i32
          %dma_wait3A_149 = arith.constant 0 : i32
          %dma_wait3A_150 = tpu.memref_slice %arg13[%dma_wait3A_148, %dma_wait3A_149] : memref<10112x128xf32, #tpu.memory_space<vmem_shared>> -> memref<10112x128xf32, #tpu.memory_space<vmem_shared>>
          tpu.wait_indirect_dma semaphore(%run_scoped3A_138 : memref<!tpu.dma_semaphore, #tpu.memory_space<semaphore_mem>>) src(%arg11 : memref<128x128xf32, #tpu.memory_space<vmem>>) dst(%dma_wait3A_150 : memref<10112x128xf32, #tpu.memory_space<vmem_shared>>)
          tpu.yield
        }) : () -> ()
        %dma_start3A_100 = arith.constant 6 : i32
        %dma_start3A_101 = arith.constant 0 : i32
        %dma_start3A_102 = tpu.memref_slice %arg9[%dma_start3A_100, %dma_start3A_101] : memref<8x128xi32, #tpu.memory_space<vmem>> -> memref<1x128xi32, #tpu.memory_space<vmem>>
        %dma_start3A_103 = tpu.memref_squeeze %dma_start3A_102 : memref<1x128xi32, #tpu.memory_space<vmem>> -> memref<128xi32, #tpu.memory_space<vmem>>
        %dma_start3A_104 = arith.constant 0 : i32
        %dma_start3A_105 = arith.constant 0 : i32
        %dma_start3A_106 = tpu.memref_slice %arg2[%dma_start3A_104, %dma_start3A_105] : memref<10000x128xf32, #tpu.memory_space<hbm>> -> memref<10000x128xf32, #tpu.memory_space<hbm>>
        tpu.enqueue_indirect_dma source(%dma_start3A_106 : memref<10000x128xf32, #tpu.memory_space<hbm>>) target(%arg11 : memref<128x128xf32, #tpu.memory_space<vmem>>) offsets(%dma_start3A_103 : memref<128xi32, #tpu.memory_space<vmem>>) semaphore(%arg14 : memref<!tpu.dma_semaphore, #tpu.memory_space<semaphore_mem>>)
        %dma_wait3A_107 = arith.constant 5 : i32
        %dma_wait3A_108 = arith.constant 0 : i32
        %dma_wait3A_109 = tpu.memref_slice %arg9[%dma_wait3A_107, %dma_wait3A_108] : memref<8x128xi32, #tpu.memory_space<vmem>> -> memref<1x128xi32, #tpu.memory_space<vmem>>
        %dma_wait3A_110 = tpu.memref_squeeze %dma_wait3A_109 : memref<1x128xi32, #tpu.memory_space<vmem>> -> memref<128xi32, #tpu.memory_space<vmem>>
        %dma_wait3A_111 = arith.constant 0 : i32
        %dma_wait3A_112 = arith.constant 0 : i32
        %dma_wait3A_113 = tpu.memref_slice %arg2[%dma_wait3A_111, %dma_wait3A_112] : memref<10000x128xf32, #tpu.memory_space<hbm>> -> memref<10000x128xf32, #tpu.memory_space<hbm>>
        tpu.wait_indirect_dma semaphore(%arg15 : memref<!tpu.dma_semaphore, #tpu.memory_space<semaphore_mem>>) src(%dma_wait3A_113 : memref<10000x128xf32, #tpu.memory_space<hbm>>) dst(%arg12 : memref<128x128xf32, #tpu.memory_space<vmem>>)
        %run_scoped3A_114 = arith.constant 5 : i32
        "tpu.region"() ({
          %run_scoped3A_138 = tpu.sem_alloc : memref<!tpu.dma_semaphore, #tpu.memory_space<semaphore_mem>>
          %dma_start3A_139 = arith.constant 0 : i32
          %dma_start3A_140 = tpu.memref_slice %arg10[%run_scoped3A_114, %dma_start3A_139] : memref<8x128xi32, #tpu.memory_space<vmem>> -> memref<1x128xi32, #tpu.memory_space<vmem>>
          %dma_start3A_141 = tpu.memref_squeeze %dma_start3A_140 : memref<1x128xi32, #tpu.memory_space<vmem>> -> memref<128xi32, #tpu.memory_space<vmem>>
          %dma_start3A_142 = arith.constant 0 : i32
          %dma_start3A_143 = arith.constant 0 : i32
          %dma_start3A_144 = tpu.memref_slice %arg13[%dma_start3A_142, %dma_start3A_143] : memref<10112x128xf32, #tpu.memory_space<vmem_shared>> -> memref<10112x128xf32, #tpu.memory_space<vmem_shared>>
          tpu.enqueue_indirect_dma source(%arg12 : memref<128x128xf32, #tpu.memory_space<vmem>>) target(%dma_start3A_144 : memref<10112x128xf32, #tpu.memory_space<vmem_shared>>) offsets(%dma_start3A_141 : memref<128xi32, #tpu.memory_space<vmem>>) semaphore(%run_scoped3A_138 : memref<!tpu.dma_semaphore, #tpu.memory_space<semaphore_mem>>) {add = true}
          %dma_wait3A_145 = arith.constant 0 : i32
          %dma_wait3A_146 = tpu.memref_slice %arg10[%run_scoped3A_114, %dma_wait3A_145] : memref<8x128xi32, #tpu.memory_space<vmem>> -> memref<1x128xi32, #tpu.memory_space<vmem>>
          %dma_wait3A_147 = tpu.memref_squeeze %dma_wait3A_146 : memref<1x128xi32, #tpu.memory_space<vmem>> -> memref<128xi32, #tpu.memory_space<vmem>>
          %dma_wait3A_148 = arith.constant 0 : i32
          %dma_wait3A_149 = arith.constant 0 : i32
          %dma_wait3A_150 = tpu.memref_slice %arg13[%dma_wait3A_148, %dma_wait3A_149] : memref<10112x128xf32, #tpu.memory_space<vmem_shared>> -> memref<10112x128xf32, #tpu.memory_space<vmem_shared>>
          tpu.wait_indirect_dma semaphore(%run_scoped3A_138 : memref<!tpu.dma_semaphore, #tpu.memory_space<semaphore_mem>>) src(%arg12 : memref<128x128xf32, #tpu.memory_space<vmem>>) dst(%dma_wait3A_150 : memref<10112x128xf32, #tpu.memory_space<vmem_shared>>)
          tpu.yield
        }) : () -> ()
        %dma_start3A_115 = arith.constant 7 : i32
        %dma_start3A_116 = arith.constant 0 : i32
        %dma_start3A_117 = tpu.memref_slice %arg9[%dma_start3A_115, %dma_start3A_116] : memref<8x128xi32, #tpu.memory_space<vmem>> -> memref<1x128xi32, #tpu.memory_space<vmem>>
        %dma_start3A_118 = tpu.memref_squeeze %dma_start3A_117 : memref<1x128xi32, #tpu.memory_space<vmem>> -> memref<128xi32, #tpu.memory_space<vmem>>
        %dma_start3A_119 = arith.constant 0 : i32
        %dma_start3A_120 = arith.constant 0 : i32
        %dma_start3A_121 = tpu.memref_slice %arg2[%dma_start3A_119, %dma_start3A_120] : memref<10000x128xf32, #tpu.memory_space<hbm>> -> memref<10000x128xf32, #tpu.memory_space<hbm>>
        tpu.enqueue_indirect_dma source(%dma_start3A_121 : memref<10000x128xf32, #tpu.memory_space<hbm>>) target(%arg12 : memref<128x128xf32, #tpu.memory_space<vmem>>) offsets(%dma_start3A_118 : memref<128xi32, #tpu.memory_space<vmem>>) semaphore(%arg15 : memref<!tpu.dma_semaphore, #tpu.memory_space<semaphore_mem>>)
        %dma_wait3A_122 = arith.constant 6 : i32
        %dma_wait3A_123 = arith.constant 0 : i32
        %dma_wait3A_124 = tpu.memref_slice %arg9[%dma_wait3A_122, %dma_wait3A_123] : memref<8x128xi32, #tpu.memory_space<vmem>> -> memref<1x128xi32, #tpu.memory_space<vmem>>
        %dma_wait3A_125 = tpu.memref_squeeze %dma_wait3A_124 : memref<1x128xi32, #tpu.memory_space<vmem>> -> memref<128xi32, #tpu.memory_space<vmem>>
        %dma_wait3A_126 = arith.constant 0 : i32
        %dma_wait3A_127 = arith.constant 0 : i32
        %dma_wait3A_128 = tpu.memref_slice %arg2[%dma_wait3A_126, %dma_wait3A_127] : memref<10000x128xf32, #tpu.memory_space<hbm>> -> memref<10000x128xf32, #tpu.memory_space<hbm>>
        tpu.wait_indirect_dma semaphore(%arg14 : memref<!tpu.dma_semaphore, #tpu.memory_space<semaphore_mem>>) src(%dma_wait3A_128 : memref<10000x128xf32, #tpu.memory_space<hbm>>) dst(%arg11 : memref<128x128xf32, #tpu.memory_space<vmem>>)
        %run_scoped3A_129 = arith.constant 6 : i32
        "tpu.region"() ({
          %run_scoped3A_138 = tpu.sem_alloc : memref<!tpu.dma_semaphore, #tpu.memory_space<semaphore_mem>>
          %dma_start3A_139 = arith.constant 0 : i32
          %dma_start3A_140 = tpu.memref_slice %arg10[%run_scoped3A_129, %dma_start3A_139] : memref<8x128xi32, #tpu.memory_space<vmem>> -> memref<1x128xi32, #tpu.memory_space<vmem>>
          %dma_start3A_141 = tpu.memref_squeeze %dma_start3A_140 : memref<1x128xi32, #tpu.memory_space<vmem>> -> memref<128xi32, #tpu.memory_space<vmem>>
          %dma_start3A_142 = arith.constant 0 : i32
          %dma_start3A_143 = arith.constant 0 : i32
          %dma_start3A_144 = tpu.memref_slice %arg13[%dma_start3A_142, %dma_start3A_143] : memref<10112x128xf32, #tpu.memory_space<vmem_shared>> -> memref<10112x128xf32, #tpu.memory_space<vmem_shared>>
          tpu.enqueue_indirect_dma source(%arg11 : memref<128x128xf32, #tpu.memory_space<vmem>>) target(%dma_start3A_144 : memref<10112x128xf32, #tpu.memory_space<vmem_shared>>) offsets(%dma_start3A_141 : memref<128xi32, #tpu.memory_space<vmem>>) semaphore(%run_scoped3A_138 : memref<!tpu.dma_semaphore, #tpu.memory_space<semaphore_mem>>) {add = true}
          %dma_wait3A_145 = arith.constant 0 : i32
          %dma_wait3A_146 = tpu.memref_slice %arg10[%run_scoped3A_129, %dma_wait3A_145] : memref<8x128xi32, #tpu.memory_space<vmem>> -> memref<1x128xi32, #tpu.memory_space<vmem>>
          %dma_wait3A_147 = tpu.memref_squeeze %dma_wait3A_146 : memref<1x128xi32, #tpu.memory_space<vmem>> -> memref<128xi32, #tpu.memory_space<vmem>>
          %dma_wait3A_148 = arith.constant 0 : i32
          %dma_wait3A_149 = arith.constant 0 : i32
          %dma_wait3A_150 = tpu.memref_slice %arg13[%dma_wait3A_148, %dma_wait3A_149] : memref<10112x128xf32, #tpu.memory_space<vmem_shared>> -> memref<10112x128xf32, #tpu.memory_space<vmem_shared>>
          tpu.wait_indirect_dma semaphore(%run_scoped3A_138 : memref<!tpu.dma_semaphore, #tpu.memory_space<semaphore_mem>>) src(%arg11 : memref<128x128xf32, #tpu.memory_space<vmem>>) dst(%dma_wait3A_150 : memref<10112x128xf32, #tpu.memory_space<vmem_shared>>)
          tpu.yield
        }) : () -> ()
        %dma_wait3A_130 = arith.constant 7 : i32
        %dma_wait3A_131 = arith.constant 0 : i32
        %dma_wait3A_132 = tpu.memref_slice %arg9[%dma_wait3A_130, %dma_wait3A_131] : memref<8x128xi32, #tpu.memory_space<vmem>> -> memref<1x128xi32, #tpu.memory_space<vmem>>
        %dma_wait3A_133 = tpu.memref_squeeze %dma_wait3A_132 : memref<1x128xi32, #tpu.memory_space<vmem>> -> memref<128xi32, #tpu.memory_space<vmem>>
        %dma_wait3A_134 = arith.constant 0 : i32
        %dma_wait3A_135 = arith.constant 0 : i32
        %dma_wait3A_136 = tpu.memref_slice %arg2[%dma_wait3A_134, %dma_wait3A_135] : memref<10000x128xf32, #tpu.memory_space<hbm>> -> memref<10000x128xf32, #tpu.memory_space<hbm>>
        tpu.wait_indirect_dma semaphore(%arg15 : memref<!tpu.dma_semaphore, #tpu.memory_space<semaphore_mem>>) src(%dma_wait3A_136 : memref<10000x128xf32, #tpu.memory_space<hbm>>) dst(%arg12 : memref<128x128xf32, #tpu.memory_space<vmem>>)
        %run_scoped3A_137 = arith.constant 7 : i32
        "tpu.region"() ({
          %run_scoped3A_138 = tpu.sem_alloc : memref<!tpu.dma_semaphore, #tpu.memory_space<semaphore_mem>>
          %dma_start3A_139 = arith.constant 0 : i32
          %dma_start3A_140 = tpu.memref_slice %arg10[%run_scoped3A_137, %dma_start3A_139] : memref<8x128xi32, #tpu.memory_space<vmem>> -> memref<1x128xi32, #tpu.memory_space<vmem>>
          %dma_start3A_141 = tpu.memref_squeeze %dma_start3A_140 : memref<1x128xi32, #tpu.memory_space<vmem>> -> memref<128xi32, #tpu.memory_space<vmem>>
          %dma_start3A_142 = arith.constant 0 : i32
          %dma_start3A_143 = arith.constant 0 : i32
          %dma_start3A_144 = tpu.memref_slice %arg13[%dma_start3A_142, %dma_start3A_143] : memref<10112x128xf32, #tpu.memory_space<vmem_shared>> -> memref<10112x128xf32, #tpu.memory_space<vmem_shared>>
          tpu.enqueue_indirect_dma source(%arg12 : memref<128x128xf32, #tpu.memory_space<vmem>>) target(%dma_start3A_144 : memref<10112x128xf32, #tpu.memory_space<vmem_shared>>) offsets(%dma_start3A_141 : memref<128xi32, #tpu.memory_space<vmem>>) semaphore(%run_scoped3A_138 : memref<!tpu.dma_semaphore, #tpu.memory_space<semaphore_mem>>) {add = true}
          %dma_wait3A_145 = arith.constant 0 : i32
          %dma_wait3A_146 = tpu.memref_slice %arg10[%run_scoped3A_137, %dma_wait3A_145] : memref<8x128xi32, #tpu.memory_space<vmem>> -> memref<1x128xi32, #tpu.memory_space<vmem>>
          %dma_wait3A_147 = tpu.memref_squeeze %dma_wait3A_146 : memref<1x128xi32, #tpu.memory_space<vmem>> -> memref<128xi32, #tpu.memory_space<vmem>>
          %dma_wait3A_148 = arith.constant 0 : i32
          %dma_wait3A_149 = arith.constant 0 : i32
          %dma_wait3A_150 = tpu.memref_slice %arg13[%dma_wait3A_148, %dma_wait3A_149] : memref<10112x128xf32, #tpu.memory_space<vmem_shared>> -> memref<10112x128xf32, #tpu.memory_space<vmem_shared>>
          tpu.wait_indirect_dma semaphore(%run_scoped3A_138 : memref<!tpu.dma_semaphore, #tpu.memory_space<semaphore_mem>>) src(%arg12 : memref<128x128xf32, #tpu.memory_space<vmem>>) dst(%dma_wait3A_150 : memref<10112x128xf32, #tpu.memory_space<vmem_shared>>)
          tpu.yield
        }) : () -> ()
      }
      %scan3A_17 = arith.constant 10 : i32
    } else {
    }
    %eq3A_3 = arith.constant 1 : i32
    %eq3A_4 = arith.cmpi eq, %arg0, %eq3A_3 : i32
    %convert_element_type3A_5 = arith.extui %eq3A_4 : i1 to i32
    %cond3A_6 = arith.constant 0 : i32
    %cond3A_7 = arith.cmpi ne, %convert_element_type3A_5, %cond3A_6 : i32
    scf.if %cond3A_7 {
      %scan3A = arith.constant 0 : i32
      %scan3A_13 = arith.constant 0 : i32
      %scan3A_14 = arith.constant 10 : i32
      %scan3A_15 = arith.addi %scan3A_13, %scan3A_14 : i32
      %scan3A_16 = arith.constant 1 : i32
      scf.for %scan3A_18 = %scan3A_13 to %scan3A_15 step %scan3A_16  : i32 {
        %mul3A_19 = arith.constant 8 : i32
        %mul3A_20 = arith.muli %scan3A_18, %mul3A_19 : i32
        %multiple_of3A = tpu.assume_multiple %mul3A_20, 8 : i32
        "tpu.region"() ({
          %run_scoped3A_138 = tpu.sem_alloc : memref<!tpu.dma_semaphore, #tpu.memory_space<semaphore_mem>>
          %dma_start3A_139 = arith.constant 0 : i32
          %dma_start3A_140 = tpu.memref_slice %arg5[%arg1, %multiple_of3A, %dma_start3A_139] : memref<16x80x128xi32, #tpu.memory_space<hbm>> -> memref<1x8x128xi32, #tpu.memory_space<hbm>>
          %dma_start3A_141 = tpu.memref_squeeze %dma_start3A_140 : memref<1x8x128xi32, #tpu.memory_space<hbm>> -> memref<8x128xi32, #tpu.memory_space<hbm>>
          %dma_start3A_142 = arith.constant 0 : i32
          %dma_start3A_143 = tpu.memref_slice %arg5[%arg1, %multiple_of3A, %dma_start3A_142] : memref<16x80x128xi32, #tpu.memory_space<hbm>> -> memref<1x8x128xi32, #tpu.memory_space<hbm>>
          %dma_start3A_144 = tpu.memref_squeeze %dma_start3A_143 : memref<1x8x128xi32, #tpu.memory_space<hbm>> -> memref<8x128xi32, #tpu.memory_space<hbm>>
          tpu.enqueue_dma source(%dma_start3A_144 : memref<8x128xi32, #tpu.memory_space<hbm>>) target(%arg9 : memref<8x128xi32, #tpu.memory_space<vmem>>) target_semaphore(%run_scoped3A_138 : memref<!tpu.dma_semaphore, #tpu.memory_space<semaphore_mem>>)
          %dma_wait3A_145 = arith.constant 0 : i32
          %dma_wait3A_146 = tpu.memref_slice %arg5[%arg1, %multiple_of3A, %dma_wait3A_145] : memref<16x80x128xi32, #tpu.memory_space<hbm>> -> memref<1x8x128xi32, #tpu.memory_space<hbm>>
          %dma_wait3A_147 = tpu.memref_squeeze %dma_wait3A_146 : memref<1x8x128xi32, #tpu.memory_space<hbm>> -> memref<8x128xi32, #tpu.memory_space<hbm>>
          %dma_wait3A_148 = arith.constant 0 : i32
          %dma_wait3A_149 = tpu.memref_slice %arg5[%arg1, %multiple_of3A, %dma_wait3A_148] : memref<16x80x128xi32, #tpu.memory_space<hbm>> -> memref<1x8x128xi32, #tpu.memory_space<hbm>>
          %dma_wait3A_150 = tpu.memref_squeeze %dma_wait3A_149 : memref<1x8x128xi32, #tpu.memory_space<hbm>> -> memref<8x128xi32, #tpu.memory_space<hbm>>
          tpu.wait_dma2 semaphore(%run_scoped3A_138 : memref<!tpu.dma_semaphore, #tpu.memory_space<semaphore_mem>>) src(%dma_wait3A_150 : memref<8x128xi32, #tpu.memory_space<hbm>>) dst(%arg9 : memref<8x128xi32, #tpu.memory_space<vmem>>)
          tpu.yield
        }) : () -> ()
        "tpu.region"() ({
          %run_scoped3A_138 = tpu.sem_alloc : memref<!tpu.dma_semaphore, #tpu.memory_space<semaphore_mem>>
          %dma_start3A_139 = arith.constant 0 : i32
          %dma_start3A_140 = tpu.memref_slice %arg6[%arg1, %multiple_of3A, %dma_start3A_139] : memref<16x80x128xi32, #tpu.memory_space<hbm>> -> memref<1x8x128xi32, #tpu.memory_space<hbm>>
          %dma_start3A_141 = tpu.memref_squeeze %dma_start3A_140 : memref<1x8x128xi32, #tpu.memory_space<hbm>> -> memref<8x128xi32, #tpu.memory_space<hbm>>
          %dma_start3A_142 = arith.constant 0 : i32
          %dma_start3A_143 = tpu.memref_slice %arg6[%arg1, %multiple_of3A, %dma_start3A_142] : memref<16x80x128xi32, #tpu.memory_space<hbm>> -> memref<1x8x128xi32, #tpu.memory_space<hbm>>
          %dma_start3A_144 = tpu.memref_squeeze %dma_start3A_143 : memref<1x8x128xi32, #tpu.memory_space<hbm>> -> memref<8x128xi32, #tpu.memory_space<hbm>>
          tpu.enqueue_dma source(%dma_start3A_144 : memref<8x128xi32, #tpu.memory_space<hbm>>) target(%arg10 : memref<8x128xi32, #tpu.memory_space<vmem>>) target_semaphore(%run_scoped3A_138 : memref<!tpu.dma_semaphore, #tpu.memory_space<semaphore_mem>>)
          %dma_wait3A_145 = arith.constant 0 : i32
          %dma_wait3A_146 = tpu.memref_slice %arg6[%arg1, %multiple_of3A, %dma_wait3A_145] : memref<16x80x128xi32, #tpu.memory_space<hbm>> -> memref<1x8x128xi32, #tpu.memory_space<hbm>>
          %dma_wait3A_147 = tpu.memref_squeeze %dma_wait3A_146 : memref<1x8x128xi32, #tpu.memory_space<hbm>> -> memref<8x128xi32, #tpu.memory_space<hbm>>
          %dma_wait3A_148 = arith.constant 0 : i32
          %dma_wait3A_149 = tpu.memref_slice %arg6[%arg1, %multiple_of3A, %dma_wait3A_148] : memref<16x80x128xi32, #tpu.memory_space<hbm>> -> memref<1x8x128xi32, #tpu.memory_space<hbm>>
          %dma_wait3A_150 = tpu.memref_squeeze %dma_wait3A_149 : memref<1x8x128xi32, #tpu.memory_space<hbm>> -> memref<8x128xi32, #tpu.memory_space<hbm>>
          tpu.wait_dma2 semaphore(%run_scoped3A_138 : memref<!tpu.dma_semaphore, #tpu.memory_space<semaphore_mem>>) src(%dma_wait3A_150 : memref<8x128xi32, #tpu.memory_space<hbm>>) dst(%arg10 : memref<8x128xi32, #tpu.memory_space<vmem>>)
          tpu.yield
        }) : () -> ()
        %dma_start3A = arith.constant 0 : i32
        %dma_start3A_21 = arith.constant 0 : i32
        %dma_start3A_22 = tpu.memref_slice %arg9[%dma_start3A, %dma_start3A_21] : memref<8x128xi32, #tpu.memory_space<vmem>> -> memref<1x128xi32, #tpu.memory_space<vmem>>
        %dma_start3A_23 = tpu.memref_squeeze %dma_start3A_22 : memref<1x128xi32, #tpu.memory_space<vmem>> -> memref<128xi32, #tpu.memory_space<vmem>>
        %dma_start3A_24 = arith.constant 0 : i32
        %dma_start3A_25 = arith.constant 0 : i32
        %dma_start3A_26 = tpu.memref_slice %arg2[%dma_start3A_24, %dma_start3A_25] : memref<10000x128xf32, #tpu.memory_space<hbm>> -> memref<10000x128xf32, #tpu.memory_space<hbm>>
        tpu.enqueue_indirect_dma source(%dma_start3A_26 : memref<10000x128xf32, #tpu.memory_space<hbm>>) target(%arg11 : memref<128x128xf32, #tpu.memory_space<vmem>>) offsets(%dma_start3A_23 : memref<128xi32, #tpu.memory_space<vmem>>) semaphore(%arg14 : memref<!tpu.dma_semaphore, #tpu.memory_space<semaphore_mem>>)
        %dma_start3A_27 = arith.constant 1 : i32
        %dma_start3A_28 = arith.constant 0 : i32
        %dma_start3A_29 = tpu.memref_slice %arg9[%dma_start3A_27, %dma_start3A_28] : memref<8x128xi32, #tpu.memory_space<vmem>> -> memref<1x128xi32, #tpu.memory_space<vmem>>
        %dma_start3A_30 = tpu.memref_squeeze %dma_start3A_29 : memref<1x128xi32, #tpu.memory_space<vmem>> -> memref<128xi32, #tpu.memory_space<vmem>>
        %dma_start3A_31 = arith.constant 0 : i32
        %dma_start3A_32 = arith.constant 0 : i32
        %dma_start3A_33 = tpu.memref_slice %arg2[%dma_start3A_31, %dma_start3A_32] : memref<10000x128xf32, #tpu.memory_space<hbm>> -> memref<10000x128xf32, #tpu.memory_space<hbm>>
        tpu.enqueue_indirect_dma source(%dma_start3A_33 : memref<10000x128xf32, #tpu.memory_space<hbm>>) target(%arg12 : memref<128x128xf32, #tpu.memory_space<vmem>>) offsets(%dma_start3A_30 : memref<128xi32, #tpu.memory_space<vmem>>) semaphore(%arg15 : memref<!tpu.dma_semaphore, #tpu.memory_space<semaphore_mem>>)
        %dma_wait3A = arith.constant 0 : i32
        %dma_wait3A_34 = arith.constant 0 : i32
        %dma_wait3A_35 = tpu.memref_slice %arg9[%dma_wait3A, %dma_wait3A_34] : memref<8x128xi32, #tpu.memory_space<vmem>> -> memref<1x128xi32, #tpu.memory_space<vmem>>
        %dma_wait3A_36 = tpu.memref_squeeze %dma_wait3A_35 : memref<1x128xi32, #tpu.memory_space<vmem>> -> memref<128xi32, #tpu.memory_space<vmem>>
        %dma_wait3A_37 = arith.constant 0 : i32
        %dma_wait3A_38 = arith.constant 0 : i32
        %dma_wait3A_39 = tpu.memref_slice %arg2[%dma_wait3A_37, %dma_wait3A_38] : memref<10000x128xf32, #tpu.memory_space<hbm>> -> memref<10000x128xf32, #tpu.memory_space<hbm>>
        tpu.wait_indirect_dma semaphore(%arg14 : memref<!tpu.dma_semaphore, #tpu.memory_space<semaphore_mem>>) src(%dma_wait3A_39 : memref<10000x128xf32, #tpu.memory_space<hbm>>) dst(%arg11 : memref<128x128xf32, #tpu.memory_space<vmem>>)
        %run_scoped3A = arith.constant 0 : i32
        "tpu.region"() ({
          %run_scoped3A_138 = tpu.sem_alloc : memref<!tpu.dma_semaphore, #tpu.memory_space<semaphore_mem>>
          %dma_start3A_139 = arith.constant 0 : i32
          %dma_start3A_140 = tpu.memref_slice %arg10[%run_scoped3A, %dma_start3A_139] : memref<8x128xi32, #tpu.memory_space<vmem>> -> memref<1x128xi32, #tpu.memory_space<vmem>>
          %dma_start3A_141 = tpu.memref_squeeze %dma_start3A_140 : memref<1x128xi32, #tpu.memory_space<vmem>> -> memref<128xi32, #tpu.memory_space<vmem>>
          %dma_start3A_142 = arith.constant 0 : i32
          %dma_start3A_143 = arith.constant 0 : i32
          %dma_start3A_144 = tpu.memref_slice %arg13[%dma_start3A_142, %dma_start3A_143] : memref<10112x128xf32, #tpu.memory_space<vmem_shared>> -> memref<10112x128xf32, #tpu.memory_space<vmem_shared>>
          tpu.enqueue_indirect_dma source(%arg11 : memref<128x128xf32, #tpu.memory_space<vmem>>) target(%dma_start3A_144 : memref<10112x128xf32, #tpu.memory_space<vmem_shared>>) offsets(%dma_start3A_141 : memref<128xi32, #tpu.memory_space<vmem>>) semaphore(%run_scoped3A_138 : memref<!tpu.dma_semaphore, #tpu.memory_space<semaphore_mem>>) {add = true}
          %dma_wait3A_145 = arith.constant 0 : i32
          %dma_wait3A_146 = tpu.memref_slice %arg10[%run_scoped3A, %dma_wait3A_145] : memref<8x128xi32, #tpu.memory_space<vmem>> -> memref<1x128xi32, #tpu.memory_space<vmem>>
          %dma_wait3A_147 = tpu.memref_squeeze %dma_wait3A_146 : memref<1x128xi32, #tpu.memory_space<vmem>> -> memref<128xi32, #tpu.memory_space<vmem>>
          %dma_wait3A_148 = arith.constant 0 : i32
          %dma_wait3A_149 = arith.constant 0 : i32
          %dma_wait3A_150 = tpu.memref_slice %arg13[%dma_wait3A_148, %dma_wait3A_149] : memref<10112x128xf32, #tpu.memory_space<vmem_shared>> -> memref<10112x128xf32, #tpu.memory_space<vmem_shared>>
          tpu.wait_indirect_dma semaphore(%run_scoped3A_138 : memref<!tpu.dma_semaphore, #tpu.memory_space<semaphore_mem>>) src(%arg11 : memref<128x128xf32, #tpu.memory_space<vmem>>) dst(%dma_wait3A_150 : memref<10112x128xf32, #tpu.memory_space<vmem_shared>>)
          tpu.yield
        }) : () -> ()
        %dma_start3A_40 = arith.constant 2 : i32
        %dma_start3A_41 = arith.constant 0 : i32
        %dma_start3A_42 = tpu.memref_slice %arg9[%dma_start3A_40, %dma_start3A_41] : memref<8x128xi32, #tpu.memory_space<vmem>> -> memref<1x128xi32, #tpu.memory_space<vmem>>
        %dma_start3A_43 = tpu.memref_squeeze %dma_start3A_42 : memref<1x128xi32, #tpu.memory_space<vmem>> -> memref<128xi32, #tpu.memory_space<vmem>>
        %dma_start3A_44 = arith.constant 0 : i32
        %dma_start3A_45 = arith.constant 0 : i32
        %dma_start3A_46 = tpu.memref_slice %arg2[%dma_start3A_44, %dma_start3A_45] : memref<10000x128xf32, #tpu.memory_space<hbm>> -> memref<10000x128xf32, #tpu.memory_space<hbm>>
        tpu.enqueue_indirect_dma source(%dma_start3A_46 : memref<10000x128xf32, #tpu.memory_space<hbm>>) target(%arg11 : memref<128x128xf32, #tpu.memory_space<vmem>>) offsets(%dma_start3A_43 : memref<128xi32, #tpu.memory_space<vmem>>) semaphore(%arg14 : memref<!tpu.dma_semaphore, #tpu.memory_space<semaphore_mem>>)
        %dma_wait3A_47 = arith.constant 1 : i32
        %dma_wait3A_48 = arith.constant 0 : i32
        %dma_wait3A_49 = tpu.memref_slice %arg9[%dma_wait3A_47, %dma_wait3A_48] : memref<8x128xi32, #tpu.memory_space<vmem>> -> memref<1x128xi32, #tpu.memory_space<vmem>>
        %dma_wait3A_50 = tpu.memref_squeeze %dma_wait3A_49 : memref<1x128xi32, #tpu.memory_space<vmem>> -> memref<128xi32, #tpu.memory_space<vmem>>
        %dma_wait3A_51 = arith.constant 0 : i32
        %dma_wait3A_52 = arith.constant 0 : i32
        %dma_wait3A_53 = tpu.memref_slice %arg2[%dma_wait3A_51, %dma_wait3A_52] : memref<10000x128xf32, #tpu.memory_space<hbm>> -> memref<10000x128xf32, #tpu.memory_space<hbm>>
        tpu.wait_indirect_dma semaphore(%arg15 : memref<!tpu.dma_semaphore, #tpu.memory_space<semaphore_mem>>) src(%dma_wait3A_53 : memref<10000x128xf32, #tpu.memory_space<hbm>>) dst(%arg12 : memref<128x128xf32, #tpu.memory_space<vmem>>)
        %run_scoped3A_54 = arith.constant 1 : i32
        "tpu.region"() ({
          %run_scoped3A_138 = tpu.sem_alloc : memref<!tpu.dma_semaphore, #tpu.memory_space<semaphore_mem>>
          %dma_start3A_139 = arith.constant 0 : i32
          %dma_start3A_140 = tpu.memref_slice %arg10[%run_scoped3A_54, %dma_start3A_139] : memref<8x128xi32, #tpu.memory_space<vmem>> -> memref<1x128xi32, #tpu.memory_space<vmem>>
          %dma_start3A_141 = tpu.memref_squeeze %dma_start3A_140 : memref<1x128xi32, #tpu.memory_space<vmem>> -> memref<128xi32, #tpu.memory_space<vmem>>
          %dma_start3A_142 = arith.constant 0 : i32
          %dma_start3A_143 = arith.constant 0 : i32
          %dma_start3A_144 = tpu.memref_slice %arg13[%dma_start3A_142, %dma_start3A_143] : memref<10112x128xf32, #tpu.memory_space<vmem_shared>> -> memref<10112x128xf32, #tpu.memory_space<vmem_shared>>
          tpu.enqueue_indirect_dma source(%arg12 : memref<128x128xf32, #tpu.memory_space<vmem>>) target(%dma_start3A_144 : memref<10112x128xf32, #tpu.memory_space<vmem_shared>>) offsets(%dma_start3A_141 : memref<128xi32, #tpu.memory_space<vmem>>) semaphore(%run_scoped3A_138 : memref<!tpu.dma_semaphore, #tpu.memory_space<semaphore_mem>>) {add = true}
          %dma_wait3A_145 = arith.constant 0 : i32
          %dma_wait3A_146 = tpu.memref_slice %arg10[%run_scoped3A_54, %dma_wait3A_145] : memref<8x128xi32, #tpu.memory_space<vmem>> -> memref<1x128xi32, #tpu.memory_space<vmem>>
          %dma_wait3A_147 = tpu.memref_squeeze %dma_wait3A_146 : memref<1x128xi32, #tpu.memory_space<vmem>> -> memref<128xi32, #tpu.memory_space<vmem>>
          %dma_wait3A_148 = arith.constant 0 : i32
          %dma_wait3A_149 = arith.constant 0 : i32
          %dma_wait3A_150 = tpu.memref_slice %arg13[%dma_wait3A_148, %dma_wait3A_149] : memref<10112x128xf32, #tpu.memory_space<vmem_shared>> -> memref<10112x128xf32, #tpu.memory_space<vmem_shared>>
          tpu.wait_indirect_dma semaphore(%run_scoped3A_138 : memref<!tpu.dma_semaphore, #tpu.memory_space<semaphore_mem>>) src(%arg12 : memref<128x128xf32, #tpu.memory_space<vmem>>) dst(%dma_wait3A_150 : memref<10112x128xf32, #tpu.memory_space<vmem_shared>>)
          tpu.yield
        }) : () -> ()
        %dma_start3A_55 = arith.constant 3 : i32
        %dma_start3A_56 = arith.constant 0 : i32
        %dma_start3A_57 = tpu.memref_slice %arg9[%dma_start3A_55, %dma_start3A_56] : memref<8x128xi32, #tpu.memory_space<vmem>> -> memref<1x128xi32, #tpu.memory_space<vmem>>
        %dma_start3A_58 = tpu.memref_squeeze %dma_start3A_57 : memref<1x128xi32, #tpu.memory_space<vmem>> -> memref<128xi32, #tpu.memory_space<vmem>>
        %dma_start3A_59 = arith.constant 0 : i32
        %dma_start3A_60 = arith.constant 0 : i32
        %dma_start3A_61 = tpu.memref_slice %arg2[%dma_start3A_59, %dma_start3A_60] : memref<10000x128xf32, #tpu.memory_space<hbm>> -> memref<10000x128xf32, #tpu.memory_space<hbm>>
        tpu.enqueue_indirect_dma source(%dma_start3A_61 : memref<10000x128xf32, #tpu.memory_space<hbm>>) target(%arg12 : memref<128x128xf32, #tpu.memory_space<vmem>>) offsets(%dma_start3A_58 : memref<128xi32, #tpu.memory_space<vmem>>) semaphore(%arg15 : memref<!tpu.dma_semaphore, #tpu.memory_space<semaphore_mem>>)
        %dma_wait3A_62 = arith.constant 2 : i32
        %dma_wait3A_63 = arith.constant 0 : i32
        %dma_wait3A_64 = tpu.memref_slice %arg9[%dma_wait3A_62, %dma_wait3A_63] : memref<8x128xi32, #tpu.memory_space<vmem>> -> memref<1x128xi32, #tpu.memory_space<vmem>>
        %dma_wait3A_65 = tpu.memref_squeeze %dma_wait3A_64 : memref<1x128xi32, #tpu.memory_space<vmem>> -> memref<128xi32, #tpu.memory_space<vmem>>
        %dma_wait3A_66 = arith.constant 0 : i32
        %dma_wait3A_67 = arith.constant 0 : i32
        %dma_wait3A_68 = tpu.memref_slice %arg2[%dma_wait3A_66, %dma_wait3A_67] : memref<10000x128xf32, #tpu.memory_space<hbm>> -> memref<10000x128xf32, #tpu.memory_space<hbm>>
        tpu.wait_indirect_dma semaphore(%arg14 : memref<!tpu.dma_semaphore, #tpu.memory_space<semaphore_mem>>) src(%dma_wait3A_68 : memref<10000x128xf32, #tpu.memory_space<hbm>>) dst(%arg11 : memref<128x128xf32, #tpu.memory_space<vmem>>)
        %run_scoped3A_69 = arith.constant 2 : i32
        "tpu.region"() ({
          %run_scoped3A_138 = tpu.sem_alloc : memref<!tpu.dma_semaphore, #tpu.memory_space<semaphore_mem>>
          %dma_start3A_139 = arith.constant 0 : i32
          %dma_start3A_140 = tpu.memref_slice %arg10[%run_scoped3A_69, %dma_start3A_139] : memref<8x128xi32, #tpu.memory_space<vmem>> -> memref<1x128xi32, #tpu.memory_space<vmem>>
          %dma_start3A_141 = tpu.memref_squeeze %dma_start3A_140 : memref<1x128xi32, #tpu.memory_space<vmem>> -> memref<128xi32, #tpu.memory_space<vmem>>
          %dma_start3A_142 = arith.constant 0 : i32
          %dma_start3A_143 = arith.constant 0 : i32
          %dma_start3A_144 = tpu.memref_slice %arg13[%dma_start3A_142, %dma_start3A_143] : memref<10112x128xf32, #tpu.memory_space<vmem_shared>> -> memref<10112x128xf32, #tpu.memory_space<vmem_shared>>
          tpu.enqueue_indirect_dma source(%arg11 : memref<128x128xf32, #tpu.memory_space<vmem>>) target(%dma_start3A_144 : memref<10112x128xf32, #tpu.memory_space<vmem_shared>>) offsets(%dma_start3A_141 : memref<128xi32, #tpu.memory_space<vmem>>) semaphore(%run_scoped3A_138 : memref<!tpu.dma_semaphore, #tpu.memory_space<semaphore_mem>>) {add = true}
          %dma_wait3A_145 = arith.constant 0 : i32
          %dma_wait3A_146 = tpu.memref_slice %arg10[%run_scoped3A_69, %dma_wait3A_145] : memref<8x128xi32, #tpu.memory_space<vmem>> -> memref<1x128xi32, #tpu.memory_space<vmem>>
          %dma_wait3A_147 = tpu.memref_squeeze %dma_wait3A_146 : memref<1x128xi32, #tpu.memory_space<vmem>> -> memref<128xi32, #tpu.memory_space<vmem>>
          %dma_wait3A_148 = arith.constant 0 : i32
          %dma_wait3A_149 = arith.constant 0 : i32
          %dma_wait3A_150 = tpu.memref_slice %arg13[%dma_wait3A_148, %dma_wait3A_149] : memref<10112x128xf32, #tpu.memory_space<vmem_shared>> -> memref<10112x128xf32, #tpu.memory_space<vmem_shared>>
          tpu.wait_indirect_dma semaphore(%run_scoped3A_138 : memref<!tpu.dma_semaphore, #tpu.memory_space<semaphore_mem>>) src(%arg11 : memref<128x128xf32, #tpu.memory_space<vmem>>) dst(%dma_wait3A_150 : memref<10112x128xf32, #tpu.memory_space<vmem_shared>>)
          tpu.yield
        }) : () -> ()
        %dma_start3A_70 = arith.constant 4 : i32
        %dma_start3A_71 = arith.constant 0 : i32
        %dma_start3A_72 = tpu.memref_slice %arg9[%dma_start3A_70, %dma_start3A_71] : memref<8x128xi32, #tpu.memory_space<vmem>> -> memref<1x128xi32, #tpu.memory_space<vmem>>
        %dma_start3A_73 = tpu.memref_squeeze %dma_start3A_72 : memref<1x128xi32, #tpu.memory_space<vmem>> -> memref<128xi32, #tpu.memory_space<vmem>>
        %dma_start3A_74 = arith.constant 0 : i32
        %dma_start3A_75 = arith.constant 0 : i32
        %dma_start3A_76 = tpu.memref_slice %arg2[%dma_start3A_74, %dma_start3A_75] : memref<10000x128xf32, #tpu.memory_space<hbm>> -> memref<10000x128xf32, #tpu.memory_space<hbm>>
        tpu.enqueue_indirect_dma source(%dma_start3A_76 : memref<10000x128xf32, #tpu.memory_space<hbm>>) target(%arg11 : memref<128x128xf32, #tpu.memory_space<vmem>>) offsets(%dma_start3A_73 : memref<128xi32, #tpu.memory_space<vmem>>) semaphore(%arg14 : memref<!tpu.dma_semaphore, #tpu.memory_space<semaphore_mem>>)
        %dma_wait3A_77 = arith.constant 3 : i32
        %dma_wait3A_78 = arith.constant 0 : i32
        %dma_wait3A_79 = tpu.memref_slice %arg9[%dma_wait3A_77, %dma_wait3A_78] : memref<8x128xi32, #tpu.memory_space<vmem>> -> memref<1x128xi32, #tpu.memory_space<vmem>>
        %dma_wait3A_80 = tpu.memref_squeeze %dma_wait3A_79 : memref<1x128xi32, #tpu.memory_space<vmem>> -> memref<128xi32, #tpu.memory_space<vmem>>
        %dma_wait3A_81 = arith.constant 0 : i32
        %dma_wait3A_82 = arith.constant 0 : i32
        %dma_wait3A_83 = tpu.memref_slice %arg2[%dma_wait3A_81, %dma_wait3A_82] : memref<10000x128xf32, #tpu.memory_space<hbm>> -> memref<10000x128xf32, #tpu.memory_space<hbm>>
        tpu.wait_indirect_dma semaphore(%arg15 : memref<!tpu.dma_semaphore, #tpu.memory_space<semaphore_mem>>) src(%dma_wait3A_83 : memref<10000x128xf32, #tpu.memory_space<hbm>>) dst(%arg12 : memref<128x128xf32, #tpu.memory_space<vmem>>)
        %run_scoped3A_84 = arith.constant 3 : i32
        "tpu.region"() ({
          %run_scoped3A_138 = tpu.sem_alloc : memref<!tpu.dma_semaphore, #tpu.memory_space<semaphore_mem>>
          %dma_start3A_139 = arith.constant 0 : i32
          %dma_start3A_140 = tpu.memref_slice %arg10[%run_scoped3A_84, %dma_start3A_139] : memref<8x128xi32, #tpu.memory_space<vmem>> -> memref<1x128xi32, #tpu.memory_space<vmem>>
          %dma_start3A_141 = tpu.memref_squeeze %dma_start3A_140 : memref<1x128xi32, #tpu.memory_space<vmem>> -> memref<128xi32, #tpu.memory_space<vmem>>
          %dma_start3A_142 = arith.constant 0 : i32
          %dma_start3A_143 = arith.constant 0 : i32
          %dma_start3A_144 = tpu.memref_slice %arg13[%dma_start3A_142, %dma_start3A_143] : memref<10112x128xf32, #tpu.memory_space<vmem_shared>> -> memref<10112x128xf32, #tpu.memory_space<vmem_shared>>
          tpu.enqueue_indirect_dma source(%arg12 : memref<128x128xf32, #tpu.memory_space<vmem>>) target(%dma_start3A_144 : memref<10112x128xf32, #tpu.memory_space<vmem_shared>>) offsets(%dma_start3A_141 : memref<128xi32, #tpu.memory_space<vmem>>) semaphore(%run_scoped3A_138 : memref<!tpu.dma_semaphore, #tpu.memory_space<semaphore_mem>>) {add = true}
          %dma_wait3A_145 = arith.constant 0 : i32
          %dma_wait3A_146 = tpu.memref_slice %arg10[%run_scoped3A_84, %dma_wait3A_145] : memref<8x128xi32, #tpu.memory_space<vmem>> -> memref<1x128xi32, #tpu.memory_space<vmem>>
          %dma_wait3A_147 = tpu.memref_squeeze %dma_wait3A_146 : memref<1x128xi32, #tpu.memory_space<vmem>> -> memref<128xi32, #tpu.memory_space<vmem>>
          %dma_wait3A_148 = arith.constant 0 : i32
          %dma_wait3A_149 = arith.constant 0 : i32
          %dma_wait3A_150 = tpu.memref_slice %arg13[%dma_wait3A_148, %dma_wait3A_149] : memref<10112x128xf32, #tpu.memory_space<vmem_shared>> -> memref<10112x128xf32, #tpu.memory_space<vmem_shared>>
          tpu.wait_indirect_dma semaphore(%run_scoped3A_138 : memref<!tpu.dma_semaphore, #tpu.memory_space<semaphore_mem>>) src(%arg12 : memref<128x128xf32, #tpu.memory_space<vmem>>) dst(%dma_wait3A_150 : memref<10112x128xf32, #tpu.memory_space<vmem_shared>>)
          tpu.yield
        }) : () -> ()
        %dma_start3A_85 = arith.constant 5 : i32
        %dma_start3A_86 = arith.constant 0 : i32
        %dma_start3A_87 = tpu.memref_slice %arg9[%dma_start3A_85, %dma_start3A_86] : memref<8x128xi32, #tpu.memory_space<vmem>> -> memref<1x128xi32, #tpu.memory_space<vmem>>
        %dma_start3A_88 = tpu.memref_squeeze %dma_start3A_87 : memref<1x128xi32, #tpu.memory_space<vmem>> -> memref<128xi32, #tpu.memory_space<vmem>>
        %dma_start3A_89 = arith.constant 0 : i32
        %dma_start3A_90 = arith.constant 0 : i32
        %dma_start3A_91 = tpu.memref_slice %arg2[%dma_start3A_89, %dma_start3A_90] : memref<10000x128xf32, #tpu.memory_space<hbm>> -> memref<10000x128xf32, #tpu.memory_space<hbm>>
        tpu.enqueue_indirect_dma source(%dma_start3A_91 : memref<10000x128xf32, #tpu.memory_space<hbm>>) target(%arg12 : memref<128x128xf32, #tpu.memory_space<vmem>>) offsets(%dma_start3A_88 : memref<128xi32, #tpu.memory_space<vmem>>) semaphore(%arg15 : memref<!tpu.dma_semaphore, #tpu.memory_space<semaphore_mem>>)
        %dma_wait3A_92 = arith.constant 4 : i32
        %dma_wait3A_93 = arith.constant 0 : i32
        %dma_wait3A_94 = tpu.memref_slice %arg9[%dma_wait3A_92, %dma_wait3A_93] : memref<8x128xi32, #tpu.memory_space<vmem>> -> memref<1x128xi32, #tpu.memory_space<vmem>>
        %dma_wait3A_95 = tpu.memref_squeeze %dma_wait3A_94 : memref<1x128xi32, #tpu.memory_space<vmem>> -> memref<128xi32, #tpu.memory_space<vmem>>
        %dma_wait3A_96 = arith.constant 0 : i32
        %dma_wait3A_97 = arith.constant 0 : i32
        %dma_wait3A_98 = tpu.memref_slice %arg2[%dma_wait3A_96, %dma_wait3A_97] : memref<10000x128xf32, #tpu.memory_space<hbm>> -> memref<10000x128xf32, #tpu.memory_space<hbm>>
        tpu.wait_indirect_dma semaphore(%arg14 : memref<!tpu.dma_semaphore, #tpu.memory_space<semaphore_mem>>) src(%dma_wait3A_98 : memref<10000x128xf32, #tpu.memory_space<hbm>>) dst(%arg11 : memref<128x128xf32, #tpu.memory_space<vmem>>)
        %run_scoped3A_99 = arith.constant 4 : i32
        "tpu.region"() ({
          %run_scoped3A_138 = tpu.sem_alloc : memref<!tpu.dma_semaphore, #tpu.memory_space<semaphore_mem>>
          %dma_start3A_139 = arith.constant 0 : i32
          %dma_start3A_140 = tpu.memref_slice %arg10[%run_scoped3A_99, %dma_start3A_139] : memref<8x128xi32, #tpu.memory_space<vmem>> -> memref<1x128xi32, #tpu.memory_space<vmem>>
          %dma_start3A_141 = tpu.memref_squeeze %dma_start3A_140 : memref<1x128xi32, #tpu.memory_space<vmem>> -> memref<128xi32, #tpu.memory_space<vmem>>
          %dma_start3A_142 = arith.constant 0 : i32
          %dma_start3A_143 = arith.constant 0 : i32
          %dma_start3A_144 = tpu.memref_slice %arg13[%dma_start3A_142, %dma_start3A_143] : memref<10112x128xf32, #tpu.memory_space<vmem_shared>> -> memref<10112x128xf32, #tpu.memory_space<vmem_shared>>
          tpu.enqueue_indirect_dma source(%arg11 : memref<128x128xf32, #tpu.memory_space<vmem>>) target(%dma_start3A_144 : memref<10112x128xf32, #tpu.memory_space<vmem_shared>>) offsets(%dma_start3A_141 : memref<128xi32, #tpu.memory_space<vmem>>) semaphore(%run_scoped3A_138 : memref<!tpu.dma_semaphore, #tpu.memory_space<semaphore_mem>>) {add = true}
          %dma_wait3A_145 = arith.constant 0 : i32
          %dma_wait3A_146 = tpu.memref_slice %arg10[%run_scoped3A_99, %dma_wait3A_145] : memref<8x128xi32, #tpu.memory_space<vmem>> -> memref<1x128xi32, #tpu.memory_space<vmem>>
          %dma_wait3A_147 = tpu.memref_squeeze %dma_wait3A_146 : memref<1x128xi32, #tpu.memory_space<vmem>> -> memref<128xi32, #tpu.memory_space<vmem>>
          %dma_wait3A_148 = arith.constant 0 : i32
          %dma_wait3A_149 = arith.constant 0 : i32
          %dma_wait3A_150 = tpu.memref_slice %arg13[%dma_wait3A_148, %dma_wait3A_149] : memref<10112x128xf32, #tpu.memory_space<vmem_shared>> -> memref<10112x128xf32, #tpu.memory_space<vmem_shared>>
          tpu.wait_indirect_dma semaphore(%run_scoped3A_138 : memref<!tpu.dma_semaphore, #tpu.memory_space<semaphore_mem>>) src(%arg11 : memref<128x128xf32, #tpu.memory_space<vmem>>) dst(%dma_wait3A_150 : memref<10112x128xf32, #tpu.memory_space<vmem_shared>>)
          tpu.yield
        }) : () -> ()
        %dma_start3A_100 = arith.constant 6 : i32
        %dma_start3A_101 = arith.constant 0 : i32
        %dma_start3A_102 = tpu.memref_slice %arg9[%dma_start3A_100, %dma_start3A_101] : memref<8x128xi32, #tpu.memory_space<vmem>> -> memref<1x128xi32, #tpu.memory_space<vmem>>
        %dma_start3A_103 = tpu.memref_squeeze %dma_start3A_102 : memref<1x128xi32, #tpu.memory_space<vmem>> -> memref<128xi32, #tpu.memory_space<vmem>>
        %dma_start3A_104 = arith.constant 0 : i32
        %dma_start3A_105 = arith.constant 0 : i32
        %dma_start3A_106 = tpu.memref_slice %arg2[%dma_start3A_104, %dma_start3A_105] : memref<10000x128xf32, #tpu.memory_space<hbm>> -> memref<10000x128xf32, #tpu.memory_space<hbm>>
        tpu.enqueue_indirect_dma source(%dma_start3A_106 : memref<10000x128xf32, #tpu.memory_space<hbm>>) target(%arg11 : memref<128x128xf32, #tpu.memory_space<vmem>>) offsets(%dma_start3A_103 : memref<128xi32, #tpu.memory_space<vmem>>) semaphore(%arg14 : memref<!tpu.dma_semaphore, #tpu.memory_space<semaphore_mem>>)
        %dma_wait3A_107 = arith.constant 5 : i32
        %dma_wait3A_108 = arith.constant 0 : i32
        %dma_wait3A_109 = tpu.memref_slice %arg9[%dma_wait3A_107, %dma_wait3A_108] : memref<8x128xi32, #tpu.memory_space<vmem>> -> memref<1x128xi32, #tpu.memory_space<vmem>>
        %dma_wait3A_110 = tpu.memref_squeeze %dma_wait3A_109 : memref<1x128xi32, #tpu.memory_space<vmem>> -> memref<128xi32, #tpu.memory_space<vmem>>
        %dma_wait3A_111 = arith.constant 0 : i32
        %dma_wait3A_112 = arith.constant 0 : i32
        %dma_wait3A_113 = tpu.memref_slice %arg2[%dma_wait3A_111, %dma_wait3A_112] : memref<10000x128xf32, #tpu.memory_space<hbm>> -> memref<10000x128xf32, #tpu.memory_space<hbm>>
        tpu.wait_indirect_dma semaphore(%arg15 : memref<!tpu.dma_semaphore, #tpu.memory_space<semaphore_mem>>) src(%dma_wait3A_113 : memref<10000x128xf32, #tpu.memory_space<hbm>>) dst(%arg12 : memref<128x128xf32, #tpu.memory_space<vmem>>)
        %run_scoped3A_114 = arith.constant 5 : i32
        "tpu.region"() ({
          %run_scoped3A_138 = tpu.sem_alloc : memref<!tpu.dma_semaphore, #tpu.memory_space<semaphore_mem>>
          %dma_start3A_139 = arith.constant 0 : i32
          %dma_start3A_140 = tpu.memref_slice %arg10[%run_scoped3A_114, %dma_start3A_139] : memref<8x128xi32, #tpu.memory_space<vmem>> -> memref<1x128xi32, #tpu.memory_space<vmem>>
          %dma_start3A_141 = tpu.memref_squeeze %dma_start3A_140 : memref<1x128xi32, #tpu.memory_space<vmem>> -> memref<128xi32, #tpu.memory_space<vmem>>
          %dma_start3A_142 = arith.constant 0 : i32
          %dma_start3A_143 = arith.constant 0 : i32
          %dma_start3A_144 = tpu.memref_slice %arg13[%dma_start3A_142, %dma_start3A_143] : memref<10112x128xf32, #tpu.memory_space<vmem_shared>> -> memref<10112x128xf32, #tpu.memory_space<vmem_shared>>
          tpu.enqueue_indirect_dma source(%arg12 : memref<128x128xf32, #tpu.memory_space<vmem>>) target(%dma_start3A_144 : memref<10112x128xf32, #tpu.memory_space<vmem_shared>>) offsets(%dma_start3A_141 : memref<128xi32, #tpu.memory_space<vmem>>) semaphore(%run_scoped3A_138 : memref<!tpu.dma_semaphore, #tpu.memory_space<semaphore_mem>>) {add = true}
          %dma_wait3A_145 = arith.constant 0 : i32
          %dma_wait3A_146 = tpu.memref_slice %arg10[%run_scoped3A_114, %dma_wait3A_145] : memref<8x128xi32, #tpu.memory_space<vmem>> -> memref<1x128xi32, #tpu.memory_space<vmem>>
          %dma_wait3A_147 = tpu.memref_squeeze %dma_wait3A_146 : memref<1x128xi32, #tpu.memory_space<vmem>> -> memref<128xi32, #tpu.memory_space<vmem>>
          %dma_wait3A_148 = arith.constant 0 : i32
          %dma_wait3A_149 = arith.constant 0 : i32
          %dma_wait3A_150 = tpu.memref_slice %arg13[%dma_wait3A_148, %dma_wait3A_149] : memref<10112x128xf32, #tpu.memory_space<vmem_shared>> -> memref<10112x128xf32, #tpu.memory_space<vmem_shared>>
          tpu.wait_indirect_dma semaphore(%run_scoped3A_138 : memref<!tpu.dma_semaphore, #tpu.memory_space<semaphore_mem>>) src(%arg12 : memref<128x128xf32, #tpu.memory_space<vmem>>) dst(%dma_wait3A_150 : memref<10112x128xf32, #tpu.memory_space<vmem_shared>>)
          tpu.yield
        }) : () -> ()
        %dma_start3A_115 = arith.constant 7 : i32
        %dma_start3A_116 = arith.constant 0 : i32
        %dma_start3A_117 = tpu.memref_slice %arg9[%dma_start3A_115, %dma_start3A_116] : memref<8x128xi32, #tpu.memory_space<vmem>> -> memref<1x128xi32, #tpu.memory_space<vmem>>
        %dma_start3A_118 = tpu.memref_squeeze %dma_start3A_117 : memref<1x128xi32, #tpu.memory_space<vmem>> -> memref<128xi32, #tpu.memory_space<vmem>>
        %dma_start3A_119 = arith.constant 0 : i32
        %dma_start3A_120 = arith.constant 0 : i32
        %dma_start3A_121 = tpu.memref_slice %arg2[%dma_start3A_119, %dma_start3A_120] : memref<10000x128xf32, #tpu.memory_space<hbm>> -> memref<10000x128xf32, #tpu.memory_space<hbm>>
        tpu.enqueue_indirect_dma source(%dma_start3A_121 : memref<10000x128xf32, #tpu.memory_space<hbm>>) target(%arg12 : memref<128x128xf32, #tpu.memory_space<vmem>>) offsets(%dma_start3A_118 : memref<128xi32, #tpu.memory_space<vmem>>) semaphore(%arg15 : memref<!tpu.dma_semaphore, #tpu.memory_space<semaphore_mem>>)
        %dma_wait3A_122 = arith.constant 6 : i32
        %dma_wait3A_123 = arith.constant 0 : i32
        %dma_wait3A_124 = tpu.memref_slice %arg9[%dma_wait3A_122, %dma_wait3A_123] : memref<8x128xi32, #tpu.memory_space<vmem>> -> memref<1x128xi32, #tpu.memory_space<vmem>>
        %dma_wait3A_125 = tpu.memref_squeeze %dma_wait3A_124 : memref<1x128xi32, #tpu.memory_space<vmem>> -> memref<128xi32, #tpu.memory_space<vmem>>
        %dma_wait3A_126 = arith.constant 0 : i32
        %dma_wait3A_127 = arith.constant 0 : i32
        %dma_wait3A_128 = tpu.memref_slice %arg2[%dma_wait3A_126, %dma_wait3A_127] : memref<10000x128xf32, #tpu.memory_space<hbm>> -> memref<10000x128xf32, #tpu.memory_space<hbm>>
        tpu.wait_indirect_dma semaphore(%arg14 : memref<!tpu.dma_semaphore, #tpu.memory_space<semaphore_mem>>) src(%dma_wait3A_128 : memref<10000x128xf32, #tpu.memory_space<hbm>>) dst(%arg11 : memref<128x128xf32, #tpu.memory_space<vmem>>)
        %run_scoped3A_129 = arith.constant 6 : i32
        "tpu.region"() ({
          %run_scoped3A_138 = tpu.sem_alloc : memref<!tpu.dma_semaphore, #tpu.memory_space<semaphore_mem>>
          %dma_start3A_139 = arith.constant 0 : i32
          %dma_start3A_140 = tpu.memref_slice %arg10[%run_scoped3A_129, %dma_start3A_139] : memref<8x128xi32, #tpu.memory_space<vmem>> -> memref<1x128xi32, #tpu.memory_space<vmem>>
          %dma_start3A_141 = tpu.memref_squeeze %dma_start3A_140 : memref<1x128xi32, #tpu.memory_space<vmem>> -> memref<128xi32, #tpu.memory_space<vmem>>
          %dma_start3A_142 = arith.constant 0 : i32
          %dma_start3A_143 = arith.constant 0 : i32
          %dma_start3A_144 = tpu.memref_slice %arg13[%dma_start3A_142, %dma_start3A_143] : memref<10112x128xf32, #tpu.memory_space<vmem_shared>> -> memref<10112x128xf32, #tpu.memory_space<vmem_shared>>
          tpu.enqueue_indirect_dma source(%arg11 : memref<128x128xf32, #tpu.memory_space<vmem>>) target(%dma_start3A_144 : memref<10112x128xf32, #tpu.memory_space<vmem_shared>>) offsets(%dma_start3A_141 : memref<128xi32, #tpu.memory_space<vmem>>) semaphore(%run_scoped3A_138 : memref<!tpu.dma_semaphore, #tpu.memory_space<semaphore_mem>>) {add = true}
          %dma_wait3A_145 = arith.constant 0 : i32
          %dma_wait3A_146 = tpu.memref_slice %arg10[%run_scoped3A_129, %dma_wait3A_145] : memref<8x128xi32, #tpu.memory_space<vmem>> -> memref<1x128xi32, #tpu.memory_space<vmem>>
          %dma_wait3A_147 = tpu.memref_squeeze %dma_wait3A_146 : memref<1x128xi32, #tpu.memory_space<vmem>> -> memref<128xi32, #tpu.memory_space<vmem>>
          %dma_wait3A_148 = arith.constant 0 : i32
          %dma_wait3A_149 = arith.constant 0 : i32
          %dma_wait3A_150 = tpu.memref_slice %arg13[%dma_wait3A_148, %dma_wait3A_149] : memref<10112x128xf32, #tpu.memory_space<vmem_shared>> -> memref<10112x128xf32, #tpu.memory_space<vmem_shared>>
          tpu.wait_indirect_dma semaphore(%run_scoped3A_138 : memref<!tpu.dma_semaphore, #tpu.memory_space<semaphore_mem>>) src(%arg11 : memref<128x128xf32, #tpu.memory_space<vmem>>) dst(%dma_wait3A_150 : memref<10112x128xf32, #tpu.memory_space<vmem_shared>>)
          tpu.yield
        }) : () -> ()
        %dma_wait3A_130 = arith.constant 7 : i32
        %dma_wait3A_131 = arith.constant 0 : i32
        %dma_wait3A_132 = tpu.memref_slice %arg9[%dma_wait3A_130, %dma_wait3A_131] : memref<8x128xi32, #tpu.memory_space<vmem>> -> memref<1x128xi32, #tpu.memory_space<vmem>>
        %dma_wait3A_133 = tpu.memref_squeeze %dma_wait3A_132 : memref<1x128xi32, #tpu.memory_space<vmem>> -> memref<128xi32, #tpu.memory_space<vmem>>
        %dma_wait3A_134 = arith.constant 0 : i32
        %dma_wait3A_135 = arith.constant 0 : i32
        %dma_wait3A_136 = tpu.memref_slice %arg2[%dma_wait3A_134, %dma_wait3A_135] : memref<10000x128xf32, #tpu.memory_space<hbm>> -> memref<10000x128xf32, #tpu.memory_space<hbm>>
        tpu.wait_indirect_dma semaphore(%arg15 : memref<!tpu.dma_semaphore, #tpu.memory_space<semaphore_mem>>) src(%dma_wait3A_136 : memref<10000x128xf32, #tpu.memory_space<hbm>>) dst(%arg12 : memref<128x128xf32, #tpu.memory_space<vmem>>)
        %run_scoped3A_137 = arith.constant 7 : i32
        "tpu.region"() ({
          %run_scoped3A_138 = tpu.sem_alloc : memref<!tpu.dma_semaphore, #tpu.memory_space<semaphore_mem>>
          %dma_start3A_139 = arith.constant 0 : i32
          %dma_start3A_140 = tpu.memref_slice %arg10[%run_scoped3A_137, %dma_start3A_139] : memref<8x128xi32, #tpu.memory_space<vmem>> -> memref<1x128xi32, #tpu.memory_space<vmem>>
          %dma_start3A_141 = tpu.memref_squeeze %dma_start3A_140 : memref<1x128xi32, #tpu.memory_space<vmem>> -> memref<128xi32, #tpu.memory_space<vmem>>
          %dma_start3A_142 = arith.constant 0 : i32
          %dma_start3A_143 = arith.constant 0 : i32
          %dma_start3A_144 = tpu.memref_slice %arg13[%dma_start3A_142, %dma_start3A_143] : memref<10112x128xf32, #tpu.memory_space<vmem_shared>> -> memref<10112x128xf32, #tpu.memory_space<vmem_shared>>
          tpu.enqueue_indirect_dma source(%arg12 : memref<128x128xf32, #tpu.memory_space<vmem>>) target(%dma_start3A_144 : memref<10112x128xf32, #tpu.memory_space<vmem_shared>>) offsets(%dma_start3A_141 : memref<128xi32, #tpu.memory_space<vmem>>) semaphore(%run_scoped3A_138 : memref<!tpu.dma_semaphore, #tpu.memory_space<semaphore_mem>>) {add = true}
          %dma_wait3A_145 = arith.constant 0 : i32
          %dma_wait3A_146 = tpu.memref_slice %arg10[%run_scoped3A_137, %dma_wait3A_145] : memref<8x128xi32, #tpu.memory_space<vmem>> -> memref<1x128xi32, #tpu.memory_space<vmem>>
          %dma_wait3A_147 = tpu.memref_squeeze %dma_wait3A_146 : memref<1x128xi32, #tpu.memory_space<vmem>> -> memref<128xi32, #tpu.memory_space<vmem>>
          %dma_wait3A_148 = arith.constant 0 : i32
          %dma_wait3A_149 = arith.constant 0 : i32
          %dma_wait3A_150 = tpu.memref_slice %arg13[%dma_wait3A_148, %dma_wait3A_149] : memref<10112x128xf32, #tpu.memory_space<vmem_shared>> -> memref<10112x128xf32, #tpu.memory_space<vmem_shared>>
          tpu.wait_indirect_dma semaphore(%run_scoped3A_138 : memref<!tpu.dma_semaphore, #tpu.memory_space<semaphore_mem>>) src(%arg12 : memref<128x128xf32, #tpu.memory_space<vmem>>) dst(%dma_wait3A_150 : memref<10112x128xf32, #tpu.memory_space<vmem_shared>>)
          tpu.yield
        }) : () -> ()
      }
      %scan3A_17 = arith.constant 10 : i32
    } else {
    }
    %barrier3A_8 = arith.constant 0 : index
    tpu.barrier barrier_id(%barrier3A_8)
    %mul3A_9 = arith.constant 632 : i32
    %mul3A_10 = arith.muli %arg1, %mul3A_9 : i32
    %mul3A_11 = arith.constant 632 : i32
    %mul3A_12 = arith.muli %arg1, %mul3A_11 : i32
    "tpu.region"() ({
      %run_scoped3A = tpu.sem_alloc : memref<!tpu.dma_semaphore, #tpu.memory_space<semaphore_mem>>
      %dma_start3A = arith.constant 0 : i32
      %dma_start3A_13 = tpu.memref_slice %arg8[%arg0, %mul3A_12, %dma_start3A] : memref<2x10112x128xf32, #tpu.memory_space<hbm>> -> memref<1x632x128xf32, #tpu.memory_space<hbm>>
      %dma_start3A_14 = tpu.memref_squeeze %dma_start3A_13 : memref<1x632x128xf32, #tpu.memory_space<hbm>> -> memref<632x128xf32, #tpu.memory_space<hbm>>
      %dma_start3A_15 = arith.constant 0 : i32
      %dma_start3A_16 = tpu.memref_slice %arg13[%mul3A_10, %dma_start3A_15] : memref<10112x128xf32, #tpu.memory_space<vmem_shared>> -> memref<632x128xf32, #tpu.memory_space<vmem_shared>>
      tpu.enqueue_dma source(%dma_start3A_16 : memref<632x128xf32, #tpu.memory_space<vmem_shared>>) target(%dma_start3A_14 : memref<632x128xf32, #tpu.memory_space<hbm>>) target_semaphore(%run_scoped3A : memref<!tpu.dma_semaphore, #tpu.memory_space<semaphore_mem>>)
      %dma_wait3A = arith.constant 0 : i32
      %dma_wait3A_17 = tpu.memref_slice %arg8[%arg0, %mul3A_12, %dma_wait3A] : memref<2x10112x128xf32, #tpu.memory_space<hbm>> -> memref<1x632x128xf32, #tpu.memory_space<hbm>>
      %dma_wait3A_18 = tpu.memref_squeeze %dma_wait3A_17 : memref<1x632x128xf32, #tpu.memory_space<hbm>> -> memref<632x128xf32, #tpu.memory_space<hbm>>
      %dma_wait3A_19 = arith.constant 0 : i32
      %dma_wait3A_20 = tpu.memref_slice %arg13[%mul3A_10, %dma_wait3A_19] : memref<10112x128xf32, #tpu.memory_space<vmem_shared>> -> memref<632x128xf32, #tpu.memory_space<vmem_shared>>
      tpu.wait_dma2 semaphore(%run_scoped3A : memref<!tpu.dma_semaphore, #tpu.memory_space<semaphore_mem>>) src(%dma_wait3A_20 : memref<632x128xf32, #tpu.memory_space<vmem_shared>>) dst(%dma_wait3A_18 : memref<632x128xf32, #tpu.memory_space<hbm>>)
      tpu.yield
    }) : () -> ()
    return
  }
}

module attributes {stable_mosaic.version = 14 : i64} {
  func.func @_t1_body(%arg0: i32, %arg1: memref<2000x128xf32, #tpu.memory_space<vmem>>, %arg2: memref<128x128xf32, #tpu.memory_space<vmem>>, %arg3: memref<1x128xf32, #tpu.memory_space<vmem>>, %arg4: memref<128x128xf32, #tpu.memory_space<vmem>>, %arg5: memref<2x2000x128xf32, #tpu.memory_space<vmem>>, %arg6: memref<2000x128xf32, #tpu.memory_space<vmem>>, %arg7: memref<2000x128xf32, #tpu.memory_space<vmem>>) attributes {dimension_semantics = [#tpu.dimension_semantics<arbitrary>], iteration_bounds = array<i64: 5>, scalar_prefetch = 0 : i64, scratch_operands = 0 : i64, tpu.core_type = #tpu.core_type<tc>, window_params = [{transform_indices = @transform_0, window_bounds = array<i64: 2000, 128>}, {pipeline_mode = #tpu.pipeline_mode<synchronous>, transform_indices = @transform_1, window_bounds = array<i64: 128, 128>}, {pipeline_mode = #tpu.pipeline_mode<synchronous>, transform_indices = @transform_2, window_bounds = array<i64: 1, 128>}, {pipeline_mode = #tpu.pipeline_mode<synchronous>, transform_indices = @transform_3, window_bounds = array<i64: 128, 128>}, {transform_indices = @transform_4, window_bounds = array<i64: 2, 2000, 128>}, {transform_indices = @transform_5, window_bounds = array<i64: 2000, 128>}, {transform_indices = @transform_6, window_bounds = array<i64: 2000, 128>}]} {
    %get3A = arith.constant 0 : index
    %get3A_0 = arith.constant 0 : index
    %get3A_1 = vector.load %arg1[%get3A, %get3A_0] : memref<2000x128xf32, #tpu.memory_space<vmem>>, vector<2000x128xf32>
    %get3A_2 = arith.constant 0 : index
    %get3A_3 = arith.constant 0 : index
    %get3A_4 = vector.load %arg2[%get3A_2, %get3A_3] : memref<128x128xf32, #tpu.memory_space<vmem>>, vector<128x128xf32>
    %dot_general3A = arith.constant dense<0.000000e+00> : vector<2000x128xf32>
    %dot_general3A_5 = tpu.matmul %get3A_1, %get3A_4, %dot_general3A {dimension_numbers = #tpu.dot_dimension_numbers<[1], [0], [0], [1], [0, 0, 1, 1], [], []>, transpose_lhs_hint = false} : vector<2000x128xf32>, vector<128x128xf32>, vector<2000x128xf32> -> vector<2000x128xf32>
    %get3A_6 = arith.constant 0 : index
    %get3A_7 = arith.constant 0 : index
    %get3A_8 = vector.load %arg3[%get3A_6, %get3A_7] : memref<1x128xf32, #tpu.memory_space<vmem>>, vector<1x128xf32>
    %add3A = vector.broadcast %get3A_8 : vector<1x128xf32> to vector<2000x128xf32>
    %add3A_9 = arith.addf %dot_general3A_5, %add3A : vector<2000x128xf32>
    %max3A = arith.constant 0.000000e+00 : f32
    %max3A_10 = vector.broadcast %max3A : f32 to vector<2000x128xf32>
    %max3A_11 = arith.maximumf %add3A_9, %max3A_10 : vector<2000x128xf32>
    %swap3A = arith.constant 0 : index
    %swap3A_12 = arith.constant 0 : index
    %swap3A_13 = vector.load %arg6[%swap3A, %swap3A_12] : memref<2000x128xf32, #tpu.memory_space<vmem>>, vector<2000x128xf32>
    tpu.vector_store %arg6[%swap3A, %swap3A_12], %max3A_11 {strides = array<i32>} : memref<2000x128xf32, #tpu.memory_space<vmem>>, vector<2000x128xf32>,
    %get3A_14 = arith.constant 0 : index
    %get3A_15 = arith.constant 0 : index
    %get3A_16 = arith.constant 0 : index
    %get3A_17 = vector.load %arg5[%get3A_14, %get3A_15, %get3A_16] : memref<2x2000x128xf32, #tpu.memory_space<vmem>>, vector<1x2000x1xf32>
    %get3A_18 = vector.shape_cast %get3A_17 : vector<1x2000x1xf32> to vector<2000x1xf32>
    %get3A_19 = arith.constant 1 : index
    %get3A_20 = arith.constant 0 : index
    %get3A_21 = arith.constant 0 : index
    %get3A_22 = vector.load %arg5[%get3A_19, %get3A_20, %get3A_21] : memref<2x2000x128xf32, #tpu.memory_space<vmem>>, vector<1x2000x1xf32>
    %get3A_23 = vector.shape_cast %get3A_22 : vector<1x2000x1xf32> to vector<2000x1xf32>
    %add3A_24 = arith.addf %get3A_18, %get3A_23 : vector<2000x1xf32>
    %add3A_25 = arith.constant 1.000000e+00 : f32
    %add3A_26 = vector.broadcast %add3A_25 : f32 to vector<2000x1xf32>
    %add3A_27 = arith.addf %add3A_24, %add3A_26 : vector<2000x1xf32>
    %rsqrt3A = math.rsqrt %add3A_27 : vector<2000x1xf32>
    %get3A_28 = arith.constant 0 : index
    %get3A_29 = arith.constant 0 : index
    %get3A_30 = vector.load %arg4[%get3A_28, %get3A_29] : memref<128x128xf32, #tpu.memory_space<vmem>>, vector<128x128xf32>
    %dot_general3A_31 = arith.constant dense<0.000000e+00> : vector<2000x128xf32>
    %dot_general3A_32 = tpu.matmul %max3A_11, %get3A_30, %dot_general3A_31 {dimension_numbers = #tpu.dot_dimension_numbers<[1], [0], [0], [1], [0, 0, 1, 1], [], []>, transpose_lhs_hint = false} : vector<2000x128xf32>, vector<128x128xf32>, vector<2000x128xf32> -> vector<2000x128xf32>
    %mul3A = vector.broadcast %rsqrt3A : vector<2000x1xf32> to vector<2000x128xf32>
    %mul3A_33 = arith.mulf %mul3A, %dot_general3A_32 : vector<2000x128xf32>
    %swap3A_34 = arith.constant 0 : index
    %swap3A_35 = arith.constant 0 : index
    %swap3A_36 = vector.load %arg7[%swap3A_34, %swap3A_35] : memref<2000x128xf32, #tpu.memory_space<vmem>>, vector<2000x128xf32>
    tpu.vector_store %arg7[%swap3A_34, %swap3A_35], %mul3A_33 {strides = array<i32>} : memref<2000x128xf32, #tpu.memory_space<vmem>>, vector<2000x128xf32>,
    return
  }
  func.func @transform_0(%arg0: i32) -> (i32, i32) {
    %c0_i32 = arith.constant 0 : i32
    %c0_i32_0 = arith.constant 0 : i32
    return %arg0, %c0_i32 : i32, i32
  }
  func.func @transform_1(%arg0: i32) -> (i32, i32) {
    %c0_i32 = arith.constant 0 : i32
    %c0_i32_0 = arith.constant 0 : i32
    %c0_i32_1 = arith.constant 0 : i32
    return %c0_i32, %c0_i32_0 : i32, i32
  }
  func.func @transform_2(%arg0: i32) -> (i32, i32) {
    %c0_i32 = arith.constant 0 : i32
    %c0_i32_0 = arith.constant 0 : i32
    %c0_i32_1 = arith.constant 0 : i32
    return %c0_i32, %c0_i32_0 : i32, i32
  }
  func.func @transform_3(%arg0: i32) -> (i32, i32) {
    %c0_i32 = arith.constant 0 : i32
    %c0_i32_0 = arith.constant 0 : i32
    %c0_i32_1 = arith.constant 0 : i32
    return %c0_i32, %c0_i32_0 : i32, i32
  }
  func.func @transform_4(%arg0: i32) -> (i32, i32, i32) {
    %c0_i32 = arith.constant 0 : i32
    %c0_i32_0 = arith.constant 0 : i32
    %c0_i32_1 = arith.constant 0 : i32
    return %c0_i32, %arg0, %c0_i32_0 : i32, i32, i32
  }
  func.func @transform_5(%arg0: i32) -> (i32, i32) {
    %c0_i32 = arith.constant 0 : i32
    %c0_i32_0 = arith.constant 0 : i32
    return %arg0, %c0_i32 : i32, i32
  }
  func.func @transform_6(%arg0: i32) -> (i32, i32) {
    %c0_i32 = arith.constant 0 : i32
    %c0_i32_0 = arith.constant 0 : i32
    return %arg0, %c0_i32 : i32, i32
  }
}

module attributes {stable_mosaic.version = 14 : i64} {
  func.func @_t2_body(%arg0: i32, %arg1: memref<2x2000x128xf32, #tpu.memory_space<vmem>>, %arg2: memref<2000x128xf32, #tpu.memory_space<vmem>>, %arg3: memref<2x2000x128xf32, #tpu.memory_space<vmem>>, %arg4: memref<1x128xf32, #tpu.memory_space<vmem>>, %arg5: memref<128x128xf32, #tpu.memory_space<vmem>>, %arg6: memref<2000x128xf32, #tpu.memory_space<vmem>>, %arg7: memref<2000x128xf32, #tpu.memory_space<vmem>>) attributes {dimension_semantics = [#tpu.dimension_semantics<arbitrary>], iteration_bounds = array<i64: 5>, scalar_prefetch = 0 : i64, scratch_operands = 0 : i64, tpu.core_type = #tpu.core_type<tc>, window_params = [{transform_indices = @transform_0, window_bounds = array<i64: 2, 2000, 128>}, {transform_indices = @transform_1, window_bounds = array<i64: 2000, 128>}, {transform_indices = @transform_2, window_bounds = array<i64: 2, 2000, 128>}, {pipeline_mode = #tpu.pipeline_mode<synchronous>, transform_indices = @transform_3, window_bounds = array<i64: 1, 128>}, {pipeline_mode = #tpu.pipeline_mode<synchronous>, transform_indices = @transform_4, window_bounds = array<i64: 128, 128>}, {transform_indices = @transform_5, window_bounds = array<i64: 2000, 128>}, {transform_indices = @transform_6, window_bounds = array<i64: 2000, 128>}]} {
    %get3A = arith.constant 0 : index
    %get3A_0 = arith.constant 0 : index
    %get3A_1 = arith.constant 0 : index
    %get3A_2 = vector.load %arg3[%get3A, %get3A_0, %get3A_1] : memref<2x2000x128xf32, #tpu.memory_space<vmem>>, vector<1x2000x1xf32>
    %get3A_3 = vector.shape_cast %get3A_2 : vector<1x2000x1xf32> to vector<2000x1xf32>
    %get3A_4 = arith.constant 1 : index
    %get3A_5 = arith.constant 0 : index
    %get3A_6 = arith.constant 0 : index
    %get3A_7 = vector.load %arg3[%get3A_4, %get3A_5, %get3A_6] : memref<2x2000x128xf32, #tpu.memory_space<vmem>>, vector<1x2000x1xf32>
    %get3A_8 = vector.shape_cast %get3A_7 : vector<1x2000x1xf32> to vector<2000x1xf32>
    %add3A = arith.addf %get3A_3, %get3A_8 : vector<2000x1xf32>
    %add3A_9 = arith.constant 1.000000e+00 : f32
    %add3A_10 = vector.broadcast %add3A_9 : f32 to vector<2000x1xf32>
    %add3A_11 = arith.addf %add3A, %add3A_10 : vector<2000x1xf32>
    %rsqrt3A = math.rsqrt %add3A_11 : vector<2000x1xf32>
    %get3A_12 = arith.constant 0 : index
    %get3A_13 = arith.constant 0 : index
    %get3A_14 = arith.constant 0 : index
    %get3A_15 = vector.load %arg1[%get3A_12, %get3A_13, %get3A_14] : memref<2x2000x128xf32, #tpu.memory_space<vmem>>, vector<1x2000x128xf32>
    %get3A_16 = vector.shape_cast %get3A_15 : vector<1x2000x128xf32> to vector<2000x128xf32>
    %get3A_17 = arith.constant 1 : index
    %get3A_18 = arith.constant 0 : index
    %get3A_19 = arith.constant 0 : index
    %get3A_20 = vector.load %arg1[%get3A_17, %get3A_18, %get3A_19] : memref<2x2000x128xf32, #tpu.memory_space<vmem>>, vector<1x2000x128xf32>
    %get3A_21 = vector.shape_cast %get3A_20 : vector<1x2000x128xf32> to vector<2000x128xf32>
    %add3A_22 = arith.addf %get3A_16, %get3A_21 : vector<2000x128xf32>
    %get3A_23 = arith.constant 0 : index
    %get3A_24 = arith.constant 0 : index
    %get3A_25 = vector.load %arg2[%get3A_23, %get3A_24] : memref<2000x128xf32, #tpu.memory_space<vmem>>, vector<2000x128xf32>
    %add3A_26 = arith.addf %add3A_22, %get3A_25 : vector<2000x128xf32>
    %mul3A = vector.broadcast %rsqrt3A : vector<2000x1xf32> to vector<2000x128xf32>
    %mul3A_27 = arith.mulf %mul3A, %add3A_26 : vector<2000x128xf32>
    %get3A_28 = arith.constant 0 : index
    %get3A_29 = arith.constant 0 : index
    %get3A_30 = vector.load %arg4[%get3A_28, %get3A_29] : memref<1x128xf32, #tpu.memory_space<vmem>>, vector<1x128xf32>
    %add3A_31 = vector.broadcast %get3A_30 : vector<1x128xf32> to vector<2000x128xf32>
    %add3A_32 = arith.addf %mul3A_27, %add3A_31 : vector<2000x128xf32>
    %max3A = arith.constant 0.000000e+00 : f32
    %max3A_33 = vector.broadcast %max3A : f32 to vector<2000x128xf32>
    %max3A_34 = arith.maximumf %add3A_32, %max3A_33 : vector<2000x128xf32>
    %swap3A = arith.constant 0 : index
    %swap3A_35 = arith.constant 0 : index
    %swap3A_36 = vector.load %arg6[%swap3A, %swap3A_35] : memref<2000x128xf32, #tpu.memory_space<vmem>>, vector<2000x128xf32>
    tpu.vector_store %arg6[%swap3A, %swap3A_35], %max3A_34 {strides = array<i32>} : memref<2000x128xf32, #tpu.memory_space<vmem>>, vector<2000x128xf32>,
    %get3A_37 = arith.constant 0 : index
    %get3A_38 = arith.constant 0 : index
    %get3A_39 = vector.load %arg5[%get3A_37, %get3A_38] : memref<128x128xf32, #tpu.memory_space<vmem>>, vector<128x128xf32>
    %dot_general3A = arith.constant dense<0.000000e+00> : vector<2000x128xf32>
    %dot_general3A_40 = tpu.matmul %max3A_34, %get3A_39, %dot_general3A {dimension_numbers = #tpu.dot_dimension_numbers<[1], [0], [0], [1], [0, 0, 1, 1], [], []>, transpose_lhs_hint = false} : vector<2000x128xf32>, vector<128x128xf32>, vector<2000x128xf32> -> vector<2000x128xf32>
    %mul3A_41 = vector.broadcast %rsqrt3A : vector<2000x1xf32> to vector<2000x128xf32>
    %mul3A_42 = arith.mulf %mul3A_41, %dot_general3A_40 : vector<2000x128xf32>
    %swap3A_43 = arith.constant 0 : index
    %swap3A_44 = arith.constant 0 : index
    %swap3A_45 = vector.load %arg7[%swap3A_43, %swap3A_44] : memref<2000x128xf32, #tpu.memory_space<vmem>>, vector<2000x128xf32>
    tpu.vector_store %arg7[%swap3A_43, %swap3A_44], %mul3A_42 {strides = array<i32>} : memref<2000x128xf32, #tpu.memory_space<vmem>>, vector<2000x128xf32>,
    return
  }
  func.func @transform_0(%arg0: i32) -> (i32, i32, i32) {
    %c0_i32 = arith.constant 0 : i32
    %c0_i32_0 = arith.constant 0 : i32
    %c0_i32_1 = arith.constant 0 : i32
    return %c0_i32, %arg0, %c0_i32_0 : i32, i32, i32
  }
  func.func @transform_1(%arg0: i32) -> (i32, i32) {
    %c0_i32 = arith.constant 0 : i32
    %c0_i32_0 = arith.constant 0 : i32
    return %arg0, %c0_i32 : i32, i32
  }
  func.func @transform_2(%arg0: i32) -> (i32, i32, i32) {
    %c0_i32 = arith.constant 0 : i32
    %c0_i32_0 = arith.constant 0 : i32
    %c0_i32_1 = arith.constant 0 : i32
    return %c0_i32, %arg0, %c0_i32_0 : i32, i32, i32
  }
  func.func @transform_3(%arg0: i32) -> (i32, i32) {
    %c0_i32 = arith.constant 0 : i32
    %c0_i32_0 = arith.constant 0 : i32
    %c0_i32_1 = arith.constant 0 : i32
    return %c0_i32, %c0_i32_0 : i32, i32
  }
  func.func @transform_4(%arg0: i32) -> (i32, i32) {
    %c0_i32 = arith.constant 0 : i32
    %c0_i32_0 = arith.constant 0 : i32
    %c0_i32_1 = arith.constant 0 : i32
    return %c0_i32, %c0_i32_0 : i32, i32
  }
  func.func @transform_5(%arg0: i32) -> (i32, i32) {
    %c0_i32 = arith.constant 0 : i32
    %c0_i32_0 = arith.constant 0 : i32
    return %arg0, %c0_i32 : i32, i32
  }
  func.func @transform_6(%arg0: i32) -> (i32, i32) {
    %c0_i32 = arith.constant 0 : i32
    %c0_i32_0 = arith.constant 0 : i32
    return %arg0, %c0_i32 : i32, i32
  }
}

module attributes {stable_mosaic.version = 14 : i64} {
  func.func @_t3_body(%arg0: i32, %arg1: memref<2x2000x128xf32, #tpu.memory_space<vmem>>, %arg2: memref<2000x128xf32, #tpu.memory_space<vmem>>, %arg3: memref<2x2000x128xf32, #tpu.memory_space<vmem>>, %arg4: memref<1x128xf32, #tpu.memory_space<vmem>>, %arg5: memref<2000x128xf32, #tpu.memory_space<vmem>>, %arg6: memref<2000x128xf32, #tpu.memory_space<vmem>>, %arg7: memref<384x64xf32, #tpu.memory_space<vmem>>, %arg8: memref<1x64xf32, #tpu.memory_space<vmem>>, %arg9: memref<2000x64xf32, #tpu.memory_space<vmem>>) attributes {dimension_semantics = [#tpu.dimension_semantics<arbitrary>], iteration_bounds = array<i64: 5>, scalar_prefetch = 0 : i64, scratch_operands = 0 : i64, tpu.core_type = #tpu.core_type<tc>, window_params = [{transform_indices = @transform_0, window_bounds = array<i64: 2, 2000, 128>}, {transform_indices = @transform_1, window_bounds = array<i64: 2000, 128>}, {transform_indices = @transform_2, window_bounds = array<i64: 2, 2000, 128>}, {pipeline_mode = #tpu.pipeline_mode<synchronous>, transform_indices = @transform_3, window_bounds = array<i64: 1, 128>}, {transform_indices = @transform_4, window_bounds = array<i64: 2000, 128>}, {transform_indices = @transform_5, window_bounds = array<i64: 2000, 128>}, {pipeline_mode = #tpu.pipeline_mode<synchronous>, transform_indices = @transform_6, window_bounds = array<i64: 384, 64>}, {pipeline_mode = #tpu.pipeline_mode<synchronous>, transform_indices = @transform_7, window_bounds = array<i64: 1, 64>}, {transform_indices = @transform_8, window_bounds = array<i64: 2000, 64>}]} {
    %get3A = arith.constant 0 : index
    %get3A_0 = arith.constant 0 : index
    %get3A_1 = arith.constant 0 : index
    %get3A_2 = vector.load %arg3[%get3A, %get3A_0, %get3A_1] : memref<2x2000x128xf32, #tpu.memory_space<vmem>>, vector<1x2000x1xf32>
    %get3A_3 = vector.shape_cast %get3A_2 : vector<1x2000x1xf32> to vector<2000x1xf32>
    %get3A_4 = arith.constant 1 : index
    %get3A_5 = arith.constant 0 : index
    %get3A_6 = arith.constant 0 : index
    %get3A_7 = vector.load %arg3[%get3A_4, %get3A_5, %get3A_6] : memref<2x2000x128xf32, #tpu.memory_space<vmem>>, vector<1x2000x1xf32>
    %get3A_8 = vector.shape_cast %get3A_7 : vector<1x2000x1xf32> to vector<2000x1xf32>
    %add3A = arith.addf %get3A_3, %get3A_8 : vector<2000x1xf32>
    %add3A_9 = arith.constant 1.000000e+00 : f32
    %add3A_10 = vector.broadcast %add3A_9 : f32 to vector<2000x1xf32>
    %add3A_11 = arith.addf %add3A, %add3A_10 : vector<2000x1xf32>
    %rsqrt3A = math.rsqrt %add3A_11 : vector<2000x1xf32>
    %get3A_12 = arith.constant 0 : index
    %get3A_13 = arith.constant 0 : index
    %get3A_14 = arith.constant 0 : index
    %get3A_15 = vector.load %arg1[%get3A_12, %get3A_13, %get3A_14] : memref<2x2000x128xf32, #tpu.memory_space<vmem>>, vector<1x2000x128xf32>
    %get3A_16 = vector.shape_cast %get3A_15 : vector<1x2000x128xf32> to vector<2000x128xf32>
    %get3A_17 = arith.constant 1 : index
    %get3A_18 = arith.constant 0 : index
    %get3A_19 = arith.constant 0 : index
    %get3A_20 = vector.load %arg1[%get3A_17, %get3A_18, %get3A_19] : memref<2x2000x128xf32, #tpu.memory_space<vmem>>, vector<1x2000x128xf32>
    %get3A_21 = vector.shape_cast %get3A_20 : vector<1x2000x128xf32> to vector<2000x128xf32>
    %add3A_22 = arith.addf %get3A_16, %get3A_21 : vector<2000x128xf32>
    %get3A_23 = arith.constant 0 : index
    %get3A_24 = arith.constant 0 : index
    %get3A_25 = vector.load %arg2[%get3A_23, %get3A_24] : memref<2000x128xf32, #tpu.memory_space<vmem>>, vector<2000x128xf32>
    %add3A_26 = arith.addf %add3A_22, %get3A_25 : vector<2000x128xf32>
    %mul3A = vector.broadcast %rsqrt3A : vector<2000x1xf32> to vector<2000x128xf32>
    %mul3A_27 = arith.mulf %mul3A, %add3A_26 : vector<2000x128xf32>
    %get3A_28 = arith.constant 0 : index
    %get3A_29 = arith.constant 0 : index
    %get3A_30 = vector.load %arg4[%get3A_28, %get3A_29] : memref<1x128xf32, #tpu.memory_space<vmem>>, vector<1x128xf32>
    %add3A_31 = vector.broadcast %get3A_30 : vector<1x128xf32> to vector<2000x128xf32>
    %add3A_32 = arith.addf %mul3A_27, %add3A_31 : vector<2000x128xf32>
    %max3A = arith.constant 0.000000e+00 : f32
    %max3A_33 = vector.broadcast %max3A : f32 to vector<2000x128xf32>
    %max3A_34 = arith.maximumf %add3A_32, %max3A_33 : vector<2000x128xf32>
    %get3A_35 = arith.constant 0 : index
    %get3A_36 = arith.constant 0 : index
    %get3A_37 = vector.load %arg7[%get3A_35, %get3A_36] : memref<384x64xf32, #tpu.memory_space<vmem>>, vector<384x64xf32>
    %get3A_38 = arith.constant 0 : index
    %get3A_39 = arith.constant 0 : index
    %get3A_40 = vector.load %arg5[%get3A_38, %get3A_39] : memref<2000x128xf32, #tpu.memory_space<vmem>>, vector<2000x128xf32>
    %slice3A = vector.extract_strided_slice %get3A_37 {offsets = [0, 0], sizes = [128, 64], strides = [1, 1]} : vector<384x64xf32> to vector<128x64xf32>
    %dot_general3A = arith.constant dense<0.000000e+00> : vector<2000x64xf32>
    %dot_general3A_41 = tpu.matmul %get3A_40, %slice3A, %dot_general3A {dimension_numbers = #tpu.dot_dimension_numbers<[1], [0], [0], [1], [0, 0, 1, 1], [], []>, transpose_lhs_hint = false} : vector<2000x128xf32>, vector<128x64xf32>, vector<2000x64xf32> -> vector<2000x64xf32>
    %get3A_42 = arith.constant 0 : index
    %get3A_43 = arith.constant 0 : index
    %get3A_44 = vector.load %arg6[%get3A_42, %get3A_43] : memref<2000x128xf32, #tpu.memory_space<vmem>>, vector<2000x128xf32>
    %slice3A_45 = vector.extract_strided_slice %get3A_37 {offsets = [128, 0], sizes = [128, 64], strides = [1, 1]} : vector<384x64xf32> to vector<128x64xf32>
    %dot_general3A_46 = arith.constant dense<0.000000e+00> : vector<2000x64xf32>
    %dot_general3A_47 = tpu.matmul %get3A_44, %slice3A_45, %dot_general3A_46 {dimension_numbers = #tpu.dot_dimension_numbers<[1], [0], [0], [1], [0, 0, 1, 1], [], []>, transpose_lhs_hint = false} : vector<2000x128xf32>, vector<128x64xf32>, vector<2000x64xf32> -> vector<2000x64xf32>
    %add3A_48 = arith.addf %dot_general3A_41, %dot_general3A_47 : vector<2000x64xf32>
    %slice3A_49 = vector.extract_strided_slice %get3A_37 {offsets = [256, 0], sizes = [128, 64], strides = [1, 1]} : vector<384x64xf32> to vector<128x64xf32>
    %dot_general3A_50 = arith.constant dense<0.000000e+00> : vector<2000x64xf32>
    %dot_general3A_51 = tpu.matmul %max3A_34, %slice3A_49, %dot_general3A_50 {dimension_numbers = #tpu.dot_dimension_numbers<[1], [0], [0], [1], [0, 0, 1, 1], [], []>, transpose_lhs_hint = false} : vector<2000x128xf32>, vector<128x64xf32>, vector<2000x64xf32> -> vector<2000x64xf32>
    %add3A_52 = arith.addf %add3A_48, %dot_general3A_51 : vector<2000x64xf32>
    %get3A_53 = arith.constant 0 : index
    %get3A_54 = arith.constant 0 : index
    %get3A_55 = vector.load %arg8[%get3A_53, %get3A_54] : memref<1x64xf32, #tpu.memory_space<vmem>>, vector<1x64xf32>
    %add3A_56 = vector.broadcast %get3A_55 : vector<1x64xf32> to vector<2000x64xf32>
    %add3A_57 = arith.addf %add3A_52, %add3A_56 : vector<2000x64xf32>
    %swap3A = arith.constant 0 : index
    %swap3A_58 = arith.constant 0 : index
    %swap3A_59 = vector.load %arg9[%swap3A, %swap3A_58] : memref<2000x64xf32, #tpu.memory_space<vmem>>, vector<2000x64xf32>
    tpu.vector_store %arg9[%swap3A, %swap3A_58], %add3A_57 {strides = array<i32>} : memref<2000x64xf32, #tpu.memory_space<vmem>>, vector<2000x64xf32>,
    return
  }
  func.func @transform_0(%arg0: i32) -> (i32, i32, i32) {
    %c0_i32 = arith.constant 0 : i32
    %c0_i32_0 = arith.constant 0 : i32
    %c0_i32_1 = arith.constant 0 : i32
    return %c0_i32, %arg0, %c0_i32_0 : i32, i32, i32
  }
  func.func @transform_1(%arg0: i32) -> (i32, i32) {
    %c0_i32 = arith.constant 0 : i32
    %c0_i32_0 = arith.constant 0 : i32
    return %arg0, %c0_i32 : i32, i32
  }
  func.func @transform_2(%arg0: i32) -> (i32, i32, i32) {
    %c0_i32 = arith.constant 0 : i32
    %c0_i32_0 = arith.constant 0 : i32
    %c0_i32_1 = arith.constant 0 : i32
    return %c0_i32, %arg0, %c0_i32_0 : i32, i32, i32
  }
  func.func @transform_3(%arg0: i32) -> (i32, i32) {
    %c0_i32 = arith.constant 0 : i32
    %c0_i32_0 = arith.constant 0 : i32
    %c0_i32_1 = arith.constant 0 : i32
    return %c0_i32, %c0_i32_0 : i32, i32
  }
  func.func @transform_4(%arg0: i32) -> (i32, i32) {
    %c0_i32 = arith.constant 0 : i32
    %c0_i32_0 = arith.constant 0 : i32
    return %arg0, %c0_i32 : i32, i32
  }
  func.func @transform_5(%arg0: i32) -> (i32, i32) {
    %c0_i32 = arith.constant 0 : i32
    %c0_i32_0 = arith.constant 0 : i32
    return %arg0, %c0_i32 : i32, i32
  }
  func.func @transform_6(%arg0: i32) -> (i32, i32) {
    %c0_i32 = arith.constant 0 : i32
    %c0_i32_0 = arith.constant 0 : i32
    %c0_i32_1 = arith.constant 0 : i32
    return %c0_i32, %c0_i32_0 : i32, i32
  }
  func.func @transform_7(%arg0: i32) -> (i32, i32) {
    %c0_i32 = arith.constant 0 : i32
    %c0_i32_0 = arith.constant 0 : i32
    %c0_i32_1 = arith.constant 0 : i32
    return %c0_i32, %c0_i32_0 : i32, i32
  }
  func.func @transform_8(%arg0: i32) -> (i32, i32) {
    %c0_i32 = arith.constant 0 : i32
    %c0_i32_0 = arith.constant 0 : i32
    return %arg0, %c0_i32 : i32, i32
  }
}

</mosaic_0001>

<sc_bundles>
// kernel: kernel.11.cloned.1.call-start
scs
__scs_entry_jumppad:
0x0: {  	(pc) =	sbr.rel $0x88, $3  }
0x1: {  	(tag) =	ssettag $0x0;
	lr =	simm.s32 $0x1  }
0x2: {  	[smem:$0x3F97] =	sst lr;
	_ =	strace $0xD0000000  }
0x3: {  	_ = 	snop  }
0x4: {  	_ = 	snop  }
0x5: {  	_ = 	snop  }
0x6: {  	_ = 	snop  }
0x7: {  	_ = 	snop  }
__scs_overlays_trampoline_lowered:
0x8: {  	[smem:$0x3FA6] =	sst s0  }
0x9: {  	[smem:$0x3FA7] =	sst s1  }
0xa: {  	[smem:$0x3FA8] =	sst s2  }
0xb: {  	[smem:$0x3FA9] =	sst s3  }
0xc: {  	[smem:$0x3FAA] =	sst s4  }
0xd: {  	[smem:$0x3FAB] =	sst s5  }
0xe: {  	[smem:$0x3FAC] =	sst s6  }
0xf: {  	[smem:$0x3FAD] =	sst s7  }
0x10: {  	[smem:$0x3FAE] =	sst s8  }
0x11: {  	[smem:$0x3FAF] =	sst s9;
	s0 =	simm.s32 @!p0 $0x0  }
0x12: {  	s1 =	sld [smem:$0x3F95];
	s0 =	simm.s32 @p0 $0x1  }
0x13: {  	[smem:$0x3FB0] =	sst s0;
	s0 =	simm.s32 @!p1 $0x0  }
0x14: {  	s2 =	sld [smem:$0x3F94];
	s0 =	simm.s32 @p1 $0x1  }
0x15: {  	[smem:$0x3FB1] =	sst s0;
	s0 =	simm.s32 @!p2 $0x0  }
0x16: {  	s3 =	sld [smem:$0x3FDB];
	s0 =	simm.s32 @p2 $0x1  }
0x17: {  	s4 =	simm.s32 $0x1BF5;
	[smem:$0x3FB3] =	sst s0  }
0x18: {  	s0 =	sld [smem:$0x3F96];
	_ =	swait.ge [sflag:s4], $0x0  }
0x19: {  	s7 =	sld [smem:$0x3F97]  }
0x1a: {  	s8 =	sadd.s32 $0xFFFFE003, lr  }
0x1b: {  	s9 =	sadd.s32 $0xFFFFFEF7, lr;
	s5 =	simm.s32 $0xFFFFFFFF;
	p2 =	slt.u32 s8, $0xFFFFF086  }
0x1c: {  	p1 =	slt.u32 s9, $0xF7A;
	s5 =	simm.s32 @!p2 $0x0  }
0x1d: {  	s5 =	simm.s32 @p1 $0x1;
	p0 =	seq.s32 s7, s2  }
0x1e: {  	s7 =	smul.u32 @!p0 $0xF7A, s2;
	p2 =	seq.s32 @!p0 s5, $0x0  }
0x1f: {  	s9 =	smul.u32 $0xF7A, s1;
	s8 =	simm.s32 @!p0 $0x1BF5;
	p2 =	por !p2, p0  }
0x20: {  	[sflag:s8] =	ssyncset.s32 @!p0 $0xFFFFF086;
	s6 =	sadd.s32 @!p0 s3, s7;
	s7 =	simm.s32 @!p0 $0x108  }
0x21: {  	s3 =	sadd.s32 s3, s9;
	s6 =	sadd.s32 @!p0 $0x88, s6;
	s7 =	simm.s32 @p2 $0x1082  }
0x22: {  	[simem:s7], [sflag:s8] =	dma.local @!p0 [hbm:s6], $0xF7A  }
0x23: {  	s9 =	sor.u32 $0xD0000000, s2;
	s6 =	simm.s32 $0x108;
	_ =	swait.ge @!p0 [sflag:s8], $0x0  }
0x24: {  	s3 =	sadd.s32 $0x88, s3;
	s6 =	simm.s32 @!p1 $0x1082;
	[sflag:s4] =	ssyncset.s32 $0xFFFFF086  }
0x25: {  	[simem:s6], [sflag:s4] =	dma.local [hbm:s3], $0xF7A  }
0x26: {  	[smem:$0x3F97] =	sst s1;
	(tag) =	ssettag s2;
	_ =	strace s9  }
0x27: {  	s1 =	sld [smem:$0x3FA7]  }
0x28: {  	s2 =	sld [smem:$0x3FA8]  }
0x29: {  	s4 =	sld [smem:$0x3FAA]  }
0x2a: {  	p0 =	seq.s32 s5, $0x0;
	s5 =	sld [smem:$0x3FAB]  }
0x2b: {  	s6 =	sld [smem:$0x3FAC]  }
0x2c: {  	s7 =	sld [smem:$0x3FAD]  }
0x2d: {  	s3 =	simm.s32 $0x108;
	s8 =	sld [smem:$0x3FAE]  }
0x2e: {  	s3 =	simm.s32 @!p0 $0x1082;
	s9 =	sld [smem:$0x3FAF]  }
0x2f: {  	lr =	sadd.s32 s0, s3;
	s0 =	sld [smem:$0x3FA6]  }
0x30: {  	s3 =	sld [smem:$0x3FA9]  }
0x31: {  	[smem:$0x3FB2] =	sst s10  }
0x32: {  	s10 =	sld [smem:$0x3FB0];
	_ =	sdelay $0x3  }
0x33: {  	p0 =	seq.s32 s10, $0x1;
	s10 =	sld [smem:$0x3FB2];
	_ =	sdelay $0x3  }
0x34: {  	[smem:$0x3FB2] =	sst s10  }
0x35: {  	s10 =	sld [smem:$0x3FB1];
	_ =	sdelay $0x3  }
0x36: {  	p1 =	seq.s32 s10, $0x1;
	s10 =	sld [smem:$0x3FB2];
	_ =	sdelay $0x3  }
0x37: {  	[smem:$0x3FB2] =	sst s10  }
0x38: {  	s10 =	sld [smem:$0x3FB3]  }
0x39: {  	_ = 	snop;
	(pc) =	sbr.ind lr, $3  }
0x3a: {  	_ = 	snop  }
0x3b: {  	_ = 	snop  }
0x3c: {  	p2 =	seq.s32 s10, $0x1;
	s10 =	sld [smem:$0x3FB2]  }
0x3d: {  	_ =	shalt  }
0x3e: {  	_ =	shalt  }
0x3f: {  	_ =	shalt  }
0x40: {  	_ =	shalt  }
0x41: {  	_ =	shalt  }
0x42: {  	_ =	shalt  }
0x43: {  	_ =	shalt  }
0x44: {  	_ =	shalt  }
0x45: {  	_ =	shalt  }
0x46: {  	_ =	shalt  }
0x47: {  	_ =	shalt  }
0x48: {  	_ =	shalt  }
0x49: {  	_ =	shalt  }
0x4a: {  	_ =	shalt  }
0x4b: {  	_ =	shalt  }
0x4c: {  	_ =	shalt  }
0x4d: {  	_ =	shalt  }
0x4e: {  	_ =	shalt  }
0x4f: {  	_ =	shalt  }
0x50: {  	_ =	shalt  }
0x51: {  	_ =	shalt  }
0x52: {  	_ =	shalt  }
0x53: {  	_ =	shalt  }
0x54: {  	_ =	shalt  }
0x55: {  	_ =	shalt  }
0x56: {  	_ =	shalt  }
0x57: {  	_ =	shalt  }
0x58: {  	_ =	shalt  }
0x59: {  	_ =	shalt  }
0x5a: {  	_ =	shalt  }
0x5b: {  	_ =	shalt  }
0x5c: {  	_ =	shalt  }
0x5d: {  	_ =	shalt  }
0x5e: {  	_ =	shalt  }
0x5f: {  	_ =	shalt  }
0x60: {  	_ =	shalt  }
0x61: {  	_ =	shalt  }
0x62: {  	_ =	shalt  }
0x63: {  	_ =	shalt  }
0x64: {  	_ =	shalt  }
0x65: {  	_ =	shalt  }
0x66: {  	_ =	shalt  }
0x67: {  	_ =	shalt  }
0x68: {  	_ =	shalt  }
0x69: {  	_ =	shalt  }
0x6a: {  	_ =	shalt  }
0x6b: {  	_ =	shalt  }
0x6c: {  	_ =	shalt  }
0x6d: {  	_ =	shalt  }
0x6e: {  	_ =	shalt  }
0x6f: {  	_ =	shalt  }
0x70: {  	_ =	shalt  }
0x71: {  	_ =	shalt  }
0x72: {  	_ =	shalt  }
0x73: {  	_ =	shalt  }
0x74: {  	_ =	shalt  }
0x75: {  	_ =	shalt  }
0x76: {  	_ =	shalt  }
0x77: {  	_ =	shalt  }
0x78: {  	_ =	shalt  }
0x79: {  	_ =	shalt  }
0x7a: {  	_ =	shalt  }
0x7b: {  	_ =	shalt  }
0x7c: {  	_ =	shalt  }
0x7d: {  	_ =	shalt  }
0x7e: {  	_ =	shalt  }
0x7f: {  	_ =	shalt  }
0x80: {  	_ =	shalt  }
0x81: {  	_ =	shalt  }
0x82: {  	_ =	shalt  }
0x83: {  	_ =	shalt  }
0x84: {  	_ =	shalt  }
0x85: {  	_ =	shalt  }
0x86: {  	_ =	shalt  }
0x87: {  	_ =	shalt  }
.Lfunc_end0:
.L_simem_size_0:
called_computation.1_lowered:
.L_overlay_start_0:
0x88: {  	s2 =	sld [smem:$0x3FD9]  }
0x89: {  	s3 =	sld [smem:$0x3FFE];
	_ =	sdelay $0x1  }
0x8a: {  	s1 =	srdreg.scid  }
0x8b: {  	s0 =	sand.u32 $0x1, s1  }
0x8c: {  	s16 =	sshll.u32 s0, $0xA;
	s2 =	sadd.s32 s3, s2  }
0x8d: {  	s2 =	sadd.s32 s2, s16  }
0x8e: {  	[smem:$0x3FBE] =	sst s2  }
0x8f: {  	_ = 	snop  }
0x90: {  	(tm) =	ssettm $0x1  }
0x91: {  	s17 =	sld [smem:$0x3FFB];
	_ =	sdelay $0x3  }
0x92: {  	_ =	strace s17  }
0x93: {  	s2 =	sld [smem:$0x3FFC];
	_ =	sdelay $0x3  }
0x94: {  	_ =	strace s2  }
0x95: {  	s2 =	sld [smem:$0x3FFD];
	_ =	sdelay $0x3  }
0x96: {  	_ =	strace s2  }
0x97: {  	_ =	strace $0x8FFFFFFF  }
0x98: {  	s18 =	sld [smem:$0x3FDB];
	_ =	sdelay $0x1  }
0x99: {  	s19 =	simm.s32 $_scs_section_size  }
0x9a: {  	s4 =	simm.s32 $_size__tile_overlayer_lowered;
	s5 =	simm.s32 $_tile_overlayer_lowered  }
0x9b: {  	s22 =	simm.s32 $0x1BFF;
	s21 =	sshll.u32 s5, $0x1;
	s2 =	sadd.s32 s19, s18  }
0x9c: {  	s6 =	simm.s32 $0x0;
	s20 =	sshll.u32 s4, $0x1;
	s4 =	sadd.s32 s21, s2  }
0x9d: {  	[timem:s6], [sflag:s22] =	dma.local [hbm:s4], s20  }
0x9e: {  	_ =	swait.ge [sflag:s22], s20  }
0x9f: {  	s3 =	ssub.s32 $0x0, s20;
	[sflag:s22] =	ssyncset.done $0x0  }
0xa0: {  	[sflag:s22] =	ssyncadd.s32 s3;
	_ =	sdelay $0x1  }
0xa1: {  	s23 =	simm.s32 $0x1B8B  }
0xa2: {  	_ =	swait.ge [sflag:s23], $0x1  }
0xa3: {  	[sflag:s23] =	ssyncset.done $0x0  }
0xa4: {  	s25 =	simm.s32 $0x1B8E;
	s24 =	sld [smem:$0x3FFE];
	[sflag:s23] =	ssyncadd.s32 $0xFFFFFFFF  }
0xa5: {  	s26 =	simm.s32 $execute0_lowered;
	[smem:$0x3FD2] =	sst s25  }
0xa6: {  	s4 =	sshll.u32 s26, $0x1;
	_ =	strace $0x80000049;
	[dreg:$0x1] =	wrdreg $0xFFFFFFFF  }
0xa7: {  	s28 =	simm.s32 $_size_execute0_lowered;
	s2 =	sadd.s32 s2, s4;
	[dreg:$0x0] =	wrdreg $0x0  }
0xa8: {  	s4 =	sshll.u32 s28, $0x1;
	[dreg:$0x2] =	wrdreg s2  }
0xa9: {  	[dreg:$0x3] =	wrdreg s4  }
0xaa: {  	[dreg:$0x4] =	wrdreg $0xC0  }
0xab: {  	_ =	task [dreg:s6], $0x5FFFF  }
0xac: {  	[dreg:$0x1] =	wrdreg $0xFFFFFFFF  }
0xad: {  	[dreg:$0x0] =	wrdreg $0x60  }
0xae: {  	[dreg:$0x2] =	wrdreg s24  }
0xaf: {  	[dreg:$0x3] =	wrdreg $0x88000  }
0xb0: {  	[dreg:$0x4] =	wrdreg $0x9  }
0xb1: {  	_ =	task.clear_ibuf [dreg:s6], $0x5FFFF;
	_ =	strace $0x90000049  }
0xb2: {  	s29 =	simm.s32 $0x9;
	_ =	strace $0x8000004B  }
0xb3: {  	_ =	swait.ge [sflag:s29], $0x1  }
0xb4: {  	[sflag:s29] =	ssyncadd.s32 $0xFFFFFFFF  }
0xb5: {  	_ =	strace $0x9000004B  }
0xb6: {  	_ =	sfence  }
0xb7: {  	s30 =	sld [smem:$0x0];
	_ =	sdelay $0x2  }
0xb8: {  	s31 =	sshll.u32 s1, $0xD;
	s1 =	sshrl.u32 s1, $0x2  }
0xb9: {  	s3 =	sand.u32 $0x4000, s31;
	s1 =	sadd.s32 s1, s30  }
0xba: {  	s0 =	sor.u32 s3, s0;
	s1 =	sshll.u32 s1, $0x11  }
0xbb: {  	s0 =	sor.u32 s1, s0  }
0xbc: {  	s0 =	sadd.s32 $0x8F2B, s0  }
0xbd: {  	[sflag:s0] =	ssyncadd.remote.s32 $0x1  }
0xbe: {  	_ =	sfence.sel $0xFFFF  }
0xbf: {  	[dreg:$0x0] =	wrdreg $0xFFFFFFFF;
	(pc) =	sbr.abs _section_cstart, $3  }
0xc0: {  	[dreg:$0x1] =	wrdreg $0xFFFFFFFF  }
0xc1: {  	_ =	task.clear_ibuf [dreg:s6], $0x2FFFF;
	_ =	strace $0x9FFFFFFF  }
0xc2: {  	(tm) =	ssettm $0x7FFFFFFF  }
0xc3: {  	_ =	shalt  }
tec
execute0_lowered:
.L_overlay_start_1:
0x0: {  	(tag) =	ssettag $0x1  }
0x1: {  	s0 =	rddreg [dreg:$0x0]  }
0x2: {  	s9 =	stileid.u32;
	s1 =	srdreg.scid  }
0x3: {  	s2 =	rddreg [dreg:$0x1];
	s3 =	simm.s32 $0x0;
	s14 =	simm.s32 $0x3  }
0x4: {  	s15 =	simm.s32 $0x400;
	s16 =	simm.s32 $0x80;
	s17 =	simm.s32 $0x800  }
0x5: {  	s18 =	simm.s32 $0x4800;
	s19 =	simm.s32 $0x1;
	s20 =	simm.s32 $0x100  }
0x6: {  	s28 =	simm.s32 $0x280;
	s29 =	simm.s32 $0x600;
	s30 =	simm.s32 $0x300  }
0x7: {  	s31 =	simm.s32 $0x680;
	s13 =	simm.s32 $0x0;
	s5 =	smul.u32 $0x500, s9  }
0x8: {  	s1 =	sand.u32 $0x1, s1;
	[smem:$0x7FF] =	sst s3;
	s7 =	smul.u32 $0x13C00, s9  }
0x9: {  	s4 =	sadd.s32 $0x69C00, s0;
	s21 =	smul.u32 $0x4F000, s9;
	s8 =	sadd.s32 $0x3C00, s0  }
0xa: {  	s24 =	sshll.u32 s9, $0x6;
	s6 =	smul.u32 $0x13C000, s1;
	_ =	strace $0x8000004A  }
0xb: {  	[dreg:$0x4] =	wrdreg s8;
	s22 =	ssub.s32 $0x2, s1;
	s8 =	sor.u32 $0x1C03, s24  }
0xc: {  	p0 =	seq.s32 s1, $0x1;
	s24 =	simm.s32 $0x500;
	s1 =	simm.s32 $0x380  }
0xd: {  	s5 =	sadd.s32 s5, s0;
	s23 =	sshrl.u32 s22, $0x1;
	[dreg:$0x5] =	wrdreg s8  }
0xe: {  	s6 =	sadd.s32 s7, s6;
	s7 =	sshrl.u32 s21, $0x2;
	s26 =	sadd.s32 $0x5FC00, s5  }
0xf: {  	s9 =	sadd.s32 $0x64C00, s5;
	s12 =	sadd.s32 $0x55C00, s5;
	s10 =	sadd.s32 $0x5AC00, s5  }
0x10: {  	s21 =	simm.s32 $0x2;
	s5 =	simm.s32 $0x780;
	s6 =	sshrl.u32 s6, $0x3  }
0x11: {  	s7 =	sadd.s32 s7, s2;
	[dreg:$0x3] =	wrdreg s26;
	s26 =	simm.s32 $0x580  }
.Ltmp0:
0x12: {  	s11 =	smov.u32 s9;
	[dreg:$0x8] =	wrdreg s12;
	(pc) =	sbr.rel .LBB2_1-.Ltmp0, $4  }
0x13: {  	s0 =	sadd.s32 s6, s0;
	s6 =	ssub.s32 s22, s23;
	s7 =	sshrl.u32 s7, $0x3  }
0x14: {  	s22 =	simm.s32 $0x480;
	s0 =	sadd.s32 $0x90E00, s0;
	[dreg:$0x9] =	wrdreg s7  }
0x15: {  	s23 =	simm.s32 $0x180;
	s25 =	smax.u32 s6, $0x1;
	[dreg:$0x6] =	wrdreg s0  }
0x16: {  	[dreg:$0x7] =	wrdreg s25;
	s25 =	simm.s32 $0x200;
	s0 =	simm.s32 $0x700  }
.LBB2_7:
0x17: {  	s6 =	sadd.s32 s8, s10;
	[sflag:s14] =	ssyncadd.s32 $0xFFFFC000  }
0x18: {  	[tilespmem:s3], [sflag:$0x3] =	stream.linear.gather [hbm4b:s6+s3], $0x400, $0x38;
	[tilespmem:$0x1C400] =	vst v63  }
0x19: {  	_ =	swait.ge [sflag:s14], $0x400  }
0x1a: {  	[sflag:s14] =	ssyncset.done $0x0  }
0x1b: {  	s13 =	sadd.s32 s8, s12;
	[sflag:s14] =	ssyncadd.s32 $0xFFFFFC00  }
0x1c: {  	[tilespmem:s15], [sflag:$0x3] =	stream.linear.gather [hbm4b:s13+s3], $0x400, $0x38;
	[tilespmem:$0x1C400] =	vst v63  }
0x1d: {  	_ =	swait.ge [sflag:s14], $0x400  }
0x1e: {  	[sflag:s14] =	ssyncset.done $0x0  }
0x1f: {  	[sflag:s14] =	ssyncadd.s32 $0xFFFFFC00  }
0x20: {  	[tilespmem:s17], [sflag:$0x1] =	stream.indirect.gather [hbm4b:s4+s16], $0x80, s3, s16, $0xb8;
	[tilespmem:$0x1C400] =	vst v63  }
0x21: {  	_ = 	snop  }
0x22: {  	[tilespmem:s18], [sflag:$0x2] =	stream.indirect.gather [hbm4b:s4+s16], $0x80, s16, s16, $0xb8;
	[tilespmem:$0x1C400] =	vst v63  }
0x23: {  	_ =	swait.ge [sflag:s19], $0x4000  }
0x24: {  	[sflag:s19] =	ssyncset.done $0x0  }
0x25: {  	[sflag:s19] =	ssyncadd.s32 $0xFFFFC000  }
0x26: {  	[spmem:s2] =	stream.indirect.scatter.add.f32 [tilespmem:s17], [sflag:$0x3], $0x80, s15, s16, $0xb8;
	[tilespmem:$0x1C400] =	vst v63  }
0x27: {  	_ =	swait.ge [sflag:s14], $0x4000  }
0x28: {  	[sflag:s14] =	ssyncset.done $0x0  }
0x29: {  	[sflag:s14] =	ssyncadd.s32 $0xFFFFC000  }
0x2a: {  	[tilespmem:s17], [sflag:$0x1] =	stream.indirect.gather [hbm4b:s4+s16], $0x80, s20, s16, $0xb8;
	[tilespmem:$0x1C400] =	vst v63  }
0x2b: {  	_ =	swait.ge [sflag:s21], $0x4000  }
0x2c: {  	[sflag:s21] =	ssyncset.done $0x0  }
0x2d: {  	[sflag:s21] =	ssyncadd.s32 $0xFFFFC000  }
0x2e: {  	[spmem:s2] =	stream.indirect.scatter.add.f32 [tilespmem:s18], [sflag:$0x3], $0x80, s22, s16, $0xb8;
	[tilespmem:$0x1C400] =	vst v63  }
0x2f: {  	_ =	swait.ge [sflag:s14], $0x4000  }
0x30: {  	[sflag:s14] =	ssyncset.done $0x0  }
0x31: {  	[sflag:s14] =	ssyncadd.s32 $0xFFFFC000  }
0x32: {  	[tilespmem:s18], [sflag:$0x2] =	stream.indirect.gather [hbm4b:s4+s16], $0x80, s23, s16, $0xb8;
	[tilespmem:$0x1C400] =	vst v63  }
0x33: {  	_ =	swait.ge [sflag:s19], $0x4000  }
0x34: {  	[sflag:s19] =	ssyncset.done $0x0  }
0x35: {  	[sflag:s19] =	ssyncadd.s32 $0xFFFFC000  }
0x36: {  	[spmem:s2] =	stream.indirect.scatter.add.f32 [tilespmem:s17], [sflag:$0x3], $0x80, s24, s16, $0xb8;
	[tilespmem:$0x1C400] =	vst v63  }
0x37: {  	_ =	swait.ge [sflag:s14], $0x4000  }
0x38: {  	[sflag:s14] =	ssyncset.done $0x0  }
0x39: {  	[sflag:s14] =	ssyncadd.s32 $0xFFFFC000  }
0x3a: {  	[tilespmem:s17], [sflag:$0x1] =	stream.indirect.gather [hbm4b:s4+s16], $0x80, s25, s16, $0xb8;
	[tilespmem:$0x1C400] =	vst v63  }
0x3b: {  	_ =	swait.ge [sflag:s21], $0x4000  }
0x3c: {  	[sflag:s21] =	ssyncset.done $0x0  }
0x3d: {  	[sflag:s21] =	ssyncadd.s32 $0xFFFFC000  }
0x3e: {  	[spmem:s2] =	stream.indirect.scatter.add.f32 [tilespmem:s18], [sflag:$0x3], $0x80, s26, s16, $0xb8;
	[tilespmem:$0x1C400] =	vst v63  }
0x3f: {  	_ =	swait.ge [sflag:s14], $0x4000  }
0x40: {  	[sflag:s14] =	ssyncset.done $0x0  }
0x41: {  	[sflag:s14] =	ssyncadd.s32 $0xFFFFC000  }
0x42: {  	[tilespmem:s18], [sflag:$0x2] =	stream.indirect.gather [hbm4b:s4+s16], $0x80, s28, s16, $0xb8;
	[tilespmem:$0x1C400] =	vst v63  }
0x43: {  	_ =	swait.ge [sflag:s19], $0x4000  }
0x44: {  	[sflag:s19] =	ssyncset.done $0x0  }
0x45: {  	[sflag:s19] =	ssyncadd.s32 $0xFFFFC000  }
0x46: {  	[spmem:s2] =	stream.indirect.scatter.add.f32 [tilespmem:s17], [sflag:$0x3], $0x80, s29, s16, $0xb8;
	[tilespmem:$0x1C400] =	vst v63  }
0x47: {  	_ =	swait.ge [sflag:s14], $0x4000  }
0x48: {  	[sflag:s14] =	ssyncset.done $0x0  }
0x49: {  	[sflag:s14] =	ssyncadd.s32 $0xFFFFC000  }
0x4a: {  	[tilespmem:s17], [sflag:$0x1] =	stream.indirect.gather [hbm4b:s4+s16], $0x80, s30, s16, $0xb8;
	[tilespmem:$0x1C400] =	vst v63  }
0x4b: {  	_ =	swait.ge [sflag:s21], $0x4000  }
0x4c: {  	[sflag:s21] =	ssyncset.done $0x0  }
0x4d: {  	[sflag:s21] =	ssyncadd.s32 $0xFFFFC000  }
0x4e: {  	[spmem:s2] =	stream.indirect.scatter.add.f32 [tilespmem:s18], [sflag:$0x3], $0x80, s31, s16, $0xb8;
	[tilespmem:$0x1C400] =	vst v63  }
0x4f: {  	_ =	swait.ge [sflag:s14], $0x4000  }
0x50: {  	[sflag:s14] =	ssyncset.done $0x0  }
0x51: {  	[sflag:s14] =	ssyncadd.s32 $0xFFFFC000  }
0x52: {  	[tilespmem:s18], [sflag:$0x2] =	stream.indirect.gather [hbm4b:s4+s16], $0x80, s1, s16, $0xb8;
	[tilespmem:$0x1C400] =	vst v63  }
0x53: {  	_ =	swait.ge [sflag:s19], $0x4000  }
0x54: {  	[sflag:s19] =	ssyncset.done $0x0  }
0x55: {  	[sflag:s19] =	ssyncadd.s32 $0xFFFFC000  }
0x56: {  	[spmem:s2] =	stream.indirect.scatter.add.f32 [tilespmem:s17], [sflag:$0x3], $0x80, s0, s16, $0xb8;
	[tilespmem:$0x1C400] =	vst v63  }
0x57: {  	_ =	swait.ge [sflag:s14], $0x4000  }
0x58: {  	[sflag:s14] =	ssyncset.done $0x0  }
0x59: {  	[sflag:s14] =	ssyncadd.s32 $0xFFFFC000  }
0x5a: {  	_ =	swait.ge [sflag:s21], $0x4000  }
0x5b: {  	[sflag:s21] =	ssyncset.done $0x0  }
0x5c: {  	[sflag:s21] =	ssyncadd.s32 $0xFFFFC000  }
0x5d: {  	[spmem:s2] =	stream.indirect.scatter.add.f32 [tilespmem:s18], [sflag:$0x3], $0x80, s5, s16, $0xb8;
	[tilespmem:$0x1C400] =	vst v63  }
0x5e: {  	_ =	swait.ge [sflag:s14], $0x4000  }
0x5f: {  	[sflag:s14] =	ssyncset.done $0x0  }
0x60: {  	s9 =	smov.u32 s11;
	s13 =	rddreg [dreg:$0xa];
	[sflag:s14] =	ssyncadd.s32 $0xFFFFC000  }
.LBB2_8:
0x61: {  	[bflag:$0x0] =	sbarrier.arrive $0xFFFF  }
0x62: {  	s8 =	rddreg [dreg:$0x5]  }
0x63: {  	s6 =	rddreg [dreg:$0x6]  }
0x64: {  	s7 =	rddreg [dreg:$0x9]  }
0x65: {  	[hbm:s6], [sflag:s8] =	dma.local [spmem:s7], $0x2780  }
0x66: {  	_ =	swait.ge [sflag:s14], $0x2780  }
0x67: {  	s13 =	sadd.s32 $0x1, s13;
	s6 =	rddreg [dreg:$0x7]  }
0x68: {  	p1 =	sne.s32 s13, s6  }
.Ltmp1:
0x69: {  	_ = 	snop;
	(pc) =	sbr.rel @!p1 .LBB2_9-.Ltmp1, $3  }
0x6a: {  	_ =	sdelay $0x1  }
0x6b: {  	[sflag:s14] =	ssyncset.done $0x0  }
0x6c: {  	[sflag:s14] =	ssyncadd.s32 $0xFFFFD880  }
.LBB2_1:
0x6d: {  	[dreg:$0xa] =	wrdreg s13  }
0x6e: {  	s6 =	rddreg [dreg:$0x4]  }
0x6f: {  	[spmem:s7], [sflag:s8] =	dma.local [hbm:s6], $0x2780  }
.Ltmp2:
0x70: {  	_ =	swait.ge [sflag:s14], $0x2780;
	(pc) =	sbr.rel @!p0 .LBB2_2-.Ltmp2, $3  }
0x71: {  	[sflag:s14] =	ssyncset.done $0x0  }
0x72: {  	[sflag:s14] =	ssyncadd.s32 $0xFFFFD880  }
0x73: {  	[bflag:$0x0] =	sbarrier.arrive $0xFFFF;
	_ =	sdelay $0x1  }
0x74: {  	s6 =	sadd.s32 $0x0, s10  }
0x75: {  	[tilespmem:s3], [sflag:$0x3] =	stream.linear.gather [hbm4b:s6+s3], $0x400, $0x38;
	[tilespmem:$0x1C400] =	vst v63  }
0x76: {  	_ =	swait.ge [sflag:s14], $0x400  }
0x77: {  	[sflag:s14] =	ssyncset.done $0x0  }
0x78: {  	s13 =	sadd.s32 $0x0, s12;
	[sflag:s14] =	ssyncadd.s32 $0xFFFFFC00  }
0x79: {  	[tilespmem:s15], [sflag:$0x3] =	stream.linear.gather [hbm4b:s13+s3], $0x400, $0x38;
	[tilespmem:$0x1C400] =	vst v63  }
0x7a: {  	_ =	swait.ge [sflag:s14], $0x400  }
0x7b: {  	[sflag:s14] =	ssyncset.done $0x0  }
0x7c: {  	[sflag:s14] =	ssyncadd.s32 $0xFFFFFC00  }
0x7d: {  	[tilespmem:s17], [sflag:$0x1] =	stream.indirect.gather [hbm4b:s4+s16], $0x80, s3, s16, $0xb8;
	[tilespmem:$0x1C400] =	vst v63  }
0x7e: {  	_ = 	snop  }
0x7f: {  	[tilespmem:s18], [sflag:$0x2] =	stream.indirect.gather [hbm4b:s4+s16], $0x80, s16, s16, $0xb8;
	[tilespmem:$0x1C400] =	vst v63  }
0x80: {  	_ =	swait.ge [sflag:s19], $0x4000  }
0x81: {  	[sflag:s19] =	ssyncset.done $0x0  }
0x82: {  	[sflag:s19] =	ssyncadd.s32 $0xFFFFC000  }
0x83: {  	[spmem:s2] =	stream.indirect.scatter.add.f32 [tilespmem:s17], [sflag:$0x3], $0x80, s15, s16, $0xb8;
	[tilespmem:$0x1C400] =	vst v63  }
0x84: {  	_ =	swait.ge [sflag:s14], $0x4000  }
0x85: {  	[sflag:s14] =	ssyncset.done $0x0  }
0x86: {  	[sflag:s14] =	ssyncadd.s32 $0xFFFFC000  }
0x87: {  	[tilespmem:s17], [sflag:$0x1] =	stream.indirect.gather [hbm4b:s4+s16], $0x80, s20, s16, $0xb8;
	[tilespmem:$0x1C400] =	vst v63  }
0x88: {  	_ =	swait.ge [sflag:s21], $0x4000  }
0x89: {  	[sflag:s21] =	ssyncset.done $0x0  }
0x8a: {  	[sflag:s21] =	ssyncadd.s32 $0xFFFFC000  }
0x8b: {  	[spmem:s2] =	stream.indirect.scatter.add.f32 [tilespmem:s18], [sflag:$0x3], $0x80, s22, s16, $0xb8;
	[tilespmem:$0x1C400] =	vst v63  }
0x8c: {  	_ =	swait.ge [sflag:s14], $0x4000  }
0x8d: {  	[sflag:s14] =	ssyncset.done $0x0  }
0x8e: {  	[sflag:s14] =	ssyncadd.s32 $0xFFFFC000  }
0x8f: {  	[tilespmem:s18], [sflag:$0x2] =	stream.indirect.gather [hbm4b:s4+s16], $0x80, s23, s16, $0xb8;
	[tilespmem:$0x1C400] =	vst v63  }
0x90: {  	_ =	swait.ge [sflag:s19], $0x4000  }
0x91: {  	[sflag:s19] =	ssyncset.done $0x0  }
0x92: {  	[sflag:s19] =	ssyncadd.s32 $0xFFFFC000  }
0x93: {  	[spmem:s2] =	stream.indirect.scatter.add.f32 [tilespmem:s17], [sflag:$0x3], $0x80, s24, s16, $0xb8;
	[tilespmem:$0x1C400] =	vst v63  }
0x94: {  	_ =	swait.ge [sflag:s14], $0x4000  }
0x95: {  	[sflag:s14] =	ssyncset.done $0x0  }
0x96: {  	[sflag:s14] =	ssyncadd.s32 $0xFFFFC000  }
0x97: {  	[tilespmem:s17], [sflag:$0x1] =	stream.indirect.gather [hbm4b:s4+s16], $0x80, s25, s16, $0xb8;
	[tilespmem:$0x1C400] =	vst v63  }
0x98: {  	_ =	swait.ge [sflag:s21], $0x4000  }
0x99: {  	[sflag:s21] =	ssyncset.done $0x0  }
0x9a: {  	[sflag:s21] =	ssyncadd.s32 $0xFFFFC000  }
0x9b: {  	[spmem:s2] =	stream.indirect.scatter.add.f32 [tilespmem:s18], [sflag:$0x3], $0x80, s26, s16, $0xb8;
	[tilespmem:$0x1C400] =	vst v63  }
0x9c: {  	_ =	swait.ge [sflag:s14], $0x4000  }
0x9d: {  	[sflag:s14] =	ssyncset.done $0x0  }
0x9e: {  	[sflag:s14] =	ssyncadd.s32 $0xFFFFC000  }
0x9f: {  	[tilespmem:s18], [sflag:$0x2] =	stream.indirect.gather [hbm4b:s4+s16], $0x80, s28, s16, $0xb8;
	[tilespmem:$0x1C400] =	vst v63  }
0xa0: {  	_ =	swait.ge [sflag:s19], $0x4000  }
0xa1: {  	[sflag:s19] =	ssyncset.done $0x0  }
0xa2: {  	[sflag:s19] =	ssyncadd.s32 $0xFFFFC000  }
0xa3: {  	[spmem:s2] =	stream.indirect.scatter.add.f32 [tilespmem:s17], [sflag:$0x3], $0x80, s29, s16, $0xb8;
	[tilespmem:$0x1C400] =	vst v63  }
0xa4: {  	_ =	swait.ge [sflag:s14], $0x4000  }
0xa5: {  	[sflag:s14] =	ssyncset.done $0x0  }
0xa6: {  	[sflag:s14] =	ssyncadd.s32 $0xFFFFC000  }
0xa7: {  	[tilespmem:s17], [sflag:$0x1] =	stream.indirect.gather [hbm4b:s4+s16], $0x80, s30, s16, $0xb8;
	[tilespmem:$0x1C400] =	vst v63  }
0xa8: {  	_ =	swait.ge [sflag:s21], $0x4000  }
0xa9: {  	[sflag:s21] =	ssyncset.done $0x0  }
0xaa: {  	[sflag:s21] =	ssyncadd.s32 $0xFFFFC000  }
0xab: {  	[spmem:s2] =	stream.indirect.scatter.add.f32 [tilespmem:s18], [sflag:$0x3], $0x80, s31, s16, $0xb8;
	[tilespmem:$0x1C400] =	vst v63  }
0xac: {  	_ =	swait.ge [sflag:s14], $0x4000  }
0xad: {  	[sflag:s14] =	ssyncset.done $0x0  }
0xae: {  	[sflag:s14] =	ssyncadd.s32 $0xFFFFC000  }
0xaf: {  	[tilespmem:s18], [sflag:$0x2] =	stream.indirect.gather [hbm4b:s4+s16], $0x80, s1, s16, $0xb8;
	[tilespmem:$0x1C400] =	vst v63  }
0xb0: {  	_ =	swait.ge [sflag:s19], $0x4000  }
0xb1: {  	[sflag:s19] =	ssyncset.done $0x0  }
0xb2: {  	[sflag:s19] =	ssyncadd.s32 $0xFFFFC000  }
0xb3: {  	[spmem:s2] =	stream.indirect.scatter.add.f32 [tilespmem:s17], [sflag:$0x3], $0x80, s0, s16, $0xb8;
	[tilespmem:$0x1C400] =	vst v63  }
0xb4: {  	_ =	swait.ge [sflag:s14], $0x4000  }
0xb5: {  	[sflag:s14] =	ssyncset.done $0x0  }
0xb6: {  	[sflag:s14] =	ssyncadd.s32 $0xFFFFC000  }
0xb7: {  	_ =	swait.ge [sflag:s21], $0x4000  }
0xb8: {  	[sflag:s21] =	ssyncset.done $0x0  }
0xb9: {  	[sflag:s21] =	ssyncadd.s32 $0xFFFFC000  }
0xba: {  	[spmem:s2] =	stream.indirect.scatter.add.f32 [tilespmem:s18], [sflag:$0x3], $0x80, s5, s16, $0xb8;
	[tilespmem:$0x1C400] =	vst v63  }
0xbb: {  	_ =	swait.ge [sflag:s14], $0x4000  }
0xbc: {  	s8 =	simm.s32 $0x80;
	s13 =	simm.s32 $0x100;
	[sflag:s14] =	ssyncset.done $0x0  }
.LBB2_6:
0xbd: {  	s7 =	sadd.s32 s8, s10  }
0xbe: {  	[sflag:s14] =	ssyncadd.s32 $0xFFFFC000;
	s9 =	smov.u32 s13;
	s6 =	sadd.s32 $0x80, s13  }
0xbf: {  	[tilespmem:s3], [sflag:$0x3] =	stream.linear.gather [hbm4b:s7+s3], $0x400, $0x38;
	[tilespmem:$0x1C400] =	vst v63  }
0xc0: {  	p1 =	sne.s32 s13, $0x480;
	_ =	swait.ge [sflag:s14], $0x400  }
0xc1: {  	[sflag:s14] =	ssyncset.done $0x0  }
0xc2: {  	s7 =	sadd.s32 s8, s12;
	s8 =	smov.u32 s9;
	[sflag:s14] =	ssyncadd.s32 $0xFFFFFC00  }
0xc3: {  	[tilespmem:s15], [sflag:$0x3] =	stream.linear.gather [hbm4b:s7+s3], $0x400, $0x38;
	[tilespmem:$0x1C400] =	vst v63  }
0xc4: {  	_ =	swait.ge [sflag:s14], $0x400  }
0xc5: {  	[sflag:s14] =	ssyncset.done $0x0  }
0xc6: {  	[sflag:s14] =	ssyncadd.s32 $0xFFFFFC00  }
0xc7: {  	[tilespmem:s17], [sflag:$0x1] =	stream.indirect.gather [hbm4b:s4+s16], $0x80, s3, s16, $0xb8;
	[tilespmem:$0x1C400] =	vst v63  }
0xc8: {  	_ = 	snop  }
0xc9: {  	[tilespmem:s18], [sflag:$0x2] =	stream.indirect.gather [hbm4b:s4+s16], $0x80, s16, s16, $0xb8;
	[tilespmem:$0x1C400] =	vst v63  }
0xca: {  	_ =	swait.ge [sflag:s19], $0x4000  }
0xcb: {  	[sflag:s19] =	ssyncset.done $0x0  }
0xcc: {  	[sflag:s19] =	ssyncadd.s32 $0xFFFFC000  }
0xcd: {  	[spmem:s2] =	stream.indirect.scatter.add.f32 [tilespmem:s17], [sflag:$0x3], $0x80, s15, s16, $0xb8;
	[tilespmem:$0x1C400] =	vst v63  }
0xce: {  	_ =	swait.ge [sflag:s14], $0x4000  }
0xcf: {  	[sflag:s14] =	ssyncset.done $0x0  }
0xd0: {  	[sflag:s14] =	ssyncadd.s32 $0xFFFFC000  }
0xd1: {  	[tilespmem:s17], [sflag:$0x1] =	stream.indirect.gather [hbm4b:s4+s16], $0x80, s20, s16, $0xb8;
	[tilespmem:$0x1C400] =	vst v63  }
0xd2: {  	_ =	swait.ge [sflag:s21], $0x4000  }
0xd3: {  	[sflag:s21] =	ssyncset.done $0x0  }
0xd4: {  	[sflag:s21] =	ssyncadd.s32 $0xFFFFC000  }
0xd5: {  	[spmem:s2] =	stream.indirect.scatter.add.f32 [tilespmem:s18], [sflag:$0x3], $0x80, s22, s16, $0xb8;
	[tilespmem:$0x1C400] =	vst v63  }
0xd6: {  	_ =	swait.ge [sflag:s14], $0x4000  }
0xd7: {  	[sflag:s14] =	ssyncset.done $0x0  }
0xd8: {  	[sflag:s14] =	ssyncadd.s32 $0xFFFFC000  }
0xd9: {  	[tilespmem:s18], [sflag:$0x2] =	stream.indirect.gather [hbm4b:s4+s16], $0x80, s23, s16, $0xb8;
	[tilespmem:$0x1C400] =	vst v63  }
0xda: {  	_ =	swait.ge [sflag:s19], $0x4000  }
0xdb: {  	[sflag:s19] =	ssyncset.done $0x0  }
0xdc: {  	[sflag:s19] =	ssyncadd.s32 $0xFFFFC000  }
0xdd: {  	[spmem:s2] =	stream.indirect.scatter.add.f32 [tilespmem:s17], [sflag:$0x3], $0x80, s24, s16, $0xb8;
	[tilespmem:$0x1C400] =	vst v63  }
0xde: {  	_ =	swait.ge [sflag:s14], $0x4000  }
0xdf: {  	[sflag:s14] =	ssyncset.done $0x0  }
0xe0: {  	[sflag:s14] =	ssyncadd.s32 $0xFFFFC000  }
0xe1: {  	[tilespmem:s17], [sflag:$0x1] =	stream.indirect.gather [hbm4b:s4+s16], $0x80, s25, s16, $0xb8;
	[tilespmem:$0x1C400] =	vst v63  }
0xe2: {  	_ =	swait.ge [sflag:s21], $0x4000  }
0xe3: {  	[sflag:s21] =	ssyncset.done $0x0  }
0xe4: {  	[sflag:s21] =	ssyncadd.s32 $0xFFFFC000  }
0xe5: {  	[spmem:s2] =	stream.indirect.scatter.add.f32 [tilespmem:s18], [sflag:$0x3], $0x80, s26, s16, $0xb8;
	[tilespmem:$0x1C400] =	vst v63  }
0xe6: {  	_ =	swait.ge [sflag:s14], $0x4000  }
0xe7: {  	[sflag:s14] =	ssyncset.done $0x0  }
0xe8: {  	[sflag:s14] =	ssyncadd.s32 $0xFFFFC000  }
0xe9: {  	[tilespmem:s18], [sflag:$0x2] =	stream.indirect.gather [hbm4b:s4+s16], $0x80, s28, s16, $0xb8;
	[tilespmem:$0x1C400] =	vst v63  }
0xea: {  	_ =	swait.ge [sflag:s19], $0x4000  }
0xeb: {  	[sflag:s19] =	ssyncset.done $0x0  }
0xec: {  	[sflag:s19] =	ssyncadd.s32 $0xFFFFC000  }
0xed: {  	[spmem:s2] =	stream.indirect.scatter.add.f32 [tilespmem:s17], [sflag:$0x3], $0x80, s29, s16, $0xb8;
	[tilespmem:$0x1C400] =	vst v63  }
0xee: {  	_ =	swait.ge [sflag:s14], $0x4000  }
0xef: {  	[sflag:s14] =	ssyncset.done $0x0  }
0xf0: {  	[sflag:s14] =	ssyncadd.s32 $0xFFFFC000  }
0xf1: {  	[tilespmem:s17], [sflag:$0x1] =	stream.indirect.gather [hbm4b:s4+s16], $0x80, s30, s16, $0xb8;
	[tilespmem:$0x1C400] =	vst v63  }
0xf2: {  	_ =	swait.ge [sflag:s21], $0x4000  }
0xf3: {  	[sflag:s21] =	ssyncset.done $0x0  }
0xf4: {  	[sflag:s21] =	ssyncadd.s32 $0xFFFFC000  }
0xf5: {  	[spmem:s2] =	stream.indirect.scatter.add.f32 [tilespmem:s18], [sflag:$0x3], $0x80, s31, s16, $0xb8;
	[tilespmem:$0x1C400] =	vst v63  }
0xf6: {  	_ =	swait.ge [sflag:s14], $0x4000  }
0xf7: {  	[sflag:s14] =	ssyncset.done $0x0  }
0xf8: {  	[sflag:s14] =	ssyncadd.s32 $0xFFFFC000  }
0xf9: {  	[tilespmem:s18], [sflag:$0x2] =	stream.indirect.gather [hbm4b:s4+s16], $0x80, s1, s16, $0xb8;
	[tilespmem:$0x1C400] =	vst v63  }
0xfa: {  	_ =	swait.ge [sflag:s19], $0x4000  }
0xfb: {  	[sflag:s19] =	ssyncset.done $0x0  }
0xfc: {  	[sflag:s19] =	ssyncadd.s32 $0xFFFFC000  }
0xfd: {  	[spmem:s2] =	stream.indirect.scatter.add.f32 [tilespmem:s17], [sflag:$0x3], $0x80, s0, s16, $0xb8;
	[tilespmem:$0x1C400] =	vst v63  }
0xfe: {  	_ =	swait.ge [sflag:s14], $0x4000  }
0xff: {  	[sflag:s14] =	ssyncset.done $0x0  }
0x100: {  	[sflag:s14] =	ssyncadd.s32 $0xFFFFC000  }
0x101: {  	_ =	swait.ge [sflag:s21], $0x4000  }
.Ltmp3:
0x102: {  	[sflag:s21] =	ssyncset.done $0x0;
	(pc) =	sbr.rel @p1 .LBB2_6-.Ltmp3, $4  }
0x103: {  	[sflag:s21] =	ssyncadd.s32 $0xFFFFC000  }
0x104: {  	[spmem:s2] =	stream.indirect.scatter.add.f32 [tilespmem:s18], [sflag:$0x3], $0x80, s5, s16, $0xb8;
	[tilespmem:$0x1C400] =	vst v63  }
0x105: {  	_ =	swait.ge [sflag:s14], $0x4000  }
0x106: {  	s13 =	smov.u32 s6;
	[sflag:s14] =	ssyncset.done $0x0  }
.Ltmp4:
0x107: {  	_ = 	snop;
	(pc) =	sbr.rel .LBB2_7-.Ltmp4, $1  }
0x108: {  	_ =	sdelay $0x3  }
.LBB2_2:
0x109: {  	s6 =	sadd.s32 $0x0, s9  }
0x10a: {  	[tilespmem:s3], [sflag:$0x3] =	stream.linear.gather [hbm4b:s6+s3], $0x400, $0x38;
	[tilespmem:$0x1C400] =	vst v63  }
0x10b: {  	_ =	swait.ge [sflag:s14], $0x400  }
0x10c: {  	[sflag:s14] =	ssyncset.done $0x0;
	s13 =	rddreg [dreg:$0x3]  }
0x10d: {  	[sflag:s14] =	ssyncadd.s32 $0xFFFFFC00;
	s6 =	sadd.s32 $0x0, s13  }
0x10e: {  	[tilespmem:s15], [sflag:$0x3] =	stream.linear.gather [hbm4b:s6+s3], $0x400, $0x38;
	[tilespmem:$0x1C400] =	vst v63  }
0x10f: {  	_ =	swait.ge [sflag:s14], $0x400  }
0x110: {  	[sflag:s14] =	ssyncset.done $0x0  }
0x111: {  	[sflag:s14] =	ssyncadd.s32 $0xFFFFFC00  }
0x112: {  	[tilespmem:s17], [sflag:$0x1] =	stream.indirect.gather [hbm4b:s4+s16], $0x80, s3, s16, $0xb8;
	[tilespmem:$0x1C400] =	vst v63  }
0x113: {  	_ = 	snop  }
0x114: {  	[tilespmem:s18], [sflag:$0x2] =	stream.indirect.gather [hbm4b:s4+s16], $0x80, s16, s16, $0xb8;
	[tilespmem:$0x1C400] =	vst v63  }
0x115: {  	_ =	swait.ge [sflag:s19], $0x4000  }
0x116: {  	[sflag:s19] =	ssyncset.done $0x0  }
0x117: {  	[sflag:s19] =	ssyncadd.s32 $0xFFFFC000  }
0x118: {  	[spmem:s2] =	stream.indirect.scatter.add.f32 [tilespmem:s17], [sflag:$0x3], $0x80, s15, s16, $0xb8;
	[tilespmem:$0x1C400] =	vst v63  }
0x119: {  	_ =	swait.ge [sflag:s14], $0x4000  }
0x11a: {  	[sflag:s14] =	ssyncset.done $0x0  }
0x11b: {  	[sflag:s14] =	ssyncadd.s32 $0xFFFFC000  }
0x11c: {  	[tilespmem:s17], [sflag:$0x1] =	stream.indirect.gather [hbm4b:s4+s16], $0x80, s20, s16, $0xb8;
	[tilespmem:$0x1C400] =	vst v63  }
0x11d: {  	_ =	swait.ge [sflag:s21], $0x4000  }
0x11e: {  	[sflag:s21] =	ssyncset.done $0x0  }
0x11f: {  	[sflag:s21] =	ssyncadd.s32 $0xFFFFC000  }
0x120: {  	[spmem:s2] =	stream.indirect.scatter.add.f32 [tilespmem:s18], [sflag:$0x3], $0x80, s22, s16, $0xb8;
	[tilespmem:$0x1C400] =	vst v63  }
0x121: {  	_ =	swait.ge [sflag:s14], $0x4000  }
0x122: {  	[sflag:s14] =	ssyncset.done $0x0  }
0x123: {  	[sflag:s14] =	ssyncadd.s32 $0xFFFFC000  }
0x124: {  	[tilespmem:s18], [sflag:$0x2] =	stream.indirect.gather [hbm4b:s4+s16], $0x80, s23, s16, $0xb8;
	[tilespmem:$0x1C400] =	vst v63  }
0x125: {  	_ =	swait.ge [sflag:s19], $0x4000  }
0x126: {  	[sflag:s19] =	ssyncset.done $0x0  }
0x127: {  	[sflag:s19] =	ssyncadd.s32 $0xFFFFC000  }
0x128: {  	[spmem:s2] =	stream.indirect.scatter.add.f32 [tilespmem:s17], [sflag:$0x3], $0x80, s24, s16, $0xb8;
	[tilespmem:$0x1C400] =	vst v63  }
0x129: {  	_ =	swait.ge [sflag:s14], $0x4000  }
0x12a: {  	[sflag:s14] =	ssyncset.done $0x0  }
0x12b: {  	[sflag:s14] =	ssyncadd.s32 $0xFFFFC000  }
0x12c: {  	[tilespmem:s17], [sflag:$0x1] =	stream.indirect.gather [hbm4b:s4+s16], $0x80, s25, s16, $0xb8;
	[tilespmem:$0x1C400] =	vst v63  }
0x12d: {  	_ =	swait.ge [sflag:s21], $0x4000  }
0x12e: {  	[sflag:s21] =	ssyncset.done $0x0  }
0x12f: {  	[sflag:s21] =	ssyncadd.s32 $0xFFFFC000  }
0x130: {  	[spmem:s2] =	stream.indirect.scatter.add.f32 [tilespmem:s18], [sflag:$0x3], $0x80, s26, s16, $0xb8;
	[tilespmem:$0x1C400] =	vst v63  }
0x131: {  	_ =	swait.ge [sflag:s14], $0x4000  }
0x132: {  	[sflag:s14] =	ssyncset.done $0x0  }
0x133: {  	[sflag:s14] =	ssyncadd.s32 $0xFFFFC000  }
0x134: {  	[tilespmem:s18], [sflag:$0x2] =	stream.indirect.gather [hbm4b:s4+s16], $0x80, s28, s16, $0xb8;
	[tilespmem:$0x1C400] =	vst v63  }
0x135: {  	_ =	swait.ge [sflag:s19], $0x4000  }
0x136: {  	[sflag:s19] =	ssyncset.done $0x0  }
0x137: {  	[sflag:s19] =	ssyncadd.s32 $0xFFFFC000  }
0x138: {  	[spmem:s2] =	stream.indirect.scatter.add.f32 [tilespmem:s17], [sflag:$0x3], $0x80, s29, s16, $0xb8;
	[tilespmem:$0x1C400] =	vst v63  }
0x139: {  	_ =	swait.ge [sflag:s14], $0x4000  }
0x13a: {  	[sflag:s14] =	ssyncset.done $0x0  }
0x13b: {  	[sflag:s14] =	ssyncadd.s32 $0xFFFFC000  }
0x13c: {  	[tilespmem:s17], [sflag:$0x1] =	stream.indirect.gather [hbm4b:s4+s16], $0x80, s30, s16, $0xb8;
	[tilespmem:$0x1C400] =	vst v63  }
0x13d: {  	_ =	swait.ge [sflag:s21], $0x4000  }
0x13e: {  	[sflag:s21] =	ssyncset.done $0x0  }
0x13f: {  	[sflag:s21] =	ssyncadd.s32 $0xFFFFC000  }
0x140: {  	[spmem:s2] =	stream.indirect.scatter.add.f32 [tilespmem:s18], [sflag:$0x3], $0x80, s31, s16, $0xb8;
	[tilespmem:$0x1C400] =	vst v63  }
0x141: {  	_ =	swait.ge [sflag:s14], $0x4000  }
0x142: {  	[sflag:s14] =	ssyncset.done $0x0  }
0x143: {  	[sflag:s14] =	ssyncadd.s32 $0xFFFFC000  }
0x144: {  	[tilespmem:s18], [sflag:$0x2] =	stream.indirect.gather [hbm4b:s4+s16], $0x80, s1, s16, $0xb8;
	[tilespmem:$0x1C400] =	vst v63  }
0x145: {  	_ =	swait.ge [sflag:s19], $0x4000  }
0x146: {  	[sflag:s19] =	ssyncset.done $0x0  }
0x147: {  	[sflag:s19] =	ssyncadd.s32 $0xFFFFC000  }
0x148: {  	[spmem:s2] =	stream.indirect.scatter.add.f32 [tilespmem:s17], [sflag:$0x3], $0x80, s0, s16, $0xb8;
	[tilespmem:$0x1C400] =	vst v63  }
0x149: {  	_ =	swait.ge [sflag:s14], $0x4000  }
0x14a: {  	[sflag:s14] =	ssyncset.done $0x0  }
0x14b: {  	[sflag:s14] =	ssyncadd.s32 $0xFFFFC000  }
0x14c: {  	_ =	swait.ge [sflag:s21], $0x4000  }
0x14d: {  	[sflag:s21] =	ssyncset.done $0x0  }
0x14e: {  	[sflag:s21] =	ssyncadd.s32 $0xFFFFC000  }
0x14f: {  	[spmem:s2] =	stream.indirect.scatter.add.f32 [tilespmem:s18], [sflag:$0x3], $0x80, s5, s16, $0xb8;
	[tilespmem:$0x1C400] =	vst v63  }
0x150: {  	_ =	swait.ge [sflag:s14], $0x4000  }
0x151: {  	s8 =	simm.s32 $0x80;
	s6 =	simm.s32 $0x100;
	[sflag:s14] =	ssyncset.done $0x0  }
.LBB2_3:
0x152: {  	s7 =	sadd.s32 s8, s9;
	[sflag:s14] =	ssyncadd.s32 $0xFFFFC000  }
0x153: {  	[tilespmem:s3], [sflag:$0x3] =	stream.linear.gather [hbm4b:s7+s3], $0x400, $0x38;
	[tilespmem:$0x1C400] =	vst v63  }
0x154: {  	s7 =	rddreg [dreg:$0x3];
	_ =	swait.ge [sflag:s14], $0x400  }
0x155: {  	[sflag:s14] =	ssyncset.done $0x0  }
0x156: {  	s12 =	sadd.s32 s8, s7;
	[sflag:s14] =	ssyncadd.s32 $0xFFFFFC00  }
0x157: {  	[tilespmem:s15], [sflag:$0x3] =	stream.linear.gather [hbm4b:s12+s3], $0x400, $0x38;
	[tilespmem:$0x1C400] =	vst v63  }
0x158: {  	_ =	swait.ge [sflag:s14], $0x400  }
0x159: {  	[sflag:s14] =	ssyncset.done $0x0  }
0x15a: {  	[sflag:s14] =	ssyncadd.s32 $0xFFFFFC00  }
0x15b: {  	[tilespmem:s17], [sflag:$0x1] =	stream.indirect.gather [hbm4b:s4+s16], $0x80, s3, s16, $0xb8;
	[tilespmem:$0x1C400] =	vst v63  }
0x15c: {  	_ = 	snop  }
0x15d: {  	[tilespmem:s18], [sflag:$0x2] =	stream.indirect.gather [hbm4b:s4+s16], $0x80, s16, s16, $0xb8;
	[tilespmem:$0x1C400] =	vst v63  }
0x15e: {  	_ =	swait.ge [sflag:s19], $0x4000  }
0x15f: {  	[sflag:s19] =	ssyncset.done $0x0  }
0x160: {  	[sflag:s19] =	ssyncadd.s32 $0xFFFFC000  }
0x161: {  	[spmem:s2] =	stream.indirect.scatter.add.f32 [tilespmem:s17], [sflag:$0x3], $0x80, s15, s16, $0xb8;
	[tilespmem:$0x1C400] =	vst v63  }
0x162: {  	_ =	swait.ge [sflag:s14], $0x4000  }
0x163: {  	[sflag:s14] =	ssyncset.done $0x0  }
0x164: {  	[sflag:s14] =	ssyncadd.s32 $0xFFFFC000  }
0x165: {  	[tilespmem:s17], [sflag:$0x1] =	stream.indirect.gather [hbm4b:s4+s16], $0x80, s20, s16, $0xb8;
	[tilespmem:$0x1C400] =	vst v63  }
0x166: {  	_ =	swait.ge [sflag:s21], $0x4000  }
0x167: {  	[sflag:s21] =	ssyncset.done $0x0  }
0x168: {  	[sflag:s21] =	ssyncadd.s32 $0xFFFFC000  }
0x169: {  	[spmem:s2] =	stream.indirect.scatter.add.f32 [tilespmem:s18], [sflag:$0x3], $0x80, s22, s16, $0xb8;
	[tilespmem:$0x1C400] =	vst v63  }
0x16a: {  	_ =	swait.ge [sflag:s14], $0x4000  }
0x16b: {  	[sflag:s14] =	ssyncset.done $0x0  }
0x16c: {  	[sflag:s14] =	ssyncadd.s32 $0xFFFFC000  }
0x16d: {  	[tilespmem:s18], [sflag:$0x2] =	stream.indirect.gather [hbm4b:s4+s16], $0x80, s23, s16, $0xb8;
	[tilespmem:$0x1C400] =	vst v63  }
0x16e: {  	_ =	swait.ge [sflag:s19], $0x4000  }
0x16f: {  	[sflag:s19] =	ssyncset.done $0x0  }
0x170: {  	[sflag:s19] =	ssyncadd.s32 $0xFFFFC000  }
0x171: {  	[spmem:s2] =	stream.indirect.scatter.add.f32 [tilespmem:s17], [sflag:$0x3], $0x80, s24, s16, $0xb8;
	[tilespmem:$0x1C400] =	vst v63  }
0x172: {  	_ =	swait.ge [sflag:s14], $0x4000  }
0x173: {  	[sflag:s14] =	ssyncset.done $0x0  }
0x174: {  	[sflag:s14] =	ssyncadd.s32 $0xFFFFC000  }
0x175: {  	[tilespmem:s17], [sflag:$0x1] =	stream.indirect.gather [hbm4b:s4+s16], $0x80, s25, s16, $0xb8;
	[tilespmem:$0x1C400] =	vst v63  }
0x176: {  	_ =	swait.ge [sflag:s21], $0x4000  }
0x177: {  	[sflag:s21] =	ssyncset.done $0x0  }
0x178: {  	[sflag:s21] =	ssyncadd.s32 $0xFFFFC000  }
0x179: {  	[spmem:s2] =	stream.indirect.scatter.add.f32 [tilespmem:s18], [sflag:$0x3], $0x80, s26, s16, $0xb8;
	[tilespmem:$0x1C400] =	vst v63  }
0x17a: {  	_ =	swait.ge [sflag:s14], $0x4000  }
0x17b: {  	[sflag:s14] =	ssyncset.done $0x0  }
0x17c: {  	[sflag:s14] =	ssyncadd.s32 $0xFFFFC000  }
0x17d: {  	[tilespmem:s18], [sflag:$0x2] =	stream.indirect.gather [hbm4b:s4+s16], $0x80, s28, s16, $0xb8;
	[tilespmem:$0x1C400] =	vst v63  }
0x17e: {  	_ =	swait.ge [sflag:s19], $0x4000  }
0x17f: {  	[sflag:s19] =	ssyncset.done $0x0  }
0x180: {  	[sflag:s19] =	ssyncadd.s32 $0xFFFFC000  }
0x181: {  	[spmem:s2] =	stream.indirect.scatter.add.f32 [tilespmem:s17], [sflag:$0x3], $0x80, s29, s16, $0xb8;
	[tilespmem:$0x1C400] =	vst v63  }
0x182: {  	_ =	swait.ge [sflag:s14], $0x4000  }
0x183: {  	[sflag:s14] =	ssyncset.done $0x0  }
0x184: {  	[sflag:s14] =	ssyncadd.s32 $0xFFFFC000  }
0x185: {  	[tilespmem:s17], [sflag:$0x1] =	stream.indirect.gather [hbm4b:s4+s16], $0x80, s30, s16, $0xb8;
	[tilespmem:$0x1C400] =	vst v63  }
0x186: {  	_ =	swait.ge [sflag:s21], $0x4000  }
0x187: {  	[sflag:s21] =	ssyncset.done $0x0  }
0x188: {  	[sflag:s21] =	ssyncadd.s32 $0xFFFFC000  }
0x189: {  	[spmem:s2] =	stream.indirect.scatter.add.f32 [tilespmem:s18], [sflag:$0x3], $0x80, s31, s16, $0xb8;
	[tilespmem:$0x1C400] =	vst v63  }
0x18a: {  	_ =	swait.ge [sflag:s14], $0x4000  }
0x18b: {  	[sflag:s14] =	ssyncset.done $0x0  }
0x18c: {  	[sflag:s14] =	ssyncadd.s32 $0xFFFFC000  }
0x18d: {  	[tilespmem:s18], [sflag:$0x2] =	stream.indirect.gather [hbm4b:s4+s16], $0x80, s1, s16, $0xb8;
	[tilespmem:$0x1C400] =	vst v63  }
0x18e: {  	_ =	swait.ge [sflag:s19], $0x4000  }
0x18f: {  	[sflag:s19] =	ssyncset.done $0x0  }
0x190: {  	[sflag:s19] =	ssyncadd.s32 $0xFFFFC000  }
0x191: {  	[spmem:s2] =	stream.indirect.scatter.add.f32 [tilespmem:s17], [sflag:$0x3], $0x80, s0, s16, $0xb8;
	[tilespmem:$0x1C400] =	vst v63  }
0x192: {  	_ =	swait.ge [sflag:s14], $0x4000  }
0x193: {  	[sflag:s14] =	ssyncset.done $0x0  }
0x194: {  	[sflag:s14] =	ssyncadd.s32 $0xFFFFC000  }
0x195: {  	p1 =	seq.s32 s6, $0x480;
	_ =	swait.ge [sflag:s21], $0x4000  }
.Ltmp5:
0x196: {  	[sflag:s21] =	ssyncset.done $0x0;
	(pc) =	sbr.rel @!p1 .LBB2_3-.Ltmp5, $4  }
0x197: {  	s13 =	sadd.s32 $0x80, s6;
	[sflag:s21] =	ssyncadd.s32 $0xFFFFC000  }
0x198: {  	[spmem:s2] =	stream.indirect.scatter.add.f32 [tilespmem:s18], [sflag:$0x3], $0x80, s5, s16, $0xb8;
	[tilespmem:$0x1C400] =	vst v63  }
0x199: {  	s9 =	smov.u32 s6;
	s6 =	smov.u32 s13;
	_ =	swait.ge [sflag:s14], $0x4000  }
0x19a: {  	s8 =	smov.u32 s9;
	s9 =	smov.u32 s11;
	[sflag:s14] =	ssyncset.done $0x0  }
0x19b: {  	s6 =	sadd.s32 s8, s9;
	[sflag:s14] =	ssyncadd.s32 $0xFFFFC000  }
0x19c: {  	[tilespmem:s3], [sflag:$0x3] =	stream.linear.gather [hbm4b:s6+s3], $0x400, $0x38;
	[tilespmem:$0x1C400] =	vst v63  }
0x19d: {  	_ =	swait.ge [sflag:s14], $0x400  }
0x19e: {  	[sflag:s14] =	ssyncset.done $0x0  }
0x19f: {  	s13 =	sadd.s32 s8, s7;
	[sflag:s14] =	ssyncadd.s32 $0xFFFFFC00  }
0x1a0: {  	[tilespmem:s15], [sflag:$0x3] =	stream.linear.gather [hbm4b:s13+s3], $0x400, $0x38;
	[tilespmem:$0x1C400] =	vst v63  }
0x1a1: {  	_ =	swait.ge [sflag:s14], $0x400  }
0x1a2: {  	[sflag:s14] =	ssyncset.done $0x0  }
0x1a3: {  	[sflag:s14] =	ssyncadd.s32 $0xFFFFFC00  }
0x1a4: {  	[tilespmem:s17], [sflag:$0x1] =	stream.indirect.gather [hbm4b:s4+s16], $0x80, s3, s16, $0xb8;
	[tilespmem:$0x1C400] =	vst v63  }
0x1a5: {  	_ = 	snop  }
0x1a6: {  	[tilespmem:s18], [sflag:$0x2] =	stream.indirect.gather [hbm4b:s4+s16], $0x80, s16, s16, $0xb8;
	[tilespmem:$0x1C400] =	vst v63  }
0x1a7: {  	_ =	swait.ge [sflag:s19], $0x4000  }
0x1a8: {  	[sflag:s19] =	ssyncset.done $0x0  }
0x1a9: {  	[sflag:s19] =	ssyncadd.s32 $0xFFFFC000  }
0x1aa: {  	[spmem:s2] =	stream.indirect.scatter.add.f32 [tilespmem:s17], [sflag:$0x3], $0x80, s15, s16, $0xb8;
	[tilespmem:$0x1C400] =	vst v63  }
0x1ab: {  	_ =	swait.ge [sflag:s14], $0x4000  }
0x1ac: {  	[sflag:s14] =	ssyncset.done $0x0  }
0x1ad: {  	[sflag:s14] =	ssyncadd.s32 $0xFFFFC000  }
0x1ae: {  	[tilespmem:s17], [sflag:$0x1] =	stream.indirect.gather [hbm4b:s4+s16], $0x80, s20, s16, $0xb8;
	[tilespmem:$0x1C400] =	vst v63  }
0x1af: {  	_ =	swait.ge [sflag:s21], $0x4000  }
0x1b0: {  	[sflag:s21] =	ssyncset.done $0x0  }
0x1b1: {  	[sflag:s21] =	ssyncadd.s32 $0xFFFFC000  }
0x1b2: {  	[spmem:s2] =	stream.indirect.scatter.add.f32 [tilespmem:s18], [sflag:$0x3], $0x80, s22, s16, $0xb8;
	[tilespmem:$0x1C400] =	vst v63  }
0x1b3: {  	_ =	swait.ge [sflag:s14], $0x4000  }
0x1b4: {  	[sflag:s14] =	ssyncset.done $0x0  }
0x1b5: {  	[sflag:s14] =	ssyncadd.s32 $0xFFFFC000  }
0x1b6: {  	[tilespmem:s18], [sflag:$0x2] =	stream.indirect.gather [hbm4b:s4+s16], $0x80, s23, s16, $0xb8;
	[tilespmem:$0x1C400] =	vst v63  }
0x1b7: {  	_ =	swait.ge [sflag:s19], $0x4000  }
0x1b8: {  	[sflag:s19] =	ssyncset.done $0x0  }
0x1b9: {  	[sflag:s19] =	ssyncadd.s32 $0xFFFFC000  }
0x1ba: {  	[spmem:s2] =	stream.indirect.scatter.add.f32 [tilespmem:s17], [sflag:$0x3], $0x80, s24, s16, $0xb8;
	[tilespmem:$0x1C400] =	vst v63  }
0x1bb: {  	_ =	swait.ge [sflag:s14], $0x4000  }
0x1bc: {  	[sflag:s14] =	ssyncset.done $0x0  }
0x1bd: {  	[sflag:s14] =	ssyncadd.s32 $0xFFFFC000  }
0x1be: {  	[tilespmem:s17], [sflag:$0x1] =	stream.indirect.gather [hbm4b:s4+s16], $0x80, s25, s16, $0xb8;
	[tilespmem:$0x1C400] =	vst v63  }
0x1bf: {  	_ =	swait.ge [sflag:s21], $0x4000  }
0x1c0: {  	[sflag:s21] =	ssyncset.done $0x0  }
0x1c1: {  	[sflag:s21] =	ssyncadd.s32 $0xFFFFC000  }
0x1c2: {  	[spmem:s2] =	stream.indirect.scatter.add.f32 [tilespmem:s18], [sflag:$0x3], $0x80, s26, s16, $0xb8;
	[tilespmem:$0x1C400] =	vst v63  }
0x1c3: {  	_ =	swait.ge [sflag:s14], $0x4000  }
0x1c4: {  	[sflag:s14] =	ssyncset.done $0x0  }
0x1c5: {  	[sflag:s14] =	ssyncadd.s32 $0xFFFFC000  }
0x1c6: {  	[tilespmem:s18], [sflag:$0x2] =	stream.indirect.gather [hbm4b:s4+s16], $0x80, s28, s16, $0xb8;
	[tilespmem:$0x1C400] =	vst v63  }
0x1c7: {  	_ =	swait.ge [sflag:s19], $0x4000  }
0x1c8: {  	[sflag:s19] =	ssyncset.done $0x0  }
0x1c9: {  	[sflag:s19] =	ssyncadd.s32 $0xFFFFC000  }
0x1ca: {  	[spmem:s2] =	stream.indirect.scatter.add.f32 [tilespmem:s17], [sflag:$0x3], $0x80, s29, s16, $0xb8;
	[tilespmem:$0x1C400] =	vst v63  }
0x1cb: {  	_ =	swait.ge [sflag:s14], $0x4000  }
0x1cc: {  	[sflag:s14] =	ssyncset.done $0x0  }
0x1cd: {  	[sflag:s14] =	ssyncadd.s32 $0xFFFFC000  }
0x1ce: {  	[tilespmem:s17], [sflag:$0x1] =	stream.indirect.gather [hbm4b:s4+s16], $0x80, s30, s16, $0xb8;
	[tilespmem:$0x1C400] =	vst v63  }
0x1cf: {  	_ =	swait.ge [sflag:s21], $0x4000  }
0x1d0: {  	[sflag:s21] =	ssyncset.done $0x0  }
0x1d1: {  	[sflag:s21] =	ssyncadd.s32 $0xFFFFC000  }
0x1d2: {  	[spmem:s2] =	stream.indirect.scatter.add.f32 [tilespmem:s18], [sflag:$0x3], $0x80, s31, s16, $0xb8;
	[tilespmem:$0x1C400] =	vst v63  }
0x1d3: {  	_ =	swait.ge [sflag:s14], $0x4000  }
0x1d4: {  	[sflag:s14] =	ssyncset.done $0x0  }
0x1d5: {  	[sflag:s14] =	ssyncadd.s32 $0xFFFFC000  }
0x1d6: {  	[tilespmem:s18], [sflag:$0x2] =	stream.indirect.gather [hbm4b:s4+s16], $0x80, s1, s16, $0xb8;
	[tilespmem:$0x1C400] =	vst v63  }
0x1d7: {  	_ =	swait.ge [sflag:s19], $0x4000  }
0x1d8: {  	[sflag:s19] =	ssyncset.done $0x0  }
0x1d9: {  	[sflag:s19] =	ssyncadd.s32 $0xFFFFC000  }
0x1da: {  	[spmem:s2] =	stream.indirect.scatter.add.f32 [tilespmem:s17], [sflag:$0x3], $0x80, s0, s16, $0xb8;
	[tilespmem:$0x1C400] =	vst v63  }
0x1db: {  	_ =	swait.ge [sflag:s14], $0x4000  }
0x1dc: {  	[sflag:s14] =	ssyncset.done $0x0  }
0x1dd: {  	[sflag:s14] =	ssyncadd.s32 $0xFFFFC000  }
0x1de: {  	_ =	swait.ge [sflag:s21], $0x4000  }
0x1df: {  	[sflag:s21] =	ssyncset.done $0x0  }
.Ltmp6:
0x1e0: {  	[sflag:s21] =	ssyncadd.s32 $0xFFFFC000;
	(pc) =	sbr.rel .LBB2_8-.Ltmp6, $4  }
0x1e1: {  	[spmem:s2] =	stream.indirect.scatter.add.f32 [tilespmem:s18], [sflag:$0x3], $0x80, s5, s16, $0xb8;
	[tilespmem:$0x1C400] =	vst v63  }
0x1e2: {  	_ =	swait.ge [sflag:s14], $0x4000  }
0x1e3: {  	[sflag:s14] =	ssyncset.done $0x0;
	s12 =	rddreg [dreg:$0x8]  }
0x1e4: {  	s13 =	rddreg [dreg:$0xa];
	[sflag:s14] =	ssyncadd.s32 $0xFFFFC000  }
.LBB2_9:
0x1e5: {  	_ =	sfence.sel $0x180000  }
0x1e6: {  	[bflag:$0x0] =	sbarrier.arrive $0xFFFF  }
0x1e7: {  	_ =	strace $0x9000004A  }
0x1e8: {  	s0 =	stileid.u32;
	[bflag:$0x2] =	sbarrier.arrive $0xFFFF  }
0x1e9: {  	p0 =	sne.s32 s0, $0x0;
	s0 =	rddreg [dreg:$0x2]  }
0x1ea: {  	s0 =	sadd.s32 @!p0 $0x100000, s0  }
0x1eb: {  	[sflag:s0] =	ssyncadd.tile.s32 @!p0 $0x1;
	_ =	shalt  }
.Lfunc_end2:
_tile_overlayer_lowered:
.L_overlay_start_2:
0x1ec: {  	(tag) =	ssettag $0x2  }
0x1ed: {  	s0 =	rddreg [dreg:$0x0];
	s2 =	stileid.u32  }
0x1ee: {  	s1 =	rddreg [dreg:$0x1];
	p0 =	sne.s32 s2, $0x0  }
0x1ef: {  	s3 =	rddreg [dreg:$0x2];
	[bflag:$0x3] =	sbarrier.arrive $0xFFFF;
	s2 =	simm.s32 @!p0 $0x1C03  }
0x1f0: {  	[timem:s3], [sflag:s2] =	dma.local @!p0 [hbm:s0], s1  }
0x1f1: {  	s0 =	simm.s32 @!p0 $0x3  }
0x1f2: {  	_ =	swait.ge @!p0 [sflag:s0], s1  }
0x1f3: {  	s1 =	ssub.s32 @!p0 $0x0, s1;
	[sflag:s0] =	ssyncset.done @!p0 $0x0  }
0x1f4: {  	[sflag:s0] =	ssyncadd.s32 @!p0 s1  }
0x1f5: {  	[bflag:$0x3] =	sbarrier.arrive $0xFFFF  }
0x1f6: {  	_ =	shalt  }

// kernel: kernel.14.cloned.1.call-start
scs
__scs_entry_jumppad:
0x0: {  	(pc) =	sbr.rel $0x88, $3  }
0x1: {  	(tag) =	ssettag $0x0;
	lr =	simm.s32 $0x1  }
0x2: {  	[smem:$0x3F97] =	sst lr;
	_ =	strace $0xD0000000  }
0x3: {  	_ = 	snop  }
0x4: {  	_ = 	snop  }
0x5: {  	_ = 	snop  }
0x6: {  	_ = 	snop  }
0x7: {  	_ = 	snop  }
__scs_overlays_trampoline_lowered:
0x8: {  	[smem:$0x3FA6] =	sst s0  }
0x9: {  	[smem:$0x3FA7] =	sst s1  }
0xa: {  	[smem:$0x3FA8] =	sst s2  }
0xb: {  	[smem:$0x3FA9] =	sst s3  }
0xc: {  	[smem:$0x3FAA] =	sst s4  }
0xd: {  	[smem:$0x3FAB] =	sst s5  }
0xe: {  	[smem:$0x3FAC] =	sst s6  }
0xf: {  	[smem:$0x3FAD] =	sst s7  }
0x10: {  	[smem:$0x3FAE] =	sst s8  }
0x11: {  	[smem:$0x3FAF] =	sst s9;
	s0 =	simm.s32 @!p0 $0x0  }
0x12: {  	s1 =	sld [smem:$0x3F95];
	s0 =	simm.s32 @p0 $0x1  }
0x13: {  	[smem:$0x3FB0] =	sst s0;
	s0 =	simm.s32 @!p1 $0x0  }
0x14: {  	s2 =	sld [smem:$0x3F94];
	s0 =	simm.s32 @p1 $0x1  }
0x15: {  	[smem:$0x3FB1] =	sst s0;
	s0 =	simm.s32 @!p2 $0x0  }
0x16: {  	s3 =	sld [smem:$0x3FDB];
	s0 =	simm.s32 @p2 $0x1  }
0x17: {  	s4 =	simm.s32 $0x1BF5;
	[smem:$0x3FB3] =	sst s0  }
0x18: {  	s0 =	sld [smem:$0x3F96];
	_ =	swait.ge [sflag:s4], $0x0  }
0x19: {  	s7 =	sld [smem:$0x3F97]  }
0x1a: {  	s8 =	sadd.s32 $0xFFFFE003, lr  }
0x1b: {  	s9 =	sadd.s32 $0xFFFFFEF7, lr;
	s5 =	simm.s32 $0xFFFFFFFF;
	p2 =	slt.u32 s8, $0xFFFFF086  }
0x1c: {  	p1 =	slt.u32 s9, $0xF7A;
	s5 =	simm.s32 @!p2 $0x0  }
0x1d: {  	s5 =	simm.s32 @p1 $0x1;
	p0 =	seq.s32 s7, s2  }
0x1e: {  	s7 =	smul.u32 @!p0 $0xF7A, s2;
	p2 =	seq.s32 @!p0 s5, $0x0  }
0x1f: {  	s9 =	smul.u32 $0xF7A, s1;
	s8 =	simm.s32 @!p0 $0x1BF5;
	p2 =	por !p2, p0  }
0x20: {  	[sflag:s8] =	ssyncset.s32 @!p0 $0xFFFFF086;
	s6 =	sadd.s32 @!p0 s3, s7;
	s7 =	simm.s32 @!p0 $0x108  }
0x21: {  	s3 =	sadd.s32 s3, s9;
	s6 =	sadd.s32 @!p0 $0x88, s6;
	s7 =	simm.s32 @p2 $0x1082  }
0x22: {  	[simem:s7], [sflag:s8] =	dma.local @!p0 [hbm:s6], $0xF7A  }
0x23: {  	s9 =	sor.u32 $0xD0000000, s2;
	s6 =	simm.s32 $0x108;
	_ =	swait.ge @!p0 [sflag:s8], $0x0  }
0x24: {  	s3 =	sadd.s32 $0x88, s3;
	s6 =	simm.s32 @!p1 $0x1082;
	[sflag:s4] =	ssyncset.s32 $0xFFFFF086  }
0x25: {  	[simem:s6], [sflag:s4] =	dma.local [hbm:s3], $0xF7A  }
0x26: {  	[smem:$0x3F97] =	sst s1;
	(tag) =	ssettag s2;
	_ =	strace s9  }
0x27: {  	s1 =	sld [smem:$0x3FA7]  }
0x28: {  	s2 =	sld [smem:$0x3FA8]  }
0x29: {  	s4 =	sld [smem:$0x3FAA]  }
0x2a: {  	p0 =	seq.s32 s5, $0x0;
	s5 =	sld [smem:$0x3FAB]  }
0x2b: {  	s6 =	sld [smem:$0x3FAC]  }
0x2c: {  	s7 =	sld [smem:$0x3FAD]  }
0x2d: {  	s3 =	simm.s32 $0x108;
	s8 =	sld [smem:$0x3FAE]  }
0x2e: {  	s3 =	simm.s32 @!p0 $0x1082;
	s9 =	sld [smem:$0x3FAF]  }
0x2f: {  	lr =	sadd.s32 s0, s3;
	s0 =	sld [smem:$0x3FA6]  }
0x30: {  	s3 =	sld [smem:$0x3FA9]  }
0x31: {  	[smem:$0x3FB2] =	sst s10  }
0x32: {  	s10 =	sld [smem:$0x3FB0];
	_ =	sdelay $0x3  }
0x33: {  	p0 =	seq.s32 s10, $0x1;
	s10 =	sld [smem:$0x3FB2];
	_ =	sdelay $0x3  }
0x34: {  	[smem:$0x3FB2] =	sst s10  }
0x35: {  	s10 =	sld [smem:$0x3FB1];
	_ =	sdelay $0x3  }
0x36: {  	p1 =	seq.s32 s10, $0x1;
	s10 =	sld [smem:$0x3FB2];
	_ =	sdelay $0x3  }
0x37: {  	[smem:$0x3FB2] =	sst s10  }
0x38: {  	s10 =	sld [smem:$0x3FB3]  }
0x39: {  	_ = 	snop;
	(pc) =	sbr.ind lr, $3  }
0x3a: {  	_ = 	snop  }
0x3b: {  	_ = 	snop  }
0x3c: {  	p2 =	seq.s32 s10, $0x1;
	s10 =	sld [smem:$0x3FB2]  }
0x3d: {  	_ =	shalt  }
0x3e: {  	_ =	shalt  }
0x3f: {  	_ =	shalt  }
0x40: {  	_ =	shalt  }
0x41: {  	_ =	shalt  }
0x42: {  	_ =	shalt  }
0x43: {  	_ =	shalt  }
0x44: {  	_ =	shalt  }
0x45: {  	_ =	shalt  }
0x46: {  	_ =	shalt  }
0x47: {  	_ =	shalt  }
0x48: {  	_ =	shalt  }
0x49: {  	_ =	shalt  }
0x4a: {  	_ =	shalt  }
0x4b: {  	_ =	shalt  }
0x4c: {  	_ =	shalt  }
0x4d: {  	_ =	shalt  }
0x4e: {  	_ =	shalt  }
0x4f: {  	_ =	shalt  }
0x50: {  	_ =	shalt  }
0x51: {  	_ =	shalt  }
0x52: {  	_ =	shalt  }
0x53: {  	_ =	shalt  }
0x54: {  	_ =	shalt  }
0x55: {  	_ =	shalt  }
0x56: {  	_ =	shalt  }
0x57: {  	_ =	shalt  }
0x58: {  	_ =	shalt  }
0x59: {  	_ =	shalt  }
0x5a: {  	_ =	shalt  }
0x5b: {  	_ =	shalt  }
0x5c: {  	_ =	shalt  }
0x5d: {  	_ =	shalt  }
0x5e: {  	_ =	shalt  }
0x5f: {  	_ =	shalt  }
0x60: {  	_ =	shalt  }
0x61: {  	_ =	shalt  }
0x62: {  	_ =	shalt  }
0x63: {  	_ =	shalt  }
0x64: {  	_ =	shalt  }
0x65: {  	_ =	shalt  }
0x66: {  	_ =	shalt  }
0x67: {  	_ =	shalt  }
0x68: {  	_ =	shalt  }
0x69: {  	_ =	shalt  }
0x6a: {  	_ =	shalt  }
0x6b: {  	_ =	shalt  }
0x6c: {  	_ =	shalt  }
0x6d: {  	_ =	shalt  }
0x6e: {  	_ =	shalt  }
0x6f: {  	_ =	shalt  }
0x70: {  	_ =	shalt  }
0x71: {  	_ =	shalt  }
0x72: {  	_ =	shalt  }
0x73: {  	_ =	shalt  }
0x74: {  	_ =	shalt  }
0x75: {  	_ =	shalt  }
0x76: {  	_ =	shalt  }
0x77: {  	_ =	shalt  }
0x78: {  	_ =	shalt  }
0x79: {  	_ =	shalt  }
0x7a: {  	_ =	shalt  }
0x7b: {  	_ =	shalt  }
0x7c: {  	_ =	shalt  }
0x7d: {  	_ =	shalt  }
0x7e: {  	_ =	shalt  }
0x7f: {  	_ =	shalt  }
0x80: {  	_ =	shalt  }
0x81: {  	_ =	shalt  }
0x82: {  	_ =	shalt  }
0x83: {  	_ =	shalt  }
0x84: {  	_ =	shalt  }
0x85: {  	_ =	shalt  }
0x86: {  	_ =	shalt  }
0x87: {  	_ =	shalt  }
.Lfunc_end0:
.L_simem_size_0:
called_computation.2_lowered:
.L_overlay_start_0:
0x88: {  	s2 =	sld [smem:$0x3FD9]  }
0x89: {  	s3 =	sld [smem:$0x3FFE];
	_ =	sdelay $0x1  }
0x8a: {  	s1 =	srdreg.scid  }
0x8b: {  	s0 =	sand.u32 $0x1, s1  }
0x8c: {  	s16 =	sshll.u32 s0, $0xA;
	s2 =	sadd.s32 s3, s2  }
0x8d: {  	s2 =	sadd.s32 s2, s16  }
0x8e: {  	[smem:$0x3FBE] =	sst s2  }
0x8f: {  	_ = 	snop  }
0x90: {  	(tm) =	ssettm $0x1  }
0x91: {  	s17 =	sld [smem:$0x3FFB];
	_ =	sdelay $0x3  }
0x92: {  	_ =	strace s17  }
0x93: {  	s2 =	sld [smem:$0x3FFC];
	_ =	sdelay $0x3  }
0x94: {  	_ =	strace s2  }
0x95: {  	s2 =	sld [smem:$0x3FFD];
	_ =	sdelay $0x3  }
0x96: {  	_ =	strace s2  }
0x97: {  	_ =	strace $0x8FFFFFFF  }
0x98: {  	s18 =	sld [smem:$0x3FDB];
	_ =	sdelay $0x1  }
0x99: {  	s19 =	simm.s32 $_scs_section_size  }
0x9a: {  	s4 =	simm.s32 $_size__tile_overlayer_lowered;
	s5 =	simm.s32 $_tile_overlayer_lowered  }
0x9b: {  	s22 =	simm.s32 $0x1BFF;
	s21 =	sshll.u32 s5, $0x1;
	s2 =	sadd.s32 s19, s18  }
0x9c: {  	s6 =	simm.s32 $0x0;
	s20 =	sshll.u32 s4, $0x1;
	s4 =	sadd.s32 s21, s2  }
0x9d: {  	[timem:s6], [sflag:s22] =	dma.local [hbm:s4], s20  }
0x9e: {  	_ =	swait.ge [sflag:s22], s20  }
0x9f: {  	s3 =	ssub.s32 $0x0, s20;
	[sflag:s22] =	ssyncset.done $0x0  }
0xa0: {  	[sflag:s22] =	ssyncadd.s32 s3;
	_ =	sdelay $0x1  }
0xa1: {  	s23 =	simm.s32 $0x1B8B  }
0xa2: {  	_ =	swait.ge [sflag:s23], $0x1  }
0xa3: {  	[sflag:s23] =	ssyncset.done $0x0  }
0xa4: {  	s25 =	simm.s32 $0x1B8E;
	s24 =	sld [smem:$0x3FFE];
	[sflag:s23] =	ssyncadd.s32 $0xFFFFFFFF  }
0xa5: {  	s26 =	simm.s32 $execute0_lowered;
	[smem:$0x3FD2] =	sst s25  }
0xa6: {  	s4 =	sshll.u32 s26, $0x1;
	_ =	strace $0x8000004C;
	[dreg:$0x1] =	wrdreg $0xFFFFFFFF  }
0xa7: {  	s28 =	simm.s32 $_size_execute0_lowered;
	s2 =	sadd.s32 s2, s4;
	[dreg:$0x0] =	wrdreg $0x0  }
0xa8: {  	s4 =	sshll.u32 s28, $0x1;
	[dreg:$0x2] =	wrdreg s2  }
0xa9: {  	[dreg:$0x3] =	wrdreg s4  }
0xaa: {  	[dreg:$0x4] =	wrdreg $0xC0  }
0xab: {  	_ =	task [dreg:s6], $0x5FFFF  }
0xac: {  	[dreg:$0x1] =	wrdreg $0xFFFFFFFF  }
0xad: {  	[dreg:$0x0] =	wrdreg $0x60  }
0xae: {  	[dreg:$0x2] =	wrdreg s24  }
0xaf: {  	[dreg:$0x3] =	wrdreg $0x88000  }
0xb0: {  	[dreg:$0x4] =	wrdreg $0x9  }
0xb1: {  	_ =	task.clear_ibuf [dreg:s6], $0x5FFFF;
	_ =	strace $0x9000004C  }
0xb2: {  	s29 =	simm.s32 $0x9;
	_ =	strace $0x8000004E  }
0xb3: {  	_ =	swait.ge [sflag:s29], $0x1  }
0xb4: {  	[sflag:s29] =	ssyncadd.s32 $0xFFFFFFFF  }
0xb5: {  	_ =	strace $0x9000004E  }
0xb6: {  	_ =	sfence  }
0xb7: {  	s30 =	sld [smem:$0x0];
	_ =	sdelay $0x2  }
0xb8: {  	s31 =	sshll.u32 s1, $0xD;
	s1 =	sshrl.u32 s1, $0x2  }
0xb9: {  	s3 =	sand.u32 $0x4000, s31;
	s1 =	sadd.s32 s1, s30  }
0xba: {  	s0 =	sor.u32 s3, s0;
	s1 =	sshll.u32 s1, $0x11  }
0xbb: {  	s0 =	sor.u32 s1, s0  }
0xbc: {  	s0 =	sadd.s32 $0x8F2B, s0  }
0xbd: {  	[sflag:s0] =	ssyncadd.remote.s32 $0x1  }
0xbe: {  	_ =	sfence.sel $0xFFFF  }
0xbf: {  	[dreg:$0x0] =	wrdreg $0xFFFFFFFF;
	(pc) =	sbr.abs _section_cstart, $3  }
0xc0: {  	[dreg:$0x1] =	wrdreg $0xFFFFFFFF  }
0xc1: {  	_ =	task.clear_ibuf [dreg:s6], $0x2FFFF;
	_ =	strace $0x9FFFFFFF  }
0xc2: {  	(tm) =	ssettm $0x7FFFFFFF  }
0xc3: {  	_ =	shalt  }
tec
execute0_lowered:
.L_overlay_start_1:
0x0: {  	(tag) =	ssettag $0x1  }
0x1: {  	s0 =	rddreg [dreg:$0x0]  }
0x2: {  	s9 =	stileid.u32;
	s1 =	srdreg.scid  }
0x3: {  	s2 =	rddreg [dreg:$0x1];
	s3 =	simm.s32 $0x0;
	s14 =	simm.s32 $0x3  }
0x4: {  	s15 =	simm.s32 $0x400;
	s16 =	simm.s32 $0x80;
	s17 =	simm.s32 $0x800  }
0x5: {  	s18 =	simm.s32 $0x4800;
	s19 =	simm.s32 $0x1;
	s20 =	simm.s32 $0x100  }
0x6: {  	s28 =	simm.s32 $0x280;
	s29 =	simm.s32 $0x600;
	s30 =	simm.s32 $0x300  }
0x7: {  	s31 =	simm.s32 $0x680;
	s13 =	simm.s32 $0x0;
	s5 =	smul.u32 $0x500, s9  }
0x8: {  	s1 =	sand.u32 $0x1, s1;
	[smem:$0x7FF] =	sst s3;
	s7 =	smul.u32 $0x13C00, s9  }
0x9: {  	s4 =	sadd.s32 $0x69C00, s0;
	s21 =	smul.u32 $0x4F000, s9;
	s8 =	sadd.s32 $0x3C00, s0  }
0xa: {  	s24 =	sshll.u32 s9, $0x6;
	s6 =	smul.u32 $0x13C000, s1;
	_ =	strace $0x8000004D  }
0xb: {  	[dreg:$0x4] =	wrdreg s8;
	s22 =	ssub.s32 $0x2, s1;
	s8 =	sor.u32 $0x1C03, s24  }
0xc: {  	p0 =	seq.s32 s1, $0x1;
	s24 =	simm.s32 $0x500;
	s1 =	simm.s32 $0x380  }
0xd: {  	s5 =	sadd.s32 s5, s0;
	s23 =	sshrl.u32 s22, $0x1;
	[dreg:$0x5] =	wrdreg s8  }
0xe: {  	s6 =	sadd.s32 s7, s6;
	s7 =	sshrl.u32 s21, $0x2;
	s26 =	sadd.s32 $0x5FC00, s5  }
0xf: {  	s9 =	sadd.s32 $0x64C00, s5;
	s12 =	sadd.s32 $0x55C00, s5;
	s10 =	sadd.s32 $0x5AC00, s5  }
0x10: {  	s21 =	simm.s32 $0x2;
	s5 =	simm.s32 $0x780;
	s6 =	sshrl.u32 s6, $0x3  }
0x11: {  	s7 =	sadd.s32 s7, s2;
	[dreg:$0x3] =	wrdreg s26;
	s26 =	simm.s32 $0x580  }
.Ltmp0:
0x12: {  	s11 =	smov.u32 s9;
	[dreg:$0x8] =	wrdreg s12;
	(pc) =	sbr.rel .LBB2_1-.Ltmp0, $4  }
0x13: {  	s0 =	sadd.s32 s6, s0;
	s6 =	ssub.s32 s22, s23;
	s7 =	sshrl.u32 s7, $0x3  }
0x14: {  	s22 =	simm.s32 $0x480;
	s0 =	sadd.s32 $0x90E00, s0;
	[dreg:$0x9] =	wrdreg s7  }
0x15: {  	s23 =	simm.s32 $0x180;
	s25 =	smax.u32 s6, $0x1;
	[dreg:$0x6] =	wrdreg s0  }
0x16: {  	[dreg:$0x7] =	wrdreg s25;
	s25 =	simm.s32 $0x200;
	s0 =	simm.s32 $0x700  }
.LBB2_7:
0x17: {  	s6 =	sadd.s32 s8, s10;
	[sflag:s14] =	ssyncadd.s32 $0xFFFFC000  }
0x18: {  	[tilespmem:s3], [sflag:$0x3] =	stream.linear.gather [hbm4b:s6+s3], $0x400, $0x38;
	[tilespmem:$0x1C400] =	vst v63  }
0x19: {  	_ =	swait.ge [sflag:s14], $0x400  }
0x1a: {  	[sflag:s14] =	ssyncset.done $0x0  }
0x1b: {  	s13 =	sadd.s32 s8, s12;
	[sflag:s14] =	ssyncadd.s32 $0xFFFFFC00  }
0x1c: {  	[tilespmem:s15], [sflag:$0x3] =	stream.linear.gather [hbm4b:s13+s3], $0x400, $0x38;
	[tilespmem:$0x1C400] =	vst v63  }
0x1d: {  	_ =	swait.ge [sflag:s14], $0x400  }
0x1e: {  	[sflag:s14] =	ssyncset.done $0x0  }
0x1f: {  	[sflag:s14] =	ssyncadd.s32 $0xFFFFFC00  }
0x20: {  	[tilespmem:s17], [sflag:$0x1] =	stream.indirect.gather [hbm4b:s4+s16], $0x80, s3, s16, $0xb8;
	[tilespmem:$0x1C400] =	vst v63  }
0x21: {  	_ = 	snop  }
0x22: {  	[tilespmem:s18], [sflag:$0x2] =	stream.indirect.gather [hbm4b:s4+s16], $0x80, s16, s16, $0xb8;
	[tilespmem:$0x1C400] =	vst v63  }
0x23: {  	_ =	swait.ge [sflag:s19], $0x4000  }
0x24: {  	[sflag:s19] =	ssyncset.done $0x0  }
0x25: {  	[sflag:s19] =	ssyncadd.s32 $0xFFFFC000  }
0x26: {  	[spmem:s2] =	stream.indirect.scatter.add.f32 [tilespmem:s17], [sflag:$0x3], $0x80, s15, s16, $0xb8;
	[tilespmem:$0x1C400] =	vst v63  }
0x27: {  	_ =	swait.ge [sflag:s14], $0x4000  }
0x28: {  	[sflag:s14] =	ssyncset.done $0x0  }
0x29: {  	[sflag:s14] =	ssyncadd.s32 $0xFFFFC000  }
0x2a: {  	[tilespmem:s17], [sflag:$0x1] =	stream.indirect.gather [hbm4b:s4+s16], $0x80, s20, s16, $0xb8;
	[tilespmem:$0x1C400] =	vst v63  }
0x2b: {  	_ =	swait.ge [sflag:s21], $0x4000  }
0x2c: {  	[sflag:s21] =	ssyncset.done $0x0  }
0x2d: {  	[sflag:s21] =	ssyncadd.s32 $0xFFFFC000  }
0x2e: {  	[spmem:s2] =	stream.indirect.scatter.add.f32 [tilespmem:s18], [sflag:$0x3], $0x80, s22, s16, $0xb8;
	[tilespmem:$0x1C400] =	vst v63  }
0x2f: {  	_ =	swait.ge [sflag:s14], $0x4000  }
0x30: {  	[sflag:s14] =	ssyncset.done $0x0  }
0x31: {  	[sflag:s14] =	ssyncadd.s32 $0xFFFFC000  }
0x32: {  	[tilespmem:s18], [sflag:$0x2] =	stream.indirect.gather [hbm4b:s4+s16], $0x80, s23, s16, $0xb8;
	[tilespmem:$0x1C400] =	vst v63  }
0x33: {  	_ =	swait.ge [sflag:s19], $0x4000  }
0x34: {  	[sflag:s19] =	ssyncset.done $0x0  }
0x35: {  	[sflag:s19] =	ssyncadd.s32 $0xFFFFC000  }
0x36: {  	[spmem:s2] =	stream.indirect.scatter.add.f32 [tilespmem:s17], [sflag:$0x3], $0x80, s24, s16, $0xb8;
	[tilespmem:$0x1C400] =	vst v63  }
0x37: {  	_ =	swait.ge [sflag:s14], $0x4000  }
0x38: {  	[sflag:s14] =	ssyncset.done $0x0  }
0x39: {  	[sflag:s14] =	ssyncadd.s32 $0xFFFFC000  }
0x3a: {  	[tilespmem:s17], [sflag:$0x1] =	stream.indirect.gather [hbm4b:s4+s16], $0x80, s25, s16, $0xb8;
	[tilespmem:$0x1C400] =	vst v63  }
0x3b: {  	_ =	swait.ge [sflag:s21], $0x4000  }
0x3c: {  	[sflag:s21] =	ssyncset.done $0x0  }
0x3d: {  	[sflag:s21] =	ssyncadd.s32 $0xFFFFC000  }
0x3e: {  	[spmem:s2] =	stream.indirect.scatter.add.f32 [tilespmem:s18], [sflag:$0x3], $0x80, s26, s16, $0xb8;
	[tilespmem:$0x1C400] =	vst v63  }
0x3f: {  	_ =	swait.ge [sflag:s14], $0x4000  }
0x40: {  	[sflag:s14] =	ssyncset.done $0x0  }
0x41: {  	[sflag:s14] =	ssyncadd.s32 $0xFFFFC000  }
0x42: {  	[tilespmem:s18], [sflag:$0x2] =	stream.indirect.gather [hbm4b:s4+s16], $0x80, s28, s16, $0xb8;
	[tilespmem:$0x1C400] =	vst v63  }
0x43: {  	_ =	swait.ge [sflag:s19], $0x4000  }
0x44: {  	[sflag:s19] =	ssyncset.done $0x0  }
0x45: {  	[sflag:s19] =	ssyncadd.s32 $0xFFFFC000  }
0x46: {  	[spmem:s2] =	stream.indirect.scatter.add.f32 [tilespmem:s17], [sflag:$0x3], $0x80, s29, s16, $0xb8;
	[tilespmem:$0x1C400] =	vst v63  }
0x47: {  	_ =	swait.ge [sflag:s14], $0x4000  }
0x48: {  	[sflag:s14] =	ssyncset.done $0x0  }
0x49: {  	[sflag:s14] =	ssyncadd.s32 $0xFFFFC000  }
0x4a: {  	[tilespmem:s17], [sflag:$0x1] =	stream.indirect.gather [hbm4b:s4+s16], $0x80, s30, s16, $0xb8;
	[tilespmem:$0x1C400] =	vst v63  }
0x4b: {  	_ =	swait.ge [sflag:s21], $0x4000  }
0x4c: {  	[sflag:s21] =	ssyncset.done $0x0  }
0x4d: {  	[sflag:s21] =	ssyncadd.s32 $0xFFFFC000  }
0x4e: {  	[spmem:s2] =	stream.indirect.scatter.add.f32 [tilespmem:s18], [sflag:$0x3], $0x80, s31, s16, $0xb8;
	[tilespmem:$0x1C400] =	vst v63  }
0x4f: {  	_ =	swait.ge [sflag:s14], $0x4000  }
0x50: {  	[sflag:s14] =	ssyncset.done $0x0  }
0x51: {  	[sflag:s14] =	ssyncadd.s32 $0xFFFFC000  }
0x52: {  	[tilespmem:s18], [sflag:$0x2] =	stream.indirect.gather [hbm4b:s4+s16], $0x80, s1, s16, $0xb8;
	[tilespmem:$0x1C400] =	vst v63  }
0x53: {  	_ =	swait.ge [sflag:s19], $0x4000  }
0x54: {  	[sflag:s19] =	ssyncset.done $0x0  }
0x55: {  	[sflag:s19] =	ssyncadd.s32 $0xFFFFC000  }
0x56: {  	[spmem:s2] =	stream.indirect.scatter.add.f32 [tilespmem:s17], [sflag:$0x3], $0x80, s0, s16, $0xb8;
	[tilespmem:$0x1C400] =	vst v63  }
0x57: {  	_ =	swait.ge [sflag:s14], $0x4000  }
0x58: {  	[sflag:s14] =	ssyncset.done $0x0  }
0x59: {  	[sflag:s14] =	ssyncadd.s32 $0xFFFFC000  }
0x5a: {  	_ =	swait.ge [sflag:s21], $0x4000  }
0x5b: {  	[sflag:s21] =	ssyncset.done $0x0  }
0x5c: {  	[sflag:s21] =	ssyncadd.s32 $0xFFFFC000  }
0x5d: {  	[spmem:s2] =	stream.indirect.scatter.add.f32 [tilespmem:s18], [sflag:$0x3], $0x80, s5, s16, $0xb8;
	[tilespmem:$0x1C400] =	vst v63  }
0x5e: {  	_ =	swait.ge [sflag:s14], $0x4000  }
0x5f: {  	[sflag:s14] =	ssyncset.done $0x0  }
0x60: {  	s9 =	smov.u32 s11;
	s13 =	rddreg [dreg:$0xa];
	[sflag:s14] =	ssyncadd.s32 $0xFFFFC000  }
.LBB2_8:
0x61: {  	[bflag:$0x0] =	sbarrier.arrive $0xFFFF  }
0x62: {  	s8 =	rddreg [dreg:$0x5]  }
0x63: {  	s6 =	rddreg [dreg:$0x6]  }
0x64: {  	s7 =	rddreg [dreg:$0x9]  }
0x65: {  	[hbm:s6], [sflag:s8] =	dma.local [spmem:s7], $0x2780  }
0x66: {  	_ =	swait.ge [sflag:s14], $0x2780  }
0x67: {  	s13 =	sadd.s32 $0x1, s13;
	s6 =	rddreg [dreg:$0x7]  }
0x68: {  	p1 =	sne.s32 s13, s6  }
.Ltmp1:
0x69: {  	_ = 	snop;
	(pc) =	sbr.rel @!p1 .LBB2_9-.Ltmp1, $3  }
0x6a: {  	_ =	sdelay $0x1  }
0x6b: {  	[sflag:s14] =	ssyncset.done $0x0  }
0x6c: {  	[sflag:s14] =	ssyncadd.s32 $0xFFFFD880  }
.LBB2_1:
0x6d: {  	[dreg:$0xa] =	wrdreg s13  }
0x6e: {  	s6 =	rddreg [dreg:$0x4]  }
0x6f: {  	[spmem:s7], [sflag:s8] =	dma.local [hbm:s6], $0x2780  }
.Ltmp2:
0x70: {  	_ =	swait.ge [sflag:s14], $0x2780;
	(pc) =	sbr.rel @!p0 .LBB2_2-.Ltmp2, $3  }
0x71: {  	[sflag:s14] =	ssyncset.done $0x0  }
0x72: {  	[sflag:s14] =	ssyncadd.s32 $0xFFFFD880  }
0x73: {  	[bflag:$0x0] =	sbarrier.arrive $0xFFFF;
	_ =	sdelay $0x1  }
0x74: {  	s6 =	sadd.s32 $0x0, s10  }
0x75: {  	[tilespmem:s3], [sflag:$0x3] =	stream.linear.gather [hbm4b:s6+s3], $0x400, $0x38;
	[tilespmem:$0x1C400] =	vst v63  }
0x76: {  	_ =	swait.ge [sflag:s14], $0x400  }
0x77: {  	[sflag:s14] =	ssyncset.done $0x0  }
0x78: {  	s13 =	sadd.s32 $0x0, s12;
	[sflag:s14] =	ssyncadd.s32 $0xFFFFFC00  }
0x79: {  	[tilespmem:s15], [sflag:$0x3] =	stream.linear.gather [hbm4b:s13+s3], $0x400, $0x38;
	[tilespmem:$0x1C400] =	vst v63  }
0x7a: {  	_ =	swait.ge [sflag:s14], $0x400  }
0x7b: {  	[sflag:s14] =	ssyncset.done $0x0  }
0x7c: {  	[sflag:s14] =	ssyncadd.s32 $0xFFFFFC00  }
0x7d: {  	[tilespmem:s17], [sflag:$0x1] =	stream.indirect.gather [hbm4b:s4+s16], $0x80, s3, s16, $0xb8;
	[tilespmem:$0x1C400] =	vst v63  }
0x7e: {  	_ = 	snop  }
0x7f: {  	[tilespmem:s18], [sflag:$0x2] =	stream.indirect.gather [hbm4b:s4+s16], $0x80, s16, s16, $0xb8;
	[tilespmem:$0x1C400] =	vst v63  }
0x80: {  	_ =	swait.ge [sflag:s19], $0x4000  }
0x81: {  	[sflag:s19] =	ssyncset.done $0x0  }
0x82: {  	[sflag:s19] =	ssyncadd.s32 $0xFFFFC000  }
0x83: {  	[spmem:s2] =	stream.indirect.scatter.add.f32 [tilespmem:s17], [sflag:$0x3], $0x80, s15, s16, $0xb8;
	[tilespmem:$0x1C400] =	vst v63  }
0x84: {  	_ =	swait.ge [sflag:s14], $0x4000  }
0x85: {  	[sflag:s14] =	ssyncset.done $0x0  }
0x86: {  	[sflag:s14] =	ssyncadd.s32 $0xFFFFC000  }
0x87: {  	[tilespmem:s17], [sflag:$0x1] =	stream.indirect.gather [hbm4b:s4+s16], $0x80, s20, s16, $0xb8;
	[tilespmem:$0x1C400] =	vst v63  }
0x88: {  	_ =	swait.ge [sflag:s21], $0x4000  }
0x89: {  	[sflag:s21] =	ssyncset.done $0x0  }
0x8a: {  	[sflag:s21] =	ssyncadd.s32 $0xFFFFC000  }
0x8b: {  	[spmem:s2] =	stream.indirect.scatter.add.f32 [tilespmem:s18], [sflag:$0x3], $0x80, s22, s16, $0xb8;
	[tilespmem:$0x1C400] =	vst v63  }
0x8c: {  	_ =	swait.ge [sflag:s14], $0x4000  }
0x8d: {  	[sflag:s14] =	ssyncset.done $0x0  }
0x8e: {  	[sflag:s14] =	ssyncadd.s32 $0xFFFFC000  }
0x8f: {  	[tilespmem:s18], [sflag:$0x2] =	stream.indirect.gather [hbm4b:s4+s16], $0x80, s23, s16, $0xb8;
	[tilespmem:$0x1C400] =	vst v63  }
0x90: {  	_ =	swait.ge [sflag:s19], $0x4000  }
0x91: {  	[sflag:s19] =	ssyncset.done $0x0  }
0x92: {  	[sflag:s19] =	ssyncadd.s32 $0xFFFFC000  }
0x93: {  	[spmem:s2] =	stream.indirect.scatter.add.f32 [tilespmem:s17], [sflag:$0x3], $0x80, s24, s16, $0xb8;
	[tilespmem:$0x1C400] =	vst v63  }
0x94: {  	_ =	swait.ge [sflag:s14], $0x4000  }
0x95: {  	[sflag:s14] =	ssyncset.done $0x0  }
0x96: {  	[sflag:s14] =	ssyncadd.s32 $0xFFFFC000  }
0x97: {  	[tilespmem:s17], [sflag:$0x1] =	stream.indirect.gather [hbm4b:s4+s16], $0x80, s25, s16, $0xb8;
	[tilespmem:$0x1C400] =	vst v63  }
0x98: {  	_ =	swait.ge [sflag:s21], $0x4000  }
0x99: {  	[sflag:s21] =	ssyncset.done $0x0  }
0x9a: {  	[sflag:s21] =	ssyncadd.s32 $0xFFFFC000  }
0x9b: {  	[spmem:s2] =	stream.indirect.scatter.add.f32 [tilespmem:s18], [sflag:$0x3], $0x80, s26, s16, $0xb8;
	[tilespmem:$0x1C400] =	vst v63  }
0x9c: {  	_ =	swait.ge [sflag:s14], $0x4000  }
0x9d: {  	[sflag:s14] =	ssyncset.done $0x0  }
0x9e: {  	[sflag:s14] =	ssyncadd.s32 $0xFFFFC000  }
0x9f: {  	[tilespmem:s18], [sflag:$0x2] =	stream.indirect.gather [hbm4b:s4+s16], $0x80, s28, s16, $0xb8;
	[tilespmem:$0x1C400] =	vst v63  }
0xa0: {  	_ =	swait.ge [sflag:s19], $0x4000  }
0xa1: {  	[sflag:s19] =	ssyncset.done $0x0  }
0xa2: {  	[sflag:s19] =	ssyncadd.s32 $0xFFFFC000  }
0xa3: {  	[spmem:s2] =	stream.indirect.scatter.add.f32 [tilespmem:s17], [sflag:$0x3], $0x80, s29, s16, $0xb8;
	[tilespmem:$0x1C400] =	vst v63  }
0xa4: {  	_ =	swait.ge [sflag:s14], $0x4000  }
0xa5: {  	[sflag:s14] =	ssyncset.done $0x0  }
0xa6: {  	[sflag:s14] =	ssyncadd.s32 $0xFFFFC000  }
0xa7: {  	[tilespmem:s17], [sflag:$0x1] =	stream.indirect.gather [hbm4b:s4+s16], $0x80, s30, s16, $0xb8;
	[tilespmem:$0x1C400] =	vst v63  }
0xa8: {  	_ =	swait.ge [sflag:s21], $0x4000  }
0xa9: {  	[sflag:s21] =	ssyncset.done $0x0  }
0xaa: {  	[sflag:s21] =	ssyncadd.s32 $0xFFFFC000  }
0xab: {  	[spmem:s2] =	stream.indirect.scatter.add.f32 [tilespmem:s18], [sflag:$0x3], $0x80, s31, s16, $0xb8;
	[tilespmem:$0x1C400] =	vst v63  }
0xac: {  	_ =	swait.ge [sflag:s14], $0x4000  }
0xad: {  	[sflag:s14] =	ssyncset.done $0x0  }
0xae: {  	[sflag:s14] =	ssyncadd.s32 $0xFFFFC000  }
0xaf: {  	[tilespmem:s18], [sflag:$0x2] =	stream.indirect.gather [hbm4b:s4+s16], $0x80, s1, s16, $0xb8;
	[tilespmem:$0x1C400] =	vst v63  }
0xb0: {  	_ =	swait.ge [sflag:s19], $0x4000  }
0xb1: {  	[sflag:s19] =	ssyncset.done $0x0  }
0xb2: {  	[sflag:s19] =	ssyncadd.s32 $0xFFFFC000  }
0xb3: {  	[spmem:s2] =	stream.indirect.scatter.add.f32 [tilespmem:s17], [sflag:$0x3], $0x80, s0, s16, $0xb8;
	[tilespmem:$0x1C400] =	vst v63  }
0xb4: {  	_ =	swait.ge [sflag:s14], $0x4000  }
0xb5: {  	[sflag:s14] =	ssyncset.done $0x0  }
0xb6: {  	[sflag:s14] =	ssyncadd.s32 $0xFFFFC000  }
0xb7: {  	_ =	swait.ge [sflag:s21], $0x4000  }
0xb8: {  	[sflag:s21] =	ssyncset.done $0x0  }
0xb9: {  	[sflag:s21] =	ssyncadd.s32 $0xFFFFC000  }
0xba: {  	[spmem:s2] =	stream.indirect.scatter.add.f32 [tilespmem:s18], [sflag:$0x3], $0x80, s5, s16, $0xb8;
	[tilespmem:$0x1C400] =	vst v63  }
0xbb: {  	_ =	swait.ge [sflag:s14], $0x4000  }
0xbc: {  	s8 =	simm.s32 $0x80;
	s13 =	simm.s32 $0x100;
	[sflag:s14] =	ssyncset.done $0x0  }
.LBB2_6:
0xbd: {  	s7 =	sadd.s32 s8, s10  }
0xbe: {  	[sflag:s14] =	ssyncadd.s32 $0xFFFFC000;
	s9 =	smov.u32 s13;
	s6 =	sadd.s32 $0x80, s13  }
0xbf: {  	[tilespmem:s3], [sflag:$0x3] =	stream.linear.gather [hbm4b:s7+s3], $0x400, $0x38;
	[tilespmem:$0x1C400] =	vst v63  }
0xc0: {  	p1 =	sne.s32 s13, $0x480;
	_ =	swait.ge [sflag:s14], $0x400  }
0xc1: {  	[sflag:s14] =	ssyncset.done $0x0  }
0xc2: {  	s7 =	sadd.s32 s8, s12;
	s8 =	smov.u32 s9;
	[sflag:s14] =	ssyncadd.s32 $0xFFFFFC00  }
0xc3: {  	[tilespmem:s15], [sflag:$0x3] =	stream.linear.gather [hbm4b:s7+s3], $0x400, $0x38;
	[tilespmem:$0x1C400] =	vst v63  }
0xc4: {  	_ =	swait.ge [sflag:s14], $0x400  }
0xc5: {  	[sflag:s14] =	ssyncset.done $0x0  }
0xc6: {  	[sflag:s14] =	ssyncadd.s32 $0xFFFFFC00  }
0xc7: {  	[tilespmem:s17], [sflag:$0x1] =	stream.indirect.gather [hbm4b:s4+s16], $0x80, s3, s16, $0xb8;
	[tilespmem:$0x1C400] =	vst v63  }
0xc8: {  	_ = 	snop  }
0xc9: {  	[tilespmem:s18], [sflag:$0x2] =	stream.indirect.gather [hbm4b:s4+s16], $0x80, s16, s16, $0xb8;
	[tilespmem:$0x1C400] =	vst v63  }
0xca: {  	_ =	swait.ge [sflag:s19], $0x4000  }
0xcb: {  	[sflag:s19] =	ssyncset.done $0x0  }
0xcc: {  	[sflag:s19] =	ssyncadd.s32 $0xFFFFC000  }
0xcd: {  	[spmem:s2] =	stream.indirect.scatter.add.f32 [tilespmem:s17], [sflag:$0x3], $0x80, s15, s16, $0xb8;
	[tilespmem:$0x1C400] =	vst v63  }
0xce: {  	_ =	swait.ge [sflag:s14], $0x4000  }
0xcf: {  	[sflag:s14] =	ssyncset.done $0x0  }
0xd0: {  	[sflag:s14] =	ssyncadd.s32 $0xFFFFC000  }
0xd1: {  	[tilespmem:s17], [sflag:$0x1] =	stream.indirect.gather [hbm4b:s4+s16], $0x80, s20, s16, $0xb8;
	[tilespmem:$0x1C400] =	vst v63  }
0xd2: {  	_ =	swait.ge [sflag:s21], $0x4000  }
0xd3: {  	[sflag:s21] =	ssyncset.done $0x0  }
0xd4: {  	[sflag:s21] =	ssyncadd.s32 $0xFFFFC000  }
0xd5: {  	[spmem:s2] =	stream.indirect.scatter.add.f32 [tilespmem:s18], [sflag:$0x3], $0x80, s22, s16, $0xb8;
	[tilespmem:$0x1C400] =	vst v63  }
0xd6: {  	_ =	swait.ge [sflag:s14], $0x4000  }
0xd7: {  	[sflag:s14] =	ssyncset.done $0x0  }
0xd8: {  	[sflag:s14] =	ssyncadd.s32 $0xFFFFC000  }
0xd9: {  	[tilespmem:s18], [sflag:$0x2] =	stream.indirect.gather [hbm4b:s4+s16], $0x80, s23, s16, $0xb8;
	[tilespmem:$0x1C400] =	vst v63  }
0xda: {  	_ =	swait.ge [sflag:s19], $0x4000  }
0xdb: {  	[sflag:s19] =	ssyncset.done $0x0  }
0xdc: {  	[sflag:s19] =	ssyncadd.s32 $0xFFFFC000  }
0xdd: {  	[spmem:s2] =	stream.indirect.scatter.add.f32 [tilespmem:s17], [sflag:$0x3], $0x80, s24, s16, $0xb8;
	[tilespmem:$0x1C400] =	vst v63  }
0xde: {  	_ =	swait.ge [sflag:s14], $0x4000  }
0xdf: {  	[sflag:s14] =	ssyncset.done $0x0  }
0xe0: {  	[sflag:s14] =	ssyncadd.s32 $0xFFFFC000  }
0xe1: {  	[tilespmem:s17], [sflag:$0x1] =	stream.indirect.gather [hbm4b:s4+s16], $0x80, s25, s16, $0xb8;
	[tilespmem:$0x1C400] =	vst v63  }
0xe2: {  	_ =	swait.ge [sflag:s21], $0x4000  }
0xe3: {  	[sflag:s21] =	ssyncset.done $0x0  }
0xe4: {  	[sflag:s21] =	ssyncadd.s32 $0xFFFFC000  }
0xe5: {  	[spmem:s2] =	stream.indirect.scatter.add.f32 [tilespmem:s18], [sflag:$0x3], $0x80, s26, s16, $0xb8;
	[tilespmem:$0x1C400] =	vst v63  }
0xe6: {  	_ =	swait.ge [sflag:s14], $0x4000  }
0xe7: {  	[sflag:s14] =	ssyncset.done $0x0  }
0xe8: {  	[sflag:s14] =	ssyncadd.s32 $0xFFFFC000  }
0xe9: {  	[tilespmem:s18], [sflag:$0x2] =	stream.indirect.gather [hbm4b:s4+s16], $0x80, s28, s16, $0xb8;
	[tilespmem:$0x1C400] =	vst v63  }
0xea: {  	_ =	swait.ge [sflag:s19], $0x4000  }
0xeb: {  	[sflag:s19] =	ssyncset.done $0x0  }
0xec: {  	[sflag:s19] =	ssyncadd.s32 $0xFFFFC000  }
0xed: {  	[spmem:s2] =	stream.indirect.scatter.add.f32 [tilespmem:s17], [sflag:$0x3], $0x80, s29, s16, $0xb8;
	[tilespmem:$0x1C400] =	vst v63  }
0xee: {  	_ =	swait.ge [sflag:s14], $0x4000  }
0xef: {  	[sflag:s14] =	ssyncset.done $0x0  }
0xf0: {  	[sflag:s14] =	ssyncadd.s32 $0xFFFFC000  }
0xf1: {  	[tilespmem:s17], [sflag:$0x1] =	stream.indirect.gather [hbm4b:s4+s16], $0x80, s30, s16, $0xb8;
	[tilespmem:$0x1C400] =	vst v63  }
0xf2: {  	_ =	swait.ge [sflag:s21], $0x4000  }
0xf3: {  	[sflag:s21] =	ssyncset.done $0x0  }
0xf4: {  	[sflag:s21] =	ssyncadd.s32 $0xFFFFC000  }
0xf5: {  	[spmem:s2] =	stream.indirect.scatter.add.f32 [tilespmem:s18], [sflag:$0x3], $0x80, s31, s16, $0xb8;
	[tilespmem:$0x1C400] =	vst v63  }
0xf6: {  	_ =	swait.ge [sflag:s14], $0x4000  }
0xf7: {  	[sflag:s14] =	ssyncset.done $0x0  }
0xf8: {  	[sflag:s14] =	ssyncadd.s32 $0xFFFFC000  }
0xf9: {  	[tilespmem:s18], [sflag:$0x2] =	stream.indirect.gather [hbm4b:s4+s16], $0x80, s1, s16, $0xb8;
	[tilespmem:$0x1C400] =	vst v63  }
0xfa: {  	_ =	swait.ge [sflag:s19], $0x4000  }
0xfb: {  	[sflag:s19] =	ssyncset.done $0x0  }
0xfc: {  	[sflag:s19] =	ssyncadd.s32 $0xFFFFC000  }
0xfd: {  	[spmem:s2] =	stream.indirect.scatter.add.f32 [tilespmem:s17], [sflag:$0x3], $0x80, s0, s16, $0xb8;
	[tilespmem:$0x1C400] =	vst v63  }
0xfe: {  	_ =	swait.ge [sflag:s14], $0x4000  }
0xff: {  	[sflag:s14] =	ssyncset.done $0x0  }
0x100: {  	[sflag:s14] =	ssyncadd.s32 $0xFFFFC000  }
0x101: {  	_ =	swait.ge [sflag:s21], $0x4000  }
.Ltmp3:
0x102: {  	[sflag:s21] =	ssyncset.done $0x0;
	(pc) =	sbr.rel @p1 .LBB2_6-.Ltmp3, $4  }
0x103: {  	[sflag:s21] =	ssyncadd.s32 $0xFFFFC000  }
0x104: {  	[spmem:s2] =	stream.indirect.scatter.add.f32 [tilespmem:s18], [sflag:$0x3], $0x80, s5, s16, $0xb8;
	[tilespmem:$0x1C400] =	vst v63  }
0x105: {  	_ =	swait.ge [sflag:s14], $0x4000  }
0x106: {  	s13 =	smov.u32 s6;
	[sflag:s14] =	ssyncset.done $0x0  }
.Ltmp4:
0x107: {  	_ = 	snop;
	(pc) =	sbr.rel .LBB2_7-.Ltmp4, $1  }
0x108: {  	_ =	sdelay $0x3  }
.LBB2_2:
0x109: {  	s6 =	sadd.s32 $0x0, s9  }
0x10a: {  	[tilespmem:s3], [sflag:$0x3] =	stream.linear.gather [hbm4b:s6+s3], $0x400, $0x38;
	[tilespmem:$0x1C400] =	vst v63  }
0x10b: {  	_ =	swait.ge [sflag:s14], $0x400  }
0x10c: {  	[sflag:s14] =	ssyncset.done $0x0;
	s13 =	rddreg [dreg:$0x3]  }
0x10d: {  	[sflag:s14] =	ssyncadd.s32 $0xFFFFFC00;
	s6 =	sadd.s32 $0x0, s13  }
0x10e: {  	[tilespmem:s15], [sflag:$0x3] =	stream.linear.gather [hbm4b:s6+s3], $0x400, $0x38;
	[tilespmem:$0x1C400] =	vst v63  }
0x10f: {  	_ =	swait.ge [sflag:s14], $0x400  }
0x110: {  	[sflag:s14] =	ssyncset.done $0x0  }
0x111: {  	[sflag:s14] =	ssyncadd.s32 $0xFFFFFC00  }
0x112: {  	[tilespmem:s17], [sflag:$0x1] =	stream.indirect.gather [hbm4b:s4+s16], $0x80, s3, s16, $0xb8;
	[tilespmem:$0x1C400] =	vst v63  }
0x113: {  	_ = 	snop  }
0x114: {  	[tilespmem:s18], [sflag:$0x2] =	stream.indirect.gather [hbm4b:s4+s16], $0x80, s16, s16, $0xb8;
	[tilespmem:$0x1C400] =	vst v63  }
0x115: {  	_ =	swait.ge [sflag:s19], $0x4000  }
0x116: {  	[sflag:s19] =	ssyncset.done $0x0  }
0x117: {  	[sflag:s19] =	ssyncadd.s32 $0xFFFFC000  }
0x118: {  	[spmem:s2] =	stream.indirect.scatter.add.f32 [tilespmem:s17], [sflag:$0x3], $0x80, s15, s16, $0xb8;
	[tilespmem:$0x1C400] =	vst v63  }
0x119: {  	_ =	swait.ge [sflag:s14], $0x4000  }
0x11a: {  	[sflag:s14] =	ssyncset.done $0x0  }
0x11b: {  	[sflag:s14] =	ssyncadd.s32 $0xFFFFC000  }
0x11c: {  	[tilespmem:s17], [sflag:$0x1] =	stream.indirect.gather [hbm4b:s4+s16], $0x80, s20, s16, $0xb8;
	[tilespmem:$0x1C400] =	vst v63  }
0x11d: {  	_ =	swait.ge [sflag:s21], $0x4000  }
0x11e: {  	[sflag:s21] =	ssyncset.done $0x0  }
0x11f: {  	[sflag:s21] =	ssyncadd.s32 $0xFFFFC000  }
0x120: {  	[spmem:s2] =	stream.indirect.scatter.add.f32 [tilespmem:s18], [sflag:$0x3], $0x80, s22, s16, $0xb8;
	[tilespmem:$0x1C400] =	vst v63  }
0x121: {  	_ =	swait.ge [sflag:s14], $0x4000  }
0x122: {  	[sflag:s14] =	ssyncset.done $0x0  }
0x123: {  	[sflag:s14] =	ssyncadd.s32 $0xFFFFC000  }
0x124: {  	[tilespmem:s18], [sflag:$0x2] =	stream.indirect.gather [hbm4b:s4+s16], $0x80, s23, s16, $0xb8;
	[tilespmem:$0x1C400] =	vst v63  }
0x125: {  	_ =	swait.ge [sflag:s19], $0x4000  }
0x126: {  	[sflag:s19] =	ssyncset.done $0x0  }
0x127: {  	[sflag:s19] =	ssyncadd.s32 $0xFFFFC000  }
0x128: {  	[spmem:s2] =	stream.indirect.scatter.add.f32 [tilespmem:s17], [sflag:$0x3], $0x80, s24, s16, $0xb8;
	[tilespmem:$0x1C400] =	vst v63  }
0x129: {  	_ =	swait.ge [sflag:s14], $0x4000  }
0x12a: {  	[sflag:s14] =	ssyncset.done $0x0  }
0x12b: {  	[sflag:s14] =	ssyncadd.s32 $0xFFFFC000  }
0x12c: {  	[tilespmem:s17], [sflag:$0x1] =	stream.indirect.gather [hbm4b:s4+s16], $0x80, s25, s16, $0xb8;
	[tilespmem:$0x1C400] =	vst v63  }
0x12d: {  	_ =	swait.ge [sflag:s21], $0x4000  }
0x12e: {  	[sflag:s21] =	ssyncset.done $0x0  }
0x12f: {  	[sflag:s21] =	ssyncadd.s32 $0xFFFFC000  }
0x130: {  	[spmem:s2] =	stream.indirect.scatter.add.f32 [tilespmem:s18], [sflag:$0x3], $0x80, s26, s16, $0xb8;
	[tilespmem:$0x1C400] =	vst v63  }
0x131: {  	_ =	swait.ge [sflag:s14], $0x4000  }
0x132: {  	[sflag:s14] =	ssyncset.done $0x0  }
0x133: {  	[sflag:s14] =	ssyncadd.s32 $0xFFFFC000  }
0x134: {  	[tilespmem:s18], [sflag:$0x2] =	stream.indirect.gather [hbm4b:s4+s16], $0x80, s28, s16, $0xb8;
	[tilespmem:$0x1C400] =	vst v63  }
0x135: {  	_ =	swait.ge [sflag:s19], $0x4000  }
0x136: {  	[sflag:s19] =	ssyncset.done $0x0  }
0x137: {  	[sflag:s19] =	ssyncadd.s32 $0xFFFFC000  }
0x138: {  	[spmem:s2] =	stream.indirect.scatter.add.f32 [tilespmem:s17], [sflag:$0x3], $0x80, s29, s16, $0xb8;
	[tilespmem:$0x1C400] =	vst v63  }
0x139: {  	_ =	swait.ge [sflag:s14], $0x4000  }
0x13a: {  	[sflag:s14] =	ssyncset.done $0x0  }
0x13b: {  	[sflag:s14] =	ssyncadd.s32 $0xFFFFC000  }
0x13c: {  	[tilespmem:s17], [sflag:$0x1] =	stream.indirect.gather [hbm4b:s4+s16], $0x80, s30, s16, $0xb8;
	[tilespmem:$0x1C400] =	vst v63  }
0x13d: {  	_ =	swait.ge [sflag:s21], $0x4000  }
0x13e: {  	[sflag:s21] =	ssyncset.done $0x0  }
0x13f: {  	[sflag:s21] =	ssyncadd.s32 $0xFFFFC000  }
0x140: {  	[spmem:s2] =	stream.indirect.scatter.add.f32 [tilespmem:s18], [sflag:$0x3], $0x80, s31, s16, $0xb8;
	[tilespmem:$0x1C400] =	vst v63  }
0x141: {  	_ =	swait.ge [sflag:s14], $0x4000  }
0x142: {  	[sflag:s14] =	ssyncset.done $0x0  }
0x143: {  	[sflag:s14] =	ssyncadd.s32 $0xFFFFC000  }
0x144: {  	[tilespmem:s18], [sflag:$0x2] =	stream.indirect.gather [hbm4b:s4+s16], $0x80, s1, s16, $0xb8;
	[tilespmem:$0x1C400] =	vst v63  }
0x145: {  	_ =	swait.ge [sflag:s19], $0x4000  }
0x146: {  	[sflag:s19] =	ssyncset.done $0x0  }
0x147: {  	[sflag:s19] =	ssyncadd.s32 $0xFFFFC000  }
0x148: {  	[spmem:s2] =	stream.indirect.scatter.add.f32 [tilespmem:s17], [sflag:$0x3], $0x80, s0, s16, $0xb8;
	[tilespmem:$0x1C400] =	vst v63  }
0x149: {  	_ =	swait.ge [sflag:s14], $0x4000  }
0x14a: {  	[sflag:s14] =	ssyncset.done $0x0  }
0x14b: {  	[sflag:s14] =	ssyncadd.s32 $0xFFFFC000  }
0x14c: {  	_ =	swait.ge [sflag:s21], $0x4000  }
0x14d: {  	[sflag:s21] =	ssyncset.done $0x0  }
0x14e: {  	[sflag:s21] =	ssyncadd.s32 $0xFFFFC000  }
0x14f: {  	[spmem:s2] =	stream.indirect.scatter.add.f32 [tilespmem:s18], [sflag:$0x3], $0x80, s5, s16, $0xb8;
	[tilespmem:$0x1C400] =	vst v63  }
0x150: {  	_ =	swait.ge [sflag:s14], $0x4000  }
0x151: {  	s8 =	simm.s32 $0x80;
	s6 =	simm.s32 $0x100;
	[sflag:s14] =	ssyncset.done $0x0  }
.LBB2_3:
0x152: {  	s7 =	sadd.s32 s8, s9;
	[sflag:s14] =	ssyncadd.s32 $0xFFFFC000  }
0x153: {  	[tilespmem:s3], [sflag:$0x3] =	stream.linear.gather [hbm4b:s7+s3], $0x400, $0x38;
	[tilespmem:$0x1C400] =	vst v63  }
0x154: {  	s7 =	rddreg [dreg:$0x3];
	_ =	swait.ge [sflag:s14], $0x400  }
0x155: {  	[sflag:s14] =	ssyncset.done $0x0  }
0x156: {  	s12 =	sadd.s32 s8, s7;
	[sflag:s14] =	ssyncadd.s32 $0xFFFFFC00  }
0x157: {  	[tilespmem:s15], [sflag:$0x3] =	stream.linear.gather [hbm4b:s12+s3], $0x400, $0x38;
	[tilespmem:$0x1C400] =	vst v63  }
0x158: {  	_ =	swait.ge [sflag:s14], $0x400  }
0x159: {  	[sflag:s14] =	ssyncset.done $0x0  }
0x15a: {  	[sflag:s14] =	ssyncadd.s32 $0xFFFFFC00  }
0x15b: {  	[tilespmem:s17], [sflag:$0x1] =	stream.indirect.gather [hbm4b:s4+s16], $0x80, s3, s16, $0xb8;
	[tilespmem:$0x1C400] =	vst v63  }
0x15c: {  	_ = 	snop  }
0x15d: {  	[tilespmem:s18], [sflag:$0x2] =	stream.indirect.gather [hbm4b:s4+s16], $0x80, s16, s16, $0xb8;
	[tilespmem:$0x1C400] =	vst v63  }
0x15e: {  	_ =	swait.ge [sflag:s19], $0x4000  }
0x15f: {  	[sflag:s19] =	ssyncset.done $0x0  }
0x160: {  	[sflag:s19] =	ssyncadd.s32 $0xFFFFC000  }
0x161: {  	[spmem:s2] =	stream.indirect.scatter.add.f32 [tilespmem:s17], [sflag:$0x3], $0x80, s15, s16, $0xb8;
	[tilespmem:$0x1C400] =	vst v63  }
0x162: {  	_ =	swait.ge [sflag:s14], $0x4000  }
0x163: {  	[sflag:s14] =	ssyncset.done $0x0  }
0x164: {  	[sflag:s14] =	ssyncadd.s32 $0xFFFFC000  }
0x165: {  	[tilespmem:s17], [sflag:$0x1] =	stream.indirect.gather [hbm4b:s4+s16], $0x80, s20, s16, $0xb8;
	[tilespmem:$0x1C400] =	vst v63  }
0x166: {  	_ =	swait.ge [sflag:s21], $0x4000  }
0x167: {  	[sflag:s21] =	ssyncset.done $0x0  }
0x168: {  	[sflag:s21] =	ssyncadd.s32 $0xFFFFC000  }
0x169: {  	[spmem:s2] =	stream.indirect.scatter.add.f32 [tilespmem:s18], [sflag:$0x3], $0x80, s22, s16, $0xb8;
	[tilespmem:$0x1C400] =	vst v63  }
0x16a: {  	_ =	swait.ge [sflag:s14], $0x4000  }
0x16b: {  	[sflag:s14] =	ssyncset.done $0x0  }
0x16c: {  	[sflag:s14] =	ssyncadd.s32 $0xFFFFC000  }
0x16d: {  	[tilespmem:s18], [sflag:$0x2] =	stream.indirect.gather [hbm4b:s4+s16], $0x80, s23, s16, $0xb8;
	[tilespmem:$0x1C400] =	vst v63  }
0x16e: {  	_ =	swait.ge [sflag:s19], $0x4000  }
0x16f: {  	[sflag:s19] =	ssyncset.done $0x0  }
0x170: {  	[sflag:s19] =	ssyncadd.s32 $0xFFFFC000  }
0x171: {  	[spmem:s2] =	stream.indirect.scatter.add.f32 [tilespmem:s17], [sflag:$0x3], $0x80, s24, s16, $0xb8;
	[tilespmem:$0x1C400] =	vst v63  }
0x172: {  	_ =	swait.ge [sflag:s14], $0x4000  }
0x173: {  	[sflag:s14] =	ssyncset.done $0x0  }
0x174: {  	[sflag:s14] =	ssyncadd.s32 $0xFFFFC000  }
0x175: {  	[tilespmem:s17], [sflag:$0x1] =	stream.indirect.gather [hbm4b:s4+s16], $0x80, s25, s16, $0xb8;
	[tilespmem:$0x1C400] =	vst v63  }
0x176: {  	_ =	swait.ge [sflag:s21], $0x4000  }
0x177: {  	[sflag:s21] =	ssyncset.done $0x0  }
0x178: {  	[sflag:s21] =	ssyncadd.s32 $0xFFFFC000  }
0x179: {  	[spmem:s2] =	stream.indirect.scatter.add.f32 [tilespmem:s18], [sflag:$0x3], $0x80, s26, s16, $0xb8;
	[tilespmem:$0x1C400] =	vst v63  }
0x17a: {  	_ =	swait.ge [sflag:s14], $0x4000  }
0x17b: {  	[sflag:s14] =	ssyncset.done $0x0  }
0x17c: {  	[sflag:s14] =	ssyncadd.s32 $0xFFFFC000  }
0x17d: {  	[tilespmem:s18], [sflag:$0x2] =	stream.indirect.gather [hbm4b:s4+s16], $0x80, s28, s16, $0xb8;
	[tilespmem:$0x1C400] =	vst v63  }
0x17e: {  	_ =	swait.ge [sflag:s19], $0x4000  }
0x17f: {  	[sflag:s19] =	ssyncset.done $0x0  }
0x180: {  	[sflag:s19] =	ssyncadd.s32 $0xFFFFC000  }
0x181: {  	[spmem:s2] =	stream.indirect.scatter.add.f32 [tilespmem:s17], [sflag:$0x3], $0x80, s29, s16, $0xb8;
	[tilespmem:$0x1C400] =	vst v63  }
0x182: {  	_ =	swait.ge [sflag:s14], $0x4000  }
0x183: {  	[sflag:s14] =	ssyncset.done $0x0  }
0x184: {  	[sflag:s14] =	ssyncadd.s32 $0xFFFFC000  }
0x185: {  	[tilespmem:s17], [sflag:$0x1] =	stream.indirect.gather [hbm4b:s4+s16], $0x80, s30, s16, $0xb8;
	[tilespmem:$0x1C400] =	vst v63  }
0x186: {  	_ =	swait.ge [sflag:s21], $0x4000  }
0x187: {  	[sflag:s21] =	ssyncset.done $0x0  }
0x188: {  	[sflag:s21] =	ssyncadd.s32 $0xFFFFC000  }
0x189: {  	[spmem:s2] =	stream.indirect.scatter.add.f32 [tilespmem:s18], [sflag:$0x3], $0x80, s31, s16, $0xb8;
	[tilespmem:$0x1C400] =	vst v63  }
0x18a: {  	_ =	swait.ge [sflag:s14], $0x4000  }
0x18b: {  	[sflag:s14] =	ssyncset.done $0x0  }
0x18c: {  	[sflag:s14] =	ssyncadd.s32 $0xFFFFC000  }
0x18d: {  	[tilespmem:s18], [sflag:$0x2] =	stream.indirect.gather [hbm4b:s4+s16], $0x80, s1, s16, $0xb8;
	[tilespmem:$0x1C400] =	vst v63  }
0x18e: {  	_ =	swait.ge [sflag:s19], $0x4000  }
0x18f: {  	[sflag:s19] =	ssyncset.done $0x0  }
0x190: {  	[sflag:s19] =	ssyncadd.s32 $0xFFFFC000  }
0x191: {  	[spmem:s2] =	stream.indirect.scatter.add.f32 [tilespmem:s17], [sflag:$0x3], $0x80, s0, s16, $0xb8;
	[tilespmem:$0x1C400] =	vst v63  }
0x192: {  	_ =	swait.ge [sflag:s14], $0x4000  }
0x193: {  	[sflag:s14] =	ssyncset.done $0x0  }
0x194: {  	[sflag:s14] =	ssyncadd.s32 $0xFFFFC000  }
0x195: {  	p1 =	seq.s32 s6, $0x480;
	_ =	swait.ge [sflag:s21], $0x4000  }
.Ltmp5:
0x196: {  	[sflag:s21] =	ssyncset.done $0x0;
	(pc) =	sbr.rel @!p1 .LBB2_3-.Ltmp5, $4  }
0x197: {  	s13 =	sadd.s32 $0x80, s6;
	[sflag:s21] =	ssyncadd.s32 $0xFFFFC000  }
0x198: {  	[spmem:s2] =	stream.indirect.scatter.add.f32 [tilespmem:s18], [sflag:$0x3], $0x80, s5, s16, $0xb8;
	[tilespmem:$0x1C400] =	vst v63  }
0x199: {  	s9 =	smov.u32 s6;
	s6 =	smov.u32 s13;
	_ =	swait.ge [sflag:s14], $0x4000  }
0x19a: {  	s8 =	smov.u32 s9;
	s9 =	smov.u32 s11;
	[sflag:s14] =	ssyncset.done $0x0  }
0x19b: {  	s6 =	sadd.s32 s8, s9;
	[sflag:s14] =	ssyncadd.s32 $0xFFFFC000  }
0x19c: {  	[tilespmem:s3], [sflag:$0x3] =	stream.linear.gather [hbm4b:s6+s3], $0x400, $0x38;
	[tilespmem:$0x1C400] =	vst v63  }
0x19d: {  	_ =	swait.ge [sflag:s14], $0x400  }
0x19e: {  	[sflag:s14] =	ssyncset.done $0x0  }
0x19f: {  	s13 =	sadd.s32 s8, s7;
	[sflag:s14] =	ssyncadd.s32 $0xFFFFFC00  }
0x1a0: {  	[tilespmem:s15], [sflag:$0x3] =	stream.linear.gather [hbm4b:s13+s3], $0x400, $0x38;
	[tilespmem:$0x1C400] =	vst v63  }
0x1a1: {  	_ =	swait.ge [sflag:s14], $0x400  }
0x1a2: {  	[sflag:s14] =	ssyncset.done $0x0  }
0x1a3: {  	[sflag:s14] =	ssyncadd.s32 $0xFFFFFC00  }
0x1a4: {  	[tilespmem:s17], [sflag:$0x1] =	stream.indirect.gather [hbm4b:s4+s16], $0x80, s3, s16, $0xb8;
	[tilespmem:$0x1C400] =	vst v63  }
0x1a5: {  	_ = 	snop  }
0x1a6: {  	[tilespmem:s18], [sflag:$0x2] =	stream.indirect.gather [hbm4b:s4+s16], $0x80, s16, s16, $0xb8;
	[tilespmem:$0x1C400] =	vst v63  }
0x1a7: {  	_ =	swait.ge [sflag:s19], $0x4000  }
0x1a8: {  	[sflag:s19] =	ssyncset.done $0x0  }
0x1a9: {  	[sflag:s19] =	ssyncadd.s32 $0xFFFFC000  }
0x1aa: {  	[spmem:s2] =	stream.indirect.scatter.add.f32 [tilespmem:s17], [sflag:$0x3], $0x80, s15, s16, $0xb8;
	[tilespmem:$0x1C400] =	vst v63  }
0x1ab: {  	_ =	swait.ge [sflag:s14], $0x4000  }
0x1ac: {  	[sflag:s14] =	ssyncset.done $0x0  }
0x1ad: {  	[sflag:s14] =	ssyncadd.s32 $0xFFFFC000  }
0x1ae: {  	[tilespmem:s17], [sflag:$0x1] =	stream.indirect.gather [hbm4b:s4+s16], $0x80, s20, s16, $0xb8;
	[tilespmem:$0x1C400] =	vst v63  }
0x1af: {  	_ =	swait.ge [sflag:s21], $0x4000  }
0x1b0: {  	[sflag:s21] =	ssyncset.done $0x0  }
0x1b1: {  	[sflag:s21] =	ssyncadd.s32 $0xFFFFC000  }
0x1b2: {  	[spmem:s2] =	stream.indirect.scatter.add.f32 [tilespmem:s18], [sflag:$0x3], $0x80, s22, s16, $0xb8;
	[tilespmem:$0x1C400] =	vst v63  }
0x1b3: {  	_ =	swait.ge [sflag:s14], $0x4000  }
0x1b4: {  	[sflag:s14] =	ssyncset.done $0x0  }
0x1b5: {  	[sflag:s14] =	ssyncadd.s32 $0xFFFFC000  }
0x1b6: {  	[tilespmem:s18], [sflag:$0x2] =	stream.indirect.gather [hbm4b:s4+s16], $0x80, s23, s16, $0xb8;
	[tilespmem:$0x1C400] =	vst v63  }
0x1b7: {  	_ =	swait.ge [sflag:s19], $0x4000  }
0x1b8: {  	[sflag:s19] =	ssyncset.done $0x0  }
0x1b9: {  	[sflag:s19] =	ssyncadd.s32 $0xFFFFC000  }
0x1ba: {  	[spmem:s2] =	stream.indirect.scatter.add.f32 [tilespmem:s17], [sflag:$0x3], $0x80, s24, s16, $0xb8;
	[tilespmem:$0x1C400] =	vst v63  }
0x1bb: {  	_ =	swait.ge [sflag:s14], $0x4000  }
0x1bc: {  	[sflag:s14] =	ssyncset.done $0x0  }
0x1bd: {  	[sflag:s14] =	ssyncadd.s32 $0xFFFFC000  }
0x1be: {  	[tilespmem:s17], [sflag:$0x1] =	stream.indirect.gather [hbm4b:s4+s16], $0x80, s25, s16, $0xb8;
	[tilespmem:$0x1C400] =	vst v63  }
0x1bf: {  	_ =	swait.ge [sflag:s21], $0x4000  }
0x1c0: {  	[sflag:s21] =	ssyncset.done $0x0  }
0x1c1: {  	[sflag:s21] =	ssyncadd.s32 $0xFFFFC000  }
0x1c2: {  	[spmem:s2] =	stream.indirect.scatter.add.f32 [tilespmem:s18], [sflag:$0x3], $0x80, s26, s16, $0xb8;
	[tilespmem:$0x1C400] =	vst v63  }
0x1c3: {  	_ =	swait.ge [sflag:s14], $0x4000  }
0x1c4: {  	[sflag:s14] =	ssyncset.done $0x0  }
0x1c5: {  	[sflag:s14] =	ssyncadd.s32 $0xFFFFC000  }
0x1c6: {  	[tilespmem:s18], [sflag:$0x2] =	stream.indirect.gather [hbm4b:s4+s16], $0x80, s28, s16, $0xb8;
	[tilespmem:$0x1C400] =	vst v63  }
0x1c7: {  	_ =	swait.ge [sflag:s19], $0x4000  }
0x1c8: {  	[sflag:s19] =	ssyncset.done $0x0  }
0x1c9: {  	[sflag:s19] =	ssyncadd.s32 $0xFFFFC000  }
0x1ca: {  	[spmem:s2] =	stream.indirect.scatter.add.f32 [tilespmem:s17], [sflag:$0x3], $0x80, s29, s16, $0xb8;
	[tilespmem:$0x1C400] =	vst v63  }
0x1cb: {  	_ =	swait.ge [sflag:s14], $0x4000  }
0x1cc: {  	[sflag:s14] =	ssyncset.done $0x0  }
0x1cd: {  	[sflag:s14] =	ssyncadd.s32 $0xFFFFC000  }
0x1ce: {  	[tilespmem:s17], [sflag:$0x1] =	stream.indirect.gather [hbm4b:s4+s16], $0x80, s30, s16, $0xb8;
	[tilespmem:$0x1C400] =	vst v63  }
0x1cf: {  	_ =	swait.ge [sflag:s21], $0x4000  }
0x1d0: {  	[sflag:s21] =	ssyncset.done $0x0  }
0x1d1: {  	[sflag:s21] =	ssyncadd.s32 $0xFFFFC000  }
0x1d2: {  	[spmem:s2] =	stream.indirect.scatter.add.f32 [tilespmem:s18], [sflag:$0x3], $0x80, s31, s16, $0xb8;
	[tilespmem:$0x1C400] =	vst v63  }
0x1d3: {  	_ =	swait.ge [sflag:s14], $0x4000  }
0x1d4: {  	[sflag:s14] =	ssyncset.done $0x0  }
0x1d5: {  	[sflag:s14] =	ssyncadd.s32 $0xFFFFC000  }
0x1d6: {  	[tilespmem:s18], [sflag:$0x2] =	stream.indirect.gather [hbm4b:s4+s16], $0x80, s1, s16, $0xb8;
	[tilespmem:$0x1C400] =	vst v63  }
0x1d7: {  	_ =	swait.ge [sflag:s19], $0x4000  }
0x1d8: {  	[sflag:s19] =	ssyncset.done $0x0  }
0x1d9: {  	[sflag:s19] =	ssyncadd.s32 $0xFFFFC000  }
0x1da: {  	[spmem:s2] =	stream.indirect.scatter.add.f32 [tilespmem:s17], [sflag:$0x3], $0x80, s0, s16, $0xb8;
	[tilespmem:$0x1C400] =	vst v63  }
0x1db: {  	_ =	swait.ge [sflag:s14], $0x4000  }
0x1dc: {  	[sflag:s14] =	ssyncset.done $0x0  }
0x1dd: {  	[sflag:s14] =	ssyncadd.s32 $0xFFFFC000  }
0x1de: {  	_ =	swait.ge [sflag:s21], $0x4000  }
0x1df: {  	[sflag:s21] =	ssyncset.done $0x0  }
.Ltmp6:
0x1e0: {  	[sflag:s21] =	ssyncadd.s32 $0xFFFFC000;
	(pc) =	sbr.rel .LBB2_8-.Ltmp6, $4  }
0x1e1: {  	[spmem:s2] =	stream.indirect.scatter.add.f32 [tilespmem:s18], [sflag:$0x3], $0x80, s5, s16, $0xb8;
	[tilespmem:$0x1C400] =	vst v63  }
0x1e2: {  	_ =	swait.ge [sflag:s14], $0x4000  }
0x1e3: {  	[sflag:s14] =	ssyncset.done $0x0;
	s12 =	rddreg [dreg:$0x8]  }
0x1e4: {  	s13 =	rddreg [dreg:$0xa];
	[sflag:s14] =	ssyncadd.s32 $0xFFFFC000  }
.LBB2_9:
0x1e5: {  	_ =	sfence.sel $0x180000  }
0x1e6: {  	[bflag:$0x0] =	sbarrier.arrive $0xFFFF  }
0x1e7: {  	_ =	strace $0x9000004D  }
0x1e8: {  	s0 =	stileid.u32;
	[bflag:$0x2] =	sbarrier.arrive $0xFFFF  }
0x1e9: {  	p0 =	sne.s32 s0, $0x0;
	s0 =	rddreg [dreg:$0x2]  }
0x1ea: {  	s0 =	sadd.s32 @!p0 $0x100000, s0  }
0x1eb: {  	[sflag:s0] =	ssyncadd.tile.s32 @!p0 $0x1;
	_ =	shalt  }
.Lfunc_end2:
_tile_overlayer_lowered:
.L_overlay_start_2:
0x1ec: {  	(tag) =	ssettag $0x2  }
0x1ed: {  	s0 =	rddreg [dreg:$0x0];
	s2 =	stileid.u32  }
0x1ee: {  	s1 =	rddreg [dreg:$0x1];
	p0 =	sne.s32 s2, $0x0  }
0x1ef: {  	s3 =	rddreg [dreg:$0x2];
	[bflag:$0x3] =	sbarrier.arrive $0xFFFF;
	s2 =	simm.s32 @!p0 $0x1C03  }
0x1f0: {  	[timem:s3], [sflag:s2] =	dma.local @!p0 [hbm:s0], s1  }
0x1f1: {  	s0 =	simm.s32 @!p0 $0x3  }
0x1f2: {  	_ =	swait.ge @!p0 [sflag:s0], s1  }
0x1f3: {  	s1 =	ssub.s32 @!p0 $0x0, s1;
	[sflag:s0] =	ssyncset.done @!p0 $0x0  }
0x1f4: {  	[sflag:s0] =	ssyncadd.s32 @!p0 s1  }
0x1f5: {  	[bflag:$0x3] =	sbarrier.arrive $0xFFFF  }
0x1f6: {  	_ =	shalt  }

// kernel: kernel.8.cloned.1.call-start
scs
__scs_entry_jumppad:
0x0: {  	(pc) =	sbr.rel $0x88, $3  }
0x1: {  	(tag) =	ssettag $0x0;
	lr =	simm.s32 $0x1  }
0x2: {  	[smem:$0x3F97] =	sst lr;
	_ =	strace $0xD0000000  }
0x3: {  	_ = 	snop  }
0x4: {  	_ = 	snop  }
0x5: {  	_ = 	snop  }
0x6: {  	_ = 	snop  }
0x7: {  	_ = 	snop  }
__scs_overlays_trampoline_lowered:
0x8: {  	[smem:$0x3FA6] =	sst s0  }
0x9: {  	[smem:$0x3FA7] =	sst s1  }
0xa: {  	[smem:$0x3FA8] =	sst s2  }
0xb: {  	[smem:$0x3FA9] =	sst s3  }
0xc: {  	[smem:$0x3FAA] =	sst s4  }
0xd: {  	[smem:$0x3FAB] =	sst s5  }
0xe: {  	[smem:$0x3FAC] =	sst s6  }
0xf: {  	[smem:$0x3FAD] =	sst s7  }
0x10: {  	[smem:$0x3FAE] =	sst s8  }
0x11: {  	[smem:$0x3FAF] =	sst s9;
	s0 =	simm.s32 @!p0 $0x0  }
0x12: {  	s1 =	sld [smem:$0x3F95];
	s0 =	simm.s32 @p0 $0x1  }
0x13: {  	[smem:$0x3FB0] =	sst s0;
	s0 =	simm.s32 @!p1 $0x0  }
0x14: {  	s2 =	sld [smem:$0x3F94];
	s0 =	simm.s32 @p1 $0x1  }
0x15: {  	[smem:$0x3FB1] =	sst s0;
	s0 =	simm.s32 @!p2 $0x0  }
0x16: {  	s3 =	sld [smem:$0x3FDB];
	s0 =	simm.s32 @p2 $0x1  }
0x17: {  	s4 =	simm.s32 $0x1BF5;
	[smem:$0x3FB3] =	sst s0  }
0x18: {  	s0 =	sld [smem:$0x3F96];
	_ =	swait.ge [sflag:s4], $0x0  }
0x19: {  	s7 =	sld [smem:$0x3F97]  }
0x1a: {  	s8 =	sadd.s32 $0xFFFFE003, lr  }
0x1b: {  	s9 =	sadd.s32 $0xFFFFFEF7, lr;
	s5 =	simm.s32 $0xFFFFFFFF;
	p2 =	slt.u32 s8, $0xFFFFF086  }
0x1c: {  	p1 =	slt.u32 s9, $0xF7A;
	s5 =	simm.s32 @!p2 $0x0  }
0x1d: {  	s5 =	simm.s32 @p1 $0x1;
	p0 =	seq.s32 s7, s2  }
0x1e: {  	s7 =	smul.u32 @!p0 $0xF7A, s2;
	p2 =	seq.s32 @!p0 s5, $0x0  }
0x1f: {  	s9 =	smul.u32 $0xF7A, s1;
	s8 =	simm.s32 @!p0 $0x1BF5;
	p2 =	por !p2, p0  }
0x20: {  	[sflag:s8] =	ssyncset.s32 @!p0 $0xFFFFF086;
	s6 =	sadd.s32 @!p0 s3, s7;
	s7 =	simm.s32 @!p0 $0x108  }
0x21: {  	s3 =	sadd.s32 s3, s9;
	s6 =	sadd.s32 @!p0 $0x88, s6;
	s7 =	simm.s32 @p2 $0x1082  }
0x22: {  	[simem:s7], [sflag:s8] =	dma.local @!p0 [hbm:s6], $0xF7A  }
0x23: {  	s9 =	sor.u32 $0xD0000000, s2;
	s6 =	simm.s32 $0x108;
	_ =	swait.ge @!p0 [sflag:s8], $0x0  }
0x24: {  	s3 =	sadd.s32 $0x88, s3;
	s6 =	simm.s32 @!p1 $0x1082;
	[sflag:s4] =	ssyncset.s32 $0xFFFFF086  }
0x25: {  	[simem:s6], [sflag:s4] =	dma.local [hbm:s3], $0xF7A  }
0x26: {  	[smem:$0x3F97] =	sst s1;
	(tag) =	ssettag s2;
	_ =	strace s9  }
0x27: {  	s1 =	sld [smem:$0x3FA7]  }
0x28: {  	s2 =	sld [smem:$0x3FA8]  }
0x29: {  	s4 =	sld [smem:$0x3FAA]  }
0x2a: {  	p0 =	seq.s32 s5, $0x0;
	s5 =	sld [smem:$0x3FAB]  }
0x2b: {  	s6 =	sld [smem:$0x3FAC]  }
0x2c: {  	s7 =	sld [smem:$0x3FAD]  }
0x2d: {  	s3 =	simm.s32 $0x108;
	s8 =	sld [smem:$0x3FAE]  }
0x2e: {  	s3 =	simm.s32 @!p0 $0x1082;
	s9 =	sld [smem:$0x3FAF]  }
0x2f: {  	lr =	sadd.s32 s0, s3;
	s0 =	sld [smem:$0x3FA6]  }
0x30: {  	s3 =	sld [smem:$0x3FA9]  }
0x31: {  	[smem:$0x3FB2] =	sst s10  }
0x32: {  	s10 =	sld [smem:$0x3FB0];
	_ =	sdelay $0x3  }
0x33: {  	p0 =	seq.s32 s10, $0x1;
	s10 =	sld [smem:$0x3FB2];
	_ =	sdelay $0x3  }
0x34: {  	[smem:$0x3FB2] =	sst s10  }
0x35: {  	s10 =	sld [smem:$0x3FB1];
	_ =	sdelay $0x3  }
0x36: {  	p1 =	seq.s32 s10, $0x1;
	s10 =	sld [smem:$0x3FB2];
	_ =	sdelay $0x3  }
0x37: {  	[smem:$0x3FB2] =	sst s10  }
0x38: {  	s10 =	sld [smem:$0x3FB3]  }
0x39: {  	_ = 	snop;
	(pc) =	sbr.ind lr, $3  }
0x3a: {  	_ = 	snop  }
0x3b: {  	_ = 	snop  }
0x3c: {  	p2 =	seq.s32 s10, $0x1;
	s10 =	sld [smem:$0x3FB2]  }
0x3d: {  	_ =	shalt  }
0x3e: {  	_ =	shalt  }
0x3f: {  	_ =	shalt  }
0x40: {  	_ =	shalt  }
0x41: {  	_ =	shalt  }
0x42: {  	_ =	shalt  }
0x43: {  	_ =	shalt  }
0x44: {  	_ =	shalt  }
0x45: {  	_ =	shalt  }
0x46: {  	_ =	shalt  }
0x47: {  	_ =	shalt  }
0x48: {  	_ =	shalt  }
0x49: {  	_ =	shalt  }
0x4a: {  	_ =	shalt  }
0x4b: {  	_ =	shalt  }
0x4c: {  	_ =	shalt  }
0x4d: {  	_ =	shalt  }
0x4e: {  	_ =	shalt  }
0x4f: {  	_ =	shalt  }
0x50: {  	_ =	shalt  }
0x51: {  	_ =	shalt  }
0x52: {  	_ =	shalt  }
0x53: {  	_ =	shalt  }
0x54: {  	_ =	shalt  }
0x55: {  	_ =	shalt  }
0x56: {  	_ =	shalt  }
0x57: {  	_ =	shalt  }
0x58: {  	_ =	shalt  }
0x59: {  	_ =	shalt  }
0x5a: {  	_ =	shalt  }
0x5b: {  	_ =	shalt  }
0x5c: {  	_ =	shalt  }
0x5d: {  	_ =	shalt  }
0x5e: {  	_ =	shalt  }
0x5f: {  	_ =	shalt  }
0x60: {  	_ =	shalt  }
0x61: {  	_ =	shalt  }
0x62: {  	_ =	shalt  }
0x63: {  	_ =	shalt  }
0x64: {  	_ =	shalt  }
0x65: {  	_ =	shalt  }
0x66: {  	_ =	shalt  }
0x67: {  	_ =	shalt  }
0x68: {  	_ =	shalt  }
0x69: {  	_ =	shalt  }
0x6a: {  	_ =	shalt  }
0x6b: {  	_ =	shalt  }
0x6c: {  	_ =	shalt  }
0x6d: {  	_ =	shalt  }
0x6e: {  	_ =	shalt  }
0x6f: {  	_ =	shalt  }
0x70: {  	_ =	shalt  }
0x71: {  	_ =	shalt  }
0x72: {  	_ =	shalt  }
0x73: {  	_ =	shalt  }
0x74: {  	_ =	shalt  }
0x75: {  	_ =	shalt  }
0x76: {  	_ =	shalt  }
0x77: {  	_ =	shalt  }
0x78: {  	_ =	shalt  }
0x79: {  	_ =	shalt  }
0x7a: {  	_ =	shalt  }
0x7b: {  	_ =	shalt  }
0x7c: {  	_ =	shalt  }
0x7d: {  	_ =	shalt  }
0x7e: {  	_ =	shalt  }
0x7f: {  	_ =	shalt  }
0x80: {  	_ =	shalt  }
0x81: {  	_ =	shalt  }
0x82: {  	_ =	shalt  }
0x83: {  	_ =	shalt  }
0x84: {  	_ =	shalt  }
0x85: {  	_ =	shalt  }
0x86: {  	_ =	shalt  }
0x87: {  	_ =	shalt  }
.Lfunc_end0:
.L_simem_size_0:
called_computation_lowered:
.L_overlay_start_0:
0x88: {  	s2 =	sld [smem:$0x3FD9]  }
0x89: {  	s3 =	sld [smem:$0x3FFE];
	_ =	sdelay $0x1  }
0x8a: {  	s1 =	srdreg.scid  }
0x8b: {  	s0 =	sand.u32 $0x1, s1  }
0x8c: {  	s17 =	sshll.u32 s0, $0xA;
	s2 =	sadd.s32 s3, s2  }
0x8d: {  	s2 =	sadd.s32 s2, s17  }
0x8e: {  	[smem:$0x3FBE] =	sst s2  }
0x8f: {  	_ = 	snop  }
0x90: {  	s2 =	sld [smem:$0x3FD0];
	(tm) =	ssettm $0x1  }
0x91: {  	s18 =	sld [smem:$0x3FFB];
	_ =	sdelay $0x3  }
0x92: {  	_ =	strace s18  }
0x93: {  	s3 =	sld [smem:$0x3FFC];
	_ =	sdelay $0x3  }
0x94: {  	_ =	strace s3  }
0x95: {  	s3 =	sld [smem:$0x3FFD];
	_ =	sdelay $0x3  }
0x96: {  	_ =	strace s3  }
0x97: {  	_ =	strace $0x8FFFFFFF  }
0x98: {  	s19 =	sld [smem:$0x3FDB];
	_ =	sdelay $0x1  }
0x99: {  	s4 =	simm.s32 $_scs_section_size  }
0x9a: {  	s5 =	simm.s32 $_size__tile_overlayer_lowered;
	s6 =	simm.s32 $_tile_overlayer_lowered  }
0x9b: {  	s22 =	simm.s32 $0x1BFF;
	s21 =	sshll.u32 s6, $0x1;
	s3 =	sadd.s32 s4, s19  }
0x9c: {  	s7 =	simm.s32 $0x0;
	s20 =	sshll.u32 s5, $0x1;
	s5 =	sadd.s32 s21, s3  }
0x9d: {  	[timem:s7], [sflag:s22] =	dma.local [hbm:s5], s20  }
0x9e: {  	_ =	swait.ge [sflag:s22], s20  }
0x9f: {  	s4 =	ssub.s32 $0x0, s20;
	[sflag:s22] =	ssyncset.done $0x0  }
0xa0: {  	[sflag:s22] =	ssyncadd.s32 s4;
	_ =	sdelay $0x1  }
0xa1: {  	s23 =	simm.s32 $0x1B8B  }
0xa2: {  	_ =	swait.ge [sflag:s23], $0x1  }
0xa3: {  	[sflag:s23] =	ssyncset.done $0x0  }
0xa4: {  	s25 =	simm.s32 $0x1B8E;
	s24 =	sld [smem:$0x3FFE];
	[sflag:s23] =	ssyncadd.s32 $0xFFFFFFFF  }
0xa5: {  	s26 =	simm.s32 $execute0_lowered;
	[smem:$0x3FD2] =	sst s25  }
0xa6: {  	s5 =	sshll.u32 s26, $0x1;
	_ =	strace $0x80000046;
	[dreg:$0x1] =	wrdreg $0xFFFFFFFF  }
0xa7: {  	s28 =	simm.s32 $_size_execute0_lowered;
	s3 =	sadd.s32 s3, s5;
	[dreg:$0x0] =	wrdreg $0x0  }
0xa8: {  	s5 =	sshll.u32 s28, $0x1;
	[dreg:$0x2] =	wrdreg s3  }
0xa9: {  	[dreg:$0x3] =	wrdreg s5  }
0xaa: {  	[dreg:$0x4] =	wrdreg $0xC0  }
0xab: {  	_ =	task [dreg:s7], $0x5FFFF  }
0xac: {  	[dreg:$0x1] =	wrdreg $0xFFFFFFFF  }
0xad: {  	[dreg:$0x0] =	wrdreg $0x60  }
0xae: {  	[dreg:$0x2] =	wrdreg s2  }
0xaf: {  	[dreg:$0x3] =	wrdreg s24  }
0xb0: {  	[dreg:$0x4] =	wrdreg $0x68000  }
0xb1: {  	[dreg:$0x5] =	wrdreg $0x9  }
0xb2: {  	_ =	task.clear_ibuf [dreg:s7], $0x6FFFF;
	_ =	strace $0x90000046  }
0xb3: {  	s29 =	simm.s32 $0x9;
	_ =	strace $0x80000048  }
0xb4: {  	_ =	swait.ge [sflag:s29], $0x1  }
0xb5: {  	[sflag:s29] =	ssyncadd.s32 $0xFFFFFFFF  }
0xb6: {  	_ =	strace $0x90000048  }
0xb7: {  	_ =	sfence  }
0xb8: {  	s30 =	sld [smem:$0x0];
	_ =	sdelay $0x2  }
0xb9: {  	s31 =	sshll.u32 s1, $0xD;
	s1 =	sshrl.u32 s1, $0x2  }
0xba: {  	s3 =	sand.u32 $0x4000, s31;
	s1 =	sadd.s32 s1, s30  }
0xbb: {  	s0 =	sor.u32 s3, s0;
	s1 =	sshll.u32 s1, $0x11  }
0xbc: {  	s0 =	sor.u32 s1, s0  }
0xbd: {  	s0 =	sadd.s32 $0x8F2B, s0  }
0xbe: {  	[sflag:s0] =	ssyncadd.remote.s32 $0x1  }
0xbf: {  	_ =	sfence.sel $0xFFFF  }
0xc0: {  	[dreg:$0x0] =	wrdreg $0xFFFFFFFF;
	(pc) =	sbr.abs _section_cstart, $3  }
0xc1: {  	[dreg:$0x1] =	wrdreg $0xFFFFFFFF  }
0xc2: {  	_ =	task.clear_ibuf [dreg:s7], $0x2FFFF;
	_ =	strace $0x9FFFFFFF  }
0xc3: {  	(tm) =	ssettm $0x7FFFFFFF  }
tec
execute0_lowered:
.L_overlay_start_1:
0x0: {  	(tag) =	ssettag $0x1  }
0x1: {  	s6 =	rddreg [dreg:$0x0]  }
0x2: {  	s7 =	rddreg [dreg:$0x1]  }
0x3: {  	s1 =	rddreg [dreg:$0x2]  }
0x4: {  	s0 =	rddreg [dreg:$0x3];
	s3 =	simm.s32 $0x0;
	s2 =	srdreg.scid  }
0x5: {  	s13 =	simm.s32 $0x80;
	[smem:$0x7FF] =	sst s3;
	s8 =	sand.u32 $0x1, s2  }
0x6: {  	s14 =	simm.s32 $0x0;
	s2 =	stileid.u32;
	s9 =	smul.u32 $0x13C000, s8  }
0x7: {  	s4 =	sadd.s32 $0x6400, s7;
	s5 =	sadd.s32 $0x3C00, s7;
	s10 =	smul.u32 $0x13C00, s2  }
0x8: {  	_ =	strace $0x80000047;
	s11 =	sshll.u32 s8, $0x4;
	s29 =	smul.u32 $0x4F000, s2  }
0x9: {  	s8 =	ssub.s32 $0x2, s8;
	s31 =	sshll.u32 s2, $0x6;
	s28 =	sor.u32 s2, s11  }
0xa: {  	s30 =	sshrl.u32 s8, $0x1;
	s9 =	sadd.s32 s10, s9;
	s10 =	smul.u32 $0x500, s28  }
0xb: {  	s11 =	sshrl.u32 s29, $0x2;
	s8 =	ssub.s32 s8, s30;
	s9 =	sshrl.u32 s9, $0x3  }
0xc: {  	s12 =	sadd.s32 s11, s1;
	s8 =	smax.u32 s8, $0x1;
	s11 =	sor.u32 $0x1C01, s31  }
0xd: {  	s7 =	sadd.s32 s9, s7;
	s6 =	sadd.s32 s6, s10;
	s9 =	simm.s32 $0x1  }
0xe: {  	s10 =	simm.s32 $0x2800;
	s12 =	sshrl.u32 s12, $0x3;
	s7 =	sadd.s32 $0x6C00, s7  }
.LBB2_1:
0xf: {  	[tilespmem:s3], [sflag:$0x1] =	stream.linear.gather [hbm4b:s6+s3], $0x2800, $0x38;
	[tilespmem:$0x1A400] =	vst v63  }
0x10: {  	_ =	swait.ge [sflag:s9], $0x2800  }
0x11: {  	[sflag:s9] =	ssyncset.done $0x0  }
0x12: {  	[sflag:s9] =	ssyncadd.s32 $0xFFFFD800  }
0x13: {  	[tilespmem:s10], [sflag:$0x1] =	stream.linear.gather [hbm4b:s4+s3], $0x4000, $0x38;
	[tilespmem:$0x1A400] =	vst v63  }
0x14: {  	_ =	swait.ge [sflag:s9], $0x4000  }
0x15: {  	[sflag:s9] =	ssyncset.done $0x0  }
0x16: {  	[sflag:s9] =	ssyncadd.s32 $0xFFFFC000  }
0x17: {  	[spmem:s12], [sflag:s11] =	dma.local [hbm:s5], $0x2780  }
0x18: {  	_ =	swait.ge [sflag:s9], $0x2780  }
0x19: {  	[sflag:s9] =	ssyncset.done $0x0  }
0x1a: {  	[sflag:s9] =	ssyncadd.s32 $0xFFFFD880  }
0x1b: {  	s15 =	simm.s32 $0x0;
	[bflag:$0x0] =	sbarrier.arrive $0xFFFF  }
0x1c: {  	[spmem:s1] =	stream.indirect.scatter.add.f32 [tilespmem:s10], [sflag:$0x1], $0x80, s15, s13, $0xb8;
	[tilespmem:$0x1A400] =	vst v63  }
0x1d: {  	_ =	swait.ge [sflag:s9], $0x4000  }
0x1e: {  	s15 =	simm.s32 $0x200;
	[sflag:s9] =	ssyncset.done $0x0  }
.LBB2_2:
0x1f: {  	s16 =	sshra.s32 s15, $0x2;
	[sflag:s9] =	ssyncadd.s32 $0xFFFFC000;
	p0 =	sne.s32 s15, $0x9E00  }
0x20: {  	[spmem:s1] =	stream.indirect.scatter.add.f32 [tilespmem:s10], [sflag:$0x1], $0x80, s16, s13, $0xb8;
	[tilespmem:$0x1A400] =	vst v63  }
.Ltmp0:
0x21: {  	_ = 	snop;
	(pc) =	sbr.rel @p0 .LBB2_2-.Ltmp0, $4  }
0x22: {  	_ = 	snop  }
0x23: {  	s15 =	sadd.s32 $0x200, s15  }
0x24: {  	_ =	swait.ge [sflag:s9], $0x4000  }
0x25: {  	[sflag:s9] =	ssyncset.done $0x0  }
0x26: {  	s14 =	sadd.s32 $0x1, s14  }
0x27: {  	[sflag:s9] =	ssyncadd.s32 $0xFFFFC000;
	p0 =	sne.s32 s14, s8  }
.Ltmp1:
0x28: {  	[bflag:$0x0] =	sbarrier.arrive $0xFFFF;
	(pc) =	sbr.rel @p0 .LBB2_1-.Ltmp1, $4  }
0x29: {  	[hbm:s7], [sflag:s11] =	dma.local [spmem:s12], $0x2780  }
0x2a: {  	_ =	swait.ge [sflag:s9], $0x2780  }
0x2b: {  	[sflag:s9] =	ssyncset.done $0x0  }
0x2c: {  	[sflag:s9] =	ssyncadd.s32 $0xFFFFD880  }
0x2d: {  	_ =	sfence.sel $0x180000  }
0x2e: {  	[bflag:$0x0] =	sbarrier.arrive $0xFFFF  }
0x2f: {  	p0 =	sne.s32 s2, $0x0;
	_ =	strace $0x90000047  }
0x30: {  	s0 =	sadd.s32 @!p0 $0x100000, s0;
	[bflag:$0x2] =	sbarrier.arrive $0xFFFF  }
0x31: {  	[sflag:s0] =	ssyncadd.tile.s32 @!p0 $0x1;
	_ =	shalt  }
.Lfunc_end2:
_tile_overlayer_lowered:
.L_overlay_start_2:
0x32: {  	(tag) =	ssettag $0x2  }
0x33: {  	s0 =	rddreg [dreg:$0x0];
	s2 =	stileid.u32  }
0x34: {  	s1 =	rddreg [dreg:$0x1];
	p0 =	sne.s32 s2, $0x0  }
0x35: {  	s3 =	rddreg [dreg:$0x2];
	[bflag:$0x3] =	sbarrier.arrive $0xFFFF;
	s2 =	simm.s32 @!p0 $0x1C01  }
0x36: {  	[timem:s3], [sflag:s2] =	dma.local @!p0 [hbm:s0], s1  }
0x37: {  	s0 =	simm.s32 @!p0 $0x1  }
0x38: {  	_ =	swait.ge @!p0 [sflag:s0], s1  }
0x39: {  	s1 =	ssub.s32 @!p0 $0x0, s1;
	[sflag:s0] =	ssyncset.done @!p0 $0x0  }
0x3a: {  	[sflag:s0] =	ssyncadd.s32 @!p0 s1  }
0x3b: {  	[bflag:$0x3] =	sbarrier.arrive $0xFFFF  }
0x3c: {  	_ =	shalt  }

</sc_bundles>
